<compile_context>
chip_gen: v7x
topology: tpu7x:2x2x1
jax: 0.10.2.dev20260603
libtpu: 0.0.44.dev20260713+nightly
codegen_flags: <defaults>
</compile_context>

<pallas_src>
import functools
import math

import jax
import jax.numpy as jnp
from jax import lax
from jax.experimental import pallas as pl
from jax.experimental.pallas import tpu as pltpu
from jax.experimental.pallas import tpu_sc as plsc

_D = 64
_SCALE = math.sqrt(_D)
_IW = 40
_R0 = 4
_GPC = 20
_NBUF = 2


def _emb_body(idx_hbm, table_hbm, out_hbm, idx_v, buf0, buf1, g_sems, w_sems,
              *, nc, w_rows, b1, n_chunks):
    wid = lax.axis_index("s") * nc + lax.axis_index("c")
    base = wid * w_rows
    fbase = base * b1
    rpc = _R0 * b1
    bufs = (buf0, buf1)

    pltpu.sync_copy(idx_hbm.at[pl.ds(fbase, w_rows * b1)], idx_v)

    def fire_gathers(s, g):
        for k in range(_GPC):
            pltpu.async_copy(
                table_hbm.at[idx_v.at[pl.ds((g * _GPC + k) * _IW, _IW)]],
                bufs[s].at[pl.ds(k * _IW, _IW)],
                g_sems.at[s],
            )

    def wait_gathers(s):
        for k in range(_GPC):
            pltpu.make_async_copy(
                table_hbm.at[idx_v.at[pl.ds(0, _IW)]],
                bufs[s].at[pl.ds(k * _IW, _IW)],
                g_sems.at[s],
            ).wait()

    def scale(s):
        @pl.loop(0, rpc)
        def _rows(r):
            for j in range(_D // 16):
                sl = pl.ds(j * 16, 16)
                bufs[s][r, sl] = bufs[s][r, sl] * _SCALE

    def fire_write(s, g):
        pltpu.async_copy(
            bufs[s], out_hbm.at[pl.ds(fbase + g * rpc, rpc), pl.ds(0, _D)],
            w_sems.at[s])

    def wait_write(s):
        pltpu.make_async_copy(
            bufs[s], out_hbm.at[pl.ds(fbase, rpc), pl.ds(0, _D)],
            w_sems.at[s]).wait()

    fire_gathers(0, 0)
    fire_gathers(1, 1)

    @pl.loop(0, n_chunks // 2 - 1)
    def _steady(g2):
        c0 = g2 * 2
        for s in range(_NBUF):
            wait_gathers(s)
            scale(s)
            fire_write(s, c0 + s)
            wait_write(s)
            fire_gathers(s, c0 + s + 2)

    for s in range(_NBUF):
        wait_gathers(s)
        scale(s)
        fire_write(s, n_chunks - 2 + s)
    for s in range(_NBUF):
        wait_write(s)


def kernel(x, table):
    b0, b1 = x.shape
    idx = x.reshape(b0 * b1).astype(jnp.int32) * 2
    tab = jnp.pad(table, ((0, 0), (0, _D))).reshape(2 * table.shape[0], _D)

    info = plsc.get_sparse_core_info()
    nc, ns = info.num_cores, info.num_subcores
    nw = nc * ns
    w_rows = b0 // nw
    n_chunks = w_rows // _R0

    mesh = plsc.VectorSubcoreMesh(core_axis_name="c", subcore_axis_name="s")
    emb = pl.kernel(
        functools.partial(_emb_body, nc=nc, w_rows=w_rows, b1=b1,
                          n_chunks=n_chunks),
        out_type=jax.ShapeDtypeStruct((b0 * b1, 2 * _D), jnp.float32),
        mesh=mesh,
        compiler_params=pltpu.CompilerParams(
            use_tc_tiling_on_sc=False, needs_layout_passes=False),
        scratch_types=[
            pltpu.VMEM((b0 * b1 // nw,), jnp.int32),
            pltpu.VMEM((_R0 * b1, _D), jnp.float32),
            pltpu.VMEM((_R0 * b1, _D), jnp.float32),
            pltpu.SemaphoreType.DMA((_NBUF,)),
            pltpu.SemaphoreType.DMA((_NBUF,)),
        ],
    )
    out = emb(idx, tab)
    return out.reshape(b0, b1, 2 * _D)[:, :, :_D]

# --- scband reference (transcript-rebuilt; emitter-appended) ---
"""Pipeline reference for scband-input-embeddings-51307679318024 (READ-ONLY COPY).

The authoritative reference and input builder live on the scoring server;
editing this copy changes nothing except your own understanding.
"""

import jax, jax.numpy as jnp
import numpy as np
import math

D_MODEL = 64
VOCAB_SIZE = 1000000
PADDING_TOKEN = 0

def setup_inputs(seed: int = 0) -> dict:
    key = jax.random.key(seed)
    k1, k2 = jax.random.split(key)
    x = jax.random.randint(k1, (4096, 200), 0, VOCAB_SIZE, dtype=jnp.int64 if jax.config.jax_enable_x64 else jnp.int32)
    table = jax.random.normal(k2, (VOCAB_SIZE, D_MODEL), dtype=jnp.float32)
    # nn.Embedding with padding_idx zero-initializes the padding row
    table = table.at[PADDING_TOKEN].set(0.0)
    return {"x": x, "table": table}

def reference(x, table):
    # embedding lookup followed by sqrt(d_model) scaling
    emb = jnp.take(table, x, axis=0)
    return emb * math.sqrt(D_MODEL)

if __name__ == "__main__":
    import jax
    _d = setup_inputs()
    print(jax.jit(kernel)(*tuple(_d.values())))

</pallas_src>

<mosaic_0001>
#map = affine_map<(d0, d1) -> (0)>
#map1 = affine_map<(d0, d1) -> (0, 0)>
module attributes {stable_mosaic.version = 14 : i64} {
  func.func @_emb_body(%arg0: i32, %arg1: i32, %arg2: memref<819200xi32, #tpu.memory_space<hbm>>, %arg3: memref<2000000x64xf32, #tpu.memory_space<hbm>>, %arg4: memref<819200x128xf32, #tpu.memory_space<hbm>>, %arg5: memref<25600xi32, #tpu.memory_space<vmem>>, %arg6: memref<800x64xf32, #tpu.memory_space<vmem>>, %arg7: memref<800x64xf32, #tpu.memory_space<vmem>>, %arg8: memref<2x!tpu.dma_semaphore, #tpu.memory_space<semaphore_mem>>, %arg9: memref<2x!tpu.dma_semaphore, #tpu.memory_space<semaphore_mem>>) attributes {dimension_semantics = [#tpu.dimension_semantics<core_parallel>, #tpu.dimension_semantics<subcore_parallel>], iteration_bounds = array<i64: 2, 16>, scalar_prefetch = 0 : i64, scratch_operands = 5 : i64, tpu.core_type = #tpu.core_type<sc_vector_subcore>, window_params = [{transform_indices = #map}, {transform_indices = #map1}, {transform_indices = #map1}]} {
    %mul3A = arith.constant 2 : i32
    %mul3A_0 = arith.muli %arg1, %mul3A : i32
    %add3A = arith.addi %mul3A_0, %arg0 : i32
    %mul3A_1 = arith.constant 128 : i32
    %mul3A_2 = arith.muli %add3A, %mul3A_1 : i32
    %mul3A_3 = arith.constant 200 : i32
    %mul3A_4 = arith.muli %mul3A_2, %mul3A_3 : i32
    "tpu.region"() ({
      %run_scoped3A = tpu.sem_alloc : memref<!tpu.dma_semaphore, #tpu.memory_space<semaphore_mem>>
      %dma_start3A_929 = tpu.memref_slice %arg2[%mul3A_4] : memref<819200xi32, #tpu.memory_space<hbm>> -> memref<25600xi32, #tpu.memory_space<hbm>>
      %dma_start3A_930 = tpu.memref_slice %arg2[%mul3A_4] : memref<819200xi32, #tpu.memory_space<hbm>> -> memref<25600xi32, #tpu.memory_space<hbm>>
      tpu.enqueue_dma source(%dma_start3A_930 : memref<25600xi32, #tpu.memory_space<hbm>>) target(%arg5 : memref<25600xi32, #tpu.memory_space<vmem>>) target_semaphore(%run_scoped3A : memref<!tpu.dma_semaphore, #tpu.memory_space<semaphore_mem>>)
      %dma_wait3A_931 = tpu.memref_slice %arg2[%mul3A_4] : memref<819200xi32, #tpu.memory_space<hbm>> -> memref<25600xi32, #tpu.memory_space<hbm>>
      %dma_wait3A_932 = tpu.memref_slice %arg2[%mul3A_4] : memref<819200xi32, #tpu.memory_space<hbm>> -> memref<25600xi32, #tpu.memory_space<hbm>>
      tpu.wait_dma2 semaphore(%run_scoped3A : memref<!tpu.dma_semaphore, #tpu.memory_space<semaphore_mem>>) src(%dma_wait3A_932 : memref<25600xi32, #tpu.memory_space<hbm>>) dst(%arg5 : memref<25600xi32, #tpu.memory_space<vmem>>)
      tpu.yield
    }) : () -> ()
    %dma_start3A = arith.constant 0 : i32
    %dma_start3A_5 = arith.constant 0 : i32
    %dma_start3A_6 = arith.constant 0 : i32
    %dma_start3A_7 = tpu.memref_slice %arg6[%dma_start3A_5, %dma_start3A_6] : memref<800x64xf32, #tpu.memory_space<vmem>> -> memref<40x64xf32, #tpu.memory_space<vmem>>
    %dma_start3A_8 = arith.constant 0 : i32
    %dma_start3A_9 = tpu.memref_slice %arg5[%dma_start3A_8] : memref<25600xi32, #tpu.memory_space<vmem>> -> memref<40xi32, #tpu.memory_space<vmem>>
    %dma_start3A_10 = arith.constant 0 : i32
    %dma_start3A_11 = arith.constant 0 : i32
    %dma_start3A_12 = tpu.memref_slice %arg3[%dma_start3A_10, %dma_start3A_11] : memref<2000000x64xf32, #tpu.memory_space<hbm>> -> memref<2000000x64xf32, #tpu.memory_space<hbm>>
    %dma_start3A_13 = tpu.memref_slice %arg8[%dma_start3A] : memref<2x!tpu.dma_semaphore, #tpu.memory_space<semaphore_mem>> -> memref<1x!tpu.dma_semaphore, #tpu.memory_space<semaphore_mem>>
    %dma_start3A_14 = tpu.memref_squeeze %dma_start3A_13 : memref<1x!tpu.dma_semaphore, #tpu.memory_space<semaphore_mem>> -> memref<!tpu.dma_semaphore, #tpu.memory_space<semaphore_mem>>
    tpu.enqueue_indirect_dma source(%dma_start3A_12 : memref<2000000x64xf32, #tpu.memory_space<hbm>>) target(%dma_start3A_7 : memref<40x64xf32, #tpu.memory_space<vmem>>) offsets(%dma_start3A_9 : memref<40xi32, #tpu.memory_space<vmem>>) semaphore(%dma_start3A_14 : memref<!tpu.dma_semaphore, #tpu.memory_space<semaphore_mem>>)
    %dma_start3A_15 = arith.constant 0 : i32
    %dma_start3A_16 = arith.constant 40 : i32
    %dma_start3A_17 = arith.constant 0 : i32
    %dma_start3A_18 = tpu.memref_slice %arg6[%dma_start3A_16, %dma_start3A_17] : memref<800x64xf32, #tpu.memory_space<vmem>> -> memref<40x64xf32, #tpu.memory_space<vmem>>
    %dma_start3A_19 = arith.constant 40 : i32
    %dma_start3A_20 = tpu.memref_slice %arg5[%dma_start3A_19] : memref<25600xi32, #tpu.memory_space<vmem>> -> memref<40xi32, #tpu.memory_space<vmem>>
    %dma_start3A_21 = arith.constant 0 : i32
    %dma_start3A_22 = arith.constant 0 : i32
    %dma_start3A_23 = tpu.memref_slice %arg3[%dma_start3A_21, %dma_start3A_22] : memref<2000000x64xf32, #tpu.memory_space<hbm>> -> memref<2000000x64xf32, #tpu.memory_space<hbm>>
    %dma_start3A_24 = tpu.memref_slice %arg8[%dma_start3A_15] : memref<2x!tpu.dma_semaphore, #tpu.memory_space<semaphore_mem>> -> memref<1x!tpu.dma_semaphore, #tpu.memory_space<semaphore_mem>>
    %dma_start3A_25 = tpu.memref_squeeze %dma_start3A_24 : memref<1x!tpu.dma_semaphore, #tpu.memory_space<semaphore_mem>> -> memref<!tpu.dma_semaphore, #tpu.memory_space<semaphore_mem>>
    tpu.enqueue_indirect_dma source(%dma_start3A_23 : memref<2000000x64xf32, #tpu.memory_space<hbm>>) target(%dma_start3A_18 : memref<40x64xf32, #tpu.memory_space<vmem>>) offsets(%dma_start3A_20 : memref<40xi32, #tpu.memory_space<vmem>>) semaphore(%dma_start3A_25 : memref<!tpu.dma_semaphore, #tpu.memory_space<semaphore_mem>>)
    %dma_start3A_26 = arith.constant 0 : i32
    %dma_start3A_27 = arith.constant 80 : i32
    %dma_start3A_28 = arith.constant 0 : i32
    %dma_start3A_29 = tpu.memref_slice %arg6[%dma_start3A_27, %dma_start3A_28] : memref<800x64xf32, #tpu.memory_space<vmem>> -> memref<40x64xf32, #tpu.memory_space<vmem>>
    %dma_start3A_30 = arith.constant 80 : i32
    %dma_start3A_31 = tpu.memref_slice %arg5[%dma_start3A_30] : memref<25600xi32, #tpu.memory_space<vmem>> -> memref<40xi32, #tpu.memory_space<vmem>>
    %dma_start3A_32 = arith.constant 0 : i32
    %dma_start3A_33 = arith.constant 0 : i32
    %dma_start3A_34 = tpu.memref_slice %arg3[%dma_start3A_32, %dma_start3A_33] : memref<2000000x64xf32, #tpu.memory_space<hbm>> -> memref<2000000x64xf32, #tpu.memory_space<hbm>>
    %dma_start3A_35 = tpu.memref_slice %arg8[%dma_start3A_26] : memref<2x!tpu.dma_semaphore, #tpu.memory_space<semaphore_mem>> -> memref<1x!tpu.dma_semaphore, #tpu.memory_space<semaphore_mem>>
    %dma_start3A_36 = tpu.memref_squeeze %dma_start3A_35 : memref<1x!tpu.dma_semaphore, #tpu.memory_space<semaphore_mem>> -> memref<!tpu.dma_semaphore, #tpu.memory_space<semaphore_mem>>
    tpu.enqueue_indirect_dma source(%dma_start3A_34 : memref<2000000x64xf32, #tpu.memory_space<hbm>>) target(%dma_start3A_29 : memref<40x64xf32, #tpu.memory_space<vmem>>) offsets(%dma_start3A_31 : memref<40xi32, #tpu.memory_space<vmem>>) semaphore(%dma_start3A_36 : memref<!tpu.dma_semaphore, #tpu.memory_space<semaphore_mem>>)
    %dma_start3A_37 = arith.constant 0 : i32
    %dma_start3A_38 = arith.constant 120 : i32
    %dma_start3A_39 = arith.constant 0 : i32
    %dma_start3A_40 = tpu.memref_slice %arg6[%dma_start3A_38, %dma_start3A_39] : memref<800x64xf32, #tpu.memory_space<vmem>> -> memref<40x64xf32, #tpu.memory_space<vmem>>
    %dma_start3A_41 = arith.constant 120 : i32
    %dma_start3A_42 = tpu.memref_slice %arg5[%dma_start3A_41] : memref<25600xi32, #tpu.memory_space<vmem>> -> memref<40xi32, #tpu.memory_space<vmem>>
    %dma_start3A_43 = arith.constant 0 : i32
    %dma_start3A_44 = arith.constant 0 : i32
    %dma_start3A_45 = tpu.memref_slice %arg3[%dma_start3A_43, %dma_start3A_44] : memref<2000000x64xf32, #tpu.memory_space<hbm>> -> memref<2000000x64xf32, #tpu.memory_space<hbm>>
    %dma_start3A_46 = tpu.memref_slice %arg8[%dma_start3A_37] : memref<2x!tpu.dma_semaphore, #tpu.memory_space<semaphore_mem>> -> memref<1x!tpu.dma_semaphore, #tpu.memory_space<semaphore_mem>>
    %dma_start3A_47 = tpu.memref_squeeze %dma_start3A_46 : memref<1x!tpu.dma_semaphore, #tpu.memory_space<semaphore_mem>> -> memref<!tpu.dma_semaphore, #tpu.memory_space<semaphore_mem>>
    tpu.enqueue_indirect_dma source(%dma_start3A_45 : memref<2000000x64xf32, #tpu.memory_space<hbm>>) target(%dma_start3A_40 : memref<40x64xf32, #tpu.memory_space<vmem>>) offsets(%dma_start3A_42 : memref<40xi32, #tpu.memory_space<vmem>>) semaphore(%dma_start3A_47 : memref<!tpu.dma_semaphore, #tpu.memory_space<semaphore_mem>>)
    %dma_start3A_48 = arith.constant 0 : i32
    %dma_start3A_49 = arith.constant 160 : i32
    %dma_start3A_50 = arith.constant 0 : i32
    %dma_start3A_51 = tpu.memref_slice %arg6[%dma_start3A_49, %dma_start3A_50] : memref<800x64xf32, #tpu.memory_space<vmem>> -> memref<40x64xf32, #tpu.memory_space<vmem>>
    %dma_start3A_52 = arith.constant 160 : i32
    %dma_start3A_53 = tpu.memref_slice %arg5[%dma_start3A_52] : memref<25600xi32, #tpu.memory_space<vmem>> -> memref<40xi32, #tpu.memory_space<vmem>>
    %dma_start3A_54 = arith.constant 0 : i32
    %dma_start3A_55 = arith.constant 0 : i32
    %dma_start3A_56 = tpu.memref_slice %arg3[%dma_start3A_54, %dma_start3A_55] : memref<2000000x64xf32, #tpu.memory_space<hbm>> -> memref<2000000x64xf32, #tpu.memory_space<hbm>>
    %dma_start3A_57 = tpu.memref_slice %arg8[%dma_start3A_48] : memref<2x!tpu.dma_semaphore, #tpu.memory_space<semaphore_mem>> -> memref<1x!tpu.dma_semaphore, #tpu.memory_space<semaphore_mem>>
    %dma_start3A_58 = tpu.memref_squeeze %dma_start3A_57 : memref<1x!tpu.dma_semaphore, #tpu.memory_space<semaphore_mem>> -> memref<!tpu.dma_semaphore, #tpu.memory_space<semaphore_mem>>
    tpu.enqueue_indirect_dma source(%dma_start3A_56 : memref<2000000x64xf32, #tpu.memory_space<hbm>>) target(%dma_start3A_51 : memref<40x64xf32, #tpu.memory_space<vmem>>) offsets(%dma_start3A_53 : memref<40xi32, #tpu.memory_space<vmem>>) semaphore(%dma_start3A_58 : memref<!tpu.dma_semaphore, #tpu.memory_space<semaphore_mem>>)
    %dma_start3A_59 = arith.constant 0 : i32
    %dma_start3A_60 = arith.constant 200 : i32
    %dma_start3A_61 = arith.constant 0 : i32
    %dma_start3A_62 = tpu.memref_slice %arg6[%dma_start3A_60, %dma_start3A_61] : memref<800x64xf32, #tpu.memory_space<vmem>> -> memref<40x64xf32, #tpu.memory_space<vmem>>
    %dma_start3A_63 = arith.constant 200 : i32
    %dma_start3A_64 = tpu.memref_slice %arg5[%dma_start3A_63] : memref<25600xi32, #tpu.memory_space<vmem>> -> memref<40xi32, #tpu.memory_space<vmem>>
    %dma_start3A_65 = arith.constant 0 : i32
    %dma_start3A_66 = arith.constant 0 : i32
    %dma_start3A_67 = tpu.memref_slice %arg3[%dma_start3A_65, %dma_start3A_66] : memref<2000000x64xf32, #tpu.memory_space<hbm>> -> memref<2000000x64xf32, #tpu.memory_space<hbm>>
    %dma_start3A_68 = tpu.memref_slice %arg8[%dma_start3A_59] : memref<2x!tpu.dma_semaphore, #tpu.memory_space<semaphore_mem>> -> memref<1x!tpu.dma_semaphore, #tpu.memory_space<semaphore_mem>>
    %dma_start3A_69 = tpu.memref_squeeze %dma_start3A_68 : memref<1x!tpu.dma_semaphore, #tpu.memory_space<semaphore_mem>> -> memref<!tpu.dma_semaphore, #tpu.memory_space<semaphore_mem>>
    tpu.enqueue_indirect_dma source(%dma_start3A_67 : memref<2000000x64xf32, #tpu.memory_space<hbm>>) target(%dma_start3A_62 : memref<40x64xf32, #tpu.memory_space<vmem>>) offsets(%dma_start3A_64 : memref<40xi32, #tpu.memory_space<vmem>>) semaphore(%dma_start3A_69 : memref<!tpu.dma_semaphore, #tpu.memory_space<semaphore_mem>>)
    %dma_start3A_70 = arith.constant 0 : i32
    %dma_start3A_71 = arith.constant 240 : i32
    %dma_start3A_72 = arith.constant 0 : i32
    %dma_start3A_73 = tpu.memref_slice %arg6[%dma_start3A_71, %dma_start3A_72] : memref<800x64xf32, #tpu.memory_space<vmem>> -> memref<40x64xf32, #tpu.memory_space<vmem>>
    %dma_start3A_74 = arith.constant 240 : i32
    %dma_start3A_75 = tpu.memref_slice %arg5[%dma_start3A_74] : memref<25600xi32, #tpu.memory_space<vmem>> -> memref<40xi32, #tpu.memory_space<vmem>>
    %dma_start3A_76 = arith.constant 0 : i32
    %dma_start3A_77 = arith.constant 0 : i32
    %dma_start3A_78 = tpu.memref_slice %arg3[%dma_start3A_76, %dma_start3A_77] : memref<2000000x64xf32, #tpu.memory_space<hbm>> -> memref<2000000x64xf32, #tpu.memory_space<hbm>>
    %dma_start3A_79 = tpu.memref_slice %arg8[%dma_start3A_70] : memref<2x!tpu.dma_semaphore, #tpu.memory_space<semaphore_mem>> -> memref<1x!tpu.dma_semaphore, #tpu.memory_space<semaphore_mem>>
    %dma_start3A_80 = tpu.memref_squeeze %dma_start3A_79 : memref<1x!tpu.dma_semaphore, #tpu.memory_space<semaphore_mem>> -> memref<!tpu.dma_semaphore, #tpu.memory_space<semaphore_mem>>
    tpu.enqueue_indirect_dma source(%dma_start3A_78 : memref<2000000x64xf32, #tpu.memory_space<hbm>>) target(%dma_start3A_73 : memref<40x64xf32, #tpu.memory_space<vmem>>) offsets(%dma_start3A_75 : memref<40xi32, #tpu.memory_space<vmem>>) semaphore(%dma_start3A_80 : memref<!tpu.dma_semaphore, #tpu.memory_space<semaphore_mem>>)
    %dma_start3A_81 = arith.constant 0 : i32
    %dma_start3A_82 = arith.constant 280 : i32
    %dma_start3A_83 = arith.constant 0 : i32
    %dma_start3A_84 = tpu.memref_slice %arg6[%dma_start3A_82, %dma_start3A_83] : memref<800x64xf32, #tpu.memory_space<vmem>> -> memref<40x64xf32, #tpu.memory_space<vmem>>
    %dma_start3A_85 = arith.constant 280 : i32
    %dma_start3A_86 = tpu.memref_slice %arg5[%dma_start3A_85] : memref<25600xi32, #tpu.memory_space<vmem>> -> memref<40xi32, #tpu.memory_space<vmem>>
    %dma_start3A_87 = arith.constant 0 : i32
    %dma_start3A_88 = arith.constant 0 : i32
    %dma_start3A_89 = tpu.memref_slice %arg3[%dma_start3A_87, %dma_start3A_88] : memref<2000000x64xf32, #tpu.memory_space<hbm>> -> memref<2000000x64xf32, #tpu.memory_space<hbm>>
    %dma_start3A_90 = tpu.memref_slice %arg8[%dma_start3A_81] : memref<2x!tpu.dma_semaphore, #tpu.memory_space<semaphore_mem>> -> memref<1x!tpu.dma_semaphore, #tpu.memory_space<semaphore_mem>>
    %dma_start3A_91 = tpu.memref_squeeze %dma_start3A_90 : memref<1x!tpu.dma_semaphore, #tpu.memory_space<semaphore_mem>> -> memref<!tpu.dma_semaphore, #tpu.memory_space<semaphore_mem>>
    tpu.enqueue_indirect_dma source(%dma_start3A_89 : memref<2000000x64xf32, #tpu.memory_space<hbm>>) target(%dma_start3A_84 : memref<40x64xf32, #tpu.memory_space<vmem>>) offsets(%dma_start3A_86 : memref<40xi32, #tpu.memory_space<vmem>>) semaphore(%dma_start3A_91 : memref<!tpu.dma_semaphore, #tpu.memory_space<semaphore_mem>>)
    %dma_start3A_92 = arith.constant 0 : i32
    %dma_start3A_93 = arith.constant 320 : i32
    %dma_start3A_94 = arith.constant 0 : i32
    %dma_start3A_95 = tpu.memref_slice %arg6[%dma_start3A_93, %dma_start3A_94] : memref<800x64xf32, #tpu.memory_space<vmem>> -> memref<40x64xf32, #tpu.memory_space<vmem>>
    %dma_start3A_96 = arith.constant 320 : i32
    %dma_start3A_97 = tpu.memref_slice %arg5[%dma_start3A_96] : memref<25600xi32, #tpu.memory_space<vmem>> -> memref<40xi32, #tpu.memory_space<vmem>>
    %dma_start3A_98 = arith.constant 0 : i32
    %dma_start3A_99 = arith.constant 0 : i32
    %dma_start3A_100 = tpu.memref_slice %arg3[%dma_start3A_98, %dma_start3A_99] : memref<2000000x64xf32, #tpu.memory_space<hbm>> -> memref<2000000x64xf32, #tpu.memory_space<hbm>>
    %dma_start3A_101 = tpu.memref_slice %arg8[%dma_start3A_92] : memref<2x!tpu.dma_semaphore, #tpu.memory_space<semaphore_mem>> -> memref<1x!tpu.dma_semaphore, #tpu.memory_space<semaphore_mem>>
    %dma_start3A_102 = tpu.memref_squeeze %dma_start3A_101 : memref<1x!tpu.dma_semaphore, #tpu.memory_space<semaphore_mem>> -> memref<!tpu.dma_semaphore, #tpu.memory_space<semaphore_mem>>
    tpu.enqueue_indirect_dma source(%dma_start3A_100 : memref<2000000x64xf32, #tpu.memory_space<hbm>>) target(%dma_start3A_95 : memref<40x64xf32, #tpu.memory_space<vmem>>) offsets(%dma_start3A_97 : memref<40xi32, #tpu.memory_space<vmem>>) semaphore(%dma_start3A_102 : memref<!tpu.dma_semaphore, #tpu.memory_space<semaphore_mem>>)
    %dma_start3A_103 = arith.constant 0 : i32
    %dma_start3A_104 = arith.constant 360 : i32
    %dma_start3A_105 = arith.constant 0 : i32
    %dma_start3A_106 = tpu.memref_slice %arg6[%dma_start3A_104, %dma_start3A_105] : memref<800x64xf32, #tpu.memory_space<vmem>> -> memref<40x64xf32, #tpu.memory_space<vmem>>
    %dma_start3A_107 = arith.constant 360 : i32
    %dma_start3A_108 = tpu.memref_slice %arg5[%dma_start3A_107] : memref<25600xi32, #tpu.memory_space<vmem>> -> memref<40xi32, #tpu.memory_space<vmem>>
    %dma_start3A_109 = arith.constant 0 : i32
    %dma_start3A_110 = arith.constant 0 : i32
    %dma_start3A_111 = tpu.memref_slice %arg3[%dma_start3A_109, %dma_start3A_110] : memref<2000000x64xf32, #tpu.memory_space<hbm>> -> memref<2000000x64xf32, #tpu.memory_space<hbm>>
    %dma_start3A_112 = tpu.memref_slice %arg8[%dma_start3A_103] : memref<2x!tpu.dma_semaphore, #tpu.memory_space<semaphore_mem>> -> memref<1x!tpu.dma_semaphore, #tpu.memory_space<semaphore_mem>>
    %dma_start3A_113 = tpu.memref_squeeze %dma_start3A_112 : memref<1x!tpu.dma_semaphore, #tpu.memory_space<semaphore_mem>> -> memref<!tpu.dma_semaphore, #tpu.memory_space<semaphore_mem>>
    tpu.enqueue_indirect_dma source(%dma_start3A_111 : memref<2000000x64xf32, #tpu.memory_space<hbm>>) target(%dma_start3A_106 : memref<40x64xf32, #tpu.memory_space<vmem>>) offsets(%dma_start3A_108 : memref<40xi32, #tpu.memory_space<vmem>>) semaphore(%dma_start3A_113 : memref<!tpu.dma_semaphore, #tpu.memory_space<semaphore_mem>>)
    %dma_start3A_114 = arith.constant 0 : i32
    %dma_start3A_115 = arith.constant 400 : i32
    %dma_start3A_116 = arith.constant 0 : i32
    %dma_start3A_117 = tpu.memref_slice %arg6[%dma_start3A_115, %dma_start3A_116] : memref<800x64xf32, #tpu.memory_space<vmem>> -> memref<40x64xf32, #tpu.memory_space<vmem>>
    %dma_start3A_118 = arith.constant 400 : i32
    %dma_start3A_119 = tpu.memref_slice %arg5[%dma_start3A_118] : memref<25600xi32, #tpu.memory_space<vmem>> -> memref<40xi32, #tpu.memory_space<vmem>>
    %dma_start3A_120 = arith.constant 0 : i32
    %dma_start3A_121 = arith.constant 0 : i32
    %dma_start3A_122 = tpu.memref_slice %arg3[%dma_start3A_120, %dma_start3A_121] : memref<2000000x64xf32, #tpu.memory_space<hbm>> -> memref<2000000x64xf32, #tpu.memory_space<hbm>>
    %dma_start3A_123 = tpu.memref_slice %arg8[%dma_start3A_114] : memref<2x!tpu.dma_semaphore, #tpu.memory_space<semaphore_mem>> -> memref<1x!tpu.dma_semaphore, #tpu.memory_space<semaphore_mem>>
    %dma_start3A_124 = tpu.memref_squeeze %dma_start3A_123 : memref<1x!tpu.dma_semaphore, #tpu.memory_space<semaphore_mem>> -> memref<!tpu.dma_semaphore, #tpu.memory_space<semaphore_mem>>
    tpu.enqueue_indirect_dma source(%dma_start3A_122 : memref<2000000x64xf32, #tpu.memory_space<hbm>>) target(%dma_start3A_117 : memref<40x64xf32, #tpu.memory_space<vmem>>) offsets(%dma_start3A_119 : memref<40xi32, #tpu.memory_space<vmem>>) semaphore(%dma_start3A_124 : memref<!tpu.dma_semaphore, #tpu.memory_space<semaphore_mem>>)
    %dma_start3A_125 = arith.constant 0 : i32
    %dma_start3A_126 = arith.constant 440 : i32
    %dma_start3A_127 = arith.constant 0 : i32
    %dma_start3A_128 = tpu.memref_slice %arg6[%dma_start3A_126, %dma_start3A_127] : memref<800x64xf32, #tpu.memory_space<vmem>> -> memref<40x64xf32, #tpu.memory_space<vmem>>
    %dma_start3A_129 = arith.constant 440 : i32
    %dma_start3A_130 = tpu.memref_slice %arg5[%dma_start3A_129] : memref<25600xi32, #tpu.memory_space<vmem>> -> memref<40xi32, #tpu.memory_space<vmem>>
    %dma_start3A_131 = arith.constant 0 : i32
    %dma_start3A_132 = arith.constant 0 : i32
    %dma_start3A_133 = tpu.memref_slice %arg3[%dma_start3A_131, %dma_start3A_132] : memref<2000000x64xf32, #tpu.memory_space<hbm>> -> memref<2000000x64xf32, #tpu.memory_space<hbm>>
    %dma_start3A_134 = tpu.memref_slice %arg8[%dma_start3A_125] : memref<2x!tpu.dma_semaphore, #tpu.memory_space<semaphore_mem>> -> memref<1x!tpu.dma_semaphore, #tpu.memory_space<semaphore_mem>>
    %dma_start3A_135 = tpu.memref_squeeze %dma_start3A_134 : memref<1x!tpu.dma_semaphore, #tpu.memory_space<semaphore_mem>> -> memref<!tpu.dma_semaphore, #tpu.memory_space<semaphore_mem>>
    tpu.enqueue_indirect_dma source(%dma_start3A_133 : memref<2000000x64xf32, #tpu.memory_space<hbm>>) target(%dma_start3A_128 : memref<40x64xf32, #tpu.memory_space<vmem>>) offsets(%dma_start3A_130 : memref<40xi32, #tpu.memory_space<vmem>>) semaphore(%dma_start3A_135 : memref<!tpu.dma_semaphore, #tpu.memory_space<semaphore_mem>>)
    %dma_start3A_136 = arith.constant 0 : i32
    %dma_start3A_137 = arith.constant 480 : i32
    %dma_start3A_138 = arith.constant 0 : i32
    %dma_start3A_139 = tpu.memref_slice %arg6[%dma_start3A_137, %dma_start3A_138] : memref<800x64xf32, #tpu.memory_space<vmem>> -> memref<40x64xf32, #tpu.memory_space<vmem>>
    %dma_start3A_140 = arith.constant 480 : i32
    %dma_start3A_141 = tpu.memref_slice %arg5[%dma_start3A_140] : memref<25600xi32, #tpu.memory_space<vmem>> -> memref<40xi32, #tpu.memory_space<vmem>>
    %dma_start3A_142 = arith.constant 0 : i32
    %dma_start3A_143 = arith.constant 0 : i32
    %dma_start3A_144 = tpu.memref_slice %arg3[%dma_start3A_142, %dma_start3A_143] : memref<2000000x64xf32, #tpu.memory_space<hbm>> -> memref<2000000x64xf32, #tpu.memory_space<hbm>>
    %dma_start3A_145 = tpu.memref_slice %arg8[%dma_start3A_136] : memref<2x!tpu.dma_semaphore, #tpu.memory_space<semaphore_mem>> -> memref<1x!tpu.dma_semaphore, #tpu.memory_space<semaphore_mem>>
    %dma_start3A_146 = tpu.memref_squeeze %dma_start3A_145 : memref<1x!tpu.dma_semaphore, #tpu.memory_space<semaphore_mem>> -> memref<!tpu.dma_semaphore, #tpu.memory_space<semaphore_mem>>
    tpu.enqueue_indirect_dma source(%dma_start3A_144 : memref<2000000x64xf32, #tpu.memory_space<hbm>>) target(%dma_start3A_139 : memref<40x64xf32, #tpu.memory_space<vmem>>) offsets(%dma_start3A_141 : memref<40xi32, #tpu.memory_space<vmem>>) semaphore(%dma_start3A_146 : memref<!tpu.dma_semaphore, #tpu.memory_space<semaphore_mem>>)
    %dma_start3A_147 = arith.constant 0 : i32
    %dma_start3A_148 = arith.constant 520 : i32
    %dma_start3A_149 = arith.constant 0 : i32
    %dma_start3A_150 = tpu.memref_slice %arg6[%dma_start3A_148, %dma_start3A_149] : memref<800x64xf32, #tpu.memory_space<vmem>> -> memref<40x64xf32, #tpu.memory_space<vmem>>
    %dma_start3A_151 = arith.constant 520 : i32
    %dma_start3A_152 = tpu.memref_slice %arg5[%dma_start3A_151] : memref<25600xi32, #tpu.memory_space<vmem>> -> memref<40xi32, #tpu.memory_space<vmem>>
    %dma_start3A_153 = arith.constant 0 : i32
    %dma_start3A_154 = arith.constant 0 : i32
    %dma_start3A_155 = tpu.memref_slice %arg3[%dma_start3A_153, %dma_start3A_154] : memref<2000000x64xf32, #tpu.memory_space<hbm>> -> memref<2000000x64xf32, #tpu.memory_space<hbm>>
    %dma_start3A_156 = tpu.memref_slice %arg8[%dma_start3A_147] : memref<2x!tpu.dma_semaphore, #tpu.memory_space<semaphore_mem>> -> memref<1x!tpu.dma_semaphore, #tpu.memory_space<semaphore_mem>>
    %dma_start3A_157 = tpu.memref_squeeze %dma_start3A_156 : memref<1x!tpu.dma_semaphore, #tpu.memory_space<semaphore_mem>> -> memref<!tpu.dma_semaphore, #tpu.memory_space<semaphore_mem>>
    tpu.enqueue_indirect_dma source(%dma_start3A_155 : memref<2000000x64xf32, #tpu.memory_space<hbm>>) target(%dma_start3A_150 : memref<40x64xf32, #tpu.memory_space<vmem>>) offsets(%dma_start3A_152 : memref<40xi32, #tpu.memory_space<vmem>>) semaphore(%dma_start3A_157 : memref<!tpu.dma_semaphore, #tpu.memory_space<semaphore_mem>>)
    %dma_start3A_158 = arith.constant 0 : i32
    %dma_start3A_159 = arith.constant 560 : i32
    %dma_start3A_160 = arith.constant 0 : i32
    %dma_start3A_161 = tpu.memref_slice %arg6[%dma_start3A_159, %dma_start3A_160] : memref<800x64xf32, #tpu.memory_space<vmem>> -> memref<40x64xf32, #tpu.memory_space<vmem>>
    %dma_start3A_162 = arith.constant 560 : i32
    %dma_start3A_163 = tpu.memref_slice %arg5[%dma_start3A_162] : memref<25600xi32, #tpu.memory_space<vmem>> -> memref<40xi32, #tpu.memory_space<vmem>>
    %dma_start3A_164 = arith.constant 0 : i32
    %dma_start3A_165 = arith.constant 0 : i32
    %dma_start3A_166 = tpu.memref_slice %arg3[%dma_start3A_164, %dma_start3A_165] : memref<2000000x64xf32, #tpu.memory_space<hbm>> -> memref<2000000x64xf32, #tpu.memory_space<hbm>>
    %dma_start3A_167 = tpu.memref_slice %arg8[%dma_start3A_158] : memref<2x!tpu.dma_semaphore, #tpu.memory_space<semaphore_mem>> -> memref<1x!tpu.dma_semaphore, #tpu.memory_space<semaphore_mem>>
    %dma_start3A_168 = tpu.memref_squeeze %dma_start3A_167 : memref<1x!tpu.dma_semaphore, #tpu.memory_space<semaphore_mem>> -> memref<!tpu.dma_semaphore, #tpu.memory_space<semaphore_mem>>
    tpu.enqueue_indirect_dma source(%dma_start3A_166 : memref<2000000x64xf32, #tpu.memory_space<hbm>>) target(%dma_start3A_161 : memref<40x64xf32, #tpu.memory_space<vmem>>) offsets(%dma_start3A_163 : memref<40xi32, #tpu.memory_space<vmem>>) semaphore(%dma_start3A_168 : memref<!tpu.dma_semaphore, #tpu.memory_space<semaphore_mem>>)
    %dma_start3A_169 = arith.constant 0 : i32
    %dma_start3A_170 = arith.constant 600 : i32
    %dma_start3A_171 = arith.constant 0 : i32
    %dma_start3A_172 = tpu.memref_slice %arg6[%dma_start3A_170, %dma_start3A_171] : memref<800x64xf32, #tpu.memory_space<vmem>> -> memref<40x64xf32, #tpu.memory_space<vmem>>
    %dma_start3A_173 = arith.constant 600 : i32
    %dma_start3A_174 = tpu.memref_slice %arg5[%dma_start3A_173] : memref<25600xi32, #tpu.memory_space<vmem>> -> memref<40xi32, #tpu.memory_space<vmem>>
    %dma_start3A_175 = arith.constant 0 : i32
    %dma_start3A_176 = arith.constant 0 : i32
    %dma_start3A_177 = tpu.memref_slice %arg3[%dma_start3A_175, %dma_start3A_176] : memref<2000000x64xf32, #tpu.memory_space<hbm>> -> memref<2000000x64xf32, #tpu.memory_space<hbm>>
    %dma_start3A_178 = tpu.memref_slice %arg8[%dma_start3A_169] : memref<2x!tpu.dma_semaphore, #tpu.memory_space<semaphore_mem>> -> memref<1x!tpu.dma_semaphore, #tpu.memory_space<semaphore_mem>>
    %dma_start3A_179 = tpu.memref_squeeze %dma_start3A_178 : memref<1x!tpu.dma_semaphore, #tpu.memory_space<semaphore_mem>> -> memref<!tpu.dma_semaphore, #tpu.memory_space<semaphore_mem>>
    tpu.enqueue_indirect_dma source(%dma_start3A_177 : memref<2000000x64xf32, #tpu.memory_space<hbm>>) target(%dma_start3A_172 : memref<40x64xf32, #tpu.memory_space<vmem>>) offsets(%dma_start3A_174 : memref<40xi32, #tpu.memory_space<vmem>>) semaphore(%dma_start3A_179 : memref<!tpu.dma_semaphore, #tpu.memory_space<semaphore_mem>>)
    %dma_start3A_180 = arith.constant 0 : i32
    %dma_start3A_181 = arith.constant 640 : i32
    %dma_start3A_182 = arith.constant 0 : i32
    %dma_start3A_183 = tpu.memref_slice %arg6[%dma_start3A_181, %dma_start3A_182] : memref<800x64xf32, #tpu.memory_space<vmem>> -> memref<40x64xf32, #tpu.memory_space<vmem>>
    %dma_start3A_184 = arith.constant 640 : i32
    %dma_start3A_185 = tpu.memref_slice %arg5[%dma_start3A_184] : memref<25600xi32, #tpu.memory_space<vmem>> -> memref<40xi32, #tpu.memory_space<vmem>>
    %dma_start3A_186 = arith.constant 0 : i32
    %dma_start3A_187 = arith.constant 0 : i32
    %dma_start3A_188 = tpu.memref_slice %arg3[%dma_start3A_186, %dma_start3A_187] : memref<2000000x64xf32, #tpu.memory_space<hbm>> -> memref<2000000x64xf32, #tpu.memory_space<hbm>>
    %dma_start3A_189 = tpu.memref_slice %arg8[%dma_start3A_180] : memref<2x!tpu.dma_semaphore, #tpu.memory_space<semaphore_mem>> -> memref<1x!tpu.dma_semaphore, #tpu.memory_space<semaphore_mem>>
    %dma_start3A_190 = tpu.memref_squeeze %dma_start3A_189 : memref<1x!tpu.dma_semaphore, #tpu.memory_space<semaphore_mem>> -> memref<!tpu.dma_semaphore, #tpu.memory_space<semaphore_mem>>
    tpu.enqueue_indirect_dma source(%dma_start3A_188 : memref<2000000x64xf32, #tpu.memory_space<hbm>>) target(%dma_start3A_183 : memref<40x64xf32, #tpu.memory_space<vmem>>) offsets(%dma_start3A_185 : memref<40xi32, #tpu.memory_space<vmem>>) semaphore(%dma_start3A_190 : memref<!tpu.dma_semaphore, #tpu.memory_space<semaphore_mem>>)
    %dma_start3A_191 = arith.constant 0 : i32
    %dma_start3A_192 = arith.constant 680 : i32
    %dma_start3A_193 = arith.constant 0 : i32
    %dma_start3A_194 = tpu.memref_slice %arg6[%dma_start3A_192, %dma_start3A_193] : memref<800x64xf32, #tpu.memory_space<vmem>> -> memref<40x64xf32, #tpu.memory_space<vmem>>
    %dma_start3A_195 = arith.constant 680 : i32
    %dma_start3A_196 = tpu.memref_slice %arg5[%dma_start3A_195] : memref<25600xi32, #tpu.memory_space<vmem>> -> memref<40xi32, #tpu.memory_space<vmem>>
    %dma_start3A_197 = arith.constant 0 : i32
    %dma_start3A_198 = arith.constant 0 : i32
    %dma_start3A_199 = tpu.memref_slice %arg3[%dma_start3A_197, %dma_start3A_198] : memref<2000000x64xf32, #tpu.memory_space<hbm>> -> memref<2000000x64xf32, #tpu.memory_space<hbm>>
    %dma_start3A_200 = tpu.memref_slice %arg8[%dma_start3A_191] : memref<2x!tpu.dma_semaphore, #tpu.memory_space<semaphore_mem>> -> memref<1x!tpu.dma_semaphore, #tpu.memory_space<semaphore_mem>>
    %dma_start3A_201 = tpu.memref_squeeze %dma_start3A_200 : memref<1x!tpu.dma_semaphore, #tpu.memory_space<semaphore_mem>> -> memref<!tpu.dma_semaphore, #tpu.memory_space<semaphore_mem>>
    tpu.enqueue_indirect_dma source(%dma_start3A_199 : memref<2000000x64xf32, #tpu.memory_space<hbm>>) target(%dma_start3A_194 : memref<40x64xf32, #tpu.memory_space<vmem>>) offsets(%dma_start3A_196 : memref<40xi32, #tpu.memory_space<vmem>>) semaphore(%dma_start3A_201 : memref<!tpu.dma_semaphore, #tpu.memory_space<semaphore_mem>>)
    %dma_start3A_202 = arith.constant 0 : i32
    %dma_start3A_203 = arith.constant 720 : i32
    %dma_start3A_204 = arith.constant 0 : i32
    %dma_start3A_205 = tpu.memref_slice %arg6[%dma_start3A_203, %dma_start3A_204] : memref<800x64xf32, #tpu.memory_space<vmem>> -> memref<40x64xf32, #tpu.memory_space<vmem>>
    %dma_start3A_206 = arith.constant 720 : i32
    %dma_start3A_207 = tpu.memref_slice %arg5[%dma_start3A_206] : memref<25600xi32, #tpu.memory_space<vmem>> -> memref<40xi32, #tpu.memory_space<vmem>>
    %dma_start3A_208 = arith.constant 0 : i32
    %dma_start3A_209 = arith.constant 0 : i32
    %dma_start3A_210 = tpu.memref_slice %arg3[%dma_start3A_208, %dma_start3A_209] : memref<2000000x64xf32, #tpu.memory_space<hbm>> -> memref<2000000x64xf32, #tpu.memory_space<hbm>>
    %dma_start3A_211 = tpu.memref_slice %arg8[%dma_start3A_202] : memref<2x!tpu.dma_semaphore, #tpu.memory_space<semaphore_mem>> -> memref<1x!tpu.dma_semaphore, #tpu.memory_space<semaphore_mem>>
    %dma_start3A_212 = tpu.memref_squeeze %dma_start3A_211 : memref<1x!tpu.dma_semaphore, #tpu.memory_space<semaphore_mem>> -> memref<!tpu.dma_semaphore, #tpu.memory_space<semaphore_mem>>
    tpu.enqueue_indirect_dma source(%dma_start3A_210 : memref<2000000x64xf32, #tpu.memory_space<hbm>>) target(%dma_start3A_205 : memref<40x64xf32, #tpu.memory_space<vmem>>) offsets(%dma_start3A_207 : memref<40xi32, #tpu.memory_space<vmem>>) semaphore(%dma_start3A_212 : memref<!tpu.dma_semaphore, #tpu.memory_space<semaphore_mem>>)
    %dma_start3A_213 = arith.constant 0 : i32
    %dma_start3A_214 = arith.constant 760 : i32
    %dma_start3A_215 = arith.constant 0 : i32
    %dma_start3A_216 = tpu.memref_slice %arg6[%dma_start3A_214, %dma_start3A_215] : memref<800x64xf32, #tpu.memory_space<vmem>> -> memref<40x64xf32, #tpu.memory_space<vmem>>
    %dma_start3A_217 = arith.constant 760 : i32
    %dma_start3A_218 = tpu.memref_slice %arg5[%dma_start3A_217] : memref<25600xi32, #tpu.memory_space<vmem>> -> memref<40xi32, #tpu.memory_space<vmem>>
    %dma_start3A_219 = arith.constant 0 : i32
    %dma_start3A_220 = arith.constant 0 : i32
    %dma_start3A_221 = tpu.memref_slice %arg3[%dma_start3A_219, %dma_start3A_220] : memref<2000000x64xf32, #tpu.memory_space<hbm>> -> memref<2000000x64xf32, #tpu.memory_space<hbm>>
    %dma_start3A_222 = tpu.memref_slice %arg8[%dma_start3A_213] : memref<2x!tpu.dma_semaphore, #tpu.memory_space<semaphore_mem>> -> memref<1x!tpu.dma_semaphore, #tpu.memory_space<semaphore_mem>>
    %dma_start3A_223 = tpu.memref_squeeze %dma_start3A_222 : memref<1x!tpu.dma_semaphore, #tpu.memory_space<semaphore_mem>> -> memref<!tpu.dma_semaphore, #tpu.memory_space<semaphore_mem>>
    tpu.enqueue_indirect_dma source(%dma_start3A_221 : memref<2000000x64xf32, #tpu.memory_space<hbm>>) target(%dma_start3A_216 : memref<40x64xf32, #tpu.memory_space<vmem>>) offsets(%dma_start3A_218 : memref<40xi32, #tpu.memory_space<vmem>>) semaphore(%dma_start3A_223 : memref<!tpu.dma_semaphore, #tpu.memory_space<semaphore_mem>>)
    %dma_start3A_224 = arith.constant 1 : i32
    %dma_start3A_225 = arith.constant 0 : i32
    %dma_start3A_226 = arith.constant 0 : i32
    %dma_start3A_227 = tpu.memref_slice %arg7[%dma_start3A_225, %dma_start3A_226] : memref<800x64xf32, #tpu.memory_space<vmem>> -> memref<40x64xf32, #tpu.memory_space<vmem>>
    %dma_start3A_228 = arith.constant 800 : i32
    %dma_start3A_229 = tpu.memref_slice %arg5[%dma_start3A_228] : memref<25600xi32, #tpu.memory_space<vmem>> -> memref<40xi32, #tpu.memory_space<vmem>>
    %dma_start3A_230 = arith.constant 0 : i32
    %dma_start3A_231 = arith.constant 0 : i32
    %dma_start3A_232 = tpu.memref_slice %arg3[%dma_start3A_230, %dma_start3A_231] : memref<2000000x64xf32, #tpu.memory_space<hbm>> -> memref<2000000x64xf32, #tpu.memory_space<hbm>>
    %dma_start3A_233 = tpu.memref_slice %arg8[%dma_start3A_224] : memref<2x!tpu.dma_semaphore, #tpu.memory_space<semaphore_mem>> -> memref<1x!tpu.dma_semaphore, #tpu.memory_space<semaphore_mem>>
    %dma_start3A_234 = tpu.memref_squeeze %dma_start3A_233 : memref<1x!tpu.dma_semaphore, #tpu.memory_space<semaphore_mem>> -> memref<!tpu.dma_semaphore, #tpu.memory_space<semaphore_mem>>
    tpu.enqueue_indirect_dma source(%dma_start3A_232 : memref<2000000x64xf32, #tpu.memory_space<hbm>>) target(%dma_start3A_227 : memref<40x64xf32, #tpu.memory_space<vmem>>) offsets(%dma_start3A_229 : memref<40xi32, #tpu.memory_space<vmem>>) semaphore(%dma_start3A_234 : memref<!tpu.dma_semaphore, #tpu.memory_space<semaphore_mem>>)
    %dma_start3A_235 = arith.constant 1 : i32
    %dma_start3A_236 = arith.constant 40 : i32
    %dma_start3A_237 = arith.constant 0 : i32
    %dma_start3A_238 = tpu.memref_slice %arg7[%dma_start3A_236, %dma_start3A_237] : memref<800x64xf32, #tpu.memory_space<vmem>> -> memref<40x64xf32, #tpu.memory_space<vmem>>
    %dma_start3A_239 = arith.constant 840 : i32
    %dma_start3A_240 = tpu.memref_slice %arg5[%dma_start3A_239] : memref<25600xi32, #tpu.memory_space<vmem>> -> memref<40xi32, #tpu.memory_space<vmem>>
    %dma_start3A_241 = arith.constant 0 : i32
    %dma_start3A_242 = arith.constant 0 : i32
    %dma_start3A_243 = tpu.memref_slice %arg3[%dma_start3A_241, %dma_start3A_242] : memref<2000000x64xf32, #tpu.memory_space<hbm>> -> memref<2000000x64xf32, #tpu.memory_space<hbm>>
    %dma_start3A_244 = tpu.memref_slice %arg8[%dma_start3A_235] : memref<2x!tpu.dma_semaphore, #tpu.memory_space<semaphore_mem>> -> memref<1x!tpu.dma_semaphore, #tpu.memory_space<semaphore_mem>>
    %dma_start3A_245 = tpu.memref_squeeze %dma_start3A_244 : memref<1x!tpu.dma_semaphore, #tpu.memory_space<semaphore_mem>> -> memref<!tpu.dma_semaphore, #tpu.memory_space<semaphore_mem>>
    tpu.enqueue_indirect_dma source(%dma_start3A_243 : memref<2000000x64xf32, #tpu.memory_space<hbm>>) target(%dma_start3A_238 : memref<40x64xf32, #tpu.memory_space<vmem>>) offsets(%dma_start3A_240 : memref<40xi32, #tpu.memory_space<vmem>>) semaphore(%dma_start3A_245 : memref<!tpu.dma_semaphore, #tpu.memory_space<semaphore_mem>>)
    %dma_start3A_246 = arith.constant 1 : i32
    %dma_start3A_247 = arith.constant 80 : i32
    %dma_start3A_248 = arith.constant 0 : i32
    %dma_start3A_249 = tpu.memref_slice %arg7[%dma_start3A_247, %dma_start3A_248] : memref<800x64xf32, #tpu.memory_space<vmem>> -> memref<40x64xf32, #tpu.memory_space<vmem>>
    %dma_start3A_250 = arith.constant 880 : i32
    %dma_start3A_251 = tpu.memref_slice %arg5[%dma_start3A_250] : memref<25600xi32, #tpu.memory_space<vmem>> -> memref<40xi32, #tpu.memory_space<vmem>>
    %dma_start3A_252 = arith.constant 0 : i32
    %dma_start3A_253 = arith.constant 0 : i32
    %dma_start3A_254 = tpu.memref_slice %arg3[%dma_start3A_252, %dma_start3A_253] : memref<2000000x64xf32, #tpu.memory_space<hbm>> -> memref<2000000x64xf32, #tpu.memory_space<hbm>>
    %dma_start3A_255 = tpu.memref_slice %arg8[%dma_start3A_246] : memref<2x!tpu.dma_semaphore, #tpu.memory_space<semaphore_mem>> -> memref<1x!tpu.dma_semaphore, #tpu.memory_space<semaphore_mem>>
    %dma_start3A_256 = tpu.memref_squeeze %dma_start3A_255 : memref<1x!tpu.dma_semaphore, #tpu.memory_space<semaphore_mem>> -> memref<!tpu.dma_semaphore, #tpu.memory_space<semaphore_mem>>
    tpu.enqueue_indirect_dma source(%dma_start3A_254 : memref<2000000x64xf32, #tpu.memory_space<hbm>>) target(%dma_start3A_249 : memref<40x64xf32, #tpu.memory_space<vmem>>) offsets(%dma_start3A_251 : memref<40xi32, #tpu.memory_space<vmem>>) semaphore(%dma_start3A_256 : memref<!tpu.dma_semaphore, #tpu.memory_space<semaphore_mem>>)
    %dma_start3A_257 = arith.constant 1 : i32
    %dma_start3A_258 = arith.constant 120 : i32
    %dma_start3A_259 = arith.constant 0 : i32
    %dma_start3A_260 = tpu.memref_slice %arg7[%dma_start3A_258, %dma_start3A_259] : memref<800x64xf32, #tpu.memory_space<vmem>> -> memref<40x64xf32, #tpu.memory_space<vmem>>
    %dma_start3A_261 = arith.constant 920 : i32
    %dma_start3A_262 = tpu.memref_slice %arg5[%dma_start3A_261] : memref<25600xi32, #tpu.memory_space<vmem>> -> memref<40xi32, #tpu.memory_space<vmem>>
    %dma_start3A_263 = arith.constant 0 : i32
    %dma_start3A_264 = arith.constant 0 : i32
    %dma_start3A_265 = tpu.memref_slice %arg3[%dma_start3A_263, %dma_start3A_264] : memref<2000000x64xf32, #tpu.memory_space<hbm>> -> memref<2000000x64xf32, #tpu.memory_space<hbm>>
    %dma_start3A_266 = tpu.memref_slice %arg8[%dma_start3A_257] : memref<2x!tpu.dma_semaphore, #tpu.memory_space<semaphore_mem>> -> memref<1x!tpu.dma_semaphore, #tpu.memory_space<semaphore_mem>>
    %dma_start3A_267 = tpu.memref_squeeze %dma_start3A_266 : memref<1x!tpu.dma_semaphore, #tpu.memory_space<semaphore_mem>> -> memref<!tpu.dma_semaphore, #tpu.memory_space<semaphore_mem>>
    tpu.enqueue_indirect_dma source(%dma_start3A_265 : memref<2000000x64xf32, #tpu.memory_space<hbm>>) target(%dma_start3A_260 : memref<40x64xf32, #tpu.memory_space<vmem>>) offsets(%dma_start3A_262 : memref<40xi32, #tpu.memory_space<vmem>>) semaphore(%dma_start3A_267 : memref<!tpu.dma_semaphore, #tpu.memory_space<semaphore_mem>>)
    %dma_start3A_268 = arith.constant 1 : i32
    %dma_start3A_269 = arith.constant 160 : i32
    %dma_start3A_270 = arith.constant 0 : i32
    %dma_start3A_271 = tpu.memref_slice %arg7[%dma_start3A_269, %dma_start3A_270] : memref<800x64xf32, #tpu.memory_space<vmem>> -> memref<40x64xf32, #tpu.memory_space<vmem>>
    %dma_start3A_272 = arith.constant 960 : i32
    %dma_start3A_273 = tpu.memref_slice %arg5[%dma_start3A_272] : memref<25600xi32, #tpu.memory_space<vmem>> -> memref<40xi32, #tpu.memory_space<vmem>>
    %dma_start3A_274 = arith.constant 0 : i32
    %dma_start3A_275 = arith.constant 0 : i32
    %dma_start3A_276 = tpu.memref_slice %arg3[%dma_start3A_274, %dma_start3A_275] : memref<2000000x64xf32, #tpu.memory_space<hbm>> -> memref<2000000x64xf32, #tpu.memory_space<hbm>>
    %dma_start3A_277 = tpu.memref_slice %arg8[%dma_start3A_268] : memref<2x!tpu.dma_semaphore, #tpu.memory_space<semaphore_mem>> -> memref<1x!tpu.dma_semaphore, #tpu.memory_space<semaphore_mem>>
    %dma_start3A_278 = tpu.memref_squeeze %dma_start3A_277 : memref<1x!tpu.dma_semaphore, #tpu.memory_space<semaphore_mem>> -> memref<!tpu.dma_semaphore, #tpu.memory_space<semaphore_mem>>
    tpu.enqueue_indirect_dma source(%dma_start3A_276 : memref<2000000x64xf32, #tpu.memory_space<hbm>>) target(%dma_start3A_271 : memref<40x64xf32, #tpu.memory_space<vmem>>) offsets(%dma_start3A_273 : memref<40xi32, #tpu.memory_space<vmem>>) semaphore(%dma_start3A_278 : memref<!tpu.dma_semaphore, #tpu.memory_space<semaphore_mem>>)
    %dma_start3A_279 = arith.constant 1 : i32
    %dma_start3A_280 = arith.constant 200 : i32
    %dma_start3A_281 = arith.constant 0 : i32
    %dma_start3A_282 = tpu.memref_slice %arg7[%dma_start3A_280, %dma_start3A_281] : memref<800x64xf32, #tpu.memory_space<vmem>> -> memref<40x64xf32, #tpu.memory_space<vmem>>
    %dma_start3A_283 = arith.constant 1000 : i32
    %dma_start3A_284 = tpu.memref_slice %arg5[%dma_start3A_283] : memref<25600xi32, #tpu.memory_space<vmem>> -> memref<40xi32, #tpu.memory_space<vmem>>
    %dma_start3A_285 = arith.constant 0 : i32
    %dma_start3A_286 = arith.constant 0 : i32
    %dma_start3A_287 = tpu.memref_slice %arg3[%dma_start3A_285, %dma_start3A_286] : memref<2000000x64xf32, #tpu.memory_space<hbm>> -> memref<2000000x64xf32, #tpu.memory_space<hbm>>
    %dma_start3A_288 = tpu.memref_slice %arg8[%dma_start3A_279] : memref<2x!tpu.dma_semaphore, #tpu.memory_space<semaphore_mem>> -> memref<1x!tpu.dma_semaphore, #tpu.memory_space<semaphore_mem>>
    %dma_start3A_289 = tpu.memref_squeeze %dma_start3A_288 : memref<1x!tpu.dma_semaphore, #tpu.memory_space<semaphore_mem>> -> memref<!tpu.dma_semaphore, #tpu.memory_space<semaphore_mem>>
    tpu.enqueue_indirect_dma source(%dma_start3A_287 : memref<2000000x64xf32, #tpu.memory_space<hbm>>) target(%dma_start3A_282 : memref<40x64xf32, #tpu.memory_space<vmem>>) offsets(%dma_start3A_284 : memref<40xi32, #tpu.memory_space<vmem>>) semaphore(%dma_start3A_289 : memref<!tpu.dma_semaphore, #tpu.memory_space<semaphore_mem>>)
    %dma_start3A_290 = arith.constant 1 : i32
    %dma_start3A_291 = arith.constant 240 : i32
    %dma_start3A_292 = arith.constant 0 : i32
    %dma_start3A_293 = tpu.memref_slice %arg7[%dma_start3A_291, %dma_start3A_292] : memref<800x64xf32, #tpu.memory_space<vmem>> -> memref<40x64xf32, #tpu.memory_space<vmem>>
    %dma_start3A_294 = arith.constant 1040 : i32
    %dma_start3A_295 = tpu.memref_slice %arg5[%dma_start3A_294] : memref<25600xi32, #tpu.memory_space<vmem>> -> memref<40xi32, #tpu.memory_space<vmem>>
    %dma_start3A_296 = arith.constant 0 : i32
    %dma_start3A_297 = arith.constant 0 : i32
    %dma_start3A_298 = tpu.memref_slice %arg3[%dma_start3A_296, %dma_start3A_297] : memref<2000000x64xf32, #tpu.memory_space<hbm>> -> memref<2000000x64xf32, #tpu.memory_space<hbm>>
    %dma_start3A_299 = tpu.memref_slice %arg8[%dma_start3A_290] : memref<2x!tpu.dma_semaphore, #tpu.memory_space<semaphore_mem>> -> memref<1x!tpu.dma_semaphore, #tpu.memory_space<semaphore_mem>>
    %dma_start3A_300 = tpu.memref_squeeze %dma_start3A_299 : memref<1x!tpu.dma_semaphore, #tpu.memory_space<semaphore_mem>> -> memref<!tpu.dma_semaphore, #tpu.memory_space<semaphore_mem>>
    tpu.enqueue_indirect_dma source(%dma_start3A_298 : memref<2000000x64xf32, #tpu.memory_space<hbm>>) target(%dma_start3A_293 : memref<40x64xf32, #tpu.memory_space<vmem>>) offsets(%dma_start3A_295 : memref<40xi32, #tpu.memory_space<vmem>>) semaphore(%dma_start3A_300 : memref<!tpu.dma_semaphore, #tpu.memory_space<semaphore_mem>>)
    %dma_start3A_301 = arith.constant 1 : i32
    %dma_start3A_302 = arith.constant 280 : i32
    %dma_start3A_303 = arith.constant 0 : i32
    %dma_start3A_304 = tpu.memref_slice %arg7[%dma_start3A_302, %dma_start3A_303] : memref<800x64xf32, #tpu.memory_space<vmem>> -> memref<40x64xf32, #tpu.memory_space<vmem>>
    %dma_start3A_305 = arith.constant 1080 : i32
    %dma_start3A_306 = tpu.memref_slice %arg5[%dma_start3A_305] : memref<25600xi32, #tpu.memory_space<vmem>> -> memref<40xi32, #tpu.memory_space<vmem>>
    %dma_start3A_307 = arith.constant 0 : i32
    %dma_start3A_308 = arith.constant 0 : i32
    %dma_start3A_309 = tpu.memref_slice %arg3[%dma_start3A_307, %dma_start3A_308] : memref<2000000x64xf32, #tpu.memory_space<hbm>> -> memref<2000000x64xf32, #tpu.memory_space<hbm>>
    %dma_start3A_310 = tpu.memref_slice %arg8[%dma_start3A_301] : memref<2x!tpu.dma_semaphore, #tpu.memory_space<semaphore_mem>> -> memref<1x!tpu.dma_semaphore, #tpu.memory_space<semaphore_mem>>
    %dma_start3A_311 = tpu.memref_squeeze %dma_start3A_310 : memref<1x!tpu.dma_semaphore, #tpu.memory_space<semaphore_mem>> -> memref<!tpu.dma_semaphore, #tpu.memory_space<semaphore_mem>>
    tpu.enqueue_indirect_dma source(%dma_start3A_309 : memref<2000000x64xf32, #tpu.memory_space<hbm>>) target(%dma_start3A_304 : memref<40x64xf32, #tpu.memory_space<vmem>>) offsets(%dma_start3A_306 : memref<40xi32, #tpu.memory_space<vmem>>) semaphore(%dma_start3A_311 : memref<!tpu.dma_semaphore, #tpu.memory_space<semaphore_mem>>)
    %dma_start3A_312 = arith.constant 1 : i32
    %dma_start3A_313 = arith.constant 320 : i32
    %dma_start3A_314 = arith.constant 0 : i32
    %dma_start3A_315 = tpu.memref_slice %arg7[%dma_start3A_313, %dma_start3A_314] : memref<800x64xf32, #tpu.memory_space<vmem>> -> memref<40x64xf32, #tpu.memory_space<vmem>>
    %dma_start3A_316 = arith.constant 1120 : i32
    %dma_start3A_317 = tpu.memref_slice %arg5[%dma_start3A_316] : memref<25600xi32, #tpu.memory_space<vmem>> -> memref<40xi32, #tpu.memory_space<vmem>>
    %dma_start3A_318 = arith.constant 0 : i32
    %dma_start3A_319 = arith.constant 0 : i32
    %dma_start3A_320 = tpu.memref_slice %arg3[%dma_start3A_318, %dma_start3A_319] : memref<2000000x64xf32, #tpu.memory_space<hbm>> -> memref<2000000x64xf32, #tpu.memory_space<hbm>>
    %dma_start3A_321 = tpu.memref_slice %arg8[%dma_start3A_312] : memref<2x!tpu.dma_semaphore, #tpu.memory_space<semaphore_mem>> -> memref<1x!tpu.dma_semaphore, #tpu.memory_space<semaphore_mem>>
    %dma_start3A_322 = tpu.memref_squeeze %dma_start3A_321 : memref<1x!tpu.dma_semaphore, #tpu.memory_space<semaphore_mem>> -> memref<!tpu.dma_semaphore, #tpu.memory_space<semaphore_mem>>
    tpu.enqueue_indirect_dma source(%dma_start3A_320 : memref<2000000x64xf32, #tpu.memory_space<hbm>>) target(%dma_start3A_315 : memref<40x64xf32, #tpu.memory_space<vmem>>) offsets(%dma_start3A_317 : memref<40xi32, #tpu.memory_space<vmem>>) semaphore(%dma_start3A_322 : memref<!tpu.dma_semaphore, #tpu.memory_space<semaphore_mem>>)
    %dma_start3A_323 = arith.constant 1 : i32
    %dma_start3A_324 = arith.constant 360 : i32
    %dma_start3A_325 = arith.constant 0 : i32
    %dma_start3A_326 = tpu.memref_slice %arg7[%dma_start3A_324, %dma_start3A_325] : memref<800x64xf32, #tpu.memory_space<vmem>> -> memref<40x64xf32, #tpu.memory_space<vmem>>
    %dma_start3A_327 = arith.constant 1160 : i32
    %dma_start3A_328 = tpu.memref_slice %arg5[%dma_start3A_327] : memref<25600xi32, #tpu.memory_space<vmem>> -> memref<40xi32, #tpu.memory_space<vmem>>
    %dma_start3A_329 = arith.constant 0 : i32
    %dma_start3A_330 = arith.constant 0 : i32
    %dma_start3A_331 = tpu.memref_slice %arg3[%dma_start3A_329, %dma_start3A_330] : memref<2000000x64xf32, #tpu.memory_space<hbm>> -> memref<2000000x64xf32, #tpu.memory_space<hbm>>
    %dma_start3A_332 = tpu.memref_slice %arg8[%dma_start3A_323] : memref<2x!tpu.dma_semaphore, #tpu.memory_space<semaphore_mem>> -> memref<1x!tpu.dma_semaphore, #tpu.memory_space<semaphore_mem>>
    %dma_start3A_333 = tpu.memref_squeeze %dma_start3A_332 : memref<1x!tpu.dma_semaphore, #tpu.memory_space<semaphore_mem>> -> memref<!tpu.dma_semaphore, #tpu.memory_space<semaphore_mem>>
    tpu.enqueue_indirect_dma source(%dma_start3A_331 : memref<2000000x64xf32, #tpu.memory_space<hbm>>) target(%dma_start3A_326 : memref<40x64xf32, #tpu.memory_space<vmem>>) offsets(%dma_start3A_328 : memref<40xi32, #tpu.memory_space<vmem>>) semaphore(%dma_start3A_333 : memref<!tpu.dma_semaphore, #tpu.memory_space<semaphore_mem>>)
    %dma_start3A_334 = arith.constant 1 : i32
    %dma_start3A_335 = arith.constant 400 : i32
    %dma_start3A_336 = arith.constant 0 : i32
    %dma_start3A_337 = tpu.memref_slice %arg7[%dma_start3A_335, %dma_start3A_336] : memref<800x64xf32, #tpu.memory_space<vmem>> -> memref<40x64xf32, #tpu.memory_space<vmem>>
    %dma_start3A_338 = arith.constant 1200 : i32
    %dma_start3A_339 = tpu.memref_slice %arg5[%dma_start3A_338] : memref<25600xi32, #tpu.memory_space<vmem>> -> memref<40xi32, #tpu.memory_space<vmem>>
    %dma_start3A_340 = arith.constant 0 : i32
    %dma_start3A_341 = arith.constant 0 : i32
    %dma_start3A_342 = tpu.memref_slice %arg3[%dma_start3A_340, %dma_start3A_341] : memref<2000000x64xf32, #tpu.memory_space<hbm>> -> memref<2000000x64xf32, #tpu.memory_space<hbm>>
    %dma_start3A_343 = tpu.memref_slice %arg8[%dma_start3A_334] : memref<2x!tpu.dma_semaphore, #tpu.memory_space<semaphore_mem>> -> memref<1x!tpu.dma_semaphore, #tpu.memory_space<semaphore_mem>>
    %dma_start3A_344 = tpu.memref_squeeze %dma_start3A_343 : memref<1x!tpu.dma_semaphore, #tpu.memory_space<semaphore_mem>> -> memref<!tpu.dma_semaphore, #tpu.memory_space<semaphore_mem>>
    tpu.enqueue_indirect_dma source(%dma_start3A_342 : memref<2000000x64xf32, #tpu.memory_space<hbm>>) target(%dma_start3A_337 : memref<40x64xf32, #tpu.memory_space<vmem>>) offsets(%dma_start3A_339 : memref<40xi32, #tpu.memory_space<vmem>>) semaphore(%dma_start3A_344 : memref<!tpu.dma_semaphore, #tpu.memory_space<semaphore_mem>>)
    %dma_start3A_345 = arith.constant 1 : i32
    %dma_start3A_346 = arith.constant 440 : i32
    %dma_start3A_347 = arith.constant 0 : i32
    %dma_start3A_348 = tpu.memref_slice %arg7[%dma_start3A_346, %dma_start3A_347] : memref<800x64xf32, #tpu.memory_space<vmem>> -> memref<40x64xf32, #tpu.memory_space<vmem>>
    %dma_start3A_349 = arith.constant 1240 : i32
    %dma_start3A_350 = tpu.memref_slice %arg5[%dma_start3A_349] : memref<25600xi32, #tpu.memory_space<vmem>> -> memref<40xi32, #tpu.memory_space<vmem>>
    %dma_start3A_351 = arith.constant 0 : i32
    %dma_start3A_352 = arith.constant 0 : i32
    %dma_start3A_353 = tpu.memref_slice %arg3[%dma_start3A_351, %dma_start3A_352] : memref<2000000x64xf32, #tpu.memory_space<hbm>> -> memref<2000000x64xf32, #tpu.memory_space<hbm>>
    %dma_start3A_354 = tpu.memref_slice %arg8[%dma_start3A_345] : memref<2x!tpu.dma_semaphore, #tpu.memory_space<semaphore_mem>> -> memref<1x!tpu.dma_semaphore, #tpu.memory_space<semaphore_mem>>
    %dma_start3A_355 = tpu.memref_squeeze %dma_start3A_354 : memref<1x!tpu.dma_semaphore, #tpu.memory_space<semaphore_mem>> -> memref<!tpu.dma_semaphore, #tpu.memory_space<semaphore_mem>>
    tpu.enqueue_indirect_dma source(%dma_start3A_353 : memref<2000000x64xf32, #tpu.memory_space<hbm>>) target(%dma_start3A_348 : memref<40x64xf32, #tpu.memory_space<vmem>>) offsets(%dma_start3A_350 : memref<40xi32, #tpu.memory_space<vmem>>) semaphore(%dma_start3A_355 : memref<!tpu.dma_semaphore, #tpu.memory_space<semaphore_mem>>)
    %dma_start3A_356 = arith.constant 1 : i32
    %dma_start3A_357 = arith.constant 480 : i32
    %dma_start3A_358 = arith.constant 0 : i32
    %dma_start3A_359 = tpu.memref_slice %arg7[%dma_start3A_357, %dma_start3A_358] : memref<800x64xf32, #tpu.memory_space<vmem>> -> memref<40x64xf32, #tpu.memory_space<vmem>>
    %dma_start3A_360 = arith.constant 1280 : i32
    %dma_start3A_361 = tpu.memref_slice %arg5[%dma_start3A_360] : memref<25600xi32, #tpu.memory_space<vmem>> -> memref<40xi32, #tpu.memory_space<vmem>>
    %dma_start3A_362 = arith.constant 0 : i32
    %dma_start3A_363 = arith.constant 0 : i32
    %dma_start3A_364 = tpu.memref_slice %arg3[%dma_start3A_362, %dma_start3A_363] : memref<2000000x64xf32, #tpu.memory_space<hbm>> -> memref<2000000x64xf32, #tpu.memory_space<hbm>>
    %dma_start3A_365 = tpu.memref_slice %arg8[%dma_start3A_356] : memref<2x!tpu.dma_semaphore, #tpu.memory_space<semaphore_mem>> -> memref<1x!tpu.dma_semaphore, #tpu.memory_space<semaphore_mem>>
    %dma_start3A_366 = tpu.memref_squeeze %dma_start3A_365 : memref<1x!tpu.dma_semaphore, #tpu.memory_space<semaphore_mem>> -> memref<!tpu.dma_semaphore, #tpu.memory_space<semaphore_mem>>
    tpu.enqueue_indirect_dma source(%dma_start3A_364 : memref<2000000x64xf32, #tpu.memory_space<hbm>>) target(%dma_start3A_359 : memref<40x64xf32, #tpu.memory_space<vmem>>) offsets(%dma_start3A_361 : memref<40xi32, #tpu.memory_space<vmem>>) semaphore(%dma_start3A_366 : memref<!tpu.dma_semaphore, #tpu.memory_space<semaphore_mem>>)
    %dma_start3A_367 = arith.constant 1 : i32
    %dma_start3A_368 = arith.constant 520 : i32
    %dma_start3A_369 = arith.constant 0 : i32
    %dma_start3A_370 = tpu.memref_slice %arg7[%dma_start3A_368, %dma_start3A_369] : memref<800x64xf32, #tpu.memory_space<vmem>> -> memref<40x64xf32, #tpu.memory_space<vmem>>
    %dma_start3A_371 = arith.constant 1320 : i32
    %dma_start3A_372 = tpu.memref_slice %arg5[%dma_start3A_371] : memref<25600xi32, #tpu.memory_space<vmem>> -> memref<40xi32, #tpu.memory_space<vmem>>
    %dma_start3A_373 = arith.constant 0 : i32
    %dma_start3A_374 = arith.constant 0 : i32
    %dma_start3A_375 = tpu.memref_slice %arg3[%dma_start3A_373, %dma_start3A_374] : memref<2000000x64xf32, #tpu.memory_space<hbm>> -> memref<2000000x64xf32, #tpu.memory_space<hbm>>
    %dma_start3A_376 = tpu.memref_slice %arg8[%dma_start3A_367] : memref<2x!tpu.dma_semaphore, #tpu.memory_space<semaphore_mem>> -> memref<1x!tpu.dma_semaphore, #tpu.memory_space<semaphore_mem>>
    %dma_start3A_377 = tpu.memref_squeeze %dma_start3A_376 : memref<1x!tpu.dma_semaphore, #tpu.memory_space<semaphore_mem>> -> memref<!tpu.dma_semaphore, #tpu.memory_space<semaphore_mem>>
    tpu.enqueue_indirect_dma source(%dma_start3A_375 : memref<2000000x64xf32, #tpu.memory_space<hbm>>) target(%dma_start3A_370 : memref<40x64xf32, #tpu.memory_space<vmem>>) offsets(%dma_start3A_372 : memref<40xi32, #tpu.memory_space<vmem>>) semaphore(%dma_start3A_377 : memref<!tpu.dma_semaphore, #tpu.memory_space<semaphore_mem>>)
    %dma_start3A_378 = arith.constant 1 : i32
    %dma_start3A_379 = arith.constant 560 : i32
    %dma_start3A_380 = arith.constant 0 : i32
    %dma_start3A_381 = tpu.memref_slice %arg7[%dma_start3A_379, %dma_start3A_380] : memref<800x64xf32, #tpu.memory_space<vmem>> -> memref<40x64xf32, #tpu.memory_space<vmem>>
    %dma_start3A_382 = arith.constant 1360 : i32
    %dma_start3A_383 = tpu.memref_slice %arg5[%dma_start3A_382] : memref<25600xi32, #tpu.memory_space<vmem>> -> memref<40xi32, #tpu.memory_space<vmem>>
    %dma_start3A_384 = arith.constant 0 : i32
    %dma_start3A_385 = arith.constant 0 : i32
    %dma_start3A_386 = tpu.memref_slice %arg3[%dma_start3A_384, %dma_start3A_385] : memref<2000000x64xf32, #tpu.memory_space<hbm>> -> memref<2000000x64xf32, #tpu.memory_space<hbm>>
    %dma_start3A_387 = tpu.memref_slice %arg8[%dma_start3A_378] : memref<2x!tpu.dma_semaphore, #tpu.memory_space<semaphore_mem>> -> memref<1x!tpu.dma_semaphore, #tpu.memory_space<semaphore_mem>>
    %dma_start3A_388 = tpu.memref_squeeze %dma_start3A_387 : memref<1x!tpu.dma_semaphore, #tpu.memory_space<semaphore_mem>> -> memref<!tpu.dma_semaphore, #tpu.memory_space<semaphore_mem>>
    tpu.enqueue_indirect_dma source(%dma_start3A_386 : memref<2000000x64xf32, #tpu.memory_space<hbm>>) target(%dma_start3A_381 : memref<40x64xf32, #tpu.memory_space<vmem>>) offsets(%dma_start3A_383 : memref<40xi32, #tpu.memory_space<vmem>>) semaphore(%dma_start3A_388 : memref<!tpu.dma_semaphore, #tpu.memory_space<semaphore_mem>>)
    %dma_start3A_389 = arith.constant 1 : i32
    %dma_start3A_390 = arith.constant 600 : i32
    %dma_start3A_391 = arith.constant 0 : i32
    %dma_start3A_392 = tpu.memref_slice %arg7[%dma_start3A_390, %dma_start3A_391] : memref<800x64xf32, #tpu.memory_space<vmem>> -> memref<40x64xf32, #tpu.memory_space<vmem>>
    %dma_start3A_393 = arith.constant 1400 : i32
    %dma_start3A_394 = tpu.memref_slice %arg5[%dma_start3A_393] : memref<25600xi32, #tpu.memory_space<vmem>> -> memref<40xi32, #tpu.memory_space<vmem>>
    %dma_start3A_395 = arith.constant 0 : i32
    %dma_start3A_396 = arith.constant 0 : i32
    %dma_start3A_397 = tpu.memref_slice %arg3[%dma_start3A_395, %dma_start3A_396] : memref<2000000x64xf32, #tpu.memory_space<hbm>> -> memref<2000000x64xf32, #tpu.memory_space<hbm>>
    %dma_start3A_398 = tpu.memref_slice %arg8[%dma_start3A_389] : memref<2x!tpu.dma_semaphore, #tpu.memory_space<semaphore_mem>> -> memref<1x!tpu.dma_semaphore, #tpu.memory_space<semaphore_mem>>
    %dma_start3A_399 = tpu.memref_squeeze %dma_start3A_398 : memref<1x!tpu.dma_semaphore, #tpu.memory_space<semaphore_mem>> -> memref<!tpu.dma_semaphore, #tpu.memory_space<semaphore_mem>>
    tpu.enqueue_indirect_dma source(%dma_start3A_397 : memref<2000000x64xf32, #tpu.memory_space<hbm>>) target(%dma_start3A_392 : memref<40x64xf32, #tpu.memory_space<vmem>>) offsets(%dma_start3A_394 : memref<40xi32, #tpu.memory_space<vmem>>) semaphore(%dma_start3A_399 : memref<!tpu.dma_semaphore, #tpu.memory_space<semaphore_mem>>)
    %dma_start3A_400 = arith.constant 1 : i32
    %dma_start3A_401 = arith.constant 640 : i32
    %dma_start3A_402 = arith.constant 0 : i32
    %dma_start3A_403 = tpu.memref_slice %arg7[%dma_start3A_401, %dma_start3A_402] : memref<800x64xf32, #tpu.memory_space<vmem>> -> memref<40x64xf32, #tpu.memory_space<vmem>>
    %dma_start3A_404 = arith.constant 1440 : i32
    %dma_start3A_405 = tpu.memref_slice %arg5[%dma_start3A_404] : memref<25600xi32, #tpu.memory_space<vmem>> -> memref<40xi32, #tpu.memory_space<vmem>>
    %dma_start3A_406 = arith.constant 0 : i32
    %dma_start3A_407 = arith.constant 0 : i32
    %dma_start3A_408 = tpu.memref_slice %arg3[%dma_start3A_406, %dma_start3A_407] : memref<2000000x64xf32, #tpu.memory_space<hbm>> -> memref<2000000x64xf32, #tpu.memory_space<hbm>>
    %dma_start3A_409 = tpu.memref_slice %arg8[%dma_start3A_400] : memref<2x!tpu.dma_semaphore, #tpu.memory_space<semaphore_mem>> -> memref<1x!tpu.dma_semaphore, #tpu.memory_space<semaphore_mem>>
    %dma_start3A_410 = tpu.memref_squeeze %dma_start3A_409 : memref<1x!tpu.dma_semaphore, #tpu.memory_space<semaphore_mem>> -> memref<!tpu.dma_semaphore, #tpu.memory_space<semaphore_mem>>
    tpu.enqueue_indirect_dma source(%dma_start3A_408 : memref<2000000x64xf32, #tpu.memory_space<hbm>>) target(%dma_start3A_403 : memref<40x64xf32, #tpu.memory_space<vmem>>) offsets(%dma_start3A_405 : memref<40xi32, #tpu.memory_space<vmem>>) semaphore(%dma_start3A_410 : memref<!tpu.dma_semaphore, #tpu.memory_space<semaphore_mem>>)
    %dma_start3A_411 = arith.constant 1 : i32
    %dma_start3A_412 = arith.constant 680 : i32
    %dma_start3A_413 = arith.constant 0 : i32
    %dma_start3A_414 = tpu.memref_slice %arg7[%dma_start3A_412, %dma_start3A_413] : memref<800x64xf32, #tpu.memory_space<vmem>> -> memref<40x64xf32, #tpu.memory_space<vmem>>
    %dma_start3A_415 = arith.constant 1480 : i32
    %dma_start3A_416 = tpu.memref_slice %arg5[%dma_start3A_415] : memref<25600xi32, #tpu.memory_space<vmem>> -> memref<40xi32, #tpu.memory_space<vmem>>
    %dma_start3A_417 = arith.constant 0 : i32
    %dma_start3A_418 = arith.constant 0 : i32
    %dma_start3A_419 = tpu.memref_slice %arg3[%dma_start3A_417, %dma_start3A_418] : memref<2000000x64xf32, #tpu.memory_space<hbm>> -> memref<2000000x64xf32, #tpu.memory_space<hbm>>
    %dma_start3A_420 = tpu.memref_slice %arg8[%dma_start3A_411] : memref<2x!tpu.dma_semaphore, #tpu.memory_space<semaphore_mem>> -> memref<1x!tpu.dma_semaphore, #tpu.memory_space<semaphore_mem>>
    %dma_start3A_421 = tpu.memref_squeeze %dma_start3A_420 : memref<1x!tpu.dma_semaphore, #tpu.memory_space<semaphore_mem>> -> memref<!tpu.dma_semaphore, #tpu.memory_space<semaphore_mem>>
    tpu.enqueue_indirect_dma source(%dma_start3A_419 : memref<2000000x64xf32, #tpu.memory_space<hbm>>) target(%dma_start3A_414 : memref<40x64xf32, #tpu.memory_space<vmem>>) offsets(%dma_start3A_416 : memref<40xi32, #tpu.memory_space<vmem>>) semaphore(%dma_start3A_421 : memref<!tpu.dma_semaphore, #tpu.memory_space<semaphore_mem>>)
    %dma_start3A_422 = arith.constant 1 : i32
    %dma_start3A_423 = arith.constant 720 : i32
    %dma_start3A_424 = arith.constant 0 : i32
    %dma_start3A_425 = tpu.memref_slice %arg7[%dma_start3A_423, %dma_start3A_424] : memref<800x64xf32, #tpu.memory_space<vmem>> -> memref<40x64xf32, #tpu.memory_space<vmem>>
    %dma_start3A_426 = arith.constant 1520 : i32
    %dma_start3A_427 = tpu.memref_slice %arg5[%dma_start3A_426] : memref<25600xi32, #tpu.memory_space<vmem>> -> memref<40xi32, #tpu.memory_space<vmem>>
    %dma_start3A_428 = arith.constant 0 : i32
    %dma_start3A_429 = arith.constant 0 : i32
    %dma_start3A_430 = tpu.memref_slice %arg3[%dma_start3A_428, %dma_start3A_429] : memref<2000000x64xf32, #tpu.memory_space<hbm>> -> memref<2000000x64xf32, #tpu.memory_space<hbm>>
    %dma_start3A_431 = tpu.memref_slice %arg8[%dma_start3A_422] : memref<2x!tpu.dma_semaphore, #tpu.memory_space<semaphore_mem>> -> memref<1x!tpu.dma_semaphore, #tpu.memory_space<semaphore_mem>>
    %dma_start3A_432 = tpu.memref_squeeze %dma_start3A_431 : memref<1x!tpu.dma_semaphore, #tpu.memory_space<semaphore_mem>> -> memref<!tpu.dma_semaphore, #tpu.memory_space<semaphore_mem>>
    tpu.enqueue_indirect_dma source(%dma_start3A_430 : memref<2000000x64xf32, #tpu.memory_space<hbm>>) target(%dma_start3A_425 : memref<40x64xf32, #tpu.memory_space<vmem>>) offsets(%dma_start3A_427 : memref<40xi32, #tpu.memory_space<vmem>>) semaphore(%dma_start3A_432 : memref<!tpu.dma_semaphore, #tpu.memory_space<semaphore_mem>>)
    %dma_start3A_433 = arith.constant 1 : i32
    %dma_start3A_434 = arith.constant 760 : i32
    %dma_start3A_435 = arith.constant 0 : i32
    %dma_start3A_436 = tpu.memref_slice %arg7[%dma_start3A_434, %dma_start3A_435] : memref<800x64xf32, #tpu.memory_space<vmem>> -> memref<40x64xf32, #tpu.memory_space<vmem>>
    %dma_start3A_437 = arith.constant 1560 : i32
    %dma_start3A_438 = tpu.memref_slice %arg5[%dma_start3A_437] : memref<25600xi32, #tpu.memory_space<vmem>> -> memref<40xi32, #tpu.memory_space<vmem>>
    %dma_start3A_439 = arith.constant 0 : i32
    %dma_start3A_440 = arith.constant 0 : i32
    %dma_start3A_441 = tpu.memref_slice %arg3[%dma_start3A_439, %dma_start3A_440] : memref<2000000x64xf32, #tpu.memory_space<hbm>> -> memref<2000000x64xf32, #tpu.memory_space<hbm>>
    %dma_start3A_442 = tpu.memref_slice %arg8[%dma_start3A_433] : memref<2x!tpu.dma_semaphore, #tpu.memory_space<semaphore_mem>> -> memref<1x!tpu.dma_semaphore, #tpu.memory_space<semaphore_mem>>
    %dma_start3A_443 = tpu.memref_squeeze %dma_start3A_442 : memref<1x!tpu.dma_semaphore, #tpu.memory_space<semaphore_mem>> -> memref<!tpu.dma_semaphore, #tpu.memory_space<semaphore_mem>>
    tpu.enqueue_indirect_dma source(%dma_start3A_441 : memref<2000000x64xf32, #tpu.memory_space<hbm>>) target(%dma_start3A_436 : memref<40x64xf32, #tpu.memory_space<vmem>>) offsets(%dma_start3A_438 : memref<40xi32, #tpu.memory_space<vmem>>) semaphore(%dma_start3A_443 : memref<!tpu.dma_semaphore, #tpu.memory_space<semaphore_mem>>)
    %scan3A = arith.constant 0 : i32
    %scan3A_444 = arith.constant 15 : i32
    %scan3A_445 = arith.addi %scan3A, %scan3A_444 : i32
    %scan3A_446 = arith.constant 1 : i32
    scf.for %scan3A_929 = %scan3A to %scan3A_445 step %scan3A_446  : i32 {
      %mul3A_930 = arith.constant 1 : i32
      %mul3A_931 = arith.muli %scan3A_929, %mul3A_930 : i32
      %add3A_932 = arith.constant 0 : i32
      %add3A_933 = arith.addi %add3A_932, %mul3A_931 : i32
      %mul3A_934 = arith.constant 2 : i32
      %mul3A_935 = arith.muli %add3A_933, %mul3A_934 : i32
      %dma_wait3A_936 = arith.constant 0 : i32
      %dma_wait3A_937 = arith.constant 0 : i32
      %dma_wait3A_938 = arith.constant 0 : i32
      %dma_wait3A_939 = tpu.memref_slice %arg6[%dma_wait3A_937, %dma_wait3A_938] : memref<800x64xf32, #tpu.memory_space<vmem>> -> memref<40x64xf32, #tpu.memory_space<vmem>>
      %dma_wait3A_940 = arith.constant 0 : i32
      %dma_wait3A_941 = tpu.memref_slice %arg5[%dma_wait3A_940] : memref<25600xi32, #tpu.memory_space<vmem>> -> memref<40xi32, #tpu.memory_space<vmem>>
      %dma_wait3A_942 = arith.constant 0 : i32
      %dma_wait3A_943 = arith.constant 0 : i32
      %dma_wait3A_944 = tpu.memref_slice %arg3[%dma_wait3A_942, %dma_wait3A_943] : memref<2000000x64xf32, #tpu.memory_space<hbm>> -> memref<2000000x64xf32, #tpu.memory_space<hbm>>
      %dma_wait3A_945 = tpu.memref_slice %arg8[%dma_wait3A_936] : memref<2x!tpu.dma_semaphore, #tpu.memory_space<semaphore_mem>> -> memref<1x!tpu.dma_semaphore, #tpu.memory_space<semaphore_mem>>
      %dma_wait3A_946 = tpu.memref_squeeze %dma_wait3A_945 : memref<1x!tpu.dma_semaphore, #tpu.memory_space<semaphore_mem>> -> memref<!tpu.dma_semaphore, #tpu.memory_space<semaphore_mem>>
      tpu.wait_indirect_dma semaphore(%dma_wait3A_946 : memref<!tpu.dma_semaphore, #tpu.memory_space<semaphore_mem>>) src(%dma_wait3A_944 : memref<2000000x64xf32, #tpu.memory_space<hbm>>) dst(%dma_wait3A_939 : memref<40x64xf32, #tpu.memory_space<vmem>>)
      %dma_wait3A_947 = arith.constant 0 : i32
      %dma_wait3A_948 = arith.constant 40 : i32
      %dma_wait3A_949 = arith.constant 0 : i32
      %dma_wait3A_950 = tpu.memref_slice %arg6[%dma_wait3A_948, %dma_wait3A_949] : memref<800x64xf32, #tpu.memory_space<vmem>> -> memref<40x64xf32, #tpu.memory_space<vmem>>
      %dma_wait3A_951 = arith.constant 0 : i32
      %dma_wait3A_952 = tpu.memref_slice %arg5[%dma_wait3A_951] : memref<25600xi32, #tpu.memory_space<vmem>> -> memref<40xi32, #tpu.memory_space<vmem>>
      %dma_wait3A_953 = arith.constant 0 : i32
      %dma_wait3A_954 = arith.constant 0 : i32
      %dma_wait3A_955 = tpu.memref_slice %arg3[%dma_wait3A_953, %dma_wait3A_954] : memref<2000000x64xf32, #tpu.memory_space<hbm>> -> memref<2000000x64xf32, #tpu.memory_space<hbm>>
      %dma_wait3A_956 = tpu.memref_slice %arg8[%dma_wait3A_947] : memref<2x!tpu.dma_semaphore, #tpu.memory_space<semaphore_mem>> -> memref<1x!tpu.dma_semaphore, #tpu.memory_space<semaphore_mem>>
      %dma_wait3A_957 = tpu.memref_squeeze %dma_wait3A_956 : memref<1x!tpu.dma_semaphore, #tpu.memory_space<semaphore_mem>> -> memref<!tpu.dma_semaphore, #tpu.memory_space<semaphore_mem>>
      tpu.wait_indirect_dma semaphore(%dma_wait3A_957 : memref<!tpu.dma_semaphore, #tpu.memory_space<semaphore_mem>>) src(%dma_wait3A_955 : memref<2000000x64xf32, #tpu.memory_space<hbm>>) dst(%dma_wait3A_950 : memref<40x64xf32, #tpu.memory_space<vmem>>)
      %dma_wait3A_958 = arith.constant 0 : i32
      %dma_wait3A_959 = arith.constant 80 : i32
      %dma_wait3A_960 = arith.constant 0 : i32
      %dma_wait3A_961 = tpu.memref_slice %arg6[%dma_wait3A_959, %dma_wait3A_960] : memref<800x64xf32, #tpu.memory_space<vmem>> -> memref<40x64xf32, #tpu.memory_space<vmem>>
      %dma_wait3A_962 = arith.constant 0 : i32
      %dma_wait3A_963 = tpu.memref_slice %arg5[%dma_wait3A_962] : memref<25600xi32, #tpu.memory_space<vmem>> -> memref<40xi32, #tpu.memory_space<vmem>>
      %dma_wait3A_964 = arith.constant 0 : i32
      %dma_wait3A_965 = arith.constant 0 : i32
      %dma_wait3A_966 = tpu.memref_slice %arg3[%dma_wait3A_964, %dma_wait3A_965] : memref<2000000x64xf32, #tpu.memory_space<hbm>> -> memref<2000000x64xf32, #tpu.memory_space<hbm>>
      %dma_wait3A_967 = tpu.memref_slice %arg8[%dma_wait3A_958] : memref<2x!tpu.dma_semaphore, #tpu.memory_space<semaphore_mem>> -> memref<1x!tpu.dma_semaphore, #tpu.memory_space<semaphore_mem>>
      %dma_wait3A_968 = tpu.memref_squeeze %dma_wait3A_967 : memref<1x!tpu.dma_semaphore, #tpu.memory_space<semaphore_mem>> -> memref<!tpu.dma_semaphore, #tpu.memory_space<semaphore_mem>>
      tpu.wait_indirect_dma semaphore(%dma_wait3A_968 : memref<!tpu.dma_semaphore, #tpu.memory_space<semaphore_mem>>) src(%dma_wait3A_966 : memref<2000000x64xf32, #tpu.memory_space<hbm>>) dst(%dma_wait3A_961 : memref<40x64xf32, #tpu.memory_space<vmem>>)
      %dma_wait3A_969 = arith.constant 0 : i32
      %dma_wait3A_970 = arith.constant 120 : i32
      %dma_wait3A_971 = arith.constant 0 : i32
      %dma_wait3A_972 = tpu.memref_slice %arg6[%dma_wait3A_970, %dma_wait3A_971] : memref<800x64xf32, #tpu.memory_space<vmem>> -> memref<40x64xf32, #tpu.memory_space<vmem>>
      %dma_wait3A_973 = arith.constant 0 : i32
      %dma_wait3A_974 = tpu.memref_slice %arg5[%dma_wait3A_973] : memref<25600xi32, #tpu.memory_space<vmem>> -> memref<40xi32, #tpu.memory_space<vmem>>
      %dma_wait3A_975 = arith.constant 0 : i32
      %dma_wait3A_976 = arith.constant 0 : i32
      %dma_wait3A_977 = tpu.memref_slice %arg3[%dma_wait3A_975, %dma_wait3A_976] : memref<2000000x64xf32, #tpu.memory_space<hbm>> -> memref<2000000x64xf32, #tpu.memory_space<hbm>>
      %dma_wait3A_978 = tpu.memref_slice %arg8[%dma_wait3A_969] : memref<2x!tpu.dma_semaphore, #tpu.memory_space<semaphore_mem>> -> memref<1x!tpu.dma_semaphore, #tpu.memory_space<semaphore_mem>>
      %dma_wait3A_979 = tpu.memref_squeeze %dma_wait3A_978 : memref<1x!tpu.dma_semaphore, #tpu.memory_space<semaphore_mem>> -> memref<!tpu.dma_semaphore, #tpu.memory_space<semaphore_mem>>
      tpu.wait_indirect_dma semaphore(%dma_wait3A_979 : memref<!tpu.dma_semaphore, #tpu.memory_space<semaphore_mem>>) src(%dma_wait3A_977 : memref<2000000x64xf32, #tpu.memory_space<hbm>>) dst(%dma_wait3A_972 : memref<40x64xf32, #tpu.memory_space<vmem>>)
      %dma_wait3A_980 = arith.constant 0 : i32
      %dma_wait3A_981 = arith.constant 160 : i32
      %dma_wait3A_982 = arith.constant 0 : i32
      %dma_wait3A_983 = tpu.memref_slice %arg6[%dma_wait3A_981, %dma_wait3A_982] : memref<800x64xf32, #tpu.memory_space<vmem>> -> memref<40x64xf32, #tpu.memory_space<vmem>>
      %dma_wait3A_984 = arith.constant 0 : i32
      %dma_wait3A_985 = tpu.memref_slice %arg5[%dma_wait3A_984] : memref<25600xi32, #tpu.memory_space<vmem>> -> memref<40xi32, #tpu.memory_space<vmem>>
      %dma_wait3A_986 = arith.constant 0 : i32
      %dma_wait3A_987 = arith.constant 0 : i32
      %dma_wait3A_988 = tpu.memref_slice %arg3[%dma_wait3A_986, %dma_wait3A_987] : memref<2000000x64xf32, #tpu.memory_space<hbm>> -> memref<2000000x64xf32, #tpu.memory_space<hbm>>
      %dma_wait3A_989 = tpu.memref_slice %arg8[%dma_wait3A_980] : memref<2x!tpu.dma_semaphore, #tpu.memory_space<semaphore_mem>> -> memref<1x!tpu.dma_semaphore, #tpu.memory_space<semaphore_mem>>
      %dma_wait3A_990 = tpu.memref_squeeze %dma_wait3A_989 : memref<1x!tpu.dma_semaphore, #tpu.memory_space<semaphore_mem>> -> memref<!tpu.dma_semaphore, #tpu.memory_space<semaphore_mem>>
      tpu.wait_indirect_dma semaphore(%dma_wait3A_990 : memref<!tpu.dma_semaphore, #tpu.memory_space<semaphore_mem>>) src(%dma_wait3A_988 : memref<2000000x64xf32, #tpu.memory_space<hbm>>) dst(%dma_wait3A_983 : memref<40x64xf32, #tpu.memory_space<vmem>>)
      %dma_wait3A_991 = arith.constant 0 : i32
      %dma_wait3A_992 = arith.constant 200 : i32
      %dma_wait3A_993 = arith.constant 0 : i32
      %dma_wait3A_994 = tpu.memref_slice %arg6[%dma_wait3A_992, %dma_wait3A_993] : memref<800x64xf32, #tpu.memory_space<vmem>> -> memref<40x64xf32, #tpu.memory_space<vmem>>
      %dma_wait3A_995 = arith.constant 0 : i32
      %dma_wait3A_996 = tpu.memref_slice %arg5[%dma_wait3A_995] : memref<25600xi32, #tpu.memory_space<vmem>> -> memref<40xi32, #tpu.memory_space<vmem>>
      %dma_wait3A_997 = arith.constant 0 : i32
      %dma_wait3A_998 = arith.constant 0 : i32
      %dma_wait3A_999 = tpu.memref_slice %arg3[%dma_wait3A_997, %dma_wait3A_998] : memref<2000000x64xf32, #tpu.memory_space<hbm>> -> memref<2000000x64xf32, #tpu.memory_space<hbm>>
      %dma_wait3A_1000 = tpu.memref_slice %arg8[%dma_wait3A_991] : memref<2x!tpu.dma_semaphore, #tpu.memory_space<semaphore_mem>> -> memref<1x!tpu.dma_semaphore, #tpu.memory_space<semaphore_mem>>
      %dma_wait3A_1001 = tpu.memref_squeeze %dma_wait3A_1000 : memref<1x!tpu.dma_semaphore, #tpu.memory_space<semaphore_mem>> -> memref<!tpu.dma_semaphore, #tpu.memory_space<semaphore_mem>>
      tpu.wait_indirect_dma semaphore(%dma_wait3A_1001 : memref<!tpu.dma_semaphore, #tpu.memory_space<semaphore_mem>>) src(%dma_wait3A_999 : memref<2000000x64xf32, #tpu.memory_space<hbm>>) dst(%dma_wait3A_994 : memref<40x64xf32, #tpu.memory_space<vmem>>)
      %dma_wait3A_1002 = arith.constant 0 : i32
      %dma_wait3A_1003 = arith.constant 240 : i32
      %dma_wait3A_1004 = arith.constant 0 : i32
      %dma_wait3A_1005 = tpu.memref_slice %arg6[%dma_wait3A_1003, %dma_wait3A_1004] : memref<800x64xf32, #tpu.memory_space<vmem>> -> memref<40x64xf32, #tpu.memory_space<vmem>>
      %dma_wait3A_1006 = arith.constant 0 : i32
      %dma_wait3A_1007 = tpu.memref_slice %arg5[%dma_wait3A_1006] : memref<25600xi32, #tpu.memory_space<vmem>> -> memref<40xi32, #tpu.memory_space<vmem>>
      %dma_wait3A_1008 = arith.constant 0 : i32
      %dma_wait3A_1009 = arith.constant 0 : i32
      %dma_wait3A_1010 = tpu.memref_slice %arg3[%dma_wait3A_1008, %dma_wait3A_1009] : memref<2000000x64xf32, #tpu.memory_space<hbm>> -> memref<2000000x64xf32, #tpu.memory_space<hbm>>
      %dma_wait3A_1011 = tpu.memref_slice %arg8[%dma_wait3A_1002] : memref<2x!tpu.dma_semaphore, #tpu.memory_space<semaphore_mem>> -> memref<1x!tpu.dma_semaphore, #tpu.memory_space<semaphore_mem>>
      %dma_wait3A_1012 = tpu.memref_squeeze %dma_wait3A_1011 : memref<1x!tpu.dma_semaphore, #tpu.memory_space<semaphore_mem>> -> memref<!tpu.dma_semaphore, #tpu.memory_space<semaphore_mem>>
      tpu.wait_indirect_dma semaphore(%dma_wait3A_1012 : memref<!tpu.dma_semaphore, #tpu.memory_space<semaphore_mem>>) src(%dma_wait3A_1010 : memref<2000000x64xf32, #tpu.memory_space<hbm>>) dst(%dma_wait3A_1005 : memref<40x64xf32, #tpu.memory_space<vmem>>)
      %dma_wait3A_1013 = arith.constant 0 : i32
      %dma_wait3A_1014 = arith.constant 280 : i32
      %dma_wait3A_1015 = arith.constant 0 : i32
      %dma_wait3A_1016 = tpu.memref_slice %arg6[%dma_wait3A_1014, %dma_wait3A_1015] : memref<800x64xf32, #tpu.memory_space<vmem>> -> memref<40x64xf32, #tpu.memory_space<vmem>>
      %dma_wait3A_1017 = arith.constant 0 : i32
      %dma_wait3A_1018 = tpu.memref_slice %arg5[%dma_wait3A_1017] : memref<25600xi32, #tpu.memory_space<vmem>> -> memref<40xi32, #tpu.memory_space<vmem>>
      %dma_wait3A_1019 = arith.constant 0 : i32
      %dma_wait3A_1020 = arith.constant 0 : i32
      %dma_wait3A_1021 = tpu.memref_slice %arg3[%dma_wait3A_1019, %dma_wait3A_1020] : memref<2000000x64xf32, #tpu.memory_space<hbm>> -> memref<2000000x64xf32, #tpu.memory_space<hbm>>
      %dma_wait3A_1022 = tpu.memref_slice %arg8[%dma_wait3A_1013] : memref<2x!tpu.dma_semaphore, #tpu.memory_space<semaphore_mem>> -> memref<1x!tpu.dma_semaphore, #tpu.memory_space<semaphore_mem>>
      %dma_wait3A_1023 = tpu.memref_squeeze %dma_wait3A_1022 : memref<1x!tpu.dma_semaphore, #tpu.memory_space<semaphore_mem>> -> memref<!tpu.dma_semaphore, #tpu.memory_space<semaphore_mem>>
      tpu.wait_indirect_dma semaphore(%dma_wait3A_1023 : memref<!tpu.dma_semaphore, #tpu.memory_space<semaphore_mem>>) src(%dma_wait3A_1021 : memref<2000000x64xf32, #tpu.memory_space<hbm>>) dst(%dma_wait3A_1016 : memref<40x64xf32, #tpu.memory_space<vmem>>)
      %dma_wait3A_1024 = arith.constant 0 : i32
      %dma_wait3A_1025 = arith.constant 320 : i32
      %dma_wait3A_1026 = arith.constant 0 : i32
      %dma_wait3A_1027 = tpu.memref_slice %arg6[%dma_wait3A_1025, %dma_wait3A_1026] : memref<800x64xf32, #tpu.memory_space<vmem>> -> memref<40x64xf32, #tpu.memory_space<vmem>>
      %dma_wait3A_1028 = arith.constant 0 : i32
      %dma_wait3A_1029 = tpu.memref_slice %arg5[%dma_wait3A_1028] : memref<25600xi32, #tpu.memory_space<vmem>> -> memref<40xi32, #tpu.memory_space<vmem>>
      %dma_wait3A_1030 = arith.constant 0 : i32
      %dma_wait3A_1031 = arith.constant 0 : i32
      %dma_wait3A_1032 = tpu.memref_slice %arg3[%dma_wait3A_1030, %dma_wait3A_1031] : memref<2000000x64xf32, #tpu.memory_space<hbm>> -> memref<2000000x64xf32, #tpu.memory_space<hbm>>
      %dma_wait3A_1033 = tpu.memref_slice %arg8[%dma_wait3A_1024] : memref<2x!tpu.dma_semaphore, #tpu.memory_space<semaphore_mem>> -> memref<1x!tpu.dma_semaphore, #tpu.memory_space<semaphore_mem>>
      %dma_wait3A_1034 = tpu.memref_squeeze %dma_wait3A_1033 : memref<1x!tpu.dma_semaphore, #tpu.memory_space<semaphore_mem>> -> memref<!tpu.dma_semaphore, #tpu.memory_space<semaphore_mem>>
      tpu.wait_indirect_dma semaphore(%dma_wait3A_1034 : memref<!tpu.dma_semaphore, #tpu.memory_space<semaphore_mem>>) src(%dma_wait3A_1032 : memref<2000000x64xf32, #tpu.memory_space<hbm>>) dst(%dma_wait3A_1027 : memref<40x64xf32, #tpu.memory_space<vmem>>)
      %dma_wait3A_1035 = arith.constant 0 : i32
      %dma_wait3A_1036 = arith.constant 360 : i32
      %dma_wait3A_1037 = arith.constant 0 : i32
      %dma_wait3A_1038 = tpu.memref_slice %arg6[%dma_wait3A_1036, %dma_wait3A_1037] : memref<800x64xf32, #tpu.memory_space<vmem>> -> memref<40x64xf32, #tpu.memory_space<vmem>>
      %dma_wait3A_1039 = arith.constant 0 : i32
      %dma_wait3A_1040 = tpu.memref_slice %arg5[%dma_wait3A_1039] : memref<25600xi32, #tpu.memory_space<vmem>> -> memref<40xi32, #tpu.memory_space<vmem>>
      %dma_wait3A_1041 = arith.constant 0 : i32
      %dma_wait3A_1042 = arith.constant 0 : i32
      %dma_wait3A_1043 = tpu.memref_slice %arg3[%dma_wait3A_1041, %dma_wait3A_1042] : memref<2000000x64xf32, #tpu.memory_space<hbm>> -> memref<2000000x64xf32, #tpu.memory_space<hbm>>
      %dma_wait3A_1044 = tpu.memref_slice %arg8[%dma_wait3A_1035] : memref<2x!tpu.dma_semaphore, #tpu.memory_space<semaphore_mem>> -> memref<1x!tpu.dma_semaphore, #tpu.memory_space<semaphore_mem>>
      %dma_wait3A_1045 = tpu.memref_squeeze %dma_wait3A_1044 : memref<1x!tpu.dma_semaphore, #tpu.memory_space<semaphore_mem>> -> memref<!tpu.dma_semaphore, #tpu.memory_space<semaphore_mem>>
      tpu.wait_indirect_dma semaphore(%dma_wait3A_1045 : memref<!tpu.dma_semaphore, #tpu.memory_space<semaphore_mem>>) src(%dma_wait3A_1043 : memref<2000000x64xf32, #tpu.memory_space<hbm>>) dst(%dma_wait3A_1038 : memref<40x64xf32, #tpu.memory_space<vmem>>)
      %dma_wait3A_1046 = arith.constant 0 : i32
      %dma_wait3A_1047 = arith.constant 400 : i32
      %dma_wait3A_1048 = arith.constant 0 : i32
      %dma_wait3A_1049 = tpu.memref_slice %arg6[%dma_wait3A_1047, %dma_wait3A_1048] : memref<800x64xf32, #tpu.memory_space<vmem>> -> memref<40x64xf32, #tpu.memory_space<vmem>>
      %dma_wait3A_1050 = arith.constant 0 : i32
      %dma_wait3A_1051 = tpu.memref_slice %arg5[%dma_wait3A_1050] : memref<25600xi32, #tpu.memory_space<vmem>> -> memref<40xi32, #tpu.memory_space<vmem>>
      %dma_wait3A_1052 = arith.constant 0 : i32
      %dma_wait3A_1053 = arith.constant 0 : i32
      %dma_wait3A_1054 = tpu.memref_slice %arg3[%dma_wait3A_1052, %dma_wait3A_1053] : memref<2000000x64xf32, #tpu.memory_space<hbm>> -> memref<2000000x64xf32, #tpu.memory_space<hbm>>
      %dma_wait3A_1055 = tpu.memref_slice %arg8[%dma_wait3A_1046] : memref<2x!tpu.dma_semaphore, #tpu.memory_space<semaphore_mem>> -> memref<1x!tpu.dma_semaphore, #tpu.memory_space<semaphore_mem>>
      %dma_wait3A_1056 = tpu.memref_squeeze %dma_wait3A_1055 : memref<1x!tpu.dma_semaphore, #tpu.memory_space<semaphore_mem>> -> memref<!tpu.dma_semaphore, #tpu.memory_space<semaphore_mem>>
      tpu.wait_indirect_dma semaphore(%dma_wait3A_1056 : memref<!tpu.dma_semaphore, #tpu.memory_space<semaphore_mem>>) src(%dma_wait3A_1054 : memref<2000000x64xf32, #tpu.memory_space<hbm>>) dst(%dma_wait3A_1049 : memref<40x64xf32, #tpu.memory_space<vmem>>)
      %dma_wait3A_1057 = arith.constant 0 : i32
      %dma_wait3A_1058 = arith.constant 440 : i32
      %dma_wait3A_1059 = arith.constant 0 : i32
      %dma_wait3A_1060 = tpu.memref_slice %arg6[%dma_wait3A_1058, %dma_wait3A_1059] : memref<800x64xf32, #tpu.memory_space<vmem>> -> memref<40x64xf32, #tpu.memory_space<vmem>>
      %dma_wait3A_1061 = arith.constant 0 : i32
      %dma_wait3A_1062 = tpu.memref_slice %arg5[%dma_wait3A_1061] : memref<25600xi32, #tpu.memory_space<vmem>> -> memref<40xi32, #tpu.memory_space<vmem>>
      %dma_wait3A_1063 = arith.constant 0 : i32
      %dma_wait3A_1064 = arith.constant 0 : i32
      %dma_wait3A_1065 = tpu.memref_slice %arg3[%dma_wait3A_1063, %dma_wait3A_1064] : memref<2000000x64xf32, #tpu.memory_space<hbm>> -> memref<2000000x64xf32, #tpu.memory_space<hbm>>
      %dma_wait3A_1066 = tpu.memref_slice %arg8[%dma_wait3A_1057] : memref<2x!tpu.dma_semaphore, #tpu.memory_space<semaphore_mem>> -> memref<1x!tpu.dma_semaphore, #tpu.memory_space<semaphore_mem>>
      %dma_wait3A_1067 = tpu.memref_squeeze %dma_wait3A_1066 : memref<1x!tpu.dma_semaphore, #tpu.memory_space<semaphore_mem>> -> memref<!tpu.dma_semaphore, #tpu.memory_space<semaphore_mem>>
      tpu.wait_indirect_dma semaphore(%dma_wait3A_1067 : memref<!tpu.dma_semaphore, #tpu.memory_space<semaphore_mem>>) src(%dma_wait3A_1065 : memref<2000000x64xf32, #tpu.memory_space<hbm>>) dst(%dma_wait3A_1060 : memref<40x64xf32, #tpu.memory_space<vmem>>)
      %dma_wait3A_1068 = arith.constant 0 : i32
      %dma_wait3A_1069 = arith.constant 480 : i32
      %dma_wait3A_1070 = arith.constant 0 : i32
      %dma_wait3A_1071 = tpu.memref_slice %arg6[%dma_wait3A_1069, %dma_wait3A_1070] : memref<800x64xf32, #tpu.memory_space<vmem>> -> memref<40x64xf32, #tpu.memory_space<vmem>>
      %dma_wait3A_1072 = arith.constant 0 : i32
      %dma_wait3A_1073 = tpu.memref_slice %arg5[%dma_wait3A_1072] : memref<25600xi32, #tpu.memory_space<vmem>> -> memref<40xi32, #tpu.memory_space<vmem>>
      %dma_wait3A_1074 = arith.constant 0 : i32
      %dma_wait3A_1075 = arith.constant 0 : i32
      %dma_wait3A_1076 = tpu.memref_slice %arg3[%dma_wait3A_1074, %dma_wait3A_1075] : memref<2000000x64xf32, #tpu.memory_space<hbm>> -> memref<2000000x64xf32, #tpu.memory_space<hbm>>
      %dma_wait3A_1077 = tpu.memref_slice %arg8[%dma_wait3A_1068] : memref<2x!tpu.dma_semaphore, #tpu.memory_space<semaphore_mem>> -> memref<1x!tpu.dma_semaphore, #tpu.memory_space<semaphore_mem>>
      %dma_wait3A_1078 = tpu.memref_squeeze %dma_wait3A_1077 : memref<1x!tpu.dma_semaphore, #tpu.memory_space<semaphore_mem>> -> memref<!tpu.dma_semaphore, #tpu.memory_space<semaphore_mem>>
      tpu.wait_indirect_dma semaphore(%dma_wait3A_1078 : memref<!tpu.dma_semaphore, #tpu.memory_space<semaphore_mem>>) src(%dma_wait3A_1076 : memref<2000000x64xf32, #tpu.memory_space<hbm>>) dst(%dma_wait3A_1071 : memref<40x64xf32, #tpu.memory_space<vmem>>)
      %dma_wait3A_1079 = arith.constant 0 : i32
      %dma_wait3A_1080 = arith.constant 520 : i32
      %dma_wait3A_1081 = arith.constant 0 : i32
      %dma_wait3A_1082 = tpu.memref_slice %arg6[%dma_wait3A_1080, %dma_wait3A_1081] : memref<800x64xf32, #tpu.memory_space<vmem>> -> memref<40x64xf32, #tpu.memory_space<vmem>>
      %dma_wait3A_1083 = arith.constant 0 : i32
      %dma_wait3A_1084 = tpu.memref_slice %arg5[%dma_wait3A_1083] : memref<25600xi32, #tpu.memory_space<vmem>> -> memref<40xi32, #tpu.memory_space<vmem>>
      %dma_wait3A_1085 = arith.constant 0 : i32
      %dma_wait3A_1086 = arith.constant 0 : i32
      %dma_wait3A_1087 = tpu.memref_slice %arg3[%dma_wait3A_1085, %dma_wait3A_1086] : memref<2000000x64xf32, #tpu.memory_space<hbm>> -> memref<2000000x64xf32, #tpu.memory_space<hbm>>
      %dma_wait3A_1088 = tpu.memref_slice %arg8[%dma_wait3A_1079] : memref<2x!tpu.dma_semaphore, #tpu.memory_space<semaphore_mem>> -> memref<1x!tpu.dma_semaphore, #tpu.memory_space<semaphore_mem>>
      %dma_wait3A_1089 = tpu.memref_squeeze %dma_wait3A_1088 : memref<1x!tpu.dma_semaphore, #tpu.memory_space<semaphore_mem>> -> memref<!tpu.dma_semaphore, #tpu.memory_space<semaphore_mem>>
      tpu.wait_indirect_dma semaphore(%dma_wait3A_1089 : memref<!tpu.dma_semaphore, #tpu.memory_space<semaphore_mem>>) src(%dma_wait3A_1087 : memref<2000000x64xf32, #tpu.memory_space<hbm>>) dst(%dma_wait3A_1082 : memref<40x64xf32, #tpu.memory_space<vmem>>)
      %dma_wait3A_1090 = arith.constant 0 : i32
      %dma_wait3A_1091 = arith.constant 560 : i32
      %dma_wait3A_1092 = arith.constant 0 : i32
      %dma_wait3A_1093 = tpu.memref_slice %arg6[%dma_wait3A_1091, %dma_wait3A_1092] : memref<800x64xf32, #tpu.memory_space<vmem>> -> memref<40x64xf32, #tpu.memory_space<vmem>>
      %dma_wait3A_1094 = arith.constant 0 : i32
      %dma_wait3A_1095 = tpu.memref_slice %arg5[%dma_wait3A_1094] : memref<25600xi32, #tpu.memory_space<vmem>> -> memref<40xi32, #tpu.memory_space<vmem>>
      %dma_wait3A_1096 = arith.constant 0 : i32
      %dma_wait3A_1097 = arith.constant 0 : i32
      %dma_wait3A_1098 = tpu.memref_slice %arg3[%dma_wait3A_1096, %dma_wait3A_1097] : memref<2000000x64xf32, #tpu.memory_space<hbm>> -> memref<2000000x64xf32, #tpu.memory_space<hbm>>
      %dma_wait3A_1099 = tpu.memref_slice %arg8[%dma_wait3A_1090] : memref<2x!tpu.dma_semaphore, #tpu.memory_space<semaphore_mem>> -> memref<1x!tpu.dma_semaphore, #tpu.memory_space<semaphore_mem>>
      %dma_wait3A_1100 = tpu.memref_squeeze %dma_wait3A_1099 : memref<1x!tpu.dma_semaphore, #tpu.memory_space<semaphore_mem>> -> memref<!tpu.dma_semaphore, #tpu.memory_space<semaphore_mem>>
      tpu.wait_indirect_dma semaphore(%dma_wait3A_1100 : memref<!tpu.dma_semaphore, #tpu.memory_space<semaphore_mem>>) src(%dma_wait3A_1098 : memref<2000000x64xf32, #tpu.memory_space<hbm>>) dst(%dma_wait3A_1093 : memref<40x64xf32, #tpu.memory_space<vmem>>)
      %dma_wait3A_1101 = arith.constant 0 : i32
      %dma_wait3A_1102 = arith.constant 600 : i32
      %dma_wait3A_1103 = arith.constant 0 : i32
      %dma_wait3A_1104 = tpu.memref_slice %arg6[%dma_wait3A_1102, %dma_wait3A_1103] : memref<800x64xf32, #tpu.memory_space<vmem>> -> memref<40x64xf32, #tpu.memory_space<vmem>>
      %dma_wait3A_1105 = arith.constant 0 : i32
      %dma_wait3A_1106 = tpu.memref_slice %arg5[%dma_wait3A_1105] : memref<25600xi32, #tpu.memory_space<vmem>> -> memref<40xi32, #tpu.memory_space<vmem>>
      %dma_wait3A_1107 = arith.constant 0 : i32
      %dma_wait3A_1108 = arith.constant 0 : i32
      %dma_wait3A_1109 = tpu.memref_slice %arg3[%dma_wait3A_1107, %dma_wait3A_1108] : memref<2000000x64xf32, #tpu.memory_space<hbm>> -> memref<2000000x64xf32, #tpu.memory_space<hbm>>
      %dma_wait3A_1110 = tpu.memref_slice %arg8[%dma_wait3A_1101] : memref<2x!tpu.dma_semaphore, #tpu.memory_space<semaphore_mem>> -> memref<1x!tpu.dma_semaphore, #tpu.memory_space<semaphore_mem>>
      %dma_wait3A_1111 = tpu.memref_squeeze %dma_wait3A_1110 : memref<1x!tpu.dma_semaphore, #tpu.memory_space<semaphore_mem>> -> memref<!tpu.dma_semaphore, #tpu.memory_space<semaphore_mem>>
      tpu.wait_indirect_dma semaphore(%dma_wait3A_1111 : memref<!tpu.dma_semaphore, #tpu.memory_space<semaphore_mem>>) src(%dma_wait3A_1109 : memref<2000000x64xf32, #tpu.memory_space<hbm>>) dst(%dma_wait3A_1104 : memref<40x64xf32, #tpu.memory_space<vmem>>)
      %dma_wait3A_1112 = arith.constant 0 : i32
      %dma_wait3A_1113 = arith.constant 640 : i32
      %dma_wait3A_1114 = arith.constant 0 : i32
      %dma_wait3A_1115 = tpu.memref_slice %arg6[%dma_wait3A_1113, %dma_wait3A_1114] : memref<800x64xf32, #tpu.memory_space<vmem>> -> memref<40x64xf32, #tpu.memory_space<vmem>>
      %dma_wait3A_1116 = arith.constant 0 : i32
      %dma_wait3A_1117 = tpu.memref_slice %arg5[%dma_wait3A_1116] : memref<25600xi32, #tpu.memory_space<vmem>> -> memref<40xi32, #tpu.memory_space<vmem>>
      %dma_wait3A_1118 = arith.constant 0 : i32
      %dma_wait3A_1119 = arith.constant 0 : i32
      %dma_wait3A_1120 = tpu.memref_slice %arg3[%dma_wait3A_1118, %dma_wait3A_1119] : memref<2000000x64xf32, #tpu.memory_space<hbm>> -> memref<2000000x64xf32, #tpu.memory_space<hbm>>
      %dma_wait3A_1121 = tpu.memref_slice %arg8[%dma_wait3A_1112] : memref<2x!tpu.dma_semaphore, #tpu.memory_space<semaphore_mem>> -> memref<1x!tpu.dma_semaphore, #tpu.memory_space<semaphore_mem>>
      %dma_wait3A_1122 = tpu.memref_squeeze %dma_wait3A_1121 : memref<1x!tpu.dma_semaphore, #tpu.memory_space<semaphore_mem>> -> memref<!tpu.dma_semaphore, #tpu.memory_space<semaphore_mem>>
      tpu.wait_indirect_dma semaphore(%dma_wait3A_1122 : memref<!tpu.dma_semaphore, #tpu.memory_space<semaphore_mem>>) src(%dma_wait3A_1120 : memref<2000000x64xf32, #tpu.memory_space<hbm>>) dst(%dma_wait3A_1115 : memref<40x64xf32, #tpu.memory_space<vmem>>)
      %dma_wait3A_1123 = arith.constant 0 : i32
      %dma_wait3A_1124 = arith.constant 680 : i32
      %dma_wait3A_1125 = arith.constant 0 : i32
      %dma_wait3A_1126 = tpu.memref_slice %arg6[%dma_wait3A_1124, %dma_wait3A_1125] : memref<800x64xf32, #tpu.memory_space<vmem>> -> memref<40x64xf32, #tpu.memory_space<vmem>>
      %dma_wait3A_1127 = arith.constant 0 : i32
      %dma_wait3A_1128 = tpu.memref_slice %arg5[%dma_wait3A_1127] : memref<25600xi32, #tpu.memory_space<vmem>> -> memref<40xi32, #tpu.memory_space<vmem>>
      %dma_wait3A_1129 = arith.constant 0 : i32
      %dma_wait3A_1130 = arith.constant 0 : i32
      %dma_wait3A_1131 = tpu.memref_slice %arg3[%dma_wait3A_1129, %dma_wait3A_1130] : memref<2000000x64xf32, #tpu.memory_space<hbm>> -> memref<2000000x64xf32, #tpu.memory_space<hbm>>
      %dma_wait3A_1132 = tpu.memref_slice %arg8[%dma_wait3A_1123] : memref<2x!tpu.dma_semaphore, #tpu.memory_space<semaphore_mem>> -> memref<1x!tpu.dma_semaphore, #tpu.memory_space<semaphore_mem>>
      %dma_wait3A_1133 = tpu.memref_squeeze %dma_wait3A_1132 : memref<1x!tpu.dma_semaphore, #tpu.memory_space<semaphore_mem>> -> memref<!tpu.dma_semaphore, #tpu.memory_space<semaphore_mem>>
      tpu.wait_indirect_dma semaphore(%dma_wait3A_1133 : memref<!tpu.dma_semaphore, #tpu.memory_space<semaphore_mem>>) src(%dma_wait3A_1131 : memref<2000000x64xf32, #tpu.memory_space<hbm>>) dst(%dma_wait3A_1126 : memref<40x64xf32, #tpu.memory_space<vmem>>)
      %dma_wait3A_1134 = arith.constant 0 : i32
      %dma_wait3A_1135 = arith.constant 720 : i32
      %dma_wait3A_1136 = arith.constant 0 : i32
      %dma_wait3A_1137 = tpu.memref_slice %arg6[%dma_wait3A_1135, %dma_wait3A_1136] : memref<800x64xf32, #tpu.memory_space<vmem>> -> memref<40x64xf32, #tpu.memory_space<vmem>>
      %dma_wait3A_1138 = arith.constant 0 : i32
      %dma_wait3A_1139 = tpu.memref_slice %arg5[%dma_wait3A_1138] : memref<25600xi32, #tpu.memory_space<vmem>> -> memref<40xi32, #tpu.memory_space<vmem>>
      %dma_wait3A_1140 = arith.constant 0 : i32
      %dma_wait3A_1141 = arith.constant 0 : i32
      %dma_wait3A_1142 = tpu.memref_slice %arg3[%dma_wait3A_1140, %dma_wait3A_1141] : memref<2000000x64xf32, #tpu.memory_space<hbm>> -> memref<2000000x64xf32, #tpu.memory_space<hbm>>
      %dma_wait3A_1143 = tpu.memref_slice %arg8[%dma_wait3A_1134] : memref<2x!tpu.dma_semaphore, #tpu.memory_space<semaphore_mem>> -> memref<1x!tpu.dma_semaphore, #tpu.memory_space<semaphore_mem>>
      %dma_wait3A_1144 = tpu.memref_squeeze %dma_wait3A_1143 : memref<1x!tpu.dma_semaphore, #tpu.memory_space<semaphore_mem>> -> memref<!tpu.dma_semaphore, #tpu.memory_space<semaphore_mem>>
      tpu.wait_indirect_dma semaphore(%dma_wait3A_1144 : memref<!tpu.dma_semaphore, #tpu.memory_space<semaphore_mem>>) src(%dma_wait3A_1142 : memref<2000000x64xf32, #tpu.memory_space<hbm>>) dst(%dma_wait3A_1137 : memref<40x64xf32, #tpu.memory_space<vmem>>)
      %dma_wait3A_1145 = arith.constant 0 : i32
      %dma_wait3A_1146 = arith.constant 760 : i32
      %dma_wait3A_1147 = arith.constant 0 : i32
      %dma_wait3A_1148 = tpu.memref_slice %arg6[%dma_wait3A_1146, %dma_wait3A_1147] : memref<800x64xf32, #tpu.memory_space<vmem>> -> memref<40x64xf32, #tpu.memory_space<vmem>>
      %dma_wait3A_1149 = arith.constant 0 : i32
      %dma_wait3A_1150 = tpu.memref_slice %arg5[%dma_wait3A_1149] : memref<25600xi32, #tpu.memory_space<vmem>> -> memref<40xi32, #tpu.memory_space<vmem>>
      %dma_wait3A_1151 = arith.constant 0 : i32
      %dma_wait3A_1152 = arith.constant 0 : i32
      %dma_wait3A_1153 = tpu.memref_slice %arg3[%dma_wait3A_1151, %dma_wait3A_1152] : memref<2000000x64xf32, #tpu.memory_space<hbm>> -> memref<2000000x64xf32, #tpu.memory_space<hbm>>
      %dma_wait3A_1154 = tpu.memref_slice %arg8[%dma_wait3A_1145] : memref<2x!tpu.dma_semaphore, #tpu.memory_space<semaphore_mem>> -> memref<1x!tpu.dma_semaphore, #tpu.memory_space<semaphore_mem>>
      %dma_wait3A_1155 = tpu.memref_squeeze %dma_wait3A_1154 : memref<1x!tpu.dma_semaphore, #tpu.memory_space<semaphore_mem>> -> memref<!tpu.dma_semaphore, #tpu.memory_space<semaphore_mem>>
      tpu.wait_indirect_dma semaphore(%dma_wait3A_1155 : memref<!tpu.dma_semaphore, #tpu.memory_space<semaphore_mem>>) src(%dma_wait3A_1153 : memref<2000000x64xf32, #tpu.memory_space<hbm>>) dst(%dma_wait3A_1148 : memref<40x64xf32, #tpu.memory_space<vmem>>)
      %scan3A_1156 = arith.constant 0 : i32
      %scan3A_1157 = arith.constant 800 : i32
      %scan3A_1158 = arith.addi %scan3A_1156, %scan3A_1157 : i32
      %scan3A_1159 = arith.constant 1 : i32
      scf.for %scan3A_2072 = %scan3A_1156 to %scan3A_1158 step %scan3A_1159  : i32 {
        %mul3A_2073 = arith.constant 1 : i32
        %mul3A_2074 = arith.muli %scan3A_2072, %mul3A_2073 : i32
        %add3A_2075 = arith.constant 0 : i32
        %add3A_2076 = arith.addi %add3A_2075, %mul3A_2074 : i32
        %get3A = arith.index_cast %add3A_2076 : i32 to index
        %get3A_2077 = arith.constant 0 : index
        %get3A_2078 = tpu.vector_load %arg6[%get3A, %get3A_2077] {strides = array<i32>} : memref<800x64xf32, #tpu.memory_space<vmem>>, vector<16xf32>,
        %mul3A_2079 = arith.constant 8.000000e+00 : f32
        %mul3A_2080 = vector.broadcast %mul3A_2079 : f32 to vector<16xf32>
        %mul3A_2081 = arith.mulf %get3A_2078, %mul3A_2080 : vector<16xf32>
        %swap3A = arith.index_cast %add3A_2076 : i32 to index
        %swap3A_2082 = arith.constant 0 : index
        %swap3A_2083 = tpu.vector_load %arg6[%swap3A, %swap3A_2082] {strides = array<i32>} : memref<800x64xf32, #tpu.memory_space<vmem>>, vector<16xf32>,
        tpu.vector_store %arg6[%swap3A, %swap3A_2082], %mul3A_2081 {strides = array<i32>} : memref<800x64xf32, #tpu.memory_space<vmem>>, vector<16xf32>,
        %get3A_2084 = arith.index_cast %add3A_2076 : i32 to index
        %get3A_2085 = arith.constant 16 : index
        %get3A_2086 = tpu.vector_load %arg6[%get3A_2084, %get3A_2085] {strides = array<i32>} : memref<800x64xf32, #tpu.memory_space<vmem>>, vector<16xf32>,
        %mul3A_2087 = arith.constant 8.000000e+00 : f32
        %mul3A_2088 = vector.broadcast %mul3A_2087 : f32 to vector<16xf32>
        %mul3A_2089 = arith.mulf %get3A_2086, %mul3A_2088 : vector<16xf32>
        %swap3A_2090 = arith.index_cast %add3A_2076 : i32 to index
        %swap3A_2091 = arith.constant 16 : index
        %swap3A_2092 = tpu.vector_load %arg6[%swap3A_2090, %swap3A_2091] {strides = array<i32>} : memref<800x64xf32, #tpu.memory_space<vmem>>, vector<16xf32>,
        tpu.vector_store %arg6[%swap3A_2090, %swap3A_2091], %mul3A_2089 {strides = array<i32>} : memref<800x64xf32, #tpu.memory_space<vmem>>, vector<16xf32>,
        %get3A_2093 = arith.index_cast %add3A_2076 : i32 to index
        %get3A_2094 = arith.constant 32 : index
        %get3A_2095 = tpu.vector_load %arg6[%get3A_2093, %get3A_2094] {strides = array<i32>} : memref<800x64xf32, #tpu.memory_space<vmem>>, vector<16xf32>,
        %mul3A_2096 = arith.constant 8.000000e+00 : f32
        %mul3A_2097 = vector.broadcast %mul3A_2096 : f32 to vector<16xf32>
        %mul3A_2098 = arith.mulf %get3A_2095, %mul3A_2097 : vector<16xf32>
        %swap3A_2099 = arith.index_cast %add3A_2076 : i32 to index
        %swap3A_2100 = arith.constant 32 : index
        %swap3A_2101 = tpu.vector_load %arg6[%swap3A_2099, %swap3A_2100] {strides = array<i32>} : memref<800x64xf32, #tpu.memory_space<vmem>>, vector<16xf32>,
        tpu.vector_store %arg6[%swap3A_2099, %swap3A_2100], %mul3A_2098 {strides = array<i32>} : memref<800x64xf32, #tpu.memory_space<vmem>>, vector<16xf32>,
        %get3A_2102 = arith.index_cast %add3A_2076 : i32 to index
        %get3A_2103 = arith.constant 48 : index
        %get3A_2104 = tpu.vector_load %arg6[%get3A_2102, %get3A_2103] {strides = array<i32>} : memref<800x64xf32, #tpu.memory_space<vmem>>, vector<16xf32>,
        %mul3A_2105 = arith.constant 8.000000e+00 : f32
        %mul3A_2106 = vector.broadcast %mul3A_2105 : f32 to vector<16xf32>
        %mul3A_2107 = arith.mulf %get3A_2104, %mul3A_2106 : vector<16xf32>
        %swap3A_2108 = arith.index_cast %add3A_2076 : i32 to index
        %swap3A_2109 = arith.constant 48 : index
        %swap3A_2110 = tpu.vector_load %arg6[%swap3A_2108, %swap3A_2109] {strides = array<i32>} : memref<800x64xf32, #tpu.memory_space<vmem>>, vector<16xf32>,
        tpu.vector_store %arg6[%swap3A_2108, %swap3A_2109], %mul3A_2107 {strides = array<i32>} : memref<800x64xf32, #tpu.memory_space<vmem>>, vector<16xf32>,
      }
      %scan3A_1160 = arith.constant 800 : i32
      %add3A_1161 = arith.constant 0 : i32
      %add3A_1162 = arith.addi %mul3A_935, %add3A_1161 : i32
      %mul3A_1163 = arith.constant 800 : i32
      %mul3A_1164 = arith.muli %add3A_1162, %mul3A_1163 : i32
      %add3A_1165 = arith.addi %mul3A_4, %mul3A_1164 : i32
      %dma_start3A_1166 = arith.constant 0 : i32
      %dma_start3A_1167 = arith.constant 0 : i32
      %dma_start3A_1168 = tpu.memref_slice %arg4[%add3A_1165, %dma_start3A_1167] : memref<819200x128xf32, #tpu.memory_space<hbm>> -> memref<800x64xf32, #tpu.memory_space<hbm>>
      %dma_start3A_1169 = tpu.memref_slice %arg9[%dma_start3A_1166] : memref<2x!tpu.dma_semaphore, #tpu.memory_space<semaphore_mem>> -> memref<1x!tpu.dma_semaphore, #tpu.memory_space<semaphore_mem>>
      %dma_start3A_1170 = tpu.memref_squeeze %dma_start3A_1169 : memref<1x!tpu.dma_semaphore, #tpu.memory_space<semaphore_mem>> -> memref<!tpu.dma_semaphore, #tpu.memory_space<semaphore_mem>>
      %dma_start3A_1171 = arith.constant 0 : i32
      %dma_start3A_1172 = tpu.memref_slice %arg4[%add3A_1165, %dma_start3A_1171] : memref<819200x128xf32, #tpu.memory_space<hbm>> -> memref<800x64xf32, #tpu.memory_space<hbm>>
      tpu.enqueue_dma source(%arg6 : memref<800x64xf32, #tpu.memory_space<vmem>>) target(%dma_start3A_1172 : memref<800x64xf32, #tpu.memory_space<hbm>>) target_semaphore(%dma_start3A_1170 : memref<!tpu.dma_semaphore, #tpu.memory_space<semaphore_mem>>)
      %dma_wait3A_1173 = arith.constant 0 : i32
      %dma_wait3A_1174 = arith.constant 0 : i32
      %dma_wait3A_1175 = tpu.memref_slice %arg4[%mul3A_4, %dma_wait3A_1174] : memref<819200x128xf32, #tpu.memory_space<hbm>> -> memref<800x64xf32, #tpu.memory_space<hbm>>
      %dma_wait3A_1176 = tpu.memref_slice %arg9[%dma_wait3A_1173] : memref<2x!tpu.dma_semaphore, #tpu.memory_space<semaphore_mem>> -> memref<1x!tpu.dma_semaphore, #tpu.memory_space<semaphore_mem>>
      %dma_wait3A_1177 = tpu.memref_squeeze %dma_wait3A_1176 : memref<1x!tpu.dma_semaphore, #tpu.memory_space<semaphore_mem>> -> memref<!tpu.dma_semaphore, #tpu.memory_space<semaphore_mem>>
      %dma_wait3A_1178 = arith.constant 0 : i32
      %dma_wait3A_1179 = tpu.memref_slice %arg4[%mul3A_4, %dma_wait3A_1178] : memref<819200x128xf32, #tpu.memory_space<hbm>> -> memref<800x64xf32, #tpu.memory_space<hbm>>
      tpu.wait_dma2 semaphore(%dma_wait3A_1177 : memref<!tpu.dma_semaphore, #tpu.memory_space<semaphore_mem>>) src(%arg6 : memref<800x64xf32, #tpu.memory_space<vmem>>) dst(%dma_wait3A_1179 : memref<800x64xf32, #tpu.memory_space<hbm>>)
      %add3A_1180 = arith.constant 0 : i32
      %add3A_1181 = arith.addi %mul3A_935, %add3A_1180 : i32
      %add3A_1182 = arith.constant 2 : i32
      %add3A_1183 = arith.addi %add3A_1181, %add3A_1182 : i32
      %mul3A_1184 = arith.constant 20 : i32
      %mul3A_1185 = arith.muli %add3A_1183, %mul3A_1184 : i32
      %add3A_1186 = arith.constant 0 : i32
      %add3A_1187 = arith.addi %mul3A_1185, %add3A_1186 : i32
      %mul3A_1188 = arith.constant 40 : i32
      %mul3A_1189 = arith.muli %add3A_1187, %mul3A_1188 : i32
      %dma_start3A_1190 = arith.constant 0 : i32
      %dma_start3A_1191 = arith.constant 0 : i32
      %dma_start3A_1192 = arith.constant 0 : i32
      %dma_start3A_1193 = tpu.memref_slice %arg6[%dma_start3A_1191, %dma_start3A_1192] : memref<800x64xf32, #tpu.memory_space<vmem>> -> memref<40x64xf32, #tpu.memory_space<vmem>>
      %dma_start3A_1194 = tpu.memref_slice %arg5[%mul3A_1189] : memref<25600xi32, #tpu.memory_space<vmem>> -> memref<40xi32, #tpu.memory_space<vmem>>
      %dma_start3A_1195 = arith.constant 0 : i32
      %dma_start3A_1196 = arith.constant 0 : i32
      %dma_start3A_1197 = tpu.memref_slice %arg3[%dma_start3A_1195, %dma_start3A_1196] : memref<2000000x64xf32, #tpu.memory_space<hbm>> -> memref<2000000x64xf32, #tpu.memory_space<hbm>>
      %dma_start3A_1198 = tpu.memref_slice %arg8[%dma_start3A_1190] : memref<2x!tpu.dma_semaphore, #tpu.memory_space<semaphore_mem>> -> memref<1x!tpu.dma_semaphore, #tpu.memory_space<semaphore_mem>>
      %dma_start3A_1199 = tpu.memref_squeeze %dma_start3A_1198 : memref<1x!tpu.dma_semaphore, #tpu.memory_space<semaphore_mem>> -> memref<!tpu.dma_semaphore, #tpu.memory_space<semaphore_mem>>
      tpu.enqueue_indirect_dma source(%dma_start3A_1197 : memref<2000000x64xf32, #tpu.memory_space<hbm>>) target(%dma_start3A_1193 : memref<40x64xf32, #tpu.memory_space<vmem>>) offsets(%dma_start3A_1194 : memref<40xi32, #tpu.memory_space<vmem>>) semaphore(%dma_start3A_1199 : memref<!tpu.dma_semaphore, #tpu.memory_space<semaphore_mem>>)
      %mul3A_1200 = arith.constant 20 : i32
      %mul3A_1201 = arith.muli %add3A_1183, %mul3A_1200 : i32
      %add3A_1202 = arith.constant 1 : i32
      %add3A_1203 = arith.addi %mul3A_1201, %add3A_1202 : i32
      %mul3A_1204 = arith.constant 40 : i32
      %mul3A_1205 = arith.muli %add3A_1203, %mul3A_1204 : i32
      %dma_start3A_1206 = arith.constant 0 : i32
      %dma_start3A_1207 = arith.constant 40 : i32
      %dma_start3A_1208 = arith.constant 0 : i32
      %dma_start3A_1209 = tpu.memref_slice %arg6[%dma_start3A_1207, %dma_start3A_1208] : memref<800x64xf32, #tpu.memory_space<vmem>> -> memref<40x64xf32, #tpu.memory_space<vmem>>
      %dma_start3A_1210 = tpu.memref_slice %arg5[%mul3A_1205] : memref<25600xi32, #tpu.memory_space<vmem>> -> memref<40xi32, #tpu.memory_space<vmem>>
      %dma_start3A_1211 = arith.constant 0 : i32
      %dma_start3A_1212 = arith.constant 0 : i32
      %dma_start3A_1213 = tpu.memref_slice %arg3[%dma_start3A_1211, %dma_start3A_1212] : memref<2000000x64xf32, #tpu.memory_space<hbm>> -> memref<2000000x64xf32, #tpu.memory_space<hbm>>
      %dma_start3A_1214 = tpu.memref_slice %arg8[%dma_start3A_1206] : memref<2x!tpu.dma_semaphore, #tpu.memory_space<semaphore_mem>> -> memref<1x!tpu.dma_semaphore, #tpu.memory_space<semaphore_mem>>
      %dma_start3A_1215 = tpu.memref_squeeze %dma_start3A_1214 : memref<1x!tpu.dma_semaphore, #tpu.memory_space<semaphore_mem>> -> memref<!tpu.dma_semaphore, #tpu.memory_space<semaphore_mem>>
      tpu.enqueue_indirect_dma source(%dma_start3A_1213 : memref<2000000x64xf32, #tpu.memory_space<hbm>>) target(%dma_start3A_1209 : memref<40x64xf32, #tpu.memory_space<vmem>>) offsets(%dma_start3A_1210 : memref<40xi32, #tpu.memory_space<vmem>>) semaphore(%dma_start3A_1215 : memref<!tpu.dma_semaphore, #tpu.memory_space<semaphore_mem>>)
      %mul3A_1216 = arith.constant 20 : i32
      %mul3A_1217 = arith.muli %add3A_1183, %mul3A_1216 : i32
      %add3A_1218 = arith.constant 2 : i32
      %add3A_1219 = arith.addi %mul3A_1217, %add3A_1218 : i32
      %mul3A_1220 = arith.constant 40 : i32
      %mul3A_1221 = arith.muli %add3A_1219, %mul3A_1220 : i32
      %dma_start3A_1222 = arith.constant 0 : i32
      %dma_start3A_1223 = arith.constant 80 : i32
      %dma_start3A_1224 = arith.constant 0 : i32
      %dma_start3A_1225 = tpu.memref_slice %arg6[%dma_start3A_1223, %dma_start3A_1224] : memref<800x64xf32, #tpu.memory_space<vmem>> -> memref<40x64xf32, #tpu.memory_space<vmem>>
      %dma_start3A_1226 = tpu.memref_slice %arg5[%mul3A_1221] : memref<25600xi32, #tpu.memory_space<vmem>> -> memref<40xi32, #tpu.memory_space<vmem>>
      %dma_start3A_1227 = arith.constant 0 : i32
      %dma_start3A_1228 = arith.constant 0 : i32
      %dma_start3A_1229 = tpu.memref_slice %arg3[%dma_start3A_1227, %dma_start3A_1228] : memref<2000000x64xf32, #tpu.memory_space<hbm>> -> memref<2000000x64xf32, #tpu.memory_space<hbm>>
      %dma_start3A_1230 = tpu.memref_slice %arg8[%dma_start3A_1222] : memref<2x!tpu.dma_semaphore, #tpu.memory_space<semaphore_mem>> -> memref<1x!tpu.dma_semaphore, #tpu.memory_space<semaphore_mem>>
      %dma_start3A_1231 = tpu.memref_squeeze %dma_start3A_1230 : memref<1x!tpu.dma_semaphore, #tpu.memory_space<semaphore_mem>> -> memref<!tpu.dma_semaphore, #tpu.memory_space<semaphore_mem>>
      tpu.enqueue_indirect_dma source(%dma_start3A_1229 : memref<2000000x64xf32, #tpu.memory_space<hbm>>) target(%dma_start3A_1225 : memref<40x64xf32, #tpu.memory_space<vmem>>) offsets(%dma_start3A_1226 : memref<40xi32, #tpu.memory_space<vmem>>) semaphore(%dma_start3A_1231 : memref<!tpu.dma_semaphore, #tpu.memory_space<semaphore_mem>>)
      %mul3A_1232 = arith.constant 20 : i32
      %mul3A_1233 = arith.muli %add3A_1183, %mul3A_1232 : i32
      %add3A_1234 = arith.constant 3 : i32
      %add3A_1235 = arith.addi %mul3A_1233, %add3A_1234 : i32
      %mul3A_1236 = arith.constant 40 : i32
      %mul3A_1237 = arith.muli %add3A_1235, %mul3A_1236 : i32
      %dma_start3A_1238 = arith.constant 0 : i32
      %dma_start3A_1239 = arith.constant 120 : i32
      %dma_start3A_1240 = arith.constant 0 : i32
      %dma_start3A_1241 = tpu.memref_slice %arg6[%dma_start3A_1239, %dma_start3A_1240] : memref<800x64xf32, #tpu.memory_space<vmem>> -> memref<40x64xf32, #tpu.memory_space<vmem>>
      %dma_start3A_1242 = tpu.memref_slice %arg5[%mul3A_1237] : memref<25600xi32, #tpu.memory_space<vmem>> -> memref<40xi32, #tpu.memory_space<vmem>>
      %dma_start3A_1243 = arith.constant 0 : i32
      %dma_start3A_1244 = arith.constant 0 : i32
      %dma_start3A_1245 = tpu.memref_slice %arg3[%dma_start3A_1243, %dma_start3A_1244] : memref<2000000x64xf32, #tpu.memory_space<hbm>> -> memref<2000000x64xf32, #tpu.memory_space<hbm>>
      %dma_start3A_1246 = tpu.memref_slice %arg8[%dma_start3A_1238] : memref<2x!tpu.dma_semaphore, #tpu.memory_space<semaphore_mem>> -> memref<1x!tpu.dma_semaphore, #tpu.memory_space<semaphore_mem>>
      %dma_start3A_1247 = tpu.memref_squeeze %dma_start3A_1246 : memref<1x!tpu.dma_semaphore, #tpu.memory_space<semaphore_mem>> -> memref<!tpu.dma_semaphore, #tpu.memory_space<semaphore_mem>>
      tpu.enqueue_indirect_dma source(%dma_start3A_1245 : memref<2000000x64xf32, #tpu.memory_space<hbm>>) target(%dma_start3A_1241 : memref<40x64xf32, #tpu.memory_space<vmem>>) offsets(%dma_start3A_1242 : memref<40xi32, #tpu.memory_space<vmem>>) semaphore(%dma_start3A_1247 : memref<!tpu.dma_semaphore, #tpu.memory_space<semaphore_mem>>)
      %mul3A_1248 = arith.constant 20 : i32
      %mul3A_1249 = arith.muli %add3A_1183, %mul3A_1248 : i32
      %add3A_1250 = arith.constant 4 : i32
      %add3A_1251 = arith.addi %mul3A_1249, %add3A_1250 : i32
      %mul3A_1252 = arith.constant 40 : i32
      %mul3A_1253 = arith.muli %add3A_1251, %mul3A_1252 : i32
      %dma_start3A_1254 = arith.constant 0 : i32
      %dma_start3A_1255 = arith.constant 160 : i32
      %dma_start3A_1256 = arith.constant 0 : i32
      %dma_start3A_1257 = tpu.memref_slice %arg6[%dma_start3A_1255, %dma_start3A_1256] : memref<800x64xf32, #tpu.memory_space<vmem>> -> memref<40x64xf32, #tpu.memory_space<vmem>>
      %dma_start3A_1258 = tpu.memref_slice %arg5[%mul3A_1253] : memref<25600xi32, #tpu.memory_space<vmem>> -> memref<40xi32, #tpu.memory_space<vmem>>
      %dma_start3A_1259 = arith.constant 0 : i32
      %dma_start3A_1260 = arith.constant 0 : i32
      %dma_start3A_1261 = tpu.memref_slice %arg3[%dma_start3A_1259, %dma_start3A_1260] : memref<2000000x64xf32, #tpu.memory_space<hbm>> -> memref<2000000x64xf32, #tpu.memory_space<hbm>>
      %dma_start3A_1262 = tpu.memref_slice %arg8[%dma_start3A_1254] : memref<2x!tpu.dma_semaphore, #tpu.memory_space<semaphore_mem>> -> memref<1x!tpu.dma_semaphore, #tpu.memory_space<semaphore_mem>>
      %dma_start3A_1263 = tpu.memref_squeeze %dma_start3A_1262 : memref<1x!tpu.dma_semaphore, #tpu.memory_space<semaphore_mem>> -> memref<!tpu.dma_semaphore, #tpu.memory_space<semaphore_mem>>
      tpu.enqueue_indirect_dma source(%dma_start3A_1261 : memref<2000000x64xf32, #tpu.memory_space<hbm>>) target(%dma_start3A_1257 : memref<40x64xf32, #tpu.memory_space<vmem>>) offsets(%dma_start3A_1258 : memref<40xi32, #tpu.memory_space<vmem>>) semaphore(%dma_start3A_1263 : memref<!tpu.dma_semaphore, #tpu.memory_space<semaphore_mem>>)
      %mul3A_1264 = arith.constant 20 : i32
      %mul3A_1265 = arith.muli %add3A_1183, %mul3A_1264 : i32
      %add3A_1266 = arith.constant 5 : i32
      %add3A_1267 = arith.addi %mul3A_1265, %add3A_1266 : i32
      %mul3A_1268 = arith.constant 40 : i32
      %mul3A_1269 = arith.muli %add3A_1267, %mul3A_1268 : i32
      %dma_start3A_1270 = arith.constant 0 : i32
      %dma_start3A_1271 = arith.constant 200 : i32
      %dma_start3A_1272 = arith.constant 0 : i32
      %dma_start3A_1273 = tpu.memref_slice %arg6[%dma_start3A_1271, %dma_start3A_1272] : memref<800x64xf32, #tpu.memory_space<vmem>> -> memref<40x64xf32, #tpu.memory_space<vmem>>
      %dma_start3A_1274 = tpu.memref_slice %arg5[%mul3A_1269] : memref<25600xi32, #tpu.memory_space<vmem>> -> memref<40xi32, #tpu.memory_space<vmem>>
      %dma_start3A_1275 = arith.constant 0 : i32
      %dma_start3A_1276 = arith.constant 0 : i32
      %dma_start3A_1277 = tpu.memref_slice %arg3[%dma_start3A_1275, %dma_start3A_1276] : memref<2000000x64xf32, #tpu.memory_space<hbm>> -> memref<2000000x64xf32, #tpu.memory_space<hbm>>
      %dma_start3A_1278 = tpu.memref_slice %arg8[%dma_start3A_1270] : memref<2x!tpu.dma_semaphore, #tpu.memory_space<semaphore_mem>> -> memref<1x!tpu.dma_semaphore, #tpu.memory_space<semaphore_mem>>
      %dma_start3A_1279 = tpu.memref_squeeze %dma_start3A_1278 : memref<1x!tpu.dma_semaphore, #tpu.memory_space<semaphore_mem>> -> memref<!tpu.dma_semaphore, #tpu.memory_space<semaphore_mem>>
      tpu.enqueue_indirect_dma source(%dma_start3A_1277 : memref<2000000x64xf32, #tpu.memory_space<hbm>>) target(%dma_start3A_1273 : memref<40x64xf32, #tpu.memory_space<vmem>>) offsets(%dma_start3A_1274 : memref<40xi32, #tpu.memory_space<vmem>>) semaphore(%dma_start3A_1279 : memref<!tpu.dma_semaphore, #tpu.memory_space<semaphore_mem>>)
      %mul3A_1280 = arith.constant 20 : i32
      %mul3A_1281 = arith.muli %add3A_1183, %mul3A_1280 : i32
      %add3A_1282 = arith.constant 6 : i32
      %add3A_1283 = arith.addi %mul3A_1281, %add3A_1282 : i32
      %mul3A_1284 = arith.constant 40 : i32
      %mul3A_1285 = arith.muli %add3A_1283, %mul3A_1284 : i32
      %dma_start3A_1286 = arith.constant 0 : i32
      %dma_start3A_1287 = arith.constant 240 : i32
      %dma_start3A_1288 = arith.constant 0 : i32
      %dma_start3A_1289 = tpu.memref_slice %arg6[%dma_start3A_1287, %dma_start3A_1288] : memref<800x64xf32, #tpu.memory_space<vmem>> -> memref<40x64xf32, #tpu.memory_space<vmem>>
      %dma_start3A_1290 = tpu.memref_slice %arg5[%mul3A_1285] : memref<25600xi32, #tpu.memory_space<vmem>> -> memref<40xi32, #tpu.memory_space<vmem>>
      %dma_start3A_1291 = arith.constant 0 : i32
      %dma_start3A_1292 = arith.constant 0 : i32
      %dma_start3A_1293 = tpu.memref_slice %arg3[%dma_start3A_1291, %dma_start3A_1292] : memref<2000000x64xf32, #tpu.memory_space<hbm>> -> memref<2000000x64xf32, #tpu.memory_space<hbm>>
      %dma_start3A_1294 = tpu.memref_slice %arg8[%dma_start3A_1286] : memref<2x!tpu.dma_semaphore, #tpu.memory_space<semaphore_mem>> -> memref<1x!tpu.dma_semaphore, #tpu.memory_space<semaphore_mem>>
      %dma_start3A_1295 = tpu.memref_squeeze %dma_start3A_1294 : memref<1x!tpu.dma_semaphore, #tpu.memory_space<semaphore_mem>> -> memref<!tpu.dma_semaphore, #tpu.memory_space<semaphore_mem>>
      tpu.enqueue_indirect_dma source(%dma_start3A_1293 : memref<2000000x64xf32, #tpu.memory_space<hbm>>) target(%dma_start3A_1289 : memref<40x64xf32, #tpu.memory_space<vmem>>) offsets(%dma_start3A_1290 : memref<40xi32, #tpu.memory_space<vmem>>) semaphore(%dma_start3A_1295 : memref<!tpu.dma_semaphore, #tpu.memory_space<semaphore_mem>>)
      %mul3A_1296 = arith.constant 20 : i32
      %mul3A_1297 = arith.muli %add3A_1183, %mul3A_1296 : i32
      %add3A_1298 = arith.constant 7 : i32
      %add3A_1299 = arith.addi %mul3A_1297, %add3A_1298 : i32
      %mul3A_1300 = arith.constant 40 : i32
      %mul3A_1301 = arith.muli %add3A_1299, %mul3A_1300 : i32
      %dma_start3A_1302 = arith.constant 0 : i32
      %dma_start3A_1303 = arith.constant 280 : i32
      %dma_start3A_1304 = arith.constant 0 : i32
      %dma_start3A_1305 = tpu.memref_slice %arg6[%dma_start3A_1303, %dma_start3A_1304] : memref<800x64xf32, #tpu.memory_space<vmem>> -> memref<40x64xf32, #tpu.memory_space<vmem>>
      %dma_start3A_1306 = tpu.memref_slice %arg5[%mul3A_1301] : memref<25600xi32, #tpu.memory_space<vmem>> -> memref<40xi32, #tpu.memory_space<vmem>>
      %dma_start3A_1307 = arith.constant 0 : i32
      %dma_start3A_1308 = arith.constant 0 : i32
      %dma_start3A_1309 = tpu.memref_slice %arg3[%dma_start3A_1307, %dma_start3A_1308] : memref<2000000x64xf32, #tpu.memory_space<hbm>> -> memref<2000000x64xf32, #tpu.memory_space<hbm>>
      %dma_start3A_1310 = tpu.memref_slice %arg8[%dma_start3A_1302] : memref<2x!tpu.dma_semaphore, #tpu.memory_space<semaphore_mem>> -> memref<1x!tpu.dma_semaphore, #tpu.memory_space<semaphore_mem>>
      %dma_start3A_1311 = tpu.memref_squeeze %dma_start3A_1310 : memref<1x!tpu.dma_semaphore, #tpu.memory_space<semaphore_mem>> -> memref<!tpu.dma_semaphore, #tpu.memory_space<semaphore_mem>>
      tpu.enqueue_indirect_dma source(%dma_start3A_1309 : memref<2000000x64xf32, #tpu.memory_space<hbm>>) target(%dma_start3A_1305 : memref<40x64xf32, #tpu.memory_space<vmem>>) offsets(%dma_start3A_1306 : memref<40xi32, #tpu.memory_space<vmem>>) semaphore(%dma_start3A_1311 : memref<!tpu.dma_semaphore, #tpu.memory_space<semaphore_mem>>)
      %mul3A_1312 = arith.constant 20 : i32
      %mul3A_1313 = arith.muli %add3A_1183, %mul3A_1312 : i32
      %add3A_1314 = arith.constant 8 : i32
      %add3A_1315 = arith.addi %mul3A_1313, %add3A_1314 : i32
      %mul3A_1316 = arith.constant 40 : i32
      %mul3A_1317 = arith.muli %add3A_1315, %mul3A_1316 : i32
      %dma_start3A_1318 = arith.constant 0 : i32
      %dma_start3A_1319 = arith.constant 320 : i32
      %dma_start3A_1320 = arith.constant 0 : i32
      %dma_start3A_1321 = tpu.memref_slice %arg6[%dma_start3A_1319, %dma_start3A_1320] : memref<800x64xf32, #tpu.memory_space<vmem>> -> memref<40x64xf32, #tpu.memory_space<vmem>>
      %dma_start3A_1322 = tpu.memref_slice %arg5[%mul3A_1317] : memref<25600xi32, #tpu.memory_space<vmem>> -> memref<40xi32, #tpu.memory_space<vmem>>
      %dma_start3A_1323 = arith.constant 0 : i32
      %dma_start3A_1324 = arith.constant 0 : i32
      %dma_start3A_1325 = tpu.memref_slice %arg3[%dma_start3A_1323, %dma_start3A_1324] : memref<2000000x64xf32, #tpu.memory_space<hbm>> -> memref<2000000x64xf32, #tpu.memory_space<hbm>>
      %dma_start3A_1326 = tpu.memref_slice %arg8[%dma_start3A_1318] : memref<2x!tpu.dma_semaphore, #tpu.memory_space<semaphore_mem>> -> memref<1x!tpu.dma_semaphore, #tpu.memory_space<semaphore_mem>>
      %dma_start3A_1327 = tpu.memref_squeeze %dma_start3A_1326 : memref<1x!tpu.dma_semaphore, #tpu.memory_space<semaphore_mem>> -> memref<!tpu.dma_semaphore, #tpu.memory_space<semaphore_mem>>
      tpu.enqueue_indirect_dma source(%dma_start3A_1325 : memref<2000000x64xf32, #tpu.memory_space<hbm>>) target(%dma_start3A_1321 : memref<40x64xf32, #tpu.memory_space<vmem>>) offsets(%dma_start3A_1322 : memref<40xi32, #tpu.memory_space<vmem>>) semaphore(%dma_start3A_1327 : memref<!tpu.dma_semaphore, #tpu.memory_space<semaphore_mem>>)
      %mul3A_1328 = arith.constant 20 : i32
      %mul3A_1329 = arith.muli %add3A_1183, %mul3A_1328 : i32
      %add3A_1330 = arith.constant 9 : i32
      %add3A_1331 = arith.addi %mul3A_1329, %add3A_1330 : i32
      %mul3A_1332 = arith.constant 40 : i32
      %mul3A_1333 = arith.muli %add3A_1331, %mul3A_1332 : i32
      %dma_start3A_1334 = arith.constant 0 : i32
      %dma_start3A_1335 = arith.constant 360 : i32
      %dma_start3A_1336 = arith.constant 0 : i32
      %dma_start3A_1337 = tpu.memref_slice %arg6[%dma_start3A_1335, %dma_start3A_1336] : memref<800x64xf32, #tpu.memory_space<vmem>> -> memref<40x64xf32, #tpu.memory_space<vmem>>
      %dma_start3A_1338 = tpu.memref_slice %arg5[%mul3A_1333] : memref<25600xi32, #tpu.memory_space<vmem>> -> memref<40xi32, #tpu.memory_space<vmem>>
      %dma_start3A_1339 = arith.constant 0 : i32
      %dma_start3A_1340 = arith.constant 0 : i32
      %dma_start3A_1341 = tpu.memref_slice %arg3[%dma_start3A_1339, %dma_start3A_1340] : memref<2000000x64xf32, #tpu.memory_space<hbm>> -> memref<2000000x64xf32, #tpu.memory_space<hbm>>
      %dma_start3A_1342 = tpu.memref_slice %arg8[%dma_start3A_1334] : memref<2x!tpu.dma_semaphore, #tpu.memory_space<semaphore_mem>> -> memref<1x!tpu.dma_semaphore, #tpu.memory_space<semaphore_mem>>
      %dma_start3A_1343 = tpu.memref_squeeze %dma_start3A_1342 : memref<1x!tpu.dma_semaphore, #tpu.memory_space<semaphore_mem>> -> memref<!tpu.dma_semaphore, #tpu.memory_space<semaphore_mem>>
      tpu.enqueue_indirect_dma source(%dma_start3A_1341 : memref<2000000x64xf32, #tpu.memory_space<hbm>>) target(%dma_start3A_1337 : memref<40x64xf32, #tpu.memory_space<vmem>>) offsets(%dma_start3A_1338 : memref<40xi32, #tpu.memory_space<vmem>>) semaphore(%dma_start3A_1343 : memref<!tpu.dma_semaphore, #tpu.memory_space<semaphore_mem>>)
      %mul3A_1344 = arith.constant 20 : i32
      %mul3A_1345 = arith.muli %add3A_1183, %mul3A_1344 : i32
      %add3A_1346 = arith.constant 10 : i32
      %add3A_1347 = arith.addi %mul3A_1345, %add3A_1346 : i32
      %mul3A_1348 = arith.constant 40 : i32
      %mul3A_1349 = arith.muli %add3A_1347, %mul3A_1348 : i32
      %dma_start3A_1350 = arith.constant 0 : i32
      %dma_start3A_1351 = arith.constant 400 : i32
      %dma_start3A_1352 = arith.constant 0 : i32
      %dma_start3A_1353 = tpu.memref_slice %arg6[%dma_start3A_1351, %dma_start3A_1352] : memref<800x64xf32, #tpu.memory_space<vmem>> -> memref<40x64xf32, #tpu.memory_space<vmem>>
      %dma_start3A_1354 = tpu.memref_slice %arg5[%mul3A_1349] : memref<25600xi32, #tpu.memory_space<vmem>> -> memref<40xi32, #tpu.memory_space<vmem>>
      %dma_start3A_1355 = arith.constant 0 : i32
      %dma_start3A_1356 = arith.constant 0 : i32
      %dma_start3A_1357 = tpu.memref_slice %arg3[%dma_start3A_1355, %dma_start3A_1356] : memref<2000000x64xf32, #tpu.memory_space<hbm>> -> memref<2000000x64xf32, #tpu.memory_space<hbm>>
      %dma_start3A_1358 = tpu.memref_slice %arg8[%dma_start3A_1350] : memref<2x!tpu.dma_semaphore, #tpu.memory_space<semaphore_mem>> -> memref<1x!tpu.dma_semaphore, #tpu.memory_space<semaphore_mem>>
      %dma_start3A_1359 = tpu.memref_squeeze %dma_start3A_1358 : memref<1x!tpu.dma_semaphore, #tpu.memory_space<semaphore_mem>> -> memref<!tpu.dma_semaphore, #tpu.memory_space<semaphore_mem>>
      tpu.enqueue_indirect_dma source(%dma_start3A_1357 : memref<2000000x64xf32, #tpu.memory_space<hbm>>) target(%dma_start3A_1353 : memref<40x64xf32, #tpu.memory_space<vmem>>) offsets(%dma_start3A_1354 : memref<40xi32, #tpu.memory_space<vmem>>) semaphore(%dma_start3A_1359 : memref<!tpu.dma_semaphore, #tpu.memory_space<semaphore_mem>>)
      %mul3A_1360 = arith.constant 20 : i32
      %mul3A_1361 = arith.muli %add3A_1183, %mul3A_1360 : i32
      %add3A_1362 = arith.constant 11 : i32
      %add3A_1363 = arith.addi %mul3A_1361, %add3A_1362 : i32
      %mul3A_1364 = arith.constant 40 : i32
      %mul3A_1365 = arith.muli %add3A_1363, %mul3A_1364 : i32
      %dma_start3A_1366 = arith.constant 0 : i32
      %dma_start3A_1367 = arith.constant 440 : i32
      %dma_start3A_1368 = arith.constant 0 : i32
      %dma_start3A_1369 = tpu.memref_slice %arg6[%dma_start3A_1367, %dma_start3A_1368] : memref<800x64xf32, #tpu.memory_space<vmem>> -> memref<40x64xf32, #tpu.memory_space<vmem>>
      %dma_start3A_1370 = tpu.memref_slice %arg5[%mul3A_1365] : memref<25600xi32, #tpu.memory_space<vmem>> -> memref<40xi32, #tpu.memory_space<vmem>>
      %dma_start3A_1371 = arith.constant 0 : i32
      %dma_start3A_1372 = arith.constant 0 : i32
      %dma_start3A_1373 = tpu.memref_slice %arg3[%dma_start3A_1371, %dma_start3A_1372] : memref<2000000x64xf32, #tpu.memory_space<hbm>> -> memref<2000000x64xf32, #tpu.memory_space<hbm>>
      %dma_start3A_1374 = tpu.memref_slice %arg8[%dma_start3A_1366] : memref<2x!tpu.dma_semaphore, #tpu.memory_space<semaphore_mem>> -> memref<1x!tpu.dma_semaphore, #tpu.memory_space<semaphore_mem>>
      %dma_start3A_1375 = tpu.memref_squeeze %dma_start3A_1374 : memref<1x!tpu.dma_semaphore, #tpu.memory_space<semaphore_mem>> -> memref<!tpu.dma_semaphore, #tpu.memory_space<semaphore_mem>>
      tpu.enqueue_indirect_dma source(%dma_start3A_1373 : memref<2000000x64xf32, #tpu.memory_space<hbm>>) target(%dma_start3A_1369 : memref<40x64xf32, #tpu.memory_space<vmem>>) offsets(%dma_start3A_1370 : memref<40xi32, #tpu.memory_space<vmem>>) semaphore(%dma_start3A_1375 : memref<!tpu.dma_semaphore, #tpu.memory_space<semaphore_mem>>)
      %mul3A_1376 = arith.constant 20 : i32
      %mul3A_1377 = arith.muli %add3A_1183, %mul3A_1376 : i32
      %add3A_1378 = arith.constant 12 : i32
      %add3A_1379 = arith.addi %mul3A_1377, %add3A_1378 : i32
      %mul3A_1380 = arith.constant 40 : i32
      %mul3A_1381 = arith.muli %add3A_1379, %mul3A_1380 : i32
      %dma_start3A_1382 = arith.constant 0 : i32
      %dma_start3A_1383 = arith.constant 480 : i32
      %dma_start3A_1384 = arith.constant 0 : i32
      %dma_start3A_1385 = tpu.memref_slice %arg6[%dma_start3A_1383, %dma_start3A_1384] : memref<800x64xf32, #tpu.memory_space<vmem>> -> memref<40x64xf32, #tpu.memory_space<vmem>>
      %dma_start3A_1386 = tpu.memref_slice %arg5[%mul3A_1381] : memref<25600xi32, #tpu.memory_space<vmem>> -> memref<40xi32, #tpu.memory_space<vmem>>
      %dma_start3A_1387 = arith.constant 0 : i32
      %dma_start3A_1388 = arith.constant 0 : i32
      %dma_start3A_1389 = tpu.memref_slice %arg3[%dma_start3A_1387, %dma_start3A_1388] : memref<2000000x64xf32, #tpu.memory_space<hbm>> -> memref<2000000x64xf32, #tpu.memory_space<hbm>>
      %dma_start3A_1390 = tpu.memref_slice %arg8[%dma_start3A_1382] : memref<2x!tpu.dma_semaphore, #tpu.memory_space<semaphore_mem>> -> memref<1x!tpu.dma_semaphore, #tpu.memory_space<semaphore_mem>>
      %dma_start3A_1391 = tpu.memref_squeeze %dma_start3A_1390 : memref<1x!tpu.dma_semaphore, #tpu.memory_space<semaphore_mem>> -> memref<!tpu.dma_semaphore, #tpu.memory_space<semaphore_mem>>
      tpu.enqueue_indirect_dma source(%dma_start3A_1389 : memref<2000000x64xf32, #tpu.memory_space<hbm>>) target(%dma_start3A_1385 : memref<40x64xf32, #tpu.memory_space<vmem>>) offsets(%dma_start3A_1386 : memref<40xi32, #tpu.memory_space<vmem>>) semaphore(%dma_start3A_1391 : memref<!tpu.dma_semaphore, #tpu.memory_space<semaphore_mem>>)
      %mul3A_1392 = arith.constant 20 : i32
      %mul3A_1393 = arith.muli %add3A_1183, %mul3A_1392 : i32
      %add3A_1394 = arith.constant 13 : i32
      %add3A_1395 = arith.addi %mul3A_1393, %add3A_1394 : i32
      %mul3A_1396 = arith.constant 40 : i32
      %mul3A_1397 = arith.muli %add3A_1395, %mul3A_1396 : i32
      %dma_start3A_1398 = arith.constant 0 : i32
      %dma_start3A_1399 = arith.constant 520 : i32
      %dma_start3A_1400 = arith.constant 0 : i32
      %dma_start3A_1401 = tpu.memref_slice %arg6[%dma_start3A_1399, %dma_start3A_1400] : memref<800x64xf32, #tpu.memory_space<vmem>> -> memref<40x64xf32, #tpu.memory_space<vmem>>
      %dma_start3A_1402 = tpu.memref_slice %arg5[%mul3A_1397] : memref<25600xi32, #tpu.memory_space<vmem>> -> memref<40xi32, #tpu.memory_space<vmem>>
      %dma_start3A_1403 = arith.constant 0 : i32
      %dma_start3A_1404 = arith.constant 0 : i32
      %dma_start3A_1405 = tpu.memref_slice %arg3[%dma_start3A_1403, %dma_start3A_1404] : memref<2000000x64xf32, #tpu.memory_space<hbm>> -> memref<2000000x64xf32, #tpu.memory_space<hbm>>
      %dma_start3A_1406 = tpu.memref_slice %arg8[%dma_start3A_1398] : memref<2x!tpu.dma_semaphore, #tpu.memory_space<semaphore_mem>> -> memref<1x!tpu.dma_semaphore, #tpu.memory_space<semaphore_mem>>
      %dma_start3A_1407 = tpu.memref_squeeze %dma_start3A_1406 : memref<1x!tpu.dma_semaphore, #tpu.memory_space<semaphore_mem>> -> memref<!tpu.dma_semaphore, #tpu.memory_space<semaphore_mem>>
      tpu.enqueue_indirect_dma source(%dma_start3A_1405 : memref<2000000x64xf32, #tpu.memory_space<hbm>>) target(%dma_start3A_1401 : memref<40x64xf32, #tpu.memory_space<vmem>>) offsets(%dma_start3A_1402 : memref<40xi32, #tpu.memory_space<vmem>>) semaphore(%dma_start3A_1407 : memref<!tpu.dma_semaphore, #tpu.memory_space<semaphore_mem>>)
      %mul3A_1408 = arith.constant 20 : i32
      %mul3A_1409 = arith.muli %add3A_1183, %mul3A_1408 : i32
      %add3A_1410 = arith.constant 14 : i32
      %add3A_1411 = arith.addi %mul3A_1409, %add3A_1410 : i32
      %mul3A_1412 = arith.constant 40 : i32
      %mul3A_1413 = arith.muli %add3A_1411, %mul3A_1412 : i32
      %dma_start3A_1414 = arith.constant 0 : i32
      %dma_start3A_1415 = arith.constant 560 : i32
      %dma_start3A_1416 = arith.constant 0 : i32
      %dma_start3A_1417 = tpu.memref_slice %arg6[%dma_start3A_1415, %dma_start3A_1416] : memref<800x64xf32, #tpu.memory_space<vmem>> -> memref<40x64xf32, #tpu.memory_space<vmem>>
      %dma_start3A_1418 = tpu.memref_slice %arg5[%mul3A_1413] : memref<25600xi32, #tpu.memory_space<vmem>> -> memref<40xi32, #tpu.memory_space<vmem>>
      %dma_start3A_1419 = arith.constant 0 : i32
      %dma_start3A_1420 = arith.constant 0 : i32
      %dma_start3A_1421 = tpu.memref_slice %arg3[%dma_start3A_1419, %dma_start3A_1420] : memref<2000000x64xf32, #tpu.memory_space<hbm>> -> memref<2000000x64xf32, #tpu.memory_space<hbm>>
      %dma_start3A_1422 = tpu.memref_slice %arg8[%dma_start3A_1414] : memref<2x!tpu.dma_semaphore, #tpu.memory_space<semaphore_mem>> -> memref<1x!tpu.dma_semaphore, #tpu.memory_space<semaphore_mem>>
      %dma_start3A_1423 = tpu.memref_squeeze %dma_start3A_1422 : memref<1x!tpu.dma_semaphore, #tpu.memory_space<semaphore_mem>> -> memref<!tpu.dma_semaphore, #tpu.memory_space<semaphore_mem>>
      tpu.enqueue_indirect_dma source(%dma_start3A_1421 : memref<2000000x64xf32, #tpu.memory_space<hbm>>) target(%dma_start3A_1417 : memref<40x64xf32, #tpu.memory_space<vmem>>) offsets(%dma_start3A_1418 : memref<40xi32, #tpu.memory_space<vmem>>) semaphore(%dma_start3A_1423 : memref<!tpu.dma_semaphore, #tpu.memory_space<semaphore_mem>>)
      %mul3A_1424 = arith.constant 20 : i32
      %mul3A_1425 = arith.muli %add3A_1183, %mul3A_1424 : i32
      %add3A_1426 = arith.constant 15 : i32
      %add3A_1427 = arith.addi %mul3A_1425, %add3A_1426 : i32
      %mul3A_1428 = arith.constant 40 : i32
      %mul3A_1429 = arith.muli %add3A_1427, %mul3A_1428 : i32
      %dma_start3A_1430 = arith.constant 0 : i32
      %dma_start3A_1431 = arith.constant 600 : i32
      %dma_start3A_1432 = arith.constant 0 : i32
      %dma_start3A_1433 = tpu.memref_slice %arg6[%dma_start3A_1431, %dma_start3A_1432] : memref<800x64xf32, #tpu.memory_space<vmem>> -> memref<40x64xf32, #tpu.memory_space<vmem>>
      %dma_start3A_1434 = tpu.memref_slice %arg5[%mul3A_1429] : memref<25600xi32, #tpu.memory_space<vmem>> -> memref<40xi32, #tpu.memory_space<vmem>>
      %dma_start3A_1435 = arith.constant 0 : i32
      %dma_start3A_1436 = arith.constant 0 : i32
      %dma_start3A_1437 = tpu.memref_slice %arg3[%dma_start3A_1435, %dma_start3A_1436] : memref<2000000x64xf32, #tpu.memory_space<hbm>> -> memref<2000000x64xf32, #tpu.memory_space<hbm>>
      %dma_start3A_1438 = tpu.memref_slice %arg8[%dma_start3A_1430] : memref<2x!tpu.dma_semaphore, #tpu.memory_space<semaphore_mem>> -> memref<1x!tpu.dma_semaphore, #tpu.memory_space<semaphore_mem>>
      %dma_start3A_1439 = tpu.memref_squeeze %dma_start3A_1438 : memref<1x!tpu.dma_semaphore, #tpu.memory_space<semaphore_mem>> -> memref<!tpu.dma_semaphore, #tpu.memory_space<semaphore_mem>>
      tpu.enqueue_indirect_dma source(%dma_start3A_1437 : memref<2000000x64xf32, #tpu.memory_space<hbm>>) target(%dma_start3A_1433 : memref<40x64xf32, #tpu.memory_space<vmem>>) offsets(%dma_start3A_1434 : memref<40xi32, #tpu.memory_space<vmem>>) semaphore(%dma_start3A_1439 : memref<!tpu.dma_semaphore, #tpu.memory_space<semaphore_mem>>)
      %mul3A_1440 = arith.constant 20 : i32
      %mul3A_1441 = arith.muli %add3A_1183, %mul3A_1440 : i32
      %add3A_1442 = arith.constant 16 : i32
      %add3A_1443 = arith.addi %mul3A_1441, %add3A_1442 : i32
      %mul3A_1444 = arith.constant 40 : i32
      %mul3A_1445 = arith.muli %add3A_1443, %mul3A_1444 : i32
      %dma_start3A_1446 = arith.constant 0 : i32
      %dma_start3A_1447 = arith.constant 640 : i32
      %dma_start3A_1448 = arith.constant 0 : i32
      %dma_start3A_1449 = tpu.memref_slice %arg6[%dma_start3A_1447, %dma_start3A_1448] : memref<800x64xf32, #tpu.memory_space<vmem>> -> memref<40x64xf32, #tpu.memory_space<vmem>>
      %dma_start3A_1450 = tpu.memref_slice %arg5[%mul3A_1445] : memref<25600xi32, #tpu.memory_space<vmem>> -> memref<40xi32, #tpu.memory_space<vmem>>
      %dma_start3A_1451 = arith.constant 0 : i32
      %dma_start3A_1452 = arith.constant 0 : i32
      %dma_start3A_1453 = tpu.memref_slice %arg3[%dma_start3A_1451, %dma_start3A_1452] : memref<2000000x64xf32, #tpu.memory_space<hbm>> -> memref<2000000x64xf32, #tpu.memory_space<hbm>>
      %dma_start3A_1454 = tpu.memref_slice %arg8[%dma_start3A_1446] : memref<2x!tpu.dma_semaphore, #tpu.memory_space<semaphore_mem>> -> memref<1x!tpu.dma_semaphore, #tpu.memory_space<semaphore_mem>>
      %dma_start3A_1455 = tpu.memref_squeeze %dma_start3A_1454 : memref<1x!tpu.dma_semaphore, #tpu.memory_space<semaphore_mem>> -> memref<!tpu.dma_semaphore, #tpu.memory_space<semaphore_mem>>
      tpu.enqueue_indirect_dma source(%dma_start3A_1453 : memref<2000000x64xf32, #tpu.memory_space<hbm>>) target(%dma_start3A_1449 : memref<40x64xf32, #tpu.memory_space<vmem>>) offsets(%dma_start3A_1450 : memref<40xi32, #tpu.memory_space<vmem>>) semaphore(%dma_start3A_1455 : memref<!tpu.dma_semaphore, #tpu.memory_space<semaphore_mem>>)
      %mul3A_1456 = arith.constant 20 : i32
      %mul3A_1457 = arith.muli %add3A_1183, %mul3A_1456 : i32
      %add3A_1458 = arith.constant 17 : i32
      %add3A_1459 = arith.addi %mul3A_1457, %add3A_1458 : i32
      %mul3A_1460 = arith.constant 40 : i32
      %mul3A_1461 = arith.muli %add3A_1459, %mul3A_1460 : i32
      %dma_start3A_1462 = arith.constant 0 : i32
      %dma_start3A_1463 = arith.constant 680 : i32
      %dma_start3A_1464 = arith.constant 0 : i32
      %dma_start3A_1465 = tpu.memref_slice %arg6[%dma_start3A_1463, %dma_start3A_1464] : memref<800x64xf32, #tpu.memory_space<vmem>> -> memref<40x64xf32, #tpu.memory_space<vmem>>
      %dma_start3A_1466 = tpu.memref_slice %arg5[%mul3A_1461] : memref<25600xi32, #tpu.memory_space<vmem>> -> memref<40xi32, #tpu.memory_space<vmem>>
      %dma_start3A_1467 = arith.constant 0 : i32
      %dma_start3A_1468 = arith.constant 0 : i32
      %dma_start3A_1469 = tpu.memref_slice %arg3[%dma_start3A_1467, %dma_start3A_1468] : memref<2000000x64xf32, #tpu.memory_space<hbm>> -> memref<2000000x64xf32, #tpu.memory_space<hbm>>
      %dma_start3A_1470 = tpu.memref_slice %arg8[%dma_start3A_1462] : memref<2x!tpu.dma_semaphore, #tpu.memory_space<semaphore_mem>> -> memref<1x!tpu.dma_semaphore, #tpu.memory_space<semaphore_mem>>
      %dma_start3A_1471 = tpu.memref_squeeze %dma_start3A_1470 : memref<1x!tpu.dma_semaphore, #tpu.memory_space<semaphore_mem>> -> memref<!tpu.dma_semaphore, #tpu.memory_space<semaphore_mem>>
      tpu.enqueue_indirect_dma source(%dma_start3A_1469 : memref<2000000x64xf32, #tpu.memory_space<hbm>>) target(%dma_start3A_1465 : memref<40x64xf32, #tpu.memory_space<vmem>>) offsets(%dma_start3A_1466 : memref<40xi32, #tpu.memory_space<vmem>>) semaphore(%dma_start3A_1471 : memref<!tpu.dma_semaphore, #tpu.memory_space<semaphore_mem>>)
      %mul3A_1472 = arith.constant 20 : i32
      %mul3A_1473 = arith.muli %add3A_1183, %mul3A_1472 : i32
      %add3A_1474 = arith.constant 18 : i32
      %add3A_1475 = arith.addi %mul3A_1473, %add3A_1474 : i32
      %mul3A_1476 = arith.constant 40 : i32
      %mul3A_1477 = arith.muli %add3A_1475, %mul3A_1476 : i32
      %dma_start3A_1478 = arith.constant 0 : i32
      %dma_start3A_1479 = arith.constant 720 : i32
      %dma_start3A_1480 = arith.constant 0 : i32
      %dma_start3A_1481 = tpu.memref_slice %arg6[%dma_start3A_1479, %dma_start3A_1480] : memref<800x64xf32, #tpu.memory_space<vmem>> -> memref<40x64xf32, #tpu.memory_space<vmem>>
      %dma_start3A_1482 = tpu.memref_slice %arg5[%mul3A_1477] : memref<25600xi32, #tpu.memory_space<vmem>> -> memref<40xi32, #tpu.memory_space<vmem>>
      %dma_start3A_1483 = arith.constant 0 : i32
      %dma_start3A_1484 = arith.constant 0 : i32
      %dma_start3A_1485 = tpu.memref_slice %arg3[%dma_start3A_1483, %dma_start3A_1484] : memref<2000000x64xf32, #tpu.memory_space<hbm>> -> memref<2000000x64xf32, #tpu.memory_space<hbm>>
      %dma_start3A_1486 = tpu.memref_slice %arg8[%dma_start3A_1478] : memref<2x!tpu.dma_semaphore, #tpu.memory_space<semaphore_mem>> -> memref<1x!tpu.dma_semaphore, #tpu.memory_space<semaphore_mem>>
      %dma_start3A_1487 = tpu.memref_squeeze %dma_start3A_1486 : memref<1x!tpu.dma_semaphore, #tpu.memory_space<semaphore_mem>> -> memref<!tpu.dma_semaphore, #tpu.memory_space<semaphore_mem>>
      tpu.enqueue_indirect_dma source(%dma_start3A_1485 : memref<2000000x64xf32, #tpu.memory_space<hbm>>) target(%dma_start3A_1481 : memref<40x64xf32, #tpu.memory_space<vmem>>) offsets(%dma_start3A_1482 : memref<40xi32, #tpu.memory_space<vmem>>) semaphore(%dma_start3A_1487 : memref<!tpu.dma_semaphore, #tpu.memory_space<semaphore_mem>>)
      %mul3A_1488 = arith.constant 20 : i32
      %mul3A_1489 = arith.muli %add3A_1183, %mul3A_1488 : i32
      %add3A_1490 = arith.constant 19 : i32
      %add3A_1491 = arith.addi %mul3A_1489, %add3A_1490 : i32
      %mul3A_1492 = arith.constant 40 : i32
      %mul3A_1493 = arith.muli %add3A_1491, %mul3A_1492 : i32
      %dma_start3A_1494 = arith.constant 0 : i32
      %dma_start3A_1495 = arith.constant 760 : i32
      %dma_start3A_1496 = arith.constant 0 : i32
      %dma_start3A_1497 = tpu.memref_slice %arg6[%dma_start3A_1495, %dma_start3A_1496] : memref<800x64xf32, #tpu.memory_space<vmem>> -> memref<40x64xf32, #tpu.memory_space<vmem>>
      %dma_start3A_1498 = tpu.memref_slice %arg5[%mul3A_1493] : memref<25600xi32, #tpu.memory_space<vmem>> -> memref<40xi32, #tpu.memory_space<vmem>>
      %dma_start3A_1499 = arith.constant 0 : i32
      %dma_start3A_1500 = arith.constant 0 : i32
      %dma_start3A_1501 = tpu.memref_slice %arg3[%dma_start3A_1499, %dma_start3A_1500] : memref<2000000x64xf32, #tpu.memory_space<hbm>> -> memref<2000000x64xf32, #tpu.memory_space<hbm>>
      %dma_start3A_1502 = tpu.memref_slice %arg8[%dma_start3A_1494] : memref<2x!tpu.dma_semaphore, #tpu.memory_space<semaphore_mem>> -> memref<1x!tpu.dma_semaphore, #tpu.memory_space<semaphore_mem>>
      %dma_start3A_1503 = tpu.memref_squeeze %dma_start3A_1502 : memref<1x!tpu.dma_semaphore, #tpu.memory_space<semaphore_mem>> -> memref<!tpu.dma_semaphore, #tpu.memory_space<semaphore_mem>>
      tpu.enqueue_indirect_dma source(%dma_start3A_1501 : memref<2000000x64xf32, #tpu.memory_space<hbm>>) target(%dma_start3A_1497 : memref<40x64xf32, #tpu.memory_space<vmem>>) offsets(%dma_start3A_1498 : memref<40xi32, #tpu.memory_space<vmem>>) semaphore(%dma_start3A_1503 : memref<!tpu.dma_semaphore, #tpu.memory_space<semaphore_mem>>)
      %dma_wait3A_1504 = arith.constant 1 : i32
      %dma_wait3A_1505 = arith.constant 0 : i32
      %dma_wait3A_1506 = arith.constant 0 : i32
      %dma_wait3A_1507 = tpu.memref_slice %arg7[%dma_wait3A_1505, %dma_wait3A_1506] : memref<800x64xf32, #tpu.memory_space<vmem>> -> memref<40x64xf32, #tpu.memory_space<vmem>>
      %dma_wait3A_1508 = arith.constant 0 : i32
      %dma_wait3A_1509 = tpu.memref_slice %arg5[%dma_wait3A_1508] : memref<25600xi32, #tpu.memory_space<vmem>> -> memref<40xi32, #tpu.memory_space<vmem>>
      %dma_wait3A_1510 = arith.constant 0 : i32
      %dma_wait3A_1511 = arith.constant 0 : i32
      %dma_wait3A_1512 = tpu.memref_slice %arg3[%dma_wait3A_1510, %dma_wait3A_1511] : memref<2000000x64xf32, #tpu.memory_space<hbm>> -> memref<2000000x64xf32, #tpu.memory_space<hbm>>
      %dma_wait3A_1513 = tpu.memref_slice %arg8[%dma_wait3A_1504] : memref<2x!tpu.dma_semaphore, #tpu.memory_space<semaphore_mem>> -> memref<1x!tpu.dma_semaphore, #tpu.memory_space<semaphore_mem>>
      %dma_wait3A_1514 = tpu.memref_squeeze %dma_wait3A_1513 : memref<1x!tpu.dma_semaphore, #tpu.memory_space<semaphore_mem>> -> memref<!tpu.dma_semaphore, #tpu.memory_space<semaphore_mem>>
      tpu.wait_indirect_dma semaphore(%dma_wait3A_1514 : memref<!tpu.dma_semaphore, #tpu.memory_space<semaphore_mem>>) src(%dma_wait3A_1512 : memref<2000000x64xf32, #tpu.memory_space<hbm>>) dst(%dma_wait3A_1507 : memref<40x64xf32, #tpu.memory_space<vmem>>)
      %dma_wait3A_1515 = arith.constant 1 : i32
      %dma_wait3A_1516 = arith.constant 40 : i32
      %dma_wait3A_1517 = arith.constant 0 : i32
      %dma_wait3A_1518 = tpu.memref_slice %arg7[%dma_wait3A_1516, %dma_wait3A_1517] : memref<800x64xf32, #tpu.memory_space<vmem>> -> memref<40x64xf32, #tpu.memory_space<vmem>>
      %dma_wait3A_1519 = arith.constant 0 : i32
      %dma_wait3A_1520 = tpu.memref_slice %arg5[%dma_wait3A_1519] : memref<25600xi32, #tpu.memory_space<vmem>> -> memref<40xi32, #tpu.memory_space<vmem>>
      %dma_wait3A_1521 = arith.constant 0 : i32
      %dma_wait3A_1522 = arith.constant 0 : i32
      %dma_wait3A_1523 = tpu.memref_slice %arg3[%dma_wait3A_1521, %dma_wait3A_1522] : memref<2000000x64xf32, #tpu.memory_space<hbm>> -> memref<2000000x64xf32, #tpu.memory_space<hbm>>
      %dma_wait3A_1524 = tpu.memref_slice %arg8[%dma_wait3A_1515] : memref<2x!tpu.dma_semaphore, #tpu.memory_space<semaphore_mem>> -> memref<1x!tpu.dma_semaphore, #tpu.memory_space<semaphore_mem>>
      %dma_wait3A_1525 = tpu.memref_squeeze %dma_wait3A_1524 : memref<1x!tpu.dma_semaphore, #tpu.memory_space<semaphore_mem>> -> memref<!tpu.dma_semaphore, #tpu.memory_space<semaphore_mem>>
      tpu.wait_indirect_dma semaphore(%dma_wait3A_1525 : memref<!tpu.dma_semaphore, #tpu.memory_space<semaphore_mem>>) src(%dma_wait3A_1523 : memref<2000000x64xf32, #tpu.memory_space<hbm>>) dst(%dma_wait3A_1518 : memref<40x64xf32, #tpu.memory_space<vmem>>)
      %dma_wait3A_1526 = arith.constant 1 : i32
      %dma_wait3A_1527 = arith.constant 80 : i32
      %dma_wait3A_1528 = arith.constant 0 : i32
      %dma_wait3A_1529 = tpu.memref_slice %arg7[%dma_wait3A_1527, %dma_wait3A_1528] : memref<800x64xf32, #tpu.memory_space<vmem>> -> memref<40x64xf32, #tpu.memory_space<vmem>>
      %dma_wait3A_1530 = arith.constant 0 : i32
      %dma_wait3A_1531 = tpu.memref_slice %arg5[%dma_wait3A_1530] : memref<25600xi32, #tpu.memory_space<vmem>> -> memref<40xi32, #tpu.memory_space<vmem>>
      %dma_wait3A_1532 = arith.constant 0 : i32
      %dma_wait3A_1533 = arith.constant 0 : i32
      %dma_wait3A_1534 = tpu.memref_slice %arg3[%dma_wait3A_1532, %dma_wait3A_1533] : memref<2000000x64xf32, #tpu.memory_space<hbm>> -> memref<2000000x64xf32, #tpu.memory_space<hbm>>
      %dma_wait3A_1535 = tpu.memref_slice %arg8[%dma_wait3A_1526] : memref<2x!tpu.dma_semaphore, #tpu.memory_space<semaphore_mem>> -> memref<1x!tpu.dma_semaphore, #tpu.memory_space<semaphore_mem>>
      %dma_wait3A_1536 = tpu.memref_squeeze %dma_wait3A_1535 : memref<1x!tpu.dma_semaphore, #tpu.memory_space<semaphore_mem>> -> memref<!tpu.dma_semaphore, #tpu.memory_space<semaphore_mem>>
      tpu.wait_indirect_dma semaphore(%dma_wait3A_1536 : memref<!tpu.dma_semaphore, #tpu.memory_space<semaphore_mem>>) src(%dma_wait3A_1534 : memref<2000000x64xf32, #tpu.memory_space<hbm>>) dst(%dma_wait3A_1529 : memref<40x64xf32, #tpu.memory_space<vmem>>)
      %dma_wait3A_1537 = arith.constant 1 : i32
      %dma_wait3A_1538 = arith.constant 120 : i32
      %dma_wait3A_1539 = arith.constant 0 : i32
      %dma_wait3A_1540 = tpu.memref_slice %arg7[%dma_wait3A_1538, %dma_wait3A_1539] : memref<800x64xf32, #tpu.memory_space<vmem>> -> memref<40x64xf32, #tpu.memory_space<vmem>>
      %dma_wait3A_1541 = arith.constant 0 : i32
      %dma_wait3A_1542 = tpu.memref_slice %arg5[%dma_wait3A_1541] : memref<25600xi32, #tpu.memory_space<vmem>> -> memref<40xi32, #tpu.memory_space<vmem>>
      %dma_wait3A_1543 = arith.constant 0 : i32
      %dma_wait3A_1544 = arith.constant 0 : i32
      %dma_wait3A_1545 = tpu.memref_slice %arg3[%dma_wait3A_1543, %dma_wait3A_1544] : memref<2000000x64xf32, #tpu.memory_space<hbm>> -> memref<2000000x64xf32, #tpu.memory_space<hbm>>
      %dma_wait3A_1546 = tpu.memref_slice %arg8[%dma_wait3A_1537] : memref<2x!tpu.dma_semaphore, #tpu.memory_space<semaphore_mem>> -> memref<1x!tpu.dma_semaphore, #tpu.memory_space<semaphore_mem>>
      %dma_wait3A_1547 = tpu.memref_squeeze %dma_wait3A_1546 : memref<1x!tpu.dma_semaphore, #tpu.memory_space<semaphore_mem>> -> memref<!tpu.dma_semaphore, #tpu.memory_space<semaphore_mem>>
      tpu.wait_indirect_dma semaphore(%dma_wait3A_1547 : memref<!tpu.dma_semaphore, #tpu.memory_space<semaphore_mem>>) src(%dma_wait3A_1545 : memref<2000000x64xf32, #tpu.memory_space<hbm>>) dst(%dma_wait3A_1540 : memref<40x64xf32, #tpu.memory_space<vmem>>)
      %dma_wait3A_1548 = arith.constant 1 : i32
      %dma_wait3A_1549 = arith.constant 160 : i32
      %dma_wait3A_1550 = arith.constant 0 : i32
      %dma_wait3A_1551 = tpu.memref_slice %arg7[%dma_wait3A_1549, %dma_wait3A_1550] : memref<800x64xf32, #tpu.memory_space<vmem>> -> memref<40x64xf32, #tpu.memory_space<vmem>>
      %dma_wait3A_1552 = arith.constant 0 : i32
      %dma_wait3A_1553 = tpu.memref_slice %arg5[%dma_wait3A_1552] : memref<25600xi32, #tpu.memory_space<vmem>> -> memref<40xi32, #tpu.memory_space<vmem>>
      %dma_wait3A_1554 = arith.constant 0 : i32
      %dma_wait3A_1555 = arith.constant 0 : i32
      %dma_wait3A_1556 = tpu.memref_slice %arg3[%dma_wait3A_1554, %dma_wait3A_1555] : memref<2000000x64xf32, #tpu.memory_space<hbm>> -> memref<2000000x64xf32, #tpu.memory_space<hbm>>
      %dma_wait3A_1557 = tpu.memref_slice %arg8[%dma_wait3A_1548] : memref<2x!tpu.dma_semaphore, #tpu.memory_space<semaphore_mem>> -> memref<1x!tpu.dma_semaphore, #tpu.memory_space<semaphore_mem>>
      %dma_wait3A_1558 = tpu.memref_squeeze %dma_wait3A_1557 : memref<1x!tpu.dma_semaphore, #tpu.memory_space<semaphore_mem>> -> memref<!tpu.dma_semaphore, #tpu.memory_space<semaphore_mem>>
      tpu.wait_indirect_dma semaphore(%dma_wait3A_1558 : memref<!tpu.dma_semaphore, #tpu.memory_space<semaphore_mem>>) src(%dma_wait3A_1556 : memref<2000000x64xf32, #tpu.memory_space<hbm>>) dst(%dma_wait3A_1551 : memref<40x64xf32, #tpu.memory_space<vmem>>)
      %dma_wait3A_1559 = arith.constant 1 : i32
      %dma_wait3A_1560 = arith.constant 200 : i32
      %dma_wait3A_1561 = arith.constant 0 : i32
      %dma_wait3A_1562 = tpu.memref_slice %arg7[%dma_wait3A_1560, %dma_wait3A_1561] : memref<800x64xf32, #tpu.memory_space<vmem>> -> memref<40x64xf32, #tpu.memory_space<vmem>>
      %dma_wait3A_1563 = arith.constant 0 : i32
      %dma_wait3A_1564 = tpu.memref_slice %arg5[%dma_wait3A_1563] : memref<25600xi32, #tpu.memory_space<vmem>> -> memref<40xi32, #tpu.memory_space<vmem>>
      %dma_wait3A_1565 = arith.constant 0 : i32
      %dma_wait3A_1566 = arith.constant 0 : i32
      %dma_wait3A_1567 = tpu.memref_slice %arg3[%dma_wait3A_1565, %dma_wait3A_1566] : memref<2000000x64xf32, #tpu.memory_space<hbm>> -> memref<2000000x64xf32, #tpu.memory_space<hbm>>
      %dma_wait3A_1568 = tpu.memref_slice %arg8[%dma_wait3A_1559] : memref<2x!tpu.dma_semaphore, #tpu.memory_space<semaphore_mem>> -> memref<1x!tpu.dma_semaphore, #tpu.memory_space<semaphore_mem>>
      %dma_wait3A_1569 = tpu.memref_squeeze %dma_wait3A_1568 : memref<1x!tpu.dma_semaphore, #tpu.memory_space<semaphore_mem>> -> memref<!tpu.dma_semaphore, #tpu.memory_space<semaphore_mem>>
      tpu.wait_indirect_dma semaphore(%dma_wait3A_1569 : memref<!tpu.dma_semaphore, #tpu.memory_space<semaphore_mem>>) src(%dma_wait3A_1567 : memref<2000000x64xf32, #tpu.memory_space<hbm>>) dst(%dma_wait3A_1562 : memref<40x64xf32, #tpu.memory_space<vmem>>)
      %dma_wait3A_1570 = arith.constant 1 : i32
      %dma_wait3A_1571 = arith.constant 240 : i32
      %dma_wait3A_1572 = arith.constant 0 : i32
      %dma_wait3A_1573 = tpu.memref_slice %arg7[%dma_wait3A_1571, %dma_wait3A_1572] : memref<800x64xf32, #tpu.memory_space<vmem>> -> memref<40x64xf32, #tpu.memory_space<vmem>>
      %dma_wait3A_1574 = arith.constant 0 : i32
      %dma_wait3A_1575 = tpu.memref_slice %arg5[%dma_wait3A_1574] : memref<25600xi32, #tpu.memory_space<vmem>> -> memref<40xi32, #tpu.memory_space<vmem>>
      %dma_wait3A_1576 = arith.constant 0 : i32
      %dma_wait3A_1577 = arith.constant 0 : i32
      %dma_wait3A_1578 = tpu.memref_slice %arg3[%dma_wait3A_1576, %dma_wait3A_1577] : memref<2000000x64xf32, #tpu.memory_space<hbm>> -> memref<2000000x64xf32, #tpu.memory_space<hbm>>
      %dma_wait3A_1579 = tpu.memref_slice %arg8[%dma_wait3A_1570] : memref<2x!tpu.dma_semaphore, #tpu.memory_space<semaphore_mem>> -> memref<1x!tpu.dma_semaphore, #tpu.memory_space<semaphore_mem>>
      %dma_wait3A_1580 = tpu.memref_squeeze %dma_wait3A_1579 : memref<1x!tpu.dma_semaphore, #tpu.memory_space<semaphore_mem>> -> memref<!tpu.dma_semaphore, #tpu.memory_space<semaphore_mem>>
      tpu.wait_indirect_dma semaphore(%dma_wait3A_1580 : memref<!tpu.dma_semaphore, #tpu.memory_space<semaphore_mem>>) src(%dma_wait3A_1578 : memref<2000000x64xf32, #tpu.memory_space<hbm>>) dst(%dma_wait3A_1573 : memref<40x64xf32, #tpu.memory_space<vmem>>)
      %dma_wait3A_1581 = arith.constant 1 : i32
      %dma_wait3A_1582 = arith.constant 280 : i32
      %dma_wait3A_1583 = arith.constant 0 : i32
      %dma_wait3A_1584 = tpu.memref_slice %arg7[%dma_wait3A_1582, %dma_wait3A_1583] : memref<800x64xf32, #tpu.memory_space<vmem>> -> memref<40x64xf32, #tpu.memory_space<vmem>>
      %dma_wait3A_1585 = arith.constant 0 : i32
      %dma_wait3A_1586 = tpu.memref_slice %arg5[%dma_wait3A_1585] : memref<25600xi32, #tpu.memory_space<vmem>> -> memref<40xi32, #tpu.memory_space<vmem>>
      %dma_wait3A_1587 = arith.constant 0 : i32
      %dma_wait3A_1588 = arith.constant 0 : i32
      %dma_wait3A_1589 = tpu.memref_slice %arg3[%dma_wait3A_1587, %dma_wait3A_1588] : memref<2000000x64xf32, #tpu.memory_space<hbm>> -> memref<2000000x64xf32, #tpu.memory_space<hbm>>
      %dma_wait3A_1590 = tpu.memref_slice %arg8[%dma_wait3A_1581] : memref<2x!tpu.dma_semaphore, #tpu.memory_space<semaphore_mem>> -> memref<1x!tpu.dma_semaphore, #tpu.memory_space<semaphore_mem>>
      %dma_wait3A_1591 = tpu.memref_squeeze %dma_wait3A_1590 : memref<1x!tpu.dma_semaphore, #tpu.memory_space<semaphore_mem>> -> memref<!tpu.dma_semaphore, #tpu.memory_space<semaphore_mem>>
      tpu.wait_indirect_dma semaphore(%dma_wait3A_1591 : memref<!tpu.dma_semaphore, #tpu.memory_space<semaphore_mem>>) src(%dma_wait3A_1589 : memref<2000000x64xf32, #tpu.memory_space<hbm>>) dst(%dma_wait3A_1584 : memref<40x64xf32, #tpu.memory_space<vmem>>)
      %dma_wait3A_1592 = arith.constant 1 : i32
      %dma_wait3A_1593 = arith.constant 320 : i32
      %dma_wait3A_1594 = arith.constant 0 : i32
      %dma_wait3A_1595 = tpu.memref_slice %arg7[%dma_wait3A_1593, %dma_wait3A_1594] : memref<800x64xf32, #tpu.memory_space<vmem>> -> memref<40x64xf32, #tpu.memory_space<vmem>>
      %dma_wait3A_1596 = arith.constant 0 : i32
      %dma_wait3A_1597 = tpu.memref_slice %arg5[%dma_wait3A_1596] : memref<25600xi32, #tpu.memory_space<vmem>> -> memref<40xi32, #tpu.memory_space<vmem>>
      %dma_wait3A_1598 = arith.constant 0 : i32
      %dma_wait3A_1599 = arith.constant 0 : i32
      %dma_wait3A_1600 = tpu.memref_slice %arg3[%dma_wait3A_1598, %dma_wait3A_1599] : memref<2000000x64xf32, #tpu.memory_space<hbm>> -> memref<2000000x64xf32, #tpu.memory_space<hbm>>
      %dma_wait3A_1601 = tpu.memref_slice %arg8[%dma_wait3A_1592] : memref<2x!tpu.dma_semaphore, #tpu.memory_space<semaphore_mem>> -> memref<1x!tpu.dma_semaphore, #tpu.memory_space<semaphore_mem>>
      %dma_wait3A_1602 = tpu.memref_squeeze %dma_wait3A_1601 : memref<1x!tpu.dma_semaphore, #tpu.memory_space<semaphore_mem>> -> memref<!tpu.dma_semaphore, #tpu.memory_space<semaphore_mem>>
      tpu.wait_indirect_dma semaphore(%dma_wait3A_1602 : memref<!tpu.dma_semaphore, #tpu.memory_space<semaphore_mem>>) src(%dma_wait3A_1600 : memref<2000000x64xf32, #tpu.memory_space<hbm>>) dst(%dma_wait3A_1595 : memref<40x64xf32, #tpu.memory_space<vmem>>)
      %dma_wait3A_1603 = arith.constant 1 : i32
      %dma_wait3A_1604 = arith.constant 360 : i32
      %dma_wait3A_1605 = arith.constant 0 : i32
      %dma_wait3A_1606 = tpu.memref_slice %arg7[%dma_wait3A_1604, %dma_wait3A_1605] : memref<800x64xf32, #tpu.memory_space<vmem>> -> memref<40x64xf32, #tpu.memory_space<vmem>>
      %dma_wait3A_1607 = arith.constant 0 : i32
      %dma_wait3A_1608 = tpu.memref_slice %arg5[%dma_wait3A_1607] : memref<25600xi32, #tpu.memory_space<vmem>> -> memref<40xi32, #tpu.memory_space<vmem>>
      %dma_wait3A_1609 = arith.constant 0 : i32
      %dma_wait3A_1610 = arith.constant 0 : i32
      %dma_wait3A_1611 = tpu.memref_slice %arg3[%dma_wait3A_1609, %dma_wait3A_1610] : memref<2000000x64xf32, #tpu.memory_space<hbm>> -> memref<2000000x64xf32, #tpu.memory_space<hbm>>
      %dma_wait3A_1612 = tpu.memref_slice %arg8[%dma_wait3A_1603] : memref<2x!tpu.dma_semaphore, #tpu.memory_space<semaphore_mem>> -> memref<1x!tpu.dma_semaphore, #tpu.memory_space<semaphore_mem>>
      %dma_wait3A_1613 = tpu.memref_squeeze %dma_wait3A_1612 : memref<1x!tpu.dma_semaphore, #tpu.memory_space<semaphore_mem>> -> memref<!tpu.dma_semaphore, #tpu.memory_space<semaphore_mem>>
      tpu.wait_indirect_dma semaphore(%dma_wait3A_1613 : memref<!tpu.dma_semaphore, #tpu.memory_space<semaphore_mem>>) src(%dma_wait3A_1611 : memref<2000000x64xf32, #tpu.memory_space<hbm>>) dst(%dma_wait3A_1606 : memref<40x64xf32, #tpu.memory_space<vmem>>)
      %dma_wait3A_1614 = arith.constant 1 : i32
      %dma_wait3A_1615 = arith.constant 400 : i32
      %dma_wait3A_1616 = arith.constant 0 : i32
      %dma_wait3A_1617 = tpu.memref_slice %arg7[%dma_wait3A_1615, %dma_wait3A_1616] : memref<800x64xf32, #tpu.memory_space<vmem>> -> memref<40x64xf32, #tpu.memory_space<vmem>>
      %dma_wait3A_1618 = arith.constant 0 : i32
      %dma_wait3A_1619 = tpu.memref_slice %arg5[%dma_wait3A_1618] : memref<25600xi32, #tpu.memory_space<vmem>> -> memref<40xi32, #tpu.memory_space<vmem>>
      %dma_wait3A_1620 = arith.constant 0 : i32
      %dma_wait3A_1621 = arith.constant 0 : i32
      %dma_wait3A_1622 = tpu.memref_slice %arg3[%dma_wait3A_1620, %dma_wait3A_1621] : memref<2000000x64xf32, #tpu.memory_space<hbm>> -> memref<2000000x64xf32, #tpu.memory_space<hbm>>
      %dma_wait3A_1623 = tpu.memref_slice %arg8[%dma_wait3A_1614] : memref<2x!tpu.dma_semaphore, #tpu.memory_space<semaphore_mem>> -> memref<1x!tpu.dma_semaphore, #tpu.memory_space<semaphore_mem>>
      %dma_wait3A_1624 = tpu.memref_squeeze %dma_wait3A_1623 : memref<1x!tpu.dma_semaphore, #tpu.memory_space<semaphore_mem>> -> memref<!tpu.dma_semaphore, #tpu.memory_space<semaphore_mem>>
      tpu.wait_indirect_dma semaphore(%dma_wait3A_1624 : memref<!tpu.dma_semaphore, #tpu.memory_space<semaphore_mem>>) src(%dma_wait3A_1622 : memref<2000000x64xf32, #tpu.memory_space<hbm>>) dst(%dma_wait3A_1617 : memref<40x64xf32, #tpu.memory_space<vmem>>)
      %dma_wait3A_1625 = arith.constant 1 : i32
      %dma_wait3A_1626 = arith.constant 440 : i32
      %dma_wait3A_1627 = arith.constant 0 : i32
      %dma_wait3A_1628 = tpu.memref_slice %arg7[%dma_wait3A_1626, %dma_wait3A_1627] : memref<800x64xf32, #tpu.memory_space<vmem>> -> memref<40x64xf32, #tpu.memory_space<vmem>>
      %dma_wait3A_1629 = arith.constant 0 : i32
      %dma_wait3A_1630 = tpu.memref_slice %arg5[%dma_wait3A_1629] : memref<25600xi32, #tpu.memory_space<vmem>> -> memref<40xi32, #tpu.memory_space<vmem>>
      %dma_wait3A_1631 = arith.constant 0 : i32
      %dma_wait3A_1632 = arith.constant 0 : i32
      %dma_wait3A_1633 = tpu.memref_slice %arg3[%dma_wait3A_1631, %dma_wait3A_1632] : memref<2000000x64xf32, #tpu.memory_space<hbm>> -> memref<2000000x64xf32, #tpu.memory_space<hbm>>
      %dma_wait3A_1634 = tpu.memref_slice %arg8[%dma_wait3A_1625] : memref<2x!tpu.dma_semaphore, #tpu.memory_space<semaphore_mem>> -> memref<1x!tpu.dma_semaphore, #tpu.memory_space<semaphore_mem>>
      %dma_wait3A_1635 = tpu.memref_squeeze %dma_wait3A_1634 : memref<1x!tpu.dma_semaphore, #tpu.memory_space<semaphore_mem>> -> memref<!tpu.dma_semaphore, #tpu.memory_space<semaphore_mem>>
      tpu.wait_indirect_dma semaphore(%dma_wait3A_1635 : memref<!tpu.dma_semaphore, #tpu.memory_space<semaphore_mem>>) src(%dma_wait3A_1633 : memref<2000000x64xf32, #tpu.memory_space<hbm>>) dst(%dma_wait3A_1628 : memref<40x64xf32, #tpu.memory_space<vmem>>)
      %dma_wait3A_1636 = arith.constant 1 : i32
      %dma_wait3A_1637 = arith.constant 480 : i32
      %dma_wait3A_1638 = arith.constant 0 : i32
      %dma_wait3A_1639 = tpu.memref_slice %arg7[%dma_wait3A_1637, %dma_wait3A_1638] : memref<800x64xf32, #tpu.memory_space<vmem>> -> memref<40x64xf32, #tpu.memory_space<vmem>>
      %dma_wait3A_1640 = arith.constant 0 : i32
      %dma_wait3A_1641 = tpu.memref_slice %arg5[%dma_wait3A_1640] : memref<25600xi32, #tpu.memory_space<vmem>> -> memref<40xi32, #tpu.memory_space<vmem>>
      %dma_wait3A_1642 = arith.constant 0 : i32
      %dma_wait3A_1643 = arith.constant 0 : i32
      %dma_wait3A_1644 = tpu.memref_slice %arg3[%dma_wait3A_1642, %dma_wait3A_1643] : memref<2000000x64xf32, #tpu.memory_space<hbm>> -> memref<2000000x64xf32, #tpu.memory_space<hbm>>
      %dma_wait3A_1645 = tpu.memref_slice %arg8[%dma_wait3A_1636] : memref<2x!tpu.dma_semaphore, #tpu.memory_space<semaphore_mem>> -> memref<1x!tpu.dma_semaphore, #tpu.memory_space<semaphore_mem>>
      %dma_wait3A_1646 = tpu.memref_squeeze %dma_wait3A_1645 : memref<1x!tpu.dma_semaphore, #tpu.memory_space<semaphore_mem>> -> memref<!tpu.dma_semaphore, #tpu.memory_space<semaphore_mem>>
      tpu.wait_indirect_dma semaphore(%dma_wait3A_1646 : memref<!tpu.dma_semaphore, #tpu.memory_space<semaphore_mem>>) src(%dma_wait3A_1644 : memref<2000000x64xf32, #tpu.memory_space<hbm>>) dst(%dma_wait3A_1639 : memref<40x64xf32, #tpu.memory_space<vmem>>)
      %dma_wait3A_1647 = arith.constant 1 : i32
      %dma_wait3A_1648 = arith.constant 520 : i32
      %dma_wait3A_1649 = arith.constant 0 : i32
      %dma_wait3A_1650 = tpu.memref_slice %arg7[%dma_wait3A_1648, %dma_wait3A_1649] : memref<800x64xf32, #tpu.memory_space<vmem>> -> memref<40x64xf32, #tpu.memory_space<vmem>>
      %dma_wait3A_1651 = arith.constant 0 : i32
      %dma_wait3A_1652 = tpu.memref_slice %arg5[%dma_wait3A_1651] : memref<25600xi32, #tpu.memory_space<vmem>> -> memref<40xi32, #tpu.memory_space<vmem>>
      %dma_wait3A_1653 = arith.constant 0 : i32
      %dma_wait3A_1654 = arith.constant 0 : i32
      %dma_wait3A_1655 = tpu.memref_slice %arg3[%dma_wait3A_1653, %dma_wait3A_1654] : memref<2000000x64xf32, #tpu.memory_space<hbm>> -> memref<2000000x64xf32, #tpu.memory_space<hbm>>
      %dma_wait3A_1656 = tpu.memref_slice %arg8[%dma_wait3A_1647] : memref<2x!tpu.dma_semaphore, #tpu.memory_space<semaphore_mem>> -> memref<1x!tpu.dma_semaphore, #tpu.memory_space<semaphore_mem>>
      %dma_wait3A_1657 = tpu.memref_squeeze %dma_wait3A_1656 : memref<1x!tpu.dma_semaphore, #tpu.memory_space<semaphore_mem>> -> memref<!tpu.dma_semaphore, #tpu.memory_space<semaphore_mem>>
      tpu.wait_indirect_dma semaphore(%dma_wait3A_1657 : memref<!tpu.dma_semaphore, #tpu.memory_space<semaphore_mem>>) src(%dma_wait3A_1655 : memref<2000000x64xf32, #tpu.memory_space<hbm>>) dst(%dma_wait3A_1650 : memref<40x64xf32, #tpu.memory_space<vmem>>)
      %dma_wait3A_1658 = arith.constant 1 : i32
      %dma_wait3A_1659 = arith.constant 560 : i32
      %dma_wait3A_1660 = arith.constant 0 : i32
      %dma_wait3A_1661 = tpu.memref_slice %arg7[%dma_wait3A_1659, %dma_wait3A_1660] : memref<800x64xf32, #tpu.memory_space<vmem>> -> memref<40x64xf32, #tpu.memory_space<vmem>>
      %dma_wait3A_1662 = arith.constant 0 : i32
      %dma_wait3A_1663 = tpu.memref_slice %arg5[%dma_wait3A_1662] : memref<25600xi32, #tpu.memory_space<vmem>> -> memref<40xi32, #tpu.memory_space<vmem>>
      %dma_wait3A_1664 = arith.constant 0 : i32
      %dma_wait3A_1665 = arith.constant 0 : i32
      %dma_wait3A_1666 = tpu.memref_slice %arg3[%dma_wait3A_1664, %dma_wait3A_1665] : memref<2000000x64xf32, #tpu.memory_space<hbm>> -> memref<2000000x64xf32, #tpu.memory_space<hbm>>
      %dma_wait3A_1667 = tpu.memref_slice %arg8[%dma_wait3A_1658] : memref<2x!tpu.dma_semaphore, #tpu.memory_space<semaphore_mem>> -> memref<1x!tpu.dma_semaphore, #tpu.memory_space<semaphore_mem>>
      %dma_wait3A_1668 = tpu.memref_squeeze %dma_wait3A_1667 : memref<1x!tpu.dma_semaphore, #tpu.memory_space<semaphore_mem>> -> memref<!tpu.dma_semaphore, #tpu.memory_space<semaphore_mem>>
      tpu.wait_indirect_dma semaphore(%dma_wait3A_1668 : memref<!tpu.dma_semaphore, #tpu.memory_space<semaphore_mem>>) src(%dma_wait3A_1666 : memref<2000000x64xf32, #tpu.memory_space<hbm>>) dst(%dma_wait3A_1661 : memref<40x64xf32, #tpu.memory_space<vmem>>)
      %dma_wait3A_1669 = arith.constant 1 : i32
      %dma_wait3A_1670 = arith.constant 600 : i32
      %dma_wait3A_1671 = arith.constant 0 : i32
      %dma_wait3A_1672 = tpu.memref_slice %arg7[%dma_wait3A_1670, %dma_wait3A_1671] : memref<800x64xf32, #tpu.memory_space<vmem>> -> memref<40x64xf32, #tpu.memory_space<vmem>>
      %dma_wait3A_1673 = arith.constant 0 : i32
      %dma_wait3A_1674 = tpu.memref_slice %arg5[%dma_wait3A_1673] : memref<25600xi32, #tpu.memory_space<vmem>> -> memref<40xi32, #tpu.memory_space<vmem>>
      %dma_wait3A_1675 = arith.constant 0 : i32
      %dma_wait3A_1676 = arith.constant 0 : i32
      %dma_wait3A_1677 = tpu.memref_slice %arg3[%dma_wait3A_1675, %dma_wait3A_1676] : memref<2000000x64xf32, #tpu.memory_space<hbm>> -> memref<2000000x64xf32, #tpu.memory_space<hbm>>
      %dma_wait3A_1678 = tpu.memref_slice %arg8[%dma_wait3A_1669] : memref<2x!tpu.dma_semaphore, #tpu.memory_space<semaphore_mem>> -> memref<1x!tpu.dma_semaphore, #tpu.memory_space<semaphore_mem>>
      %dma_wait3A_1679 = tpu.memref_squeeze %dma_wait3A_1678 : memref<1x!tpu.dma_semaphore, #tpu.memory_space<semaphore_mem>> -> memref<!tpu.dma_semaphore, #tpu.memory_space<semaphore_mem>>
      tpu.wait_indirect_dma semaphore(%dma_wait3A_1679 : memref<!tpu.dma_semaphore, #tpu.memory_space<semaphore_mem>>) src(%dma_wait3A_1677 : memref<2000000x64xf32, #tpu.memory_space<hbm>>) dst(%dma_wait3A_1672 : memref<40x64xf32, #tpu.memory_space<vmem>>)
      %dma_wait3A_1680 = arith.constant 1 : i32
      %dma_wait3A_1681 = arith.constant 640 : i32
      %dma_wait3A_1682 = arith.constant 0 : i32
      %dma_wait3A_1683 = tpu.memref_slice %arg7[%dma_wait3A_1681, %dma_wait3A_1682] : memref<800x64xf32, #tpu.memory_space<vmem>> -> memref<40x64xf32, #tpu.memory_space<vmem>>
      %dma_wait3A_1684 = arith.constant 0 : i32
      %dma_wait3A_1685 = tpu.memref_slice %arg5[%dma_wait3A_1684] : memref<25600xi32, #tpu.memory_space<vmem>> -> memref<40xi32, #tpu.memory_space<vmem>>
      %dma_wait3A_1686 = arith.constant 0 : i32
      %dma_wait3A_1687 = arith.constant 0 : i32
      %dma_wait3A_1688 = tpu.memref_slice %arg3[%dma_wait3A_1686, %dma_wait3A_1687] : memref<2000000x64xf32, #tpu.memory_space<hbm>> -> memref<2000000x64xf32, #tpu.memory_space<hbm>>
      %dma_wait3A_1689 = tpu.memref_slice %arg8[%dma_wait3A_1680] : memref<2x!tpu.dma_semaphore, #tpu.memory_space<semaphore_mem>> -> memref<1x!tpu.dma_semaphore, #tpu.memory_space<semaphore_mem>>
      %dma_wait3A_1690 = tpu.memref_squeeze %dma_wait3A_1689 : memref<1x!tpu.dma_semaphore, #tpu.memory_space<semaphore_mem>> -> memref<!tpu.dma_semaphore, #tpu.memory_space<semaphore_mem>>
      tpu.wait_indirect_dma semaphore(%dma_wait3A_1690 : memref<!tpu.dma_semaphore, #tpu.memory_space<semaphore_mem>>) src(%dma_wait3A_1688 : memref<2000000x64xf32, #tpu.memory_space<hbm>>) dst(%dma_wait3A_1683 : memref<40x64xf32, #tpu.memory_space<vmem>>)
      %dma_wait3A_1691 = arith.constant 1 : i32
      %dma_wait3A_1692 = arith.constant 680 : i32
      %dma_wait3A_1693 = arith.constant 0 : i32
      %dma_wait3A_1694 = tpu.memref_slice %arg7[%dma_wait3A_1692, %dma_wait3A_1693] : memref<800x64xf32, #tpu.memory_space<vmem>> -> memref<40x64xf32, #tpu.memory_space<vmem>>
      %dma_wait3A_1695 = arith.constant 0 : i32
      %dma_wait3A_1696 = tpu.memref_slice %arg5[%dma_wait3A_1695] : memref<25600xi32, #tpu.memory_space<vmem>> -> memref<40xi32, #tpu.memory_space<vmem>>
      %dma_wait3A_1697 = arith.constant 0 : i32
      %dma_wait3A_1698 = arith.constant 0 : i32
      %dma_wait3A_1699 = tpu.memref_slice %arg3[%dma_wait3A_1697, %dma_wait3A_1698] : memref<2000000x64xf32, #tpu.memory_space<hbm>> -> memref<2000000x64xf32, #tpu.memory_space<hbm>>
      %dma_wait3A_1700 = tpu.memref_slice %arg8[%dma_wait3A_1691] : memref<2x!tpu.dma_semaphore, #tpu.memory_space<semaphore_mem>> -> memref<1x!tpu.dma_semaphore, #tpu.memory_space<semaphore_mem>>
      %dma_wait3A_1701 = tpu.memref_squeeze %dma_wait3A_1700 : memref<1x!tpu.dma_semaphore, #tpu.memory_space<semaphore_mem>> -> memref<!tpu.dma_semaphore, #tpu.memory_space<semaphore_mem>>
      tpu.wait_indirect_dma semaphore(%dma_wait3A_1701 : memref<!tpu.dma_semaphore, #tpu.memory_space<semaphore_mem>>) src(%dma_wait3A_1699 : memref<2000000x64xf32, #tpu.memory_space<hbm>>) dst(%dma_wait3A_1694 : memref<40x64xf32, #tpu.memory_space<vmem>>)
      %dma_wait3A_1702 = arith.constant 1 : i32
      %dma_wait3A_1703 = arith.constant 720 : i32
      %dma_wait3A_1704 = arith.constant 0 : i32
      %dma_wait3A_1705 = tpu.memref_slice %arg7[%dma_wait3A_1703, %dma_wait3A_1704] : memref<800x64xf32, #tpu.memory_space<vmem>> -> memref<40x64xf32, #tpu.memory_space<vmem>>
      %dma_wait3A_1706 = arith.constant 0 : i32
      %dma_wait3A_1707 = tpu.memref_slice %arg5[%dma_wait3A_1706] : memref<25600xi32, #tpu.memory_space<vmem>> -> memref<40xi32, #tpu.memory_space<vmem>>
      %dma_wait3A_1708 = arith.constant 0 : i32
      %dma_wait3A_1709 = arith.constant 0 : i32
      %dma_wait3A_1710 = tpu.memref_slice %arg3[%dma_wait3A_1708, %dma_wait3A_1709] : memref<2000000x64xf32, #tpu.memory_space<hbm>> -> memref<2000000x64xf32, #tpu.memory_space<hbm>>
      %dma_wait3A_1711 = tpu.memref_slice %arg8[%dma_wait3A_1702] : memref<2x!tpu.dma_semaphore, #tpu.memory_space<semaphore_mem>> -> memref<1x!tpu.dma_semaphore, #tpu.memory_space<semaphore_mem>>
      %dma_wait3A_1712 = tpu.memref_squeeze %dma_wait3A_1711 : memref<1x!tpu.dma_semaphore, #tpu.memory_space<semaphore_mem>> -> memref<!tpu.dma_semaphore, #tpu.memory_space<semaphore_mem>>
      tpu.wait_indirect_dma semaphore(%dma_wait3A_1712 : memref<!tpu.dma_semaphore, #tpu.memory_space<semaphore_mem>>) src(%dma_wait3A_1710 : memref<2000000x64xf32, #tpu.memory_space<hbm>>) dst(%dma_wait3A_1705 : memref<40x64xf32, #tpu.memory_space<vmem>>)
      %dma_wait3A_1713 = arith.constant 1 : i32
      %dma_wait3A_1714 = arith.constant 760 : i32
      %dma_wait3A_1715 = arith.constant 0 : i32
      %dma_wait3A_1716 = tpu.memref_slice %arg7[%dma_wait3A_1714, %dma_wait3A_1715] : memref<800x64xf32, #tpu.memory_space<vmem>> -> memref<40x64xf32, #tpu.memory_space<vmem>>
      %dma_wait3A_1717 = arith.constant 0 : i32
      %dma_wait3A_1718 = tpu.memref_slice %arg5[%dma_wait3A_1717] : memref<25600xi32, #tpu.memory_space<vmem>> -> memref<40xi32, #tpu.memory_space<vmem>>
      %dma_wait3A_1719 = arith.constant 0 : i32
      %dma_wait3A_1720 = arith.constant 0 : i32
      %dma_wait3A_1721 = tpu.memref_slice %arg3[%dma_wait3A_1719, %dma_wait3A_1720] : memref<2000000x64xf32, #tpu.memory_space<hbm>> -> memref<2000000x64xf32, #tpu.memory_space<hbm>>
      %dma_wait3A_1722 = tpu.memref_slice %arg8[%dma_wait3A_1713] : memref<2x!tpu.dma_semaphore, #tpu.memory_space<semaphore_mem>> -> memref<1x!tpu.dma_semaphore, #tpu.memory_space<semaphore_mem>>
      %dma_wait3A_1723 = tpu.memref_squeeze %dma_wait3A_1722 : memref<1x!tpu.dma_semaphore, #tpu.memory_space<semaphore_mem>> -> memref<!tpu.dma_semaphore, #tpu.memory_space<semaphore_mem>>
      tpu.wait_indirect_dma semaphore(%dma_wait3A_1723 : memref<!tpu.dma_semaphore, #tpu.memory_space<semaphore_mem>>) src(%dma_wait3A_1721 : memref<2000000x64xf32, #tpu.memory_space<hbm>>) dst(%dma_wait3A_1716 : memref<40x64xf32, #tpu.memory_space<vmem>>)
      %scan3A_1724 = arith.constant 0 : i32
      %scan3A_1725 = arith.constant 800 : i32
      %scan3A_1726 = arith.addi %scan3A_1724, %scan3A_1725 : i32
      %scan3A_1727 = arith.constant 1 : i32
      scf.for %scan3A_2072 = %scan3A_1724 to %scan3A_1726 step %scan3A_1727  : i32 {
        %mul3A_2073 = arith.constant 1 : i32
        %mul3A_2074 = arith.muli %scan3A_2072, %mul3A_2073 : i32
        %add3A_2075 = arith.constant 0 : i32
        %add3A_2076 = arith.addi %add3A_2075, %mul3A_2074 : i32
        %get3A = arith.index_cast %add3A_2076 : i32 to index
        %get3A_2077 = arith.constant 0 : index
        %get3A_2078 = tpu.vector_load %arg7[%get3A, %get3A_2077] {strides = array<i32>} : memref<800x64xf32, #tpu.memory_space<vmem>>, vector<16xf32>,
        %mul3A_2079 = arith.constant 8.000000e+00 : f32
        %mul3A_2080 = vector.broadcast %mul3A_2079 : f32 to vector<16xf32>
        %mul3A_2081 = arith.mulf %get3A_2078, %mul3A_2080 : vector<16xf32>
        %swap3A = arith.index_cast %add3A_2076 : i32 to index
        %swap3A_2082 = arith.constant 0 : index
        %swap3A_2083 = tpu.vector_load %arg7[%swap3A, %swap3A_2082] {strides = array<i32>} : memref<800x64xf32, #tpu.memory_space<vmem>>, vector<16xf32>,
        tpu.vector_store %arg7[%swap3A, %swap3A_2082], %mul3A_2081 {strides = array<i32>} : memref<800x64xf32, #tpu.memory_space<vmem>>, vector<16xf32>,
        %get3A_2084 = arith.index_cast %add3A_2076 : i32 to index
        %get3A_2085 = arith.constant 16 : index
        %get3A_2086 = tpu.vector_load %arg7[%get3A_2084, %get3A_2085] {strides = array<i32>} : memref<800x64xf32, #tpu.memory_space<vmem>>, vector<16xf32>,
        %mul3A_2087 = arith.constant 8.000000e+00 : f32
        %mul3A_2088 = vector.broadcast %mul3A_2087 : f32 to vector<16xf32>
        %mul3A_2089 = arith.mulf %get3A_2086, %mul3A_2088 : vector<16xf32>
        %swap3A_2090 = arith.index_cast %add3A_2076 : i32 to index
        %swap3A_2091 = arith.constant 16 : index
        %swap3A_2092 = tpu.vector_load %arg7[%swap3A_2090, %swap3A_2091] {strides = array<i32>} : memref<800x64xf32, #tpu.memory_space<vmem>>, vector<16xf32>,
        tpu.vector_store %arg7[%swap3A_2090, %swap3A_2091], %mul3A_2089 {strides = array<i32>} : memref<800x64xf32, #tpu.memory_space<vmem>>, vector<16xf32>,
        %get3A_2093 = arith.index_cast %add3A_2076 : i32 to index
        %get3A_2094 = arith.constant 32 : index
        %get3A_2095 = tpu.vector_load %arg7[%get3A_2093, %get3A_2094] {strides = array<i32>} : memref<800x64xf32, #tpu.memory_space<vmem>>, vector<16xf32>,
        %mul3A_2096 = arith.constant 8.000000e+00 : f32
        %mul3A_2097 = vector.broadcast %mul3A_2096 : f32 to vector<16xf32>
        %mul3A_2098 = arith.mulf %get3A_2095, %mul3A_2097 : vector<16xf32>
        %swap3A_2099 = arith.index_cast %add3A_2076 : i32 to index
        %swap3A_2100 = arith.constant 32 : index
        %swap3A_2101 = tpu.vector_load %arg7[%swap3A_2099, %swap3A_2100] {strides = array<i32>} : memref<800x64xf32, #tpu.memory_space<vmem>>, vector<16xf32>,
        tpu.vector_store %arg7[%swap3A_2099, %swap3A_2100], %mul3A_2098 {strides = array<i32>} : memref<800x64xf32, #tpu.memory_space<vmem>>, vector<16xf32>,
        %get3A_2102 = arith.index_cast %add3A_2076 : i32 to index
        %get3A_2103 = arith.constant 48 : index
        %get3A_2104 = tpu.vector_load %arg7[%get3A_2102, %get3A_2103] {strides = array<i32>} : memref<800x64xf32, #tpu.memory_space<vmem>>, vector<16xf32>,
        %mul3A_2105 = arith.constant 8.000000e+00 : f32
        %mul3A_2106 = vector.broadcast %mul3A_2105 : f32 to vector<16xf32>
        %mul3A_2107 = arith.mulf %get3A_2104, %mul3A_2106 : vector<16xf32>
        %swap3A_2108 = arith.index_cast %add3A_2076 : i32 to index
        %swap3A_2109 = arith.constant 48 : index
        %swap3A_2110 = tpu.vector_load %arg7[%swap3A_2108, %swap3A_2109] {strides = array<i32>} : memref<800x64xf32, #tpu.memory_space<vmem>>, vector<16xf32>,
        tpu.vector_store %arg7[%swap3A_2108, %swap3A_2109], %mul3A_2107 {strides = array<i32>} : memref<800x64xf32, #tpu.memory_space<vmem>>, vector<16xf32>,
      }
      %scan3A_1728 = arith.constant 800 : i32
      %add3A_1729 = arith.constant 1 : i32
      %add3A_1730 = arith.addi %mul3A_935, %add3A_1729 : i32
      %mul3A_1731 = arith.constant 800 : i32
      %mul3A_1732 = arith.muli %add3A_1730, %mul3A_1731 : i32
      %add3A_1733 = arith.addi %mul3A_4, %mul3A_1732 : i32
      %dma_start3A_1734 = arith.constant 1 : i32
      %dma_start3A_1735 = arith.constant 0 : i32
      %dma_start3A_1736 = tpu.memref_slice %arg4[%add3A_1733, %dma_start3A_1735] : memref<819200x128xf32, #tpu.memory_space<hbm>> -> memref<800x64xf32, #tpu.memory_space<hbm>>
      %dma_start3A_1737 = tpu.memref_slice %arg9[%dma_start3A_1734] : memref<2x!tpu.dma_semaphore, #tpu.memory_space<semaphore_mem>> -> memref<1x!tpu.dma_semaphore, #tpu.memory_space<semaphore_mem>>
      %dma_start3A_1738 = tpu.memref_squeeze %dma_start3A_1737 : memref<1x!tpu.dma_semaphore, #tpu.memory_space<semaphore_mem>> -> memref<!tpu.dma_semaphore, #tpu.memory_space<semaphore_mem>>
      %dma_start3A_1739 = arith.constant 0 : i32
      %dma_start3A_1740 = tpu.memref_slice %arg4[%add3A_1733, %dma_start3A_1739] : memref<819200x128xf32, #tpu.memory_space<hbm>> -> memref<800x64xf32, #tpu.memory_space<hbm>>
      tpu.enqueue_dma source(%arg7 : memref<800x64xf32, #tpu.memory_space<vmem>>) target(%dma_start3A_1740 : memref<800x64xf32, #tpu.memory_space<hbm>>) target_semaphore(%dma_start3A_1738 : memref<!tpu.dma_semaphore, #tpu.memory_space<semaphore_mem>>)
      %dma_wait3A_1741 = arith.constant 1 : i32
      %dma_wait3A_1742 = arith.constant 0 : i32
      %dma_wait3A_1743 = tpu.memref_slice %arg4[%mul3A_4, %dma_wait3A_1742] : memref<819200x128xf32, #tpu.memory_space<hbm>> -> memref<800x64xf32, #tpu.memory_space<hbm>>
      %dma_wait3A_1744 = tpu.memref_slice %arg9[%dma_wait3A_1741] : memref<2x!tpu.dma_semaphore, #tpu.memory_space<semaphore_mem>> -> memref<1x!tpu.dma_semaphore, #tpu.memory_space<semaphore_mem>>
      %dma_wait3A_1745 = tpu.memref_squeeze %dma_wait3A_1744 : memref<1x!tpu.dma_semaphore, #tpu.memory_space<semaphore_mem>> -> memref<!tpu.dma_semaphore, #tpu.memory_space<semaphore_mem>>
      %dma_wait3A_1746 = arith.constant 0 : i32
      %dma_wait3A_1747 = tpu.memref_slice %arg4[%mul3A_4, %dma_wait3A_1746] : memref<819200x128xf32, #tpu.memory_space<hbm>> -> memref<800x64xf32, #tpu.memory_space<hbm>>
      tpu.wait_dma2 semaphore(%dma_wait3A_1745 : memref<!tpu.dma_semaphore, #tpu.memory_space<semaphore_mem>>) src(%arg7 : memref<800x64xf32, #tpu.memory_space<vmem>>) dst(%dma_wait3A_1747 : memref<800x64xf32, #tpu.memory_space<hbm>>)
      %add3A_1748 = arith.constant 1 : i32
      %add3A_1749 = arith.addi %mul3A_935, %add3A_1748 : i32
      %add3A_1750 = arith.constant 2 : i32
      %add3A_1751 = arith.addi %add3A_1749, %add3A_1750 : i32
      %mul3A_1752 = arith.constant 20 : i32
      %mul3A_1753 = arith.muli %add3A_1751, %mul3A_1752 : i32
      %add3A_1754 = arith.constant 0 : i32
      %add3A_1755 = arith.addi %mul3A_1753, %add3A_1754 : i32
      %mul3A_1756 = arith.constant 40 : i32
      %mul3A_1757 = arith.muli %add3A_1755, %mul3A_1756 : i32
      %dma_start3A_1758 = arith.constant 1 : i32
      %dma_start3A_1759 = arith.constant 0 : i32
      %dma_start3A_1760 = arith.constant 0 : i32
      %dma_start3A_1761 = tpu.memref_slice %arg7[%dma_start3A_1759, %dma_start3A_1760] : memref<800x64xf32, #tpu.memory_space<vmem>> -> memref<40x64xf32, #tpu.memory_space<vmem>>
      %dma_start3A_1762 = tpu.memref_slice %arg5[%mul3A_1757] : memref<25600xi32, #tpu.memory_space<vmem>> -> memref<40xi32, #tpu.memory_space<vmem>>
      %dma_start3A_1763 = arith.constant 0 : i32
      %dma_start3A_1764 = arith.constant 0 : i32
      %dma_start3A_1765 = tpu.memref_slice %arg3[%dma_start3A_1763, %dma_start3A_1764] : memref<2000000x64xf32, #tpu.memory_space<hbm>> -> memref<2000000x64xf32, #tpu.memory_space<hbm>>
      %dma_start3A_1766 = tpu.memref_slice %arg8[%dma_start3A_1758] : memref<2x!tpu.dma_semaphore, #tpu.memory_space<semaphore_mem>> -> memref<1x!tpu.dma_semaphore, #tpu.memory_space<semaphore_mem>>
      %dma_start3A_1767 = tpu.memref_squeeze %dma_start3A_1766 : memref<1x!tpu.dma_semaphore, #tpu.memory_space<semaphore_mem>> -> memref<!tpu.dma_semaphore, #tpu.memory_space<semaphore_mem>>
      tpu.enqueue_indirect_dma source(%dma_start3A_1765 : memref<2000000x64xf32, #tpu.memory_space<hbm>>) target(%dma_start3A_1761 : memref<40x64xf32, #tpu.memory_space<vmem>>) offsets(%dma_start3A_1762 : memref<40xi32, #tpu.memory_space<vmem>>) semaphore(%dma_start3A_1767 : memref<!tpu.dma_semaphore, #tpu.memory_space<semaphore_mem>>)
      %mul3A_1768 = arith.constant 20 : i32
      %mul3A_1769 = arith.muli %add3A_1751, %mul3A_1768 : i32
      %add3A_1770 = arith.constant 1 : i32
      %add3A_1771 = arith.addi %mul3A_1769, %add3A_1770 : i32
      %mul3A_1772 = arith.constant 40 : i32
      %mul3A_1773 = arith.muli %add3A_1771, %mul3A_1772 : i32
      %dma_start3A_1774 = arith.constant 1 : i32
      %dma_start3A_1775 = arith.constant 40 : i32
      %dma_start3A_1776 = arith.constant 0 : i32
      %dma_start3A_1777 = tpu.memref_slice %arg7[%dma_start3A_1775, %dma_start3A_1776] : memref<800x64xf32, #tpu.memory_space<vmem>> -> memref<40x64xf32, #tpu.memory_space<vmem>>
      %dma_start3A_1778 = tpu.memref_slice %arg5[%mul3A_1773] : memref<25600xi32, #tpu.memory_space<vmem>> -> memref<40xi32, #tpu.memory_space<vmem>>
      %dma_start3A_1779 = arith.constant 0 : i32
      %dma_start3A_1780 = arith.constant 0 : i32
      %dma_start3A_1781 = tpu.memref_slice %arg3[%dma_start3A_1779, %dma_start3A_1780] : memref<2000000x64xf32, #tpu.memory_space<hbm>> -> memref<2000000x64xf32, #tpu.memory_space<hbm>>
      %dma_start3A_1782 = tpu.memref_slice %arg8[%dma_start3A_1774] : memref<2x!tpu.dma_semaphore, #tpu.memory_space<semaphore_mem>> -> memref<1x!tpu.dma_semaphore, #tpu.memory_space<semaphore_mem>>
      %dma_start3A_1783 = tpu.memref_squeeze %dma_start3A_1782 : memref<1x!tpu.dma_semaphore, #tpu.memory_space<semaphore_mem>> -> memref<!tpu.dma_semaphore, #tpu.memory_space<semaphore_mem>>
      tpu.enqueue_indirect_dma source(%dma_start3A_1781 : memref<2000000x64xf32, #tpu.memory_space<hbm>>) target(%dma_start3A_1777 : memref<40x64xf32, #tpu.memory_space<vmem>>) offsets(%dma_start3A_1778 : memref<40xi32, #tpu.memory_space<vmem>>) semaphore(%dma_start3A_1783 : memref<!tpu.dma_semaphore, #tpu.memory_space<semaphore_mem>>)
      %mul3A_1784 = arith.constant 20 : i32
      %mul3A_1785 = arith.muli %add3A_1751, %mul3A_1784 : i32
      %add3A_1786 = arith.constant 2 : i32
      %add3A_1787 = arith.addi %mul3A_1785, %add3A_1786 : i32
      %mul3A_1788 = arith.constant 40 : i32
      %mul3A_1789 = arith.muli %add3A_1787, %mul3A_1788 : i32
      %dma_start3A_1790 = arith.constant 1 : i32
      %dma_start3A_1791 = arith.constant 80 : i32
      %dma_start3A_1792 = arith.constant 0 : i32
      %dma_start3A_1793 = tpu.memref_slice %arg7[%dma_start3A_1791, %dma_start3A_1792] : memref<800x64xf32, #tpu.memory_space<vmem>> -> memref<40x64xf32, #tpu.memory_space<vmem>>
      %dma_start3A_1794 = tpu.memref_slice %arg5[%mul3A_1789] : memref<25600xi32, #tpu.memory_space<vmem>> -> memref<40xi32, #tpu.memory_space<vmem>>
      %dma_start3A_1795 = arith.constant 0 : i32
      %dma_start3A_1796 = arith.constant 0 : i32
      %dma_start3A_1797 = tpu.memref_slice %arg3[%dma_start3A_1795, %dma_start3A_1796] : memref<2000000x64xf32, #tpu.memory_space<hbm>> -> memref<2000000x64xf32, #tpu.memory_space<hbm>>
      %dma_start3A_1798 = tpu.memref_slice %arg8[%dma_start3A_1790] : memref<2x!tpu.dma_semaphore, #tpu.memory_space<semaphore_mem>> -> memref<1x!tpu.dma_semaphore, #tpu.memory_space<semaphore_mem>>
      %dma_start3A_1799 = tpu.memref_squeeze %dma_start3A_1798 : memref<1x!tpu.dma_semaphore, #tpu.memory_space<semaphore_mem>> -> memref<!tpu.dma_semaphore, #tpu.memory_space<semaphore_mem>>
      tpu.enqueue_indirect_dma source(%dma_start3A_1797 : memref<2000000x64xf32, #tpu.memory_space<hbm>>) target(%dma_start3A_1793 : memref<40x64xf32, #tpu.memory_space<vmem>>) offsets(%dma_start3A_1794 : memref<40xi32, #tpu.memory_space<vmem>>) semaphore(%dma_start3A_1799 : memref<!tpu.dma_semaphore, #tpu.memory_space<semaphore_mem>>)
      %mul3A_1800 = arith.constant 20 : i32
      %mul3A_1801 = arith.muli %add3A_1751, %mul3A_1800 : i32
      %add3A_1802 = arith.constant 3 : i32
      %add3A_1803 = arith.addi %mul3A_1801, %add3A_1802 : i32
      %mul3A_1804 = arith.constant 40 : i32
      %mul3A_1805 = arith.muli %add3A_1803, %mul3A_1804 : i32
      %dma_start3A_1806 = arith.constant 1 : i32
      %dma_start3A_1807 = arith.constant 120 : i32
      %dma_start3A_1808 = arith.constant 0 : i32
      %dma_start3A_1809 = tpu.memref_slice %arg7[%dma_start3A_1807, %dma_start3A_1808] : memref<800x64xf32, #tpu.memory_space<vmem>> -> memref<40x64xf32, #tpu.memory_space<vmem>>
      %dma_start3A_1810 = tpu.memref_slice %arg5[%mul3A_1805] : memref<25600xi32, #tpu.memory_space<vmem>> -> memref<40xi32, #tpu.memory_space<vmem>>
      %dma_start3A_1811 = arith.constant 0 : i32
      %dma_start3A_1812 = arith.constant 0 : i32
      %dma_start3A_1813 = tpu.memref_slice %arg3[%dma_start3A_1811, %dma_start3A_1812] : memref<2000000x64xf32, #tpu.memory_space<hbm>> -> memref<2000000x64xf32, #tpu.memory_space<hbm>>
      %dma_start3A_1814 = tpu.memref_slice %arg8[%dma_start3A_1806] : memref<2x!tpu.dma_semaphore, #tpu.memory_space<semaphore_mem>> -> memref<1x!tpu.dma_semaphore, #tpu.memory_space<semaphore_mem>>
      %dma_start3A_1815 = tpu.memref_squeeze %dma_start3A_1814 : memref<1x!tpu.dma_semaphore, #tpu.memory_space<semaphore_mem>> -> memref<!tpu.dma_semaphore, #tpu.memory_space<semaphore_mem>>
      tpu.enqueue_indirect_dma source(%dma_start3A_1813 : memref<2000000x64xf32, #tpu.memory_space<hbm>>) target(%dma_start3A_1809 : memref<40x64xf32, #tpu.memory_space<vmem>>) offsets(%dma_start3A_1810 : memref<40xi32, #tpu.memory_space<vmem>>) semaphore(%dma_start3A_1815 : memref<!tpu.dma_semaphore, #tpu.memory_space<semaphore_mem>>)
      %mul3A_1816 = arith.constant 20 : i32
      %mul3A_1817 = arith.muli %add3A_1751, %mul3A_1816 : i32
      %add3A_1818 = arith.constant 4 : i32
      %add3A_1819 = arith.addi %mul3A_1817, %add3A_1818 : i32
      %mul3A_1820 = arith.constant 40 : i32
      %mul3A_1821 = arith.muli %add3A_1819, %mul3A_1820 : i32
      %dma_start3A_1822 = arith.constant 1 : i32
      %dma_start3A_1823 = arith.constant 160 : i32
      %dma_start3A_1824 = arith.constant 0 : i32
      %dma_start3A_1825 = tpu.memref_slice %arg7[%dma_start3A_1823, %dma_start3A_1824] : memref<800x64xf32, #tpu.memory_space<vmem>> -> memref<40x64xf32, #tpu.memory_space<vmem>>
      %dma_start3A_1826 = tpu.memref_slice %arg5[%mul3A_1821] : memref<25600xi32, #tpu.memory_space<vmem>> -> memref<40xi32, #tpu.memory_space<vmem>>
      %dma_start3A_1827 = arith.constant 0 : i32
      %dma_start3A_1828 = arith.constant 0 : i32
      %dma_start3A_1829 = tpu.memref_slice %arg3[%dma_start3A_1827, %dma_start3A_1828] : memref<2000000x64xf32, #tpu.memory_space<hbm>> -> memref<2000000x64xf32, #tpu.memory_space<hbm>>
      %dma_start3A_1830 = tpu.memref_slice %arg8[%dma_start3A_1822] : memref<2x!tpu.dma_semaphore, #tpu.memory_space<semaphore_mem>> -> memref<1x!tpu.dma_semaphore, #tpu.memory_space<semaphore_mem>>
      %dma_start3A_1831 = tpu.memref_squeeze %dma_start3A_1830 : memref<1x!tpu.dma_semaphore, #tpu.memory_space<semaphore_mem>> -> memref<!tpu.dma_semaphore, #tpu.memory_space<semaphore_mem>>
      tpu.enqueue_indirect_dma source(%dma_start3A_1829 : memref<2000000x64xf32, #tpu.memory_space<hbm>>) target(%dma_start3A_1825 : memref<40x64xf32, #tpu.memory_space<vmem>>) offsets(%dma_start3A_1826 : memref<40xi32, #tpu.memory_space<vmem>>) semaphore(%dma_start3A_1831 : memref<!tpu.dma_semaphore, #tpu.memory_space<semaphore_mem>>)
      %mul3A_1832 = arith.constant 20 : i32
      %mul3A_1833 = arith.muli %add3A_1751, %mul3A_1832 : i32
      %add3A_1834 = arith.constant 5 : i32
      %add3A_1835 = arith.addi %mul3A_1833, %add3A_1834 : i32
      %mul3A_1836 = arith.constant 40 : i32
      %mul3A_1837 = arith.muli %add3A_1835, %mul3A_1836 : i32
      %dma_start3A_1838 = arith.constant 1 : i32
      %dma_start3A_1839 = arith.constant 200 : i32
      %dma_start3A_1840 = arith.constant 0 : i32
      %dma_start3A_1841 = tpu.memref_slice %arg7[%dma_start3A_1839, %dma_start3A_1840] : memref<800x64xf32, #tpu.memory_space<vmem>> -> memref<40x64xf32, #tpu.memory_space<vmem>>
      %dma_start3A_1842 = tpu.memref_slice %arg5[%mul3A_1837] : memref<25600xi32, #tpu.memory_space<vmem>> -> memref<40xi32, #tpu.memory_space<vmem>>
      %dma_start3A_1843 = arith.constant 0 : i32
      %dma_start3A_1844 = arith.constant 0 : i32
      %dma_start3A_1845 = tpu.memref_slice %arg3[%dma_start3A_1843, %dma_start3A_1844] : memref<2000000x64xf32, #tpu.memory_space<hbm>> -> memref<2000000x64xf32, #tpu.memory_space<hbm>>
      %dma_start3A_1846 = tpu.memref_slice %arg8[%dma_start3A_1838] : memref<2x!tpu.dma_semaphore, #tpu.memory_space<semaphore_mem>> -> memref<1x!tpu.dma_semaphore, #tpu.memory_space<semaphore_mem>>
      %dma_start3A_1847 = tpu.memref_squeeze %dma_start3A_1846 : memref<1x!tpu.dma_semaphore, #tpu.memory_space<semaphore_mem>> -> memref<!tpu.dma_semaphore, #tpu.memory_space<semaphore_mem>>
      tpu.enqueue_indirect_dma source(%dma_start3A_1845 : memref<2000000x64xf32, #tpu.memory_space<hbm>>) target(%dma_start3A_1841 : memref<40x64xf32, #tpu.memory_space<vmem>>) offsets(%dma_start3A_1842 : memref<40xi32, #tpu.memory_space<vmem>>) semaphore(%dma_start3A_1847 : memref<!tpu.dma_semaphore, #tpu.memory_space<semaphore_mem>>)
      %mul3A_1848 = arith.constant 20 : i32
      %mul3A_1849 = arith.muli %add3A_1751, %mul3A_1848 : i32
      %add3A_1850 = arith.constant 6 : i32
      %add3A_1851 = arith.addi %mul3A_1849, %add3A_1850 : i32
      %mul3A_1852 = arith.constant 40 : i32
      %mul3A_1853 = arith.muli %add3A_1851, %mul3A_1852 : i32
      %dma_start3A_1854 = arith.constant 1 : i32
      %dma_start3A_1855 = arith.constant 240 : i32
      %dma_start3A_1856 = arith.constant 0 : i32
      %dma_start3A_1857 = tpu.memref_slice %arg7[%dma_start3A_1855, %dma_start3A_1856] : memref<800x64xf32, #tpu.memory_space<vmem>> -> memref<40x64xf32, #tpu.memory_space<vmem>>
      %dma_start3A_1858 = tpu.memref_slice %arg5[%mul3A_1853] : memref<25600xi32, #tpu.memory_space<vmem>> -> memref<40xi32, #tpu.memory_space<vmem>>
      %dma_start3A_1859 = arith.constant 0 : i32
      %dma_start3A_1860 = arith.constant 0 : i32
      %dma_start3A_1861 = tpu.memref_slice %arg3[%dma_start3A_1859, %dma_start3A_1860] : memref<2000000x64xf32, #tpu.memory_space<hbm>> -> memref<2000000x64xf32, #tpu.memory_space<hbm>>
      %dma_start3A_1862 = tpu.memref_slice %arg8[%dma_start3A_1854] : memref<2x!tpu.dma_semaphore, #tpu.memory_space<semaphore_mem>> -> memref<1x!tpu.dma_semaphore, #tpu.memory_space<semaphore_mem>>
      %dma_start3A_1863 = tpu.memref_squeeze %dma_start3A_1862 : memref<1x!tpu.dma_semaphore, #tpu.memory_space<semaphore_mem>> -> memref<!tpu.dma_semaphore, #tpu.memory_space<semaphore_mem>>
      tpu.enqueue_indirect_dma source(%dma_start3A_1861 : memref<2000000x64xf32, #tpu.memory_space<hbm>>) target(%dma_start3A_1857 : memref<40x64xf32, #tpu.memory_space<vmem>>) offsets(%dma_start3A_1858 : memref<40xi32, #tpu.memory_space<vmem>>) semaphore(%dma_start3A_1863 : memref<!tpu.dma_semaphore, #tpu.memory_space<semaphore_mem>>)
      %mul3A_1864 = arith.constant 20 : i32
      %mul3A_1865 = arith.muli %add3A_1751, %mul3A_1864 : i32
      %add3A_1866 = arith.constant 7 : i32
      %add3A_1867 = arith.addi %mul3A_1865, %add3A_1866 : i32
      %mul3A_1868 = arith.constant 40 : i32
      %mul3A_1869 = arith.muli %add3A_1867, %mul3A_1868 : i32
      %dma_start3A_1870 = arith.constant 1 : i32
      %dma_start3A_1871 = arith.constant 280 : i32
      %dma_start3A_1872 = arith.constant 0 : i32
      %dma_start3A_1873 = tpu.memref_slice %arg7[%dma_start3A_1871, %dma_start3A_1872] : memref<800x64xf32, #tpu.memory_space<vmem>> -> memref<40x64xf32, #tpu.memory_space<vmem>>
      %dma_start3A_1874 = tpu.memref_slice %arg5[%mul3A_1869] : memref<25600xi32, #tpu.memory_space<vmem>> -> memref<40xi32, #tpu.memory_space<vmem>>
      %dma_start3A_1875 = arith.constant 0 : i32
      %dma_start3A_1876 = arith.constant 0 : i32
      %dma_start3A_1877 = tpu.memref_slice %arg3[%dma_start3A_1875, %dma_start3A_1876] : memref<2000000x64xf32, #tpu.memory_space<hbm>> -> memref<2000000x64xf32, #tpu.memory_space<hbm>>
      %dma_start3A_1878 = tpu.memref_slice %arg8[%dma_start3A_1870] : memref<2x!tpu.dma_semaphore, #tpu.memory_space<semaphore_mem>> -> memref<1x!tpu.dma_semaphore, #tpu.memory_space<semaphore_mem>>
      %dma_start3A_1879 = tpu.memref_squeeze %dma_start3A_1878 : memref<1x!tpu.dma_semaphore, #tpu.memory_space<semaphore_mem>> -> memref<!tpu.dma_semaphore, #tpu.memory_space<semaphore_mem>>
      tpu.enqueue_indirect_dma source(%dma_start3A_1877 : memref<2000000x64xf32, #tpu.memory_space<hbm>>) target(%dma_start3A_1873 : memref<40x64xf32, #tpu.memory_space<vmem>>) offsets(%dma_start3A_1874 : memref<40xi32, #tpu.memory_space<vmem>>) semaphore(%dma_start3A_1879 : memref<!tpu.dma_semaphore, #tpu.memory_space<semaphore_mem>>)
      %mul3A_1880 = arith.constant 20 : i32
      %mul3A_1881 = arith.muli %add3A_1751, %mul3A_1880 : i32
      %add3A_1882 = arith.constant 8 : i32
      %add3A_1883 = arith.addi %mul3A_1881, %add3A_1882 : i32
      %mul3A_1884 = arith.constant 40 : i32
      %mul3A_1885 = arith.muli %add3A_1883, %mul3A_1884 : i32
      %dma_start3A_1886 = arith.constant 1 : i32
      %dma_start3A_1887 = arith.constant 320 : i32
      %dma_start3A_1888 = arith.constant 0 : i32
      %dma_start3A_1889 = tpu.memref_slice %arg7[%dma_start3A_1887, %dma_start3A_1888] : memref<800x64xf32, #tpu.memory_space<vmem>> -> memref<40x64xf32, #tpu.memory_space<vmem>>
      %dma_start3A_1890 = tpu.memref_slice %arg5[%mul3A_1885] : memref<25600xi32, #tpu.memory_space<vmem>> -> memref<40xi32, #tpu.memory_space<vmem>>
      %dma_start3A_1891 = arith.constant 0 : i32
      %dma_start3A_1892 = arith.constant 0 : i32
      %dma_start3A_1893 = tpu.memref_slice %arg3[%dma_start3A_1891, %dma_start3A_1892] : memref<2000000x64xf32, #tpu.memory_space<hbm>> -> memref<2000000x64xf32, #tpu.memory_space<hbm>>
      %dma_start3A_1894 = tpu.memref_slice %arg8[%dma_start3A_1886] : memref<2x!tpu.dma_semaphore, #tpu.memory_space<semaphore_mem>> -> memref<1x!tpu.dma_semaphore, #tpu.memory_space<semaphore_mem>>
      %dma_start3A_1895 = tpu.memref_squeeze %dma_start3A_1894 : memref<1x!tpu.dma_semaphore, #tpu.memory_space<semaphore_mem>> -> memref<!tpu.dma_semaphore, #tpu.memory_space<semaphore_mem>>
      tpu.enqueue_indirect_dma source(%dma_start3A_1893 : memref<2000000x64xf32, #tpu.memory_space<hbm>>) target(%dma_start3A_1889 : memref<40x64xf32, #tpu.memory_space<vmem>>) offsets(%dma_start3A_1890 : memref<40xi32, #tpu.memory_space<vmem>>) semaphore(%dma_start3A_1895 : memref<!tpu.dma_semaphore, #tpu.memory_space<semaphore_mem>>)
      %mul3A_1896 = arith.constant 20 : i32
      %mul3A_1897 = arith.muli %add3A_1751, %mul3A_1896 : i32
      %add3A_1898 = arith.constant 9 : i32
      %add3A_1899 = arith.addi %mul3A_1897, %add3A_1898 : i32
      %mul3A_1900 = arith.constant 40 : i32
      %mul3A_1901 = arith.muli %add3A_1899, %mul3A_1900 : i32
      %dma_start3A_1902 = arith.constant 1 : i32
      %dma_start3A_1903 = arith.constant 360 : i32
      %dma_start3A_1904 = arith.constant 0 : i32
      %dma_start3A_1905 = tpu.memref_slice %arg7[%dma_start3A_1903, %dma_start3A_1904] : memref<800x64xf32, #tpu.memory_space<vmem>> -> memref<40x64xf32, #tpu.memory_space<vmem>>
      %dma_start3A_1906 = tpu.memref_slice %arg5[%mul3A_1901] : memref<25600xi32, #tpu.memory_space<vmem>> -> memref<40xi32, #tpu.memory_space<vmem>>
      %dma_start3A_1907 = arith.constant 0 : i32
      %dma_start3A_1908 = arith.constant 0 : i32
      %dma_start3A_1909 = tpu.memref_slice %arg3[%dma_start3A_1907, %dma_start3A_1908] : memref<2000000x64xf32, #tpu.memory_space<hbm>> -> memref<2000000x64xf32, #tpu.memory_space<hbm>>
      %dma_start3A_1910 = tpu.memref_slice %arg8[%dma_start3A_1902] : memref<2x!tpu.dma_semaphore, #tpu.memory_space<semaphore_mem>> -> memref<1x!tpu.dma_semaphore, #tpu.memory_space<semaphore_mem>>
      %dma_start3A_1911 = tpu.memref_squeeze %dma_start3A_1910 : memref<1x!tpu.dma_semaphore, #tpu.memory_space<semaphore_mem>> -> memref<!tpu.dma_semaphore, #tpu.memory_space<semaphore_mem>>
      tpu.enqueue_indirect_dma source(%dma_start3A_1909 : memref<2000000x64xf32, #tpu.memory_space<hbm>>) target(%dma_start3A_1905 : memref<40x64xf32, #tpu.memory_space<vmem>>) offsets(%dma_start3A_1906 : memref<40xi32, #tpu.memory_space<vmem>>) semaphore(%dma_start3A_1911 : memref<!tpu.dma_semaphore, #tpu.memory_space<semaphore_mem>>)
      %mul3A_1912 = arith.constant 20 : i32
      %mul3A_1913 = arith.muli %add3A_1751, %mul3A_1912 : i32
      %add3A_1914 = arith.constant 10 : i32
      %add3A_1915 = arith.addi %mul3A_1913, %add3A_1914 : i32
      %mul3A_1916 = arith.constant 40 : i32
      %mul3A_1917 = arith.muli %add3A_1915, %mul3A_1916 : i32
      %dma_start3A_1918 = arith.constant 1 : i32
      %dma_start3A_1919 = arith.constant 400 : i32
      %dma_start3A_1920 = arith.constant 0 : i32
      %dma_start3A_1921 = tpu.memref_slice %arg7[%dma_start3A_1919, %dma_start3A_1920] : memref<800x64xf32, #tpu.memory_space<vmem>> -> memref<40x64xf32, #tpu.memory_space<vmem>>
      %dma_start3A_1922 = tpu.memref_slice %arg5[%mul3A_1917] : memref<25600xi32, #tpu.memory_space<vmem>> -> memref<40xi32, #tpu.memory_space<vmem>>
      %dma_start3A_1923 = arith.constant 0 : i32
      %dma_start3A_1924 = arith.constant 0 : i32
      %dma_start3A_1925 = tpu.memref_slice %arg3[%dma_start3A_1923, %dma_start3A_1924] : memref<2000000x64xf32, #tpu.memory_space<hbm>> -> memref<2000000x64xf32, #tpu.memory_space<hbm>>
      %dma_start3A_1926 = tpu.memref_slice %arg8[%dma_start3A_1918] : memref<2x!tpu.dma_semaphore, #tpu.memory_space<semaphore_mem>> -> memref<1x!tpu.dma_semaphore, #tpu.memory_space<semaphore_mem>>
      %dma_start3A_1927 = tpu.memref_squeeze %dma_start3A_1926 : memref<1x!tpu.dma_semaphore, #tpu.memory_space<semaphore_mem>> -> memref<!tpu.dma_semaphore, #tpu.memory_space<semaphore_mem>>
      tpu.enqueue_indirect_dma source(%dma_start3A_1925 : memref<2000000x64xf32, #tpu.memory_space<hbm>>) target(%dma_start3A_1921 : memref<40x64xf32, #tpu.memory_space<vmem>>) offsets(%dma_start3A_1922 : memref<40xi32, #tpu.memory_space<vmem>>) semaphore(%dma_start3A_1927 : memref<!tpu.dma_semaphore, #tpu.memory_space<semaphore_mem>>)
      %mul3A_1928 = arith.constant 20 : i32
      %mul3A_1929 = arith.muli %add3A_1751, %mul3A_1928 : i32
      %add3A_1930 = arith.constant 11 : i32
      %add3A_1931 = arith.addi %mul3A_1929, %add3A_1930 : i32
      %mul3A_1932 = arith.constant 40 : i32
      %mul3A_1933 = arith.muli %add3A_1931, %mul3A_1932 : i32
      %dma_start3A_1934 = arith.constant 1 : i32
      %dma_start3A_1935 = arith.constant 440 : i32
      %dma_start3A_1936 = arith.constant 0 : i32
      %dma_start3A_1937 = tpu.memref_slice %arg7[%dma_start3A_1935, %dma_start3A_1936] : memref<800x64xf32, #tpu.memory_space<vmem>> -> memref<40x64xf32, #tpu.memory_space<vmem>>
      %dma_start3A_1938 = tpu.memref_slice %arg5[%mul3A_1933] : memref<25600xi32, #tpu.memory_space<vmem>> -> memref<40xi32, #tpu.memory_space<vmem>>
      %dma_start3A_1939 = arith.constant 0 : i32
      %dma_start3A_1940 = arith.constant 0 : i32
      %dma_start3A_1941 = tpu.memref_slice %arg3[%dma_start3A_1939, %dma_start3A_1940] : memref<2000000x64xf32, #tpu.memory_space<hbm>> -> memref<2000000x64xf32, #tpu.memory_space<hbm>>
      %dma_start3A_1942 = tpu.memref_slice %arg8[%dma_start3A_1934] : memref<2x!tpu.dma_semaphore, #tpu.memory_space<semaphore_mem>> -> memref<1x!tpu.dma_semaphore, #tpu.memory_space<semaphore_mem>>
      %dma_start3A_1943 = tpu.memref_squeeze %dma_start3A_1942 : memref<1x!tpu.dma_semaphore, #tpu.memory_space<semaphore_mem>> -> memref<!tpu.dma_semaphore, #tpu.memory_space<semaphore_mem>>
      tpu.enqueue_indirect_dma source(%dma_start3A_1941 : memref<2000000x64xf32, #tpu.memory_space<hbm>>) target(%dma_start3A_1937 : memref<40x64xf32, #tpu.memory_space<vmem>>) offsets(%dma_start3A_1938 : memref<40xi32, #tpu.memory_space<vmem>>) semaphore(%dma_start3A_1943 : memref<!tpu.dma_semaphore, #tpu.memory_space<semaphore_mem>>)
      %mul3A_1944 = arith.constant 20 : i32
      %mul3A_1945 = arith.muli %add3A_1751, %mul3A_1944 : i32
      %add3A_1946 = arith.constant 12 : i32
      %add3A_1947 = arith.addi %mul3A_1945, %add3A_1946 : i32
      %mul3A_1948 = arith.constant 40 : i32
      %mul3A_1949 = arith.muli %add3A_1947, %mul3A_1948 : i32
      %dma_start3A_1950 = arith.constant 1 : i32
      %dma_start3A_1951 = arith.constant 480 : i32
      %dma_start3A_1952 = arith.constant 0 : i32
      %dma_start3A_1953 = tpu.memref_slice %arg7[%dma_start3A_1951, %dma_start3A_1952] : memref<800x64xf32, #tpu.memory_space<vmem>> -> memref<40x64xf32, #tpu.memory_space<vmem>>
      %dma_start3A_1954 = tpu.memref_slice %arg5[%mul3A_1949] : memref<25600xi32, #tpu.memory_space<vmem>> -> memref<40xi32, #tpu.memory_space<vmem>>
      %dma_start3A_1955 = arith.constant 0 : i32
      %dma_start3A_1956 = arith.constant 0 : i32
      %dma_start3A_1957 = tpu.memref_slice %arg3[%dma_start3A_1955, %dma_start3A_1956] : memref<2000000x64xf32, #tpu.memory_space<hbm>> -> memref<2000000x64xf32, #tpu.memory_space<hbm>>
      %dma_start3A_1958 = tpu.memref_slice %arg8[%dma_start3A_1950] : memref<2x!tpu.dma_semaphore, #tpu.memory_space<semaphore_mem>> -> memref<1x!tpu.dma_semaphore, #tpu.memory_space<semaphore_mem>>
      %dma_start3A_1959 = tpu.memref_squeeze %dma_start3A_1958 : memref<1x!tpu.dma_semaphore, #tpu.memory_space<semaphore_mem>> -> memref<!tpu.dma_semaphore, #tpu.memory_space<semaphore_mem>>
      tpu.enqueue_indirect_dma source(%dma_start3A_1957 : memref<2000000x64xf32, #tpu.memory_space<hbm>>) target(%dma_start3A_1953 : memref<40x64xf32, #tpu.memory_space<vmem>>) offsets(%dma_start3A_1954 : memref<40xi32, #tpu.memory_space<vmem>>) semaphore(%dma_start3A_1959 : memref<!tpu.dma_semaphore, #tpu.memory_space<semaphore_mem>>)
      %mul3A_1960 = arith.constant 20 : i32
      %mul3A_1961 = arith.muli %add3A_1751, %mul3A_1960 : i32
      %add3A_1962 = arith.constant 13 : i32
      %add3A_1963 = arith.addi %mul3A_1961, %add3A_1962 : i32
      %mul3A_1964 = arith.constant 40 : i32
      %mul3A_1965 = arith.muli %add3A_1963, %mul3A_1964 : i32
      %dma_start3A_1966 = arith.constant 1 : i32
      %dma_start3A_1967 = arith.constant 520 : i32
      %dma_start3A_1968 = arith.constant 0 : i32
      %dma_start3A_1969 = tpu.memref_slice %arg7[%dma_start3A_1967, %dma_start3A_1968] : memref<800x64xf32, #tpu.memory_space<vmem>> -> memref<40x64xf32, #tpu.memory_space<vmem>>
      %dma_start3A_1970 = tpu.memref_slice %arg5[%mul3A_1965] : memref<25600xi32, #tpu.memory_space<vmem>> -> memref<40xi32, #tpu.memory_space<vmem>>
      %dma_start3A_1971 = arith.constant 0 : i32
      %dma_start3A_1972 = arith.constant 0 : i32
      %dma_start3A_1973 = tpu.memref_slice %arg3[%dma_start3A_1971, %dma_start3A_1972] : memref<2000000x64xf32, #tpu.memory_space<hbm>> -> memref<2000000x64xf32, #tpu.memory_space<hbm>>
      %dma_start3A_1974 = tpu.memref_slice %arg8[%dma_start3A_1966] : memref<2x!tpu.dma_semaphore, #tpu.memory_space<semaphore_mem>> -> memref<1x!tpu.dma_semaphore, #tpu.memory_space<semaphore_mem>>
      %dma_start3A_1975 = tpu.memref_squeeze %dma_start3A_1974 : memref<1x!tpu.dma_semaphore, #tpu.memory_space<semaphore_mem>> -> memref<!tpu.dma_semaphore, #tpu.memory_space<semaphore_mem>>
      tpu.enqueue_indirect_dma source(%dma_start3A_1973 : memref<2000000x64xf32, #tpu.memory_space<hbm>>) target(%dma_start3A_1969 : memref<40x64xf32, #tpu.memory_space<vmem>>) offsets(%dma_start3A_1970 : memref<40xi32, #tpu.memory_space<vmem>>) semaphore(%dma_start3A_1975 : memref<!tpu.dma_semaphore, #tpu.memory_space<semaphore_mem>>)
      %mul3A_1976 = arith.constant 20 : i32
      %mul3A_1977 = arith.muli %add3A_1751, %mul3A_1976 : i32
      %add3A_1978 = arith.constant 14 : i32
      %add3A_1979 = arith.addi %mul3A_1977, %add3A_1978 : i32
      %mul3A_1980 = arith.constant 40 : i32
      %mul3A_1981 = arith.muli %add3A_1979, %mul3A_1980 : i32
      %dma_start3A_1982 = arith.constant 1 : i32
      %dma_start3A_1983 = arith.constant 560 : i32
      %dma_start3A_1984 = arith.constant 0 : i32
      %dma_start3A_1985 = tpu.memref_slice %arg7[%dma_start3A_1983, %dma_start3A_1984] : memref<800x64xf32, #tpu.memory_space<vmem>> -> memref<40x64xf32, #tpu.memory_space<vmem>>
      %dma_start3A_1986 = tpu.memref_slice %arg5[%mul3A_1981] : memref<25600xi32, #tpu.memory_space<vmem>> -> memref<40xi32, #tpu.memory_space<vmem>>
      %dma_start3A_1987 = arith.constant 0 : i32
      %dma_start3A_1988 = arith.constant 0 : i32
      %dma_start3A_1989 = tpu.memref_slice %arg3[%dma_start3A_1987, %dma_start3A_1988] : memref<2000000x64xf32, #tpu.memory_space<hbm>> -> memref<2000000x64xf32, #tpu.memory_space<hbm>>
      %dma_start3A_1990 = tpu.memref_slice %arg8[%dma_start3A_1982] : memref<2x!tpu.dma_semaphore, #tpu.memory_space<semaphore_mem>> -> memref<1x!tpu.dma_semaphore, #tpu.memory_space<semaphore_mem>>
      %dma_start3A_1991 = tpu.memref_squeeze %dma_start3A_1990 : memref<1x!tpu.dma_semaphore, #tpu.memory_space<semaphore_mem>> -> memref<!tpu.dma_semaphore, #tpu.memory_space<semaphore_mem>>
      tpu.enqueue_indirect_dma source(%dma_start3A_1989 : memref<2000000x64xf32, #tpu.memory_space<hbm>>) target(%dma_start3A_1985 : memref<40x64xf32, #tpu.memory_space<vmem>>) offsets(%dma_start3A_1986 : memref<40xi32, #tpu.memory_space<vmem>>) semaphore(%dma_start3A_1991 : memref<!tpu.dma_semaphore, #tpu.memory_space<semaphore_mem>>)
      %mul3A_1992 = arith.constant 20 : i32
      %mul3A_1993 = arith.muli %add3A_1751, %mul3A_1992 : i32
      %add3A_1994 = arith.constant 15 : i32
      %add3A_1995 = arith.addi %mul3A_1993, %add3A_1994 : i32
      %mul3A_1996 = arith.constant 40 : i32
      %mul3A_1997 = arith.muli %add3A_1995, %mul3A_1996 : i32
      %dma_start3A_1998 = arith.constant 1 : i32
      %dma_start3A_1999 = arith.constant 600 : i32
      %dma_start3A_2000 = arith.constant 0 : i32
      %dma_start3A_2001 = tpu.memref_slice %arg7[%dma_start3A_1999, %dma_start3A_2000] : memref<800x64xf32, #tpu.memory_space<vmem>> -> memref<40x64xf32, #tpu.memory_space<vmem>>
      %dma_start3A_2002 = tpu.memref_slice %arg5[%mul3A_1997] : memref<25600xi32, #tpu.memory_space<vmem>> -> memref<40xi32, #tpu.memory_space<vmem>>
      %dma_start3A_2003 = arith.constant 0 : i32
      %dma_start3A_2004 = arith.constant 0 : i32
      %dma_start3A_2005 = tpu.memref_slice %arg3[%dma_start3A_2003, %dma_start3A_2004] : memref<2000000x64xf32, #tpu.memory_space<hbm>> -> memref<2000000x64xf32, #tpu.memory_space<hbm>>
      %dma_start3A_2006 = tpu.memref_slice %arg8[%dma_start3A_1998] : memref<2x!tpu.dma_semaphore, #tpu.memory_space<semaphore_mem>> -> memref<1x!tpu.dma_semaphore, #tpu.memory_space<semaphore_mem>>
      %dma_start3A_2007 = tpu.memref_squeeze %dma_start3A_2006 : memref<1x!tpu.dma_semaphore, #tpu.memory_space<semaphore_mem>> -> memref<!tpu.dma_semaphore, #tpu.memory_space<semaphore_mem>>
      tpu.enqueue_indirect_dma source(%dma_start3A_2005 : memref<2000000x64xf32, #tpu.memory_space<hbm>>) target(%dma_start3A_2001 : memref<40x64xf32, #tpu.memory_space<vmem>>) offsets(%dma_start3A_2002 : memref<40xi32, #tpu.memory_space<vmem>>) semaphore(%dma_start3A_2007 : memref<!tpu.dma_semaphore, #tpu.memory_space<semaphore_mem>>)
      %mul3A_2008 = arith.constant 20 : i32
      %mul3A_2009 = arith.muli %add3A_1751, %mul3A_2008 : i32
      %add3A_2010 = arith.constant 16 : i32
      %add3A_2011 = arith.addi %mul3A_2009, %add3A_2010 : i32
      %mul3A_2012 = arith.constant 40 : i32
      %mul3A_2013 = arith.muli %add3A_2011, %mul3A_2012 : i32
      %dma_start3A_2014 = arith.constant 1 : i32
      %dma_start3A_2015 = arith.constant 640 : i32
      %dma_start3A_2016 = arith.constant 0 : i32
      %dma_start3A_2017 = tpu.memref_slice %arg7[%dma_start3A_2015, %dma_start3A_2016] : memref<800x64xf32, #tpu.memory_space<vmem>> -> memref<40x64xf32, #tpu.memory_space<vmem>>
      %dma_start3A_2018 = tpu.memref_slice %arg5[%mul3A_2013] : memref<25600xi32, #tpu.memory_space<vmem>> -> memref<40xi32, #tpu.memory_space<vmem>>
      %dma_start3A_2019 = arith.constant 0 : i32
      %dma_start3A_2020 = arith.constant 0 : i32
      %dma_start3A_2021 = tpu.memref_slice %arg3[%dma_start3A_2019, %dma_start3A_2020] : memref<2000000x64xf32, #tpu.memory_space<hbm>> -> memref<2000000x64xf32, #tpu.memory_space<hbm>>
      %dma_start3A_2022 = tpu.memref_slice %arg8[%dma_start3A_2014] : memref<2x!tpu.dma_semaphore, #tpu.memory_space<semaphore_mem>> -> memref<1x!tpu.dma_semaphore, #tpu.memory_space<semaphore_mem>>
      %dma_start3A_2023 = tpu.memref_squeeze %dma_start3A_2022 : memref<1x!tpu.dma_semaphore, #tpu.memory_space<semaphore_mem>> -> memref<!tpu.dma_semaphore, #tpu.memory_space<semaphore_mem>>
      tpu.enqueue_indirect_dma source(%dma_start3A_2021 : memref<2000000x64xf32, #tpu.memory_space<hbm>>) target(%dma_start3A_2017 : memref<40x64xf32, #tpu.memory_space<vmem>>) offsets(%dma_start3A_2018 : memref<40xi32, #tpu.memory_space<vmem>>) semaphore(%dma_start3A_2023 : memref<!tpu.dma_semaphore, #tpu.memory_space<semaphore_mem>>)
      %mul3A_2024 = arith.constant 20 : i32
      %mul3A_2025 = arith.muli %add3A_1751, %mul3A_2024 : i32
      %add3A_2026 = arith.constant 17 : i32
      %add3A_2027 = arith.addi %mul3A_2025, %add3A_2026 : i32
      %mul3A_2028 = arith.constant 40 : i32
      %mul3A_2029 = arith.muli %add3A_2027, %mul3A_2028 : i32
      %dma_start3A_2030 = arith.constant 1 : i32
      %dma_start3A_2031 = arith.constant 680 : i32
      %dma_start3A_2032 = arith.constant 0 : i32
      %dma_start3A_2033 = tpu.memref_slice %arg7[%dma_start3A_2031, %dma_start3A_2032] : memref<800x64xf32, #tpu.memory_space<vmem>> -> memref<40x64xf32, #tpu.memory_space<vmem>>
      %dma_start3A_2034 = tpu.memref_slice %arg5[%mul3A_2029] : memref<25600xi32, #tpu.memory_space<vmem>> -> memref<40xi32, #tpu.memory_space<vmem>>
      %dma_start3A_2035 = arith.constant 0 : i32
      %dma_start3A_2036 = arith.constant 0 : i32
      %dma_start3A_2037 = tpu.memref_slice %arg3[%dma_start3A_2035, %dma_start3A_2036] : memref<2000000x64xf32, #tpu.memory_space<hbm>> -> memref<2000000x64xf32, #tpu.memory_space<hbm>>
      %dma_start3A_2038 = tpu.memref_slice %arg8[%dma_start3A_2030] : memref<2x!tpu.dma_semaphore, #tpu.memory_space<semaphore_mem>> -> memref<1x!tpu.dma_semaphore, #tpu.memory_space<semaphore_mem>>
      %dma_start3A_2039 = tpu.memref_squeeze %dma_start3A_2038 : memref<1x!tpu.dma_semaphore, #tpu.memory_space<semaphore_mem>> -> memref<!tpu.dma_semaphore, #tpu.memory_space<semaphore_mem>>
      tpu.enqueue_indirect_dma source(%dma_start3A_2037 : memref<2000000x64xf32, #tpu.memory_space<hbm>>) target(%dma_start3A_2033 : memref<40x64xf32, #tpu.memory_space<vmem>>) offsets(%dma_start3A_2034 : memref<40xi32, #tpu.memory_space<vmem>>) semaphore(%dma_start3A_2039 : memref<!tpu.dma_semaphore, #tpu.memory_space<semaphore_mem>>)
      %mul3A_2040 = arith.constant 20 : i32
      %mul3A_2041 = arith.muli %add3A_1751, %mul3A_2040 : i32
      %add3A_2042 = arith.constant 18 : i32
      %add3A_2043 = arith.addi %mul3A_2041, %add3A_2042 : i32
      %mul3A_2044 = arith.constant 40 : i32
      %mul3A_2045 = arith.muli %add3A_2043, %mul3A_2044 : i32
      %dma_start3A_2046 = arith.constant 1 : i32
      %dma_start3A_2047 = arith.constant 720 : i32
      %dma_start3A_2048 = arith.constant 0 : i32
      %dma_start3A_2049 = tpu.memref_slice %arg7[%dma_start3A_2047, %dma_start3A_2048] : memref<800x64xf32, #tpu.memory_space<vmem>> -> memref<40x64xf32, #tpu.memory_space<vmem>>
      %dma_start3A_2050 = tpu.memref_slice %arg5[%mul3A_2045] : memref<25600xi32, #tpu.memory_space<vmem>> -> memref<40xi32, #tpu.memory_space<vmem>>
      %dma_start3A_2051 = arith.constant 0 : i32
      %dma_start3A_2052 = arith.constant 0 : i32
      %dma_start3A_2053 = tpu.memref_slice %arg3[%dma_start3A_2051, %dma_start3A_2052] : memref<2000000x64xf32, #tpu.memory_space<hbm>> -> memref<2000000x64xf32, #tpu.memory_space<hbm>>
      %dma_start3A_2054 = tpu.memref_slice %arg8[%dma_start3A_2046] : memref<2x!tpu.dma_semaphore, #tpu.memory_space<semaphore_mem>> -> memref<1x!tpu.dma_semaphore, #tpu.memory_space<semaphore_mem>>
      %dma_start3A_2055 = tpu.memref_squeeze %dma_start3A_2054 : memref<1x!tpu.dma_semaphore, #tpu.memory_space<semaphore_mem>> -> memref<!tpu.dma_semaphore, #tpu.memory_space<semaphore_mem>>
      tpu.enqueue_indirect_dma source(%dma_start3A_2053 : memref<2000000x64xf32, #tpu.memory_space<hbm>>) target(%dma_start3A_2049 : memref<40x64xf32, #tpu.memory_space<vmem>>) offsets(%dma_start3A_2050 : memref<40xi32, #tpu.memory_space<vmem>>) semaphore(%dma_start3A_2055 : memref<!tpu.dma_semaphore, #tpu.memory_space<semaphore_mem>>)
      %mul3A_2056 = arith.constant 20 : i32
      %mul3A_2057 = arith.muli %add3A_1751, %mul3A_2056 : i32
      %add3A_2058 = arith.constant 19 : i32
      %add3A_2059 = arith.addi %mul3A_2057, %add3A_2058 : i32
      %mul3A_2060 = arith.constant 40 : i32
      %mul3A_2061 = arith.muli %add3A_2059, %mul3A_2060 : i32
      %dma_start3A_2062 = arith.constant 1 : i32
      %dma_start3A_2063 = arith.constant 760 : i32
      %dma_start3A_2064 = arith.constant 0 : i32
      %dma_start3A_2065 = tpu.memref_slice %arg7[%dma_start3A_2063, %dma_start3A_2064] : memref<800x64xf32, #tpu.memory_space<vmem>> -> memref<40x64xf32, #tpu.memory_space<vmem>>
      %dma_start3A_2066 = tpu.memref_slice %arg5[%mul3A_2061] : memref<25600xi32, #tpu.memory_space<vmem>> -> memref<40xi32, #tpu.memory_space<vmem>>
      %dma_start3A_2067 = arith.constant 0 : i32
      %dma_start3A_2068 = arith.constant 0 : i32
      %dma_start3A_2069 = tpu.memref_slice %arg3[%dma_start3A_2067, %dma_start3A_2068] : memref<2000000x64xf32, #tpu.memory_space<hbm>> -> memref<2000000x64xf32, #tpu.memory_space<hbm>>
      %dma_start3A_2070 = tpu.memref_slice %arg8[%dma_start3A_2062] : memref<2x!tpu.dma_semaphore, #tpu.memory_space<semaphore_mem>> -> memref<1x!tpu.dma_semaphore, #tpu.memory_space<semaphore_mem>>
      %dma_start3A_2071 = tpu.memref_squeeze %dma_start3A_2070 : memref<1x!tpu.dma_semaphore, #tpu.memory_space<semaphore_mem>> -> memref<!tpu.dma_semaphore, #tpu.memory_space<semaphore_mem>>
      tpu.enqueue_indirect_dma source(%dma_start3A_2069 : memref<2000000x64xf32, #tpu.memory_space<hbm>>) target(%dma_start3A_2065 : memref<40x64xf32, #tpu.memory_space<vmem>>) offsets(%dma_start3A_2066 : memref<40xi32, #tpu.memory_space<vmem>>) semaphore(%dma_start3A_2071 : memref<!tpu.dma_semaphore, #tpu.memory_space<semaphore_mem>>)
    }
    %scan3A_447 = arith.constant 15 : i32
    %dma_wait3A = arith.constant 0 : i32
    %dma_wait3A_448 = arith.constant 0 : i32
    %dma_wait3A_449 = arith.constant 0 : i32
    %dma_wait3A_450 = tpu.memref_slice %arg6[%dma_wait3A_448, %dma_wait3A_449] : memref<800x64xf32, #tpu.memory_space<vmem>> -> memref<40x64xf32, #tpu.memory_space<vmem>>
    %dma_wait3A_451 = arith.constant 0 : i32
    %dma_wait3A_452 = tpu.memref_slice %arg5[%dma_wait3A_451] : memref<25600xi32, #tpu.memory_space<vmem>> -> memref<40xi32, #tpu.memory_space<vmem>>
    %dma_wait3A_453 = arith.constant 0 : i32
    %dma_wait3A_454 = arith.constant 0 : i32
    %dma_wait3A_455 = tpu.memref_slice %arg3[%dma_wait3A_453, %dma_wait3A_454] : memref<2000000x64xf32, #tpu.memory_space<hbm>> -> memref<2000000x64xf32, #tpu.memory_space<hbm>>
    %dma_wait3A_456 = tpu.memref_slice %arg8[%dma_wait3A] : memref<2x!tpu.dma_semaphore, #tpu.memory_space<semaphore_mem>> -> memref<1x!tpu.dma_semaphore, #tpu.memory_space<semaphore_mem>>
    %dma_wait3A_457 = tpu.memref_squeeze %dma_wait3A_456 : memref<1x!tpu.dma_semaphore, #tpu.memory_space<semaphore_mem>> -> memref<!tpu.dma_semaphore, #tpu.memory_space<semaphore_mem>>
    tpu.wait_indirect_dma semaphore(%dma_wait3A_457 : memref<!tpu.dma_semaphore, #tpu.memory_space<semaphore_mem>>) src(%dma_wait3A_455 : memref<2000000x64xf32, #tpu.memory_space<hbm>>) dst(%dma_wait3A_450 : memref<40x64xf32, #tpu.memory_space<vmem>>)
    %dma_wait3A_458 = arith.constant 0 : i32
    %dma_wait3A_459 = arith.constant 40 : i32
    %dma_wait3A_460 = arith.constant 0 : i32
    %dma_wait3A_461 = tpu.memref_slice %arg6[%dma_wait3A_459, %dma_wait3A_460] : memref<800x64xf32, #tpu.memory_space<vmem>> -> memref<40x64xf32, #tpu.memory_space<vmem>>
    %dma_wait3A_462 = arith.constant 0 : i32
    %dma_wait3A_463 = tpu.memref_slice %arg5[%dma_wait3A_462] : memref<25600xi32, #tpu.memory_space<vmem>> -> memref<40xi32, #tpu.memory_space<vmem>>
    %dma_wait3A_464 = arith.constant 0 : i32
    %dma_wait3A_465 = arith.constant 0 : i32
    %dma_wait3A_466 = tpu.memref_slice %arg3[%dma_wait3A_464, %dma_wait3A_465] : memref<2000000x64xf32, #tpu.memory_space<hbm>> -> memref<2000000x64xf32, #tpu.memory_space<hbm>>
    %dma_wait3A_467 = tpu.memref_slice %arg8[%dma_wait3A_458] : memref<2x!tpu.dma_semaphore, #tpu.memory_space<semaphore_mem>> -> memref<1x!tpu.dma_semaphore, #tpu.memory_space<semaphore_mem>>
    %dma_wait3A_468 = tpu.memref_squeeze %dma_wait3A_467 : memref<1x!tpu.dma_semaphore, #tpu.memory_space<semaphore_mem>> -> memref<!tpu.dma_semaphore, #tpu.memory_space<semaphore_mem>>
    tpu.wait_indirect_dma semaphore(%dma_wait3A_468 : memref<!tpu.dma_semaphore, #tpu.memory_space<semaphore_mem>>) src(%dma_wait3A_466 : memref<2000000x64xf32, #tpu.memory_space<hbm>>) dst(%dma_wait3A_461 : memref<40x64xf32, #tpu.memory_space<vmem>>)
    %dma_wait3A_469 = arith.constant 0 : i32
    %dma_wait3A_470 = arith.constant 80 : i32
    %dma_wait3A_471 = arith.constant 0 : i32
    %dma_wait3A_472 = tpu.memref_slice %arg6[%dma_wait3A_470, %dma_wait3A_471] : memref<800x64xf32, #tpu.memory_space<vmem>> -> memref<40x64xf32, #tpu.memory_space<vmem>>
    %dma_wait3A_473 = arith.constant 0 : i32
    %dma_wait3A_474 = tpu.memref_slice %arg5[%dma_wait3A_473] : memref<25600xi32, #tpu.memory_space<vmem>> -> memref<40xi32, #tpu.memory_space<vmem>>
    %dma_wait3A_475 = arith.constant 0 : i32
    %dma_wait3A_476 = arith.constant 0 : i32
    %dma_wait3A_477 = tpu.memref_slice %arg3[%dma_wait3A_475, %dma_wait3A_476] : memref<2000000x64xf32, #tpu.memory_space<hbm>> -> memref<2000000x64xf32, #tpu.memory_space<hbm>>
    %dma_wait3A_478 = tpu.memref_slice %arg8[%dma_wait3A_469] : memref<2x!tpu.dma_semaphore, #tpu.memory_space<semaphore_mem>> -> memref<1x!tpu.dma_semaphore, #tpu.memory_space<semaphore_mem>>
    %dma_wait3A_479 = tpu.memref_squeeze %dma_wait3A_478 : memref<1x!tpu.dma_semaphore, #tpu.memory_space<semaphore_mem>> -> memref<!tpu.dma_semaphore, #tpu.memory_space<semaphore_mem>>
    tpu.wait_indirect_dma semaphore(%dma_wait3A_479 : memref<!tpu.dma_semaphore, #tpu.memory_space<semaphore_mem>>) src(%dma_wait3A_477 : memref<2000000x64xf32, #tpu.memory_space<hbm>>) dst(%dma_wait3A_472 : memref<40x64xf32, #tpu.memory_space<vmem>>)
    %dma_wait3A_480 = arith.constant 0 : i32
    %dma_wait3A_481 = arith.constant 120 : i32
    %dma_wait3A_482 = arith.constant 0 : i32
    %dma_wait3A_483 = tpu.memref_slice %arg6[%dma_wait3A_481, %dma_wait3A_482] : memref<800x64xf32, #tpu.memory_space<vmem>> -> memref<40x64xf32, #tpu.memory_space<vmem>>
    %dma_wait3A_484 = arith.constant 0 : i32
    %dma_wait3A_485 = tpu.memref_slice %arg5[%dma_wait3A_484] : memref<25600xi32, #tpu.memory_space<vmem>> -> memref<40xi32, #tpu.memory_space<vmem>>
    %dma_wait3A_486 = arith.constant 0 : i32
    %dma_wait3A_487 = arith.constant 0 : i32
    %dma_wait3A_488 = tpu.memref_slice %arg3[%dma_wait3A_486, %dma_wait3A_487] : memref<2000000x64xf32, #tpu.memory_space<hbm>> -> memref<2000000x64xf32, #tpu.memory_space<hbm>>
    %dma_wait3A_489 = tpu.memref_slice %arg8[%dma_wait3A_480] : memref<2x!tpu.dma_semaphore, #tpu.memory_space<semaphore_mem>> -> memref<1x!tpu.dma_semaphore, #tpu.memory_space<semaphore_mem>>
    %dma_wait3A_490 = tpu.memref_squeeze %dma_wait3A_489 : memref<1x!tpu.dma_semaphore, #tpu.memory_space<semaphore_mem>> -> memref<!tpu.dma_semaphore, #tpu.memory_space<semaphore_mem>>
    tpu.wait_indirect_dma semaphore(%dma_wait3A_490 : memref<!tpu.dma_semaphore, #tpu.memory_space<semaphore_mem>>) src(%dma_wait3A_488 : memref<2000000x64xf32, #tpu.memory_space<hbm>>) dst(%dma_wait3A_483 : memref<40x64xf32, #tpu.memory_space<vmem>>)
    %dma_wait3A_491 = arith.constant 0 : i32
    %dma_wait3A_492 = arith.constant 160 : i32
    %dma_wait3A_493 = arith.constant 0 : i32
    %dma_wait3A_494 = tpu.memref_slice %arg6[%dma_wait3A_492, %dma_wait3A_493] : memref<800x64xf32, #tpu.memory_space<vmem>> -> memref<40x64xf32, #tpu.memory_space<vmem>>
    %dma_wait3A_495 = arith.constant 0 : i32
    %dma_wait3A_496 = tpu.memref_slice %arg5[%dma_wait3A_495] : memref<25600xi32, #tpu.memory_space<vmem>> -> memref<40xi32, #tpu.memory_space<vmem>>
    %dma_wait3A_497 = arith.constant 0 : i32
    %dma_wait3A_498 = arith.constant 0 : i32
    %dma_wait3A_499 = tpu.memref_slice %arg3[%dma_wait3A_497, %dma_wait3A_498] : memref<2000000x64xf32, #tpu.memory_space<hbm>> -> memref<2000000x64xf32, #tpu.memory_space<hbm>>
    %dma_wait3A_500 = tpu.memref_slice %arg8[%dma_wait3A_491] : memref<2x!tpu.dma_semaphore, #tpu.memory_space<semaphore_mem>> -> memref<1x!tpu.dma_semaphore, #tpu.memory_space<semaphore_mem>>
    %dma_wait3A_501 = tpu.memref_squeeze %dma_wait3A_500 : memref<1x!tpu.dma_semaphore, #tpu.memory_space<semaphore_mem>> -> memref<!tpu.dma_semaphore, #tpu.memory_space<semaphore_mem>>
    tpu.wait_indirect_dma semaphore(%dma_wait3A_501 : memref<!tpu.dma_semaphore, #tpu.memory_space<semaphore_mem>>) src(%dma_wait3A_499 : memref<2000000x64xf32, #tpu.memory_space<hbm>>) dst(%dma_wait3A_494 : memref<40x64xf32, #tpu.memory_space<vmem>>)
    %dma_wait3A_502 = arith.constant 0 : i32
    %dma_wait3A_503 = arith.constant 200 : i32
    %dma_wait3A_504 = arith.constant 0 : i32
    %dma_wait3A_505 = tpu.memref_slice %arg6[%dma_wait3A_503, %dma_wait3A_504] : memref<800x64xf32, #tpu.memory_space<vmem>> -> memref<40x64xf32, #tpu.memory_space<vmem>>
    %dma_wait3A_506 = arith.constant 0 : i32
    %dma_wait3A_507 = tpu.memref_slice %arg5[%dma_wait3A_506] : memref<25600xi32, #tpu.memory_space<vmem>> -> memref<40xi32, #tpu.memory_space<vmem>>
    %dma_wait3A_508 = arith.constant 0 : i32
    %dma_wait3A_509 = arith.constant 0 : i32
    %dma_wait3A_510 = tpu.memref_slice %arg3[%dma_wait3A_508, %dma_wait3A_509] : memref<2000000x64xf32, #tpu.memory_space<hbm>> -> memref<2000000x64xf32, #tpu.memory_space<hbm>>
    %dma_wait3A_511 = tpu.memref_slice %arg8[%dma_wait3A_502] : memref<2x!tpu.dma_semaphore, #tpu.memory_space<semaphore_mem>> -> memref<1x!tpu.dma_semaphore, #tpu.memory_space<semaphore_mem>>
    %dma_wait3A_512 = tpu.memref_squeeze %dma_wait3A_511 : memref<1x!tpu.dma_semaphore, #tpu.memory_space<semaphore_mem>> -> memref<!tpu.dma_semaphore, #tpu.memory_space<semaphore_mem>>
    tpu.wait_indirect_dma semaphore(%dma_wait3A_512 : memref<!tpu.dma_semaphore, #tpu.memory_space<semaphore_mem>>) src(%dma_wait3A_510 : memref<2000000x64xf32, #tpu.memory_space<hbm>>) dst(%dma_wait3A_505 : memref<40x64xf32, #tpu.memory_space<vmem>>)
    %dma_wait3A_513 = arith.constant 0 : i32
    %dma_wait3A_514 = arith.constant 240 : i32
    %dma_wait3A_515 = arith.constant 0 : i32
    %dma_wait3A_516 = tpu.memref_slice %arg6[%dma_wait3A_514, %dma_wait3A_515] : memref<800x64xf32, #tpu.memory_space<vmem>> -> memref<40x64xf32, #tpu.memory_space<vmem>>
    %dma_wait3A_517 = arith.constant 0 : i32
    %dma_wait3A_518 = tpu.memref_slice %arg5[%dma_wait3A_517] : memref<25600xi32, #tpu.memory_space<vmem>> -> memref<40xi32, #tpu.memory_space<vmem>>
    %dma_wait3A_519 = arith.constant 0 : i32
    %dma_wait3A_520 = arith.constant 0 : i32
    %dma_wait3A_521 = tpu.memref_slice %arg3[%dma_wait3A_519, %dma_wait3A_520] : memref<2000000x64xf32, #tpu.memory_space<hbm>> -> memref<2000000x64xf32, #tpu.memory_space<hbm>>
    %dma_wait3A_522 = tpu.memref_slice %arg8[%dma_wait3A_513] : memref<2x!tpu.dma_semaphore, #tpu.memory_space<semaphore_mem>> -> memref<1x!tpu.dma_semaphore, #tpu.memory_space<semaphore_mem>>
    %dma_wait3A_523 = tpu.memref_squeeze %dma_wait3A_522 : memref<1x!tpu.dma_semaphore, #tpu.memory_space<semaphore_mem>> -> memref<!tpu.dma_semaphore, #tpu.memory_space<semaphore_mem>>
    tpu.wait_indirect_dma semaphore(%dma_wait3A_523 : memref<!tpu.dma_semaphore, #tpu.memory_space<semaphore_mem>>) src(%dma_wait3A_521 : memref<2000000x64xf32, #tpu.memory_space<hbm>>) dst(%dma_wait3A_516 : memref<40x64xf32, #tpu.memory_space<vmem>>)
    %dma_wait3A_524 = arith.constant 0 : i32
    %dma_wait3A_525 = arith.constant 280 : i32
    %dma_wait3A_526 = arith.constant 0 : i32
    %dma_wait3A_527 = tpu.memref_slice %arg6[%dma_wait3A_525, %dma_wait3A_526] : memref<800x64xf32, #tpu.memory_space<vmem>> -> memref<40x64xf32, #tpu.memory_space<vmem>>
    %dma_wait3A_528 = arith.constant 0 : i32
    %dma_wait3A_529 = tpu.memref_slice %arg5[%dma_wait3A_528] : memref<25600xi32, #tpu.memory_space<vmem>> -> memref<40xi32, #tpu.memory_space<vmem>>
    %dma_wait3A_530 = arith.constant 0 : i32
    %dma_wait3A_531 = arith.constant 0 : i32
    %dma_wait3A_532 = tpu.memref_slice %arg3[%dma_wait3A_530, %dma_wait3A_531] : memref<2000000x64xf32, #tpu.memory_space<hbm>> -> memref<2000000x64xf32, #tpu.memory_space<hbm>>
    %dma_wait3A_533 = tpu.memref_slice %arg8[%dma_wait3A_524] : memref<2x!tpu.dma_semaphore, #tpu.memory_space<semaphore_mem>> -> memref<1x!tpu.dma_semaphore, #tpu.memory_space<semaphore_mem>>
    %dma_wait3A_534 = tpu.memref_squeeze %dma_wait3A_533 : memref<1x!tpu.dma_semaphore, #tpu.memory_space<semaphore_mem>> -> memref<!tpu.dma_semaphore, #tpu.memory_space<semaphore_mem>>
    tpu.wait_indirect_dma semaphore(%dma_wait3A_534 : memref<!tpu.dma_semaphore, #tpu.memory_space<semaphore_mem>>) src(%dma_wait3A_532 : memref<2000000x64xf32, #tpu.memory_space<hbm>>) dst(%dma_wait3A_527 : memref<40x64xf32, #tpu.memory_space<vmem>>)
    %dma_wait3A_535 = arith.constant 0 : i32
    %dma_wait3A_536 = arith.constant 320 : i32
    %dma_wait3A_537 = arith.constant 0 : i32
    %dma_wait3A_538 = tpu.memref_slice %arg6[%dma_wait3A_536, %dma_wait3A_537] : memref<800x64xf32, #tpu.memory_space<vmem>> -> memref<40x64xf32, #tpu.memory_space<vmem>>
    %dma_wait3A_539 = arith.constant 0 : i32
    %dma_wait3A_540 = tpu.memref_slice %arg5[%dma_wait3A_539] : memref<25600xi32, #tpu.memory_space<vmem>> -> memref<40xi32, #tpu.memory_space<vmem>>
    %dma_wait3A_541 = arith.constant 0 : i32
    %dma_wait3A_542 = arith.constant 0 : i32
    %dma_wait3A_543 = tpu.memref_slice %arg3[%dma_wait3A_541, %dma_wait3A_542] : memref<2000000x64xf32, #tpu.memory_space<hbm>> -> memref<2000000x64xf32, #tpu.memory_space<hbm>>
    %dma_wait3A_544 = tpu.memref_slice %arg8[%dma_wait3A_535] : memref<2x!tpu.dma_semaphore, #tpu.memory_space<semaphore_mem>> -> memref<1x!tpu.dma_semaphore, #tpu.memory_space<semaphore_mem>>
    %dma_wait3A_545 = tpu.memref_squeeze %dma_wait3A_544 : memref<1x!tpu.dma_semaphore, #tpu.memory_space<semaphore_mem>> -> memref<!tpu.dma_semaphore, #tpu.memory_space<semaphore_mem>>
    tpu.wait_indirect_dma semaphore(%dma_wait3A_545 : memref<!tpu.dma_semaphore, #tpu.memory_space<semaphore_mem>>) src(%dma_wait3A_543 : memref<2000000x64xf32, #tpu.memory_space<hbm>>) dst(%dma_wait3A_538 : memref<40x64xf32, #tpu.memory_space<vmem>>)
    %dma_wait3A_546 = arith.constant 0 : i32
    %dma_wait3A_547 = arith.constant 360 : i32
    %dma_wait3A_548 = arith.constant 0 : i32
    %dma_wait3A_549 = tpu.memref_slice %arg6[%dma_wait3A_547, %dma_wait3A_548] : memref<800x64xf32, #tpu.memory_space<vmem>> -> memref<40x64xf32, #tpu.memory_space<vmem>>
    %dma_wait3A_550 = arith.constant 0 : i32
    %dma_wait3A_551 = tpu.memref_slice %arg5[%dma_wait3A_550] : memref<25600xi32, #tpu.memory_space<vmem>> -> memref<40xi32, #tpu.memory_space<vmem>>
    %dma_wait3A_552 = arith.constant 0 : i32
    %dma_wait3A_553 = arith.constant 0 : i32
    %dma_wait3A_554 = tpu.memref_slice %arg3[%dma_wait3A_552, %dma_wait3A_553] : memref<2000000x64xf32, #tpu.memory_space<hbm>> -> memref<2000000x64xf32, #tpu.memory_space<hbm>>
    %dma_wait3A_555 = tpu.memref_slice %arg8[%dma_wait3A_546] : memref<2x!tpu.dma_semaphore, #tpu.memory_space<semaphore_mem>> -> memref<1x!tpu.dma_semaphore, #tpu.memory_space<semaphore_mem>>
    %dma_wait3A_556 = tpu.memref_squeeze %dma_wait3A_555 : memref<1x!tpu.dma_semaphore, #tpu.memory_space<semaphore_mem>> -> memref<!tpu.dma_semaphore, #tpu.memory_space<semaphore_mem>>
    tpu.wait_indirect_dma semaphore(%dma_wait3A_556 : memref<!tpu.dma_semaphore, #tpu.memory_space<semaphore_mem>>) src(%dma_wait3A_554 : memref<2000000x64xf32, #tpu.memory_space<hbm>>) dst(%dma_wait3A_549 : memref<40x64xf32, #tpu.memory_space<vmem>>)
    %dma_wait3A_557 = arith.constant 0 : i32
    %dma_wait3A_558 = arith.constant 400 : i32
    %dma_wait3A_559 = arith.constant 0 : i32
    %dma_wait3A_560 = tpu.memref_slice %arg6[%dma_wait3A_558, %dma_wait3A_559] : memref<800x64xf32, #tpu.memory_space<vmem>> -> memref<40x64xf32, #tpu.memory_space<vmem>>
    %dma_wait3A_561 = arith.constant 0 : i32
    %dma_wait3A_562 = tpu.memref_slice %arg5[%dma_wait3A_561] : memref<25600xi32, #tpu.memory_space<vmem>> -> memref<40xi32, #tpu.memory_space<vmem>>
    %dma_wait3A_563 = arith.constant 0 : i32
    %dma_wait3A_564 = arith.constant 0 : i32
    %dma_wait3A_565 = tpu.memref_slice %arg3[%dma_wait3A_563, %dma_wait3A_564] : memref<2000000x64xf32, #tpu.memory_space<hbm>> -> memref<2000000x64xf32, #tpu.memory_space<hbm>>
    %dma_wait3A_566 = tpu.memref_slice %arg8[%dma_wait3A_557] : memref<2x!tpu.dma_semaphore, #tpu.memory_space<semaphore_mem>> -> memref<1x!tpu.dma_semaphore, #tpu.memory_space<semaphore_mem>>
    %dma_wait3A_567 = tpu.memref_squeeze %dma_wait3A_566 : memref<1x!tpu.dma_semaphore, #tpu.memory_space<semaphore_mem>> -> memref<!tpu.dma_semaphore, #tpu.memory_space<semaphore_mem>>
    tpu.wait_indirect_dma semaphore(%dma_wait3A_567 : memref<!tpu.dma_semaphore, #tpu.memory_space<semaphore_mem>>) src(%dma_wait3A_565 : memref<2000000x64xf32, #tpu.memory_space<hbm>>) dst(%dma_wait3A_560 : memref<40x64xf32, #tpu.memory_space<vmem>>)
    %dma_wait3A_568 = arith.constant 0 : i32
    %dma_wait3A_569 = arith.constant 440 : i32
    %dma_wait3A_570 = arith.constant 0 : i32
    %dma_wait3A_571 = tpu.memref_slice %arg6[%dma_wait3A_569, %dma_wait3A_570] : memref<800x64xf32, #tpu.memory_space<vmem>> -> memref<40x64xf32, #tpu.memory_space<vmem>>
    %dma_wait3A_572 = arith.constant 0 : i32
    %dma_wait3A_573 = tpu.memref_slice %arg5[%dma_wait3A_572] : memref<25600xi32, #tpu.memory_space<vmem>> -> memref<40xi32, #tpu.memory_space<vmem>>
    %dma_wait3A_574 = arith.constant 0 : i32
    %dma_wait3A_575 = arith.constant 0 : i32
    %dma_wait3A_576 = tpu.memref_slice %arg3[%dma_wait3A_574, %dma_wait3A_575] : memref<2000000x64xf32, #tpu.memory_space<hbm>> -> memref<2000000x64xf32, #tpu.memory_space<hbm>>
    %dma_wait3A_577 = tpu.memref_slice %arg8[%dma_wait3A_568] : memref<2x!tpu.dma_semaphore, #tpu.memory_space<semaphore_mem>> -> memref<1x!tpu.dma_semaphore, #tpu.memory_space<semaphore_mem>>
    %dma_wait3A_578 = tpu.memref_squeeze %dma_wait3A_577 : memref<1x!tpu.dma_semaphore, #tpu.memory_space<semaphore_mem>> -> memref<!tpu.dma_semaphore, #tpu.memory_space<semaphore_mem>>
    tpu.wait_indirect_dma semaphore(%dma_wait3A_578 : memref<!tpu.dma_semaphore, #tpu.memory_space<semaphore_mem>>) src(%dma_wait3A_576 : memref<2000000x64xf32, #tpu.memory_space<hbm>>) dst(%dma_wait3A_571 : memref<40x64xf32, #tpu.memory_space<vmem>>)
    %dma_wait3A_579 = arith.constant 0 : i32
    %dma_wait3A_580 = arith.constant 480 : i32
    %dma_wait3A_581 = arith.constant 0 : i32
    %dma_wait3A_582 = tpu.memref_slice %arg6[%dma_wait3A_580, %dma_wait3A_581] : memref<800x64xf32, #tpu.memory_space<vmem>> -> memref<40x64xf32, #tpu.memory_space<vmem>>
    %dma_wait3A_583 = arith.constant 0 : i32
    %dma_wait3A_584 = tpu.memref_slice %arg5[%dma_wait3A_583] : memref<25600xi32, #tpu.memory_space<vmem>> -> memref<40xi32, #tpu.memory_space<vmem>>
    %dma_wait3A_585 = arith.constant 0 : i32
    %dma_wait3A_586 = arith.constant 0 : i32
    %dma_wait3A_587 = tpu.memref_slice %arg3[%dma_wait3A_585, %dma_wait3A_586] : memref<2000000x64xf32, #tpu.memory_space<hbm>> -> memref<2000000x64xf32, #tpu.memory_space<hbm>>
    %dma_wait3A_588 = tpu.memref_slice %arg8[%dma_wait3A_579] : memref<2x!tpu.dma_semaphore, #tpu.memory_space<semaphore_mem>> -> memref<1x!tpu.dma_semaphore, #tpu.memory_space<semaphore_mem>>
    %dma_wait3A_589 = tpu.memref_squeeze %dma_wait3A_588 : memref<1x!tpu.dma_semaphore, #tpu.memory_space<semaphore_mem>> -> memref<!tpu.dma_semaphore, #tpu.memory_space<semaphore_mem>>
    tpu.wait_indirect_dma semaphore(%dma_wait3A_589 : memref<!tpu.dma_semaphore, #tpu.memory_space<semaphore_mem>>) src(%dma_wait3A_587 : memref<2000000x64xf32, #tpu.memory_space<hbm>>) dst(%dma_wait3A_582 : memref<40x64xf32, #tpu.memory_space<vmem>>)
    %dma_wait3A_590 = arith.constant 0 : i32
    %dma_wait3A_591 = arith.constant 520 : i32
    %dma_wait3A_592 = arith.constant 0 : i32
    %dma_wait3A_593 = tpu.memref_slice %arg6[%dma_wait3A_591, %dma_wait3A_592] : memref<800x64xf32, #tpu.memory_space<vmem>> -> memref<40x64xf32, #tpu.memory_space<vmem>>
    %dma_wait3A_594 = arith.constant 0 : i32
    %dma_wait3A_595 = tpu.memref_slice %arg5[%dma_wait3A_594] : memref<25600xi32, #tpu.memory_space<vmem>> -> memref<40xi32, #tpu.memory_space<vmem>>
    %dma_wait3A_596 = arith.constant 0 : i32
    %dma_wait3A_597 = arith.constant 0 : i32
    %dma_wait3A_598 = tpu.memref_slice %arg3[%dma_wait3A_596, %dma_wait3A_597] : memref<2000000x64xf32, #tpu.memory_space<hbm>> -> memref<2000000x64xf32, #tpu.memory_space<hbm>>
    %dma_wait3A_599 = tpu.memref_slice %arg8[%dma_wait3A_590] : memref<2x!tpu.dma_semaphore, #tpu.memory_space<semaphore_mem>> -> memref<1x!tpu.dma_semaphore, #tpu.memory_space<semaphore_mem>>
    %dma_wait3A_600 = tpu.memref_squeeze %dma_wait3A_599 : memref<1x!tpu.dma_semaphore, #tpu.memory_space<semaphore_mem>> -> memref<!tpu.dma_semaphore, #tpu.memory_space<semaphore_mem>>
    tpu.wait_indirect_dma semaphore(%dma_wait3A_600 : memref<!tpu.dma_semaphore, #tpu.memory_space<semaphore_mem>>) src(%dma_wait3A_598 : memref<2000000x64xf32, #tpu.memory_space<hbm>>) dst(%dma_wait3A_593 : memref<40x64xf32, #tpu.memory_space<vmem>>)
    %dma_wait3A_601 = arith.constant 0 : i32
    %dma_wait3A_602 = arith.constant 560 : i32
    %dma_wait3A_603 = arith.constant 0 : i32
    %dma_wait3A_604 = tpu.memref_slice %arg6[%dma_wait3A_602, %dma_wait3A_603] : memref<800x64xf32, #tpu.memory_space<vmem>> -> memref<40x64xf32, #tpu.memory_space<vmem>>
    %dma_wait3A_605 = arith.constant 0 : i32
    %dma_wait3A_606 = tpu.memref_slice %arg5[%dma_wait3A_605] : memref<25600xi32, #tpu.memory_space<vmem>> -> memref<40xi32, #tpu.memory_space<vmem>>
    %dma_wait3A_607 = arith.constant 0 : i32
    %dma_wait3A_608 = arith.constant 0 : i32
    %dma_wait3A_609 = tpu.memref_slice %arg3[%dma_wait3A_607, %dma_wait3A_608] : memref<2000000x64xf32, #tpu.memory_space<hbm>> -> memref<2000000x64xf32, #tpu.memory_space<hbm>>
    %dma_wait3A_610 = tpu.memref_slice %arg8[%dma_wait3A_601] : memref<2x!tpu.dma_semaphore, #tpu.memory_space<semaphore_mem>> -> memref<1x!tpu.dma_semaphore, #tpu.memory_space<semaphore_mem>>
    %dma_wait3A_611 = tpu.memref_squeeze %dma_wait3A_610 : memref<1x!tpu.dma_semaphore, #tpu.memory_space<semaphore_mem>> -> memref<!tpu.dma_semaphore, #tpu.memory_space<semaphore_mem>>
    tpu.wait_indirect_dma semaphore(%dma_wait3A_611 : memref<!tpu.dma_semaphore, #tpu.memory_space<semaphore_mem>>) src(%dma_wait3A_609 : memref<2000000x64xf32, #tpu.memory_space<hbm>>) dst(%dma_wait3A_604 : memref<40x64xf32, #tpu.memory_space<vmem>>)
    %dma_wait3A_612 = arith.constant 0 : i32
    %dma_wait3A_613 = arith.constant 600 : i32
    %dma_wait3A_614 = arith.constant 0 : i32
    %dma_wait3A_615 = tpu.memref_slice %arg6[%dma_wait3A_613, %dma_wait3A_614] : memref<800x64xf32, #tpu.memory_space<vmem>> -> memref<40x64xf32, #tpu.memory_space<vmem>>
    %dma_wait3A_616 = arith.constant 0 : i32
    %dma_wait3A_617 = tpu.memref_slice %arg5[%dma_wait3A_616] : memref<25600xi32, #tpu.memory_space<vmem>> -> memref<40xi32, #tpu.memory_space<vmem>>
    %dma_wait3A_618 = arith.constant 0 : i32
    %dma_wait3A_619 = arith.constant 0 : i32
    %dma_wait3A_620 = tpu.memref_slice %arg3[%dma_wait3A_618, %dma_wait3A_619] : memref<2000000x64xf32, #tpu.memory_space<hbm>> -> memref<2000000x64xf32, #tpu.memory_space<hbm>>
    %dma_wait3A_621 = tpu.memref_slice %arg8[%dma_wait3A_612] : memref<2x!tpu.dma_semaphore, #tpu.memory_space<semaphore_mem>> -> memref<1x!tpu.dma_semaphore, #tpu.memory_space<semaphore_mem>>
    %dma_wait3A_622 = tpu.memref_squeeze %dma_wait3A_621 : memref<1x!tpu.dma_semaphore, #tpu.memory_space<semaphore_mem>> -> memref<!tpu.dma_semaphore, #tpu.memory_space<semaphore_mem>>
    tpu.wait_indirect_dma semaphore(%dma_wait3A_622 : memref<!tpu.dma_semaphore, #tpu.memory_space<semaphore_mem>>) src(%dma_wait3A_620 : memref<2000000x64xf32, #tpu.memory_space<hbm>>) dst(%dma_wait3A_615 : memref<40x64xf32, #tpu.memory_space<vmem>>)
    %dma_wait3A_623 = arith.constant 0 : i32
    %dma_wait3A_624 = arith.constant 640 : i32
    %dma_wait3A_625 = arith.constant 0 : i32
    %dma_wait3A_626 = tpu.memref_slice %arg6[%dma_wait3A_624, %dma_wait3A_625] : memref<800x64xf32, #tpu.memory_space<vmem>> -> memref<40x64xf32, #tpu.memory_space<vmem>>
    %dma_wait3A_627 = arith.constant 0 : i32
    %dma_wait3A_628 = tpu.memref_slice %arg5[%dma_wait3A_627] : memref<25600xi32, #tpu.memory_space<vmem>> -> memref<40xi32, #tpu.memory_space<vmem>>
    %dma_wait3A_629 = arith.constant 0 : i32
    %dma_wait3A_630 = arith.constant 0 : i32
    %dma_wait3A_631 = tpu.memref_slice %arg3[%dma_wait3A_629, %dma_wait3A_630] : memref<2000000x64xf32, #tpu.memory_space<hbm>> -> memref<2000000x64xf32, #tpu.memory_space<hbm>>
    %dma_wait3A_632 = tpu.memref_slice %arg8[%dma_wait3A_623] : memref<2x!tpu.dma_semaphore, #tpu.memory_space<semaphore_mem>> -> memref<1x!tpu.dma_semaphore, #tpu.memory_space<semaphore_mem>>
    %dma_wait3A_633 = tpu.memref_squeeze %dma_wait3A_632 : memref<1x!tpu.dma_semaphore, #tpu.memory_space<semaphore_mem>> -> memref<!tpu.dma_semaphore, #tpu.memory_space<semaphore_mem>>
    tpu.wait_indirect_dma semaphore(%dma_wait3A_633 : memref<!tpu.dma_semaphore, #tpu.memory_space<semaphore_mem>>) src(%dma_wait3A_631 : memref<2000000x64xf32, #tpu.memory_space<hbm>>) dst(%dma_wait3A_626 : memref<40x64xf32, #tpu.memory_space<vmem>>)
    %dma_wait3A_634 = arith.constant 0 : i32
    %dma_wait3A_635 = arith.constant 680 : i32
    %dma_wait3A_636 = arith.constant 0 : i32
    %dma_wait3A_637 = tpu.memref_slice %arg6[%dma_wait3A_635, %dma_wait3A_636] : memref<800x64xf32, #tpu.memory_space<vmem>> -> memref<40x64xf32, #tpu.memory_space<vmem>>
    %dma_wait3A_638 = arith.constant 0 : i32
    %dma_wait3A_639 = tpu.memref_slice %arg5[%dma_wait3A_638] : memref<25600xi32, #tpu.memory_space<vmem>> -> memref<40xi32, #tpu.memory_space<vmem>>
    %dma_wait3A_640 = arith.constant 0 : i32
    %dma_wait3A_641 = arith.constant 0 : i32
    %dma_wait3A_642 = tpu.memref_slice %arg3[%dma_wait3A_640, %dma_wait3A_641] : memref<2000000x64xf32, #tpu.memory_space<hbm>> -> memref<2000000x64xf32, #tpu.memory_space<hbm>>
    %dma_wait3A_643 = tpu.memref_slice %arg8[%dma_wait3A_634] : memref<2x!tpu.dma_semaphore, #tpu.memory_space<semaphore_mem>> -> memref<1x!tpu.dma_semaphore, #tpu.memory_space<semaphore_mem>>
    %dma_wait3A_644 = tpu.memref_squeeze %dma_wait3A_643 : memref<1x!tpu.dma_semaphore, #tpu.memory_space<semaphore_mem>> -> memref<!tpu.dma_semaphore, #tpu.memory_space<semaphore_mem>>
    tpu.wait_indirect_dma semaphore(%dma_wait3A_644 : memref<!tpu.dma_semaphore, #tpu.memory_space<semaphore_mem>>) src(%dma_wait3A_642 : memref<2000000x64xf32, #tpu.memory_space<hbm>>) dst(%dma_wait3A_637 : memref<40x64xf32, #tpu.memory_space<vmem>>)
    %dma_wait3A_645 = arith.constant 0 : i32
    %dma_wait3A_646 = arith.constant 720 : i32
    %dma_wait3A_647 = arith.constant 0 : i32
    %dma_wait3A_648 = tpu.memref_slice %arg6[%dma_wait3A_646, %dma_wait3A_647] : memref<800x64xf32, #tpu.memory_space<vmem>> -> memref<40x64xf32, #tpu.memory_space<vmem>>
    %dma_wait3A_649 = arith.constant 0 : i32
    %dma_wait3A_650 = tpu.memref_slice %arg5[%dma_wait3A_649] : memref<25600xi32, #tpu.memory_space<vmem>> -> memref<40xi32, #tpu.memory_space<vmem>>
    %dma_wait3A_651 = arith.constant 0 : i32
    %dma_wait3A_652 = arith.constant 0 : i32
    %dma_wait3A_653 = tpu.memref_slice %arg3[%dma_wait3A_651, %dma_wait3A_652] : memref<2000000x64xf32, #tpu.memory_space<hbm>> -> memref<2000000x64xf32, #tpu.memory_space<hbm>>
    %dma_wait3A_654 = tpu.memref_slice %arg8[%dma_wait3A_645] : memref<2x!tpu.dma_semaphore, #tpu.memory_space<semaphore_mem>> -> memref<1x!tpu.dma_semaphore, #tpu.memory_space<semaphore_mem>>
    %dma_wait3A_655 = tpu.memref_squeeze %dma_wait3A_654 : memref<1x!tpu.dma_semaphore, #tpu.memory_space<semaphore_mem>> -> memref<!tpu.dma_semaphore, #tpu.memory_space<semaphore_mem>>
    tpu.wait_indirect_dma semaphore(%dma_wait3A_655 : memref<!tpu.dma_semaphore, #tpu.memory_space<semaphore_mem>>) src(%dma_wait3A_653 : memref<2000000x64xf32, #tpu.memory_space<hbm>>) dst(%dma_wait3A_648 : memref<40x64xf32, #tpu.memory_space<vmem>>)
    %dma_wait3A_656 = arith.constant 0 : i32
    %dma_wait3A_657 = arith.constant 760 : i32
    %dma_wait3A_658 = arith.constant 0 : i32
    %dma_wait3A_659 = tpu.memref_slice %arg6[%dma_wait3A_657, %dma_wait3A_658] : memref<800x64xf32, #tpu.memory_space<vmem>> -> memref<40x64xf32, #tpu.memory_space<vmem>>
    %dma_wait3A_660 = arith.constant 0 : i32
    %dma_wait3A_661 = tpu.memref_slice %arg5[%dma_wait3A_660] : memref<25600xi32, #tpu.memory_space<vmem>> -> memref<40xi32, #tpu.memory_space<vmem>>
    %dma_wait3A_662 = arith.constant 0 : i32
    %dma_wait3A_663 = arith.constant 0 : i32
    %dma_wait3A_664 = tpu.memref_slice %arg3[%dma_wait3A_662, %dma_wait3A_663] : memref<2000000x64xf32, #tpu.memory_space<hbm>> -> memref<2000000x64xf32, #tpu.memory_space<hbm>>
    %dma_wait3A_665 = tpu.memref_slice %arg8[%dma_wait3A_656] : memref<2x!tpu.dma_semaphore, #tpu.memory_space<semaphore_mem>> -> memref<1x!tpu.dma_semaphore, #tpu.memory_space<semaphore_mem>>
    %dma_wait3A_666 = tpu.memref_squeeze %dma_wait3A_665 : memref<1x!tpu.dma_semaphore, #tpu.memory_space<semaphore_mem>> -> memref<!tpu.dma_semaphore, #tpu.memory_space<semaphore_mem>>
    tpu.wait_indirect_dma semaphore(%dma_wait3A_666 : memref<!tpu.dma_semaphore, #tpu.memory_space<semaphore_mem>>) src(%dma_wait3A_664 : memref<2000000x64xf32, #tpu.memory_space<hbm>>) dst(%dma_wait3A_659 : memref<40x64xf32, #tpu.memory_space<vmem>>)
    %scan3A_667 = arith.constant 0 : i32
    %scan3A_668 = arith.constant 800 : i32
    %scan3A_669 = arith.addi %scan3A_667, %scan3A_668 : i32
    %scan3A_670 = arith.constant 1 : i32
    scf.for %scan3A_929 = %scan3A_667 to %scan3A_669 step %scan3A_670  : i32 {
      %mul3A_930 = arith.constant 1 : i32
      %mul3A_931 = arith.muli %scan3A_929, %mul3A_930 : i32
      %add3A_932 = arith.constant 0 : i32
      %add3A_933 = arith.addi %add3A_932, %mul3A_931 : i32
      %get3A = arith.index_cast %add3A_933 : i32 to index
      %get3A_934 = arith.constant 0 : index
      %get3A_935 = tpu.vector_load %arg6[%get3A, %get3A_934] {strides = array<i32>} : memref<800x64xf32, #tpu.memory_space<vmem>>, vector<16xf32>,
      %mul3A_936 = arith.constant 8.000000e+00 : f32
      %mul3A_937 = vector.broadcast %mul3A_936 : f32 to vector<16xf32>
      %mul3A_938 = arith.mulf %get3A_935, %mul3A_937 : vector<16xf32>
      %swap3A = arith.index_cast %add3A_933 : i32 to index
      %swap3A_939 = arith.constant 0 : index
      %swap3A_940 = tpu.vector_load %arg6[%swap3A, %swap3A_939] {strides = array<i32>} : memref<800x64xf32, #tpu.memory_space<vmem>>, vector<16xf32>,
      tpu.vector_store %arg6[%swap3A, %swap3A_939], %mul3A_938 {strides = array<i32>} : memref<800x64xf32, #tpu.memory_space<vmem>>, vector<16xf32>,
      %get3A_941 = arith.index_cast %add3A_933 : i32 to index
      %get3A_942 = arith.constant 16 : index
      %get3A_943 = tpu.vector_load %arg6[%get3A_941, %get3A_942] {strides = array<i32>} : memref<800x64xf32, #tpu.memory_space<vmem>>, vector<16xf32>,
      %mul3A_944 = arith.constant 8.000000e+00 : f32
      %mul3A_945 = vector.broadcast %mul3A_944 : f32 to vector<16xf32>
      %mul3A_946 = arith.mulf %get3A_943, %mul3A_945 : vector<16xf32>
      %swap3A_947 = arith.index_cast %add3A_933 : i32 to index
      %swap3A_948 = arith.constant 16 : index
      %swap3A_949 = tpu.vector_load %arg6[%swap3A_947, %swap3A_948] {strides = array<i32>} : memref<800x64xf32, #tpu.memory_space<vmem>>, vector<16xf32>,
      tpu.vector_store %arg6[%swap3A_947, %swap3A_948], %mul3A_946 {strides = array<i32>} : memref<800x64xf32, #tpu.memory_space<vmem>>, vector<16xf32>,
      %get3A_950 = arith.index_cast %add3A_933 : i32 to index
      %get3A_951 = arith.constant 32 : index
      %get3A_952 = tpu.vector_load %arg6[%get3A_950, %get3A_951] {strides = array<i32>} : memref<800x64xf32, #tpu.memory_space<vmem>>, vector<16xf32>,
      %mul3A_953 = arith.constant 8.000000e+00 : f32
      %mul3A_954 = vector.broadcast %mul3A_953 : f32 to vector<16xf32>
      %mul3A_955 = arith.mulf %get3A_952, %mul3A_954 : vector<16xf32>
      %swap3A_956 = arith.index_cast %add3A_933 : i32 to index
      %swap3A_957 = arith.constant 32 : index
      %swap3A_958 = tpu.vector_load %arg6[%swap3A_956, %swap3A_957] {strides = array<i32>} : memref<800x64xf32, #tpu.memory_space<vmem>>, vector<16xf32>,
      tpu.vector_store %arg6[%swap3A_956, %swap3A_957], %mul3A_955 {strides = array<i32>} : memref<800x64xf32, #tpu.memory_space<vmem>>, vector<16xf32>,
      %get3A_959 = arith.index_cast %add3A_933 : i32 to index
      %get3A_960 = arith.constant 48 : index
      %get3A_961 = tpu.vector_load %arg6[%get3A_959, %get3A_960] {strides = array<i32>} : memref<800x64xf32, #tpu.memory_space<vmem>>, vector<16xf32>,
      %mul3A_962 = arith.constant 8.000000e+00 : f32
      %mul3A_963 = vector.broadcast %mul3A_962 : f32 to vector<16xf32>
      %mul3A_964 = arith.mulf %get3A_961, %mul3A_963 : vector<16xf32>
      %swap3A_965 = arith.index_cast %add3A_933 : i32 to index
      %swap3A_966 = arith.constant 48 : index
      %swap3A_967 = tpu.vector_load %arg6[%swap3A_965, %swap3A_966] {strides = array<i32>} : memref<800x64xf32, #tpu.memory_space<vmem>>, vector<16xf32>,
      tpu.vector_store %arg6[%swap3A_965, %swap3A_966], %mul3A_964 {strides = array<i32>} : memref<800x64xf32, #tpu.memory_space<vmem>>, vector<16xf32>,
    }
    %scan3A_671 = arith.constant 800 : i32
    %add3A_672 = arith.constant 24000 : i32
    %add3A_673 = arith.addi %mul3A_4, %add3A_672 : i32
    %dma_start3A_674 = arith.constant 0 : i32
    %dma_start3A_675 = arith.constant 0 : i32
    %dma_start3A_676 = tpu.memref_slice %arg4[%add3A_673, %dma_start3A_675] : memref<819200x128xf32, #tpu.memory_space<hbm>> -> memref<800x64xf32, #tpu.memory_space<hbm>>
    %dma_start3A_677 = tpu.memref_slice %arg9[%dma_start3A_674] : memref<2x!tpu.dma_semaphore, #tpu.memory_space<semaphore_mem>> -> memref<1x!tpu.dma_semaphore, #tpu.memory_space<semaphore_mem>>
    %dma_start3A_678 = tpu.memref_squeeze %dma_start3A_677 : memref<1x!tpu.dma_semaphore, #tpu.memory_space<semaphore_mem>> -> memref<!tpu.dma_semaphore, #tpu.memory_space<semaphore_mem>>
    %dma_start3A_679 = arith.constant 0 : i32
    %dma_start3A_680 = tpu.memref_slice %arg4[%add3A_673, %dma_start3A_679] : memref<819200x128xf32, #tpu.memory_space<hbm>> -> memref<800x64xf32, #tpu.memory_space<hbm>>
    tpu.enqueue_dma source(%arg6 : memref<800x64xf32, #tpu.memory_space<vmem>>) target(%dma_start3A_680 : memref<800x64xf32, #tpu.memory_space<hbm>>) target_semaphore(%dma_start3A_678 : memref<!tpu.dma_semaphore, #tpu.memory_space<semaphore_mem>>)
    %dma_wait3A_681 = arith.constant 1 : i32
    %dma_wait3A_682 = arith.constant 0 : i32
    %dma_wait3A_683 = arith.constant 0 : i32
    %dma_wait3A_684 = tpu.memref_slice %arg7[%dma_wait3A_682, %dma_wait3A_683] : memref<800x64xf32, #tpu.memory_space<vmem>> -> memref<40x64xf32, #tpu.memory_space<vmem>>
    %dma_wait3A_685 = arith.constant 0 : i32
    %dma_wait3A_686 = tpu.memref_slice %arg5[%dma_wait3A_685] : memref<25600xi32, #tpu.memory_space<vmem>> -> memref<40xi32, #tpu.memory_space<vmem>>
    %dma_wait3A_687 = arith.constant 0 : i32
    %dma_wait3A_688 = arith.constant 0 : i32
    %dma_wait3A_689 = tpu.memref_slice %arg3[%dma_wait3A_687, %dma_wait3A_688] : memref<2000000x64xf32, #tpu.memory_space<hbm>> -> memref<2000000x64xf32, #tpu.memory_space<hbm>>
    %dma_wait3A_690 = tpu.memref_slice %arg8[%dma_wait3A_681] : memref<2x!tpu.dma_semaphore, #tpu.memory_space<semaphore_mem>> -> memref<1x!tpu.dma_semaphore, #tpu.memory_space<semaphore_mem>>
    %dma_wait3A_691 = tpu.memref_squeeze %dma_wait3A_690 : memref<1x!tpu.dma_semaphore, #tpu.memory_space<semaphore_mem>> -> memref<!tpu.dma_semaphore, #tpu.memory_space<semaphore_mem>>
    tpu.wait_indirect_dma semaphore(%dma_wait3A_691 : memref<!tpu.dma_semaphore, #tpu.memory_space<semaphore_mem>>) src(%dma_wait3A_689 : memref<2000000x64xf32, #tpu.memory_space<hbm>>) dst(%dma_wait3A_684 : memref<40x64xf32, #tpu.memory_space<vmem>>)
    %dma_wait3A_692 = arith.constant 1 : i32
    %dma_wait3A_693 = arith.constant 40 : i32
    %dma_wait3A_694 = arith.constant 0 : i32
    %dma_wait3A_695 = tpu.memref_slice %arg7[%dma_wait3A_693, %dma_wait3A_694] : memref<800x64xf32, #tpu.memory_space<vmem>> -> memref<40x64xf32, #tpu.memory_space<vmem>>
    %dma_wait3A_696 = arith.constant 0 : i32
    %dma_wait3A_697 = tpu.memref_slice %arg5[%dma_wait3A_696] : memref<25600xi32, #tpu.memory_space<vmem>> -> memref<40xi32, #tpu.memory_space<vmem>>
    %dma_wait3A_698 = arith.constant 0 : i32
    %dma_wait3A_699 = arith.constant 0 : i32
    %dma_wait3A_700 = tpu.memref_slice %arg3[%dma_wait3A_698, %dma_wait3A_699] : memref<2000000x64xf32, #tpu.memory_space<hbm>> -> memref<2000000x64xf32, #tpu.memory_space<hbm>>
    %dma_wait3A_701 = tpu.memref_slice %arg8[%dma_wait3A_692] : memref<2x!tpu.dma_semaphore, #tpu.memory_space<semaphore_mem>> -> memref<1x!tpu.dma_semaphore, #tpu.memory_space<semaphore_mem>>
    %dma_wait3A_702 = tpu.memref_squeeze %dma_wait3A_701 : memref<1x!tpu.dma_semaphore, #tpu.memory_space<semaphore_mem>> -> memref<!tpu.dma_semaphore, #tpu.memory_space<semaphore_mem>>
    tpu.wait_indirect_dma semaphore(%dma_wait3A_702 : memref<!tpu.dma_semaphore, #tpu.memory_space<semaphore_mem>>) src(%dma_wait3A_700 : memref<2000000x64xf32, #tpu.memory_space<hbm>>) dst(%dma_wait3A_695 : memref<40x64xf32, #tpu.memory_space<vmem>>)
    %dma_wait3A_703 = arith.constant 1 : i32
    %dma_wait3A_704 = arith.constant 80 : i32
    %dma_wait3A_705 = arith.constant 0 : i32
    %dma_wait3A_706 = tpu.memref_slice %arg7[%dma_wait3A_704, %dma_wait3A_705] : memref<800x64xf32, #tpu.memory_space<vmem>> -> memref<40x64xf32, #tpu.memory_space<vmem>>
    %dma_wait3A_707 = arith.constant 0 : i32
    %dma_wait3A_708 = tpu.memref_slice %arg5[%dma_wait3A_707] : memref<25600xi32, #tpu.memory_space<vmem>> -> memref<40xi32, #tpu.memory_space<vmem>>
    %dma_wait3A_709 = arith.constant 0 : i32
    %dma_wait3A_710 = arith.constant 0 : i32
    %dma_wait3A_711 = tpu.memref_slice %arg3[%dma_wait3A_709, %dma_wait3A_710] : memref<2000000x64xf32, #tpu.memory_space<hbm>> -> memref<2000000x64xf32, #tpu.memory_space<hbm>>
    %dma_wait3A_712 = tpu.memref_slice %arg8[%dma_wait3A_703] : memref<2x!tpu.dma_semaphore, #tpu.memory_space<semaphore_mem>> -> memref<1x!tpu.dma_semaphore, #tpu.memory_space<semaphore_mem>>
    %dma_wait3A_713 = tpu.memref_squeeze %dma_wait3A_712 : memref<1x!tpu.dma_semaphore, #tpu.memory_space<semaphore_mem>> -> memref<!tpu.dma_semaphore, #tpu.memory_space<semaphore_mem>>
    tpu.wait_indirect_dma semaphore(%dma_wait3A_713 : memref<!tpu.dma_semaphore, #tpu.memory_space<semaphore_mem>>) src(%dma_wait3A_711 : memref<2000000x64xf32, #tpu.memory_space<hbm>>) dst(%dma_wait3A_706 : memref<40x64xf32, #tpu.memory_space<vmem>>)
    %dma_wait3A_714 = arith.constant 1 : i32
    %dma_wait3A_715 = arith.constant 120 : i32
    %dma_wait3A_716 = arith.constant 0 : i32
    %dma_wait3A_717 = tpu.memref_slice %arg7[%dma_wait3A_715, %dma_wait3A_716] : memref<800x64xf32, #tpu.memory_space<vmem>> -> memref<40x64xf32, #tpu.memory_space<vmem>>
    %dma_wait3A_718 = arith.constant 0 : i32
    %dma_wait3A_719 = tpu.memref_slice %arg5[%dma_wait3A_718] : memref<25600xi32, #tpu.memory_space<vmem>> -> memref<40xi32, #tpu.memory_space<vmem>>
    %dma_wait3A_720 = arith.constant 0 : i32
    %dma_wait3A_721 = arith.constant 0 : i32
    %dma_wait3A_722 = tpu.memref_slice %arg3[%dma_wait3A_720, %dma_wait3A_721] : memref<2000000x64xf32, #tpu.memory_space<hbm>> -> memref<2000000x64xf32, #tpu.memory_space<hbm>>
    %dma_wait3A_723 = tpu.memref_slice %arg8[%dma_wait3A_714] : memref<2x!tpu.dma_semaphore, #tpu.memory_space<semaphore_mem>> -> memref<1x!tpu.dma_semaphore, #tpu.memory_space<semaphore_mem>>
    %dma_wait3A_724 = tpu.memref_squeeze %dma_wait3A_723 : memref<1x!tpu.dma_semaphore, #tpu.memory_space<semaphore_mem>> -> memref<!tpu.dma_semaphore, #tpu.memory_space<semaphore_mem>>
    tpu.wait_indirect_dma semaphore(%dma_wait3A_724 : memref<!tpu.dma_semaphore, #tpu.memory_space<semaphore_mem>>) src(%dma_wait3A_722 : memref<2000000x64xf32, #tpu.memory_space<hbm>>) dst(%dma_wait3A_717 : memref<40x64xf32, #tpu.memory_space<vmem>>)
    %dma_wait3A_725 = arith.constant 1 : i32
    %dma_wait3A_726 = arith.constant 160 : i32
    %dma_wait3A_727 = arith.constant 0 : i32
    %dma_wait3A_728 = tpu.memref_slice %arg7[%dma_wait3A_726, %dma_wait3A_727] : memref<800x64xf32, #tpu.memory_space<vmem>> -> memref<40x64xf32, #tpu.memory_space<vmem>>
    %dma_wait3A_729 = arith.constant 0 : i32
    %dma_wait3A_730 = tpu.memref_slice %arg5[%dma_wait3A_729] : memref<25600xi32, #tpu.memory_space<vmem>> -> memref<40xi32, #tpu.memory_space<vmem>>
    %dma_wait3A_731 = arith.constant 0 : i32
    %dma_wait3A_732 = arith.constant 0 : i32
    %dma_wait3A_733 = tpu.memref_slice %arg3[%dma_wait3A_731, %dma_wait3A_732] : memref<2000000x64xf32, #tpu.memory_space<hbm>> -> memref<2000000x64xf32, #tpu.memory_space<hbm>>
    %dma_wait3A_734 = tpu.memref_slice %arg8[%dma_wait3A_725] : memref<2x!tpu.dma_semaphore, #tpu.memory_space<semaphore_mem>> -> memref<1x!tpu.dma_semaphore, #tpu.memory_space<semaphore_mem>>
    %dma_wait3A_735 = tpu.memref_squeeze %dma_wait3A_734 : memref<1x!tpu.dma_semaphore, #tpu.memory_space<semaphore_mem>> -> memref<!tpu.dma_semaphore, #tpu.memory_space<semaphore_mem>>
    tpu.wait_indirect_dma semaphore(%dma_wait3A_735 : memref<!tpu.dma_semaphore, #tpu.memory_space<semaphore_mem>>) src(%dma_wait3A_733 : memref<2000000x64xf32, #tpu.memory_space<hbm>>) dst(%dma_wait3A_728 : memref<40x64xf32, #tpu.memory_space<vmem>>)
    %dma_wait3A_736 = arith.constant 1 : i32
    %dma_wait3A_737 = arith.constant 200 : i32
    %dma_wait3A_738 = arith.constant 0 : i32
    %dma_wait3A_739 = tpu.memref_slice %arg7[%dma_wait3A_737, %dma_wait3A_738] : memref<800x64xf32, #tpu.memory_space<vmem>> -> memref<40x64xf32, #tpu.memory_space<vmem>>
    %dma_wait3A_740 = arith.constant 0 : i32
    %dma_wait3A_741 = tpu.memref_slice %arg5[%dma_wait3A_740] : memref<25600xi32, #tpu.memory_space<vmem>> -> memref<40xi32, #tpu.memory_space<vmem>>
    %dma_wait3A_742 = arith.constant 0 : i32
    %dma_wait3A_743 = arith.constant 0 : i32
    %dma_wait3A_744 = tpu.memref_slice %arg3[%dma_wait3A_742, %dma_wait3A_743] : memref<2000000x64xf32, #tpu.memory_space<hbm>> -> memref<2000000x64xf32, #tpu.memory_space<hbm>>
    %dma_wait3A_745 = tpu.memref_slice %arg8[%dma_wait3A_736] : memref<2x!tpu.dma_semaphore, #tpu.memory_space<semaphore_mem>> -> memref<1x!tpu.dma_semaphore, #tpu.memory_space<semaphore_mem>>
    %dma_wait3A_746 = tpu.memref_squeeze %dma_wait3A_745 : memref<1x!tpu.dma_semaphore, #tpu.memory_space<semaphore_mem>> -> memref<!tpu.dma_semaphore, #tpu.memory_space<semaphore_mem>>
    tpu.wait_indirect_dma semaphore(%dma_wait3A_746 : memref<!tpu.dma_semaphore, #tpu.memory_space<semaphore_mem>>) src(%dma_wait3A_744 : memref<2000000x64xf32, #tpu.memory_space<hbm>>) dst(%dma_wait3A_739 : memref<40x64xf32, #tpu.memory_space<vmem>>)
    %dma_wait3A_747 = arith.constant 1 : i32
    %dma_wait3A_748 = arith.constant 240 : i32
    %dma_wait3A_749 = arith.constant 0 : i32
    %dma_wait3A_750 = tpu.memref_slice %arg7[%dma_wait3A_748, %dma_wait3A_749] : memref<800x64xf32, #tpu.memory_space<vmem>> -> memref<40x64xf32, #tpu.memory_space<vmem>>
    %dma_wait3A_751 = arith.constant 0 : i32
    %dma_wait3A_752 = tpu.memref_slice %arg5[%dma_wait3A_751] : memref<25600xi32, #tpu.memory_space<vmem>> -> memref<40xi32, #tpu.memory_space<vmem>>
    %dma_wait3A_753 = arith.constant 0 : i32
    %dma_wait3A_754 = arith.constant 0 : i32
    %dma_wait3A_755 = tpu.memref_slice %arg3[%dma_wait3A_753, %dma_wait3A_754] : memref<2000000x64xf32, #tpu.memory_space<hbm>> -> memref<2000000x64xf32, #tpu.memory_space<hbm>>
    %dma_wait3A_756 = tpu.memref_slice %arg8[%dma_wait3A_747] : memref<2x!tpu.dma_semaphore, #tpu.memory_space<semaphore_mem>> -> memref<1x!tpu.dma_semaphore, #tpu.memory_space<semaphore_mem>>
    %dma_wait3A_757 = tpu.memref_squeeze %dma_wait3A_756 : memref<1x!tpu.dma_semaphore, #tpu.memory_space<semaphore_mem>> -> memref<!tpu.dma_semaphore, #tpu.memory_space<semaphore_mem>>
    tpu.wait_indirect_dma semaphore(%dma_wait3A_757 : memref<!tpu.dma_semaphore, #tpu.memory_space<semaphore_mem>>) src(%dma_wait3A_755 : memref<2000000x64xf32, #tpu.memory_space<hbm>>) dst(%dma_wait3A_750 : memref<40x64xf32, #tpu.memory_space<vmem>>)
    %dma_wait3A_758 = arith.constant 1 : i32
    %dma_wait3A_759 = arith.constant 280 : i32
    %dma_wait3A_760 = arith.constant 0 : i32
    %dma_wait3A_761 = tpu.memref_slice %arg7[%dma_wait3A_759, %dma_wait3A_760] : memref<800x64xf32, #tpu.memory_space<vmem>> -> memref<40x64xf32, #tpu.memory_space<vmem>>
    %dma_wait3A_762 = arith.constant 0 : i32
    %dma_wait3A_763 = tpu.memref_slice %arg5[%dma_wait3A_762] : memref<25600xi32, #tpu.memory_space<vmem>> -> memref<40xi32, #tpu.memory_space<vmem>>
    %dma_wait3A_764 = arith.constant 0 : i32
    %dma_wait3A_765 = arith.constant 0 : i32
    %dma_wait3A_766 = tpu.memref_slice %arg3[%dma_wait3A_764, %dma_wait3A_765] : memref<2000000x64xf32, #tpu.memory_space<hbm>> -> memref<2000000x64xf32, #tpu.memory_space<hbm>>
    %dma_wait3A_767 = tpu.memref_slice %arg8[%dma_wait3A_758] : memref<2x!tpu.dma_semaphore, #tpu.memory_space<semaphore_mem>> -> memref<1x!tpu.dma_semaphore, #tpu.memory_space<semaphore_mem>>
    %dma_wait3A_768 = tpu.memref_squeeze %dma_wait3A_767 : memref<1x!tpu.dma_semaphore, #tpu.memory_space<semaphore_mem>> -> memref<!tpu.dma_semaphore, #tpu.memory_space<semaphore_mem>>
    tpu.wait_indirect_dma semaphore(%dma_wait3A_768 : memref<!tpu.dma_semaphore, #tpu.memory_space<semaphore_mem>>) src(%dma_wait3A_766 : memref<2000000x64xf32, #tpu.memory_space<hbm>>) dst(%dma_wait3A_761 : memref<40x64xf32, #tpu.memory_space<vmem>>)
    %dma_wait3A_769 = arith.constant 1 : i32
    %dma_wait3A_770 = arith.constant 320 : i32
    %dma_wait3A_771 = arith.constant 0 : i32
    %dma_wait3A_772 = tpu.memref_slice %arg7[%dma_wait3A_770, %dma_wait3A_771] : memref<800x64xf32, #tpu.memory_space<vmem>> -> memref<40x64xf32, #tpu.memory_space<vmem>>
    %dma_wait3A_773 = arith.constant 0 : i32
    %dma_wait3A_774 = tpu.memref_slice %arg5[%dma_wait3A_773] : memref<25600xi32, #tpu.memory_space<vmem>> -> memref<40xi32, #tpu.memory_space<vmem>>
    %dma_wait3A_775 = arith.constant 0 : i32
    %dma_wait3A_776 = arith.constant 0 : i32
    %dma_wait3A_777 = tpu.memref_slice %arg3[%dma_wait3A_775, %dma_wait3A_776] : memref<2000000x64xf32, #tpu.memory_space<hbm>> -> memref<2000000x64xf32, #tpu.memory_space<hbm>>
    %dma_wait3A_778 = tpu.memref_slice %arg8[%dma_wait3A_769] : memref<2x!tpu.dma_semaphore, #tpu.memory_space<semaphore_mem>> -> memref<1x!tpu.dma_semaphore, #tpu.memory_space<semaphore_mem>>
    %dma_wait3A_779 = tpu.memref_squeeze %dma_wait3A_778 : memref<1x!tpu.dma_semaphore, #tpu.memory_space<semaphore_mem>> -> memref<!tpu.dma_semaphore, #tpu.memory_space<semaphore_mem>>
    tpu.wait_indirect_dma semaphore(%dma_wait3A_779 : memref<!tpu.dma_semaphore, #tpu.memory_space<semaphore_mem>>) src(%dma_wait3A_777 : memref<2000000x64xf32, #tpu.memory_space<hbm>>) dst(%dma_wait3A_772 : memref<40x64xf32, #tpu.memory_space<vmem>>)
    %dma_wait3A_780 = arith.constant 1 : i32
    %dma_wait3A_781 = arith.constant 360 : i32
    %dma_wait3A_782 = arith.constant 0 : i32
    %dma_wait3A_783 = tpu.memref_slice %arg7[%dma_wait3A_781, %dma_wait3A_782] : memref<800x64xf32, #tpu.memory_space<vmem>> -> memref<40x64xf32, #tpu.memory_space<vmem>>
    %dma_wait3A_784 = arith.constant 0 : i32
    %dma_wait3A_785 = tpu.memref_slice %arg5[%dma_wait3A_784] : memref<25600xi32, #tpu.memory_space<vmem>> -> memref<40xi32, #tpu.memory_space<vmem>>
    %dma_wait3A_786 = arith.constant 0 : i32
    %dma_wait3A_787 = arith.constant 0 : i32
    %dma_wait3A_788 = tpu.memref_slice %arg3[%dma_wait3A_786, %dma_wait3A_787] : memref<2000000x64xf32, #tpu.memory_space<hbm>> -> memref<2000000x64xf32, #tpu.memory_space<hbm>>
    %dma_wait3A_789 = tpu.memref_slice %arg8[%dma_wait3A_780] : memref<2x!tpu.dma_semaphore, #tpu.memory_space<semaphore_mem>> -> memref<1x!tpu.dma_semaphore, #tpu.memory_space<semaphore_mem>>
    %dma_wait3A_790 = tpu.memref_squeeze %dma_wait3A_789 : memref<1x!tpu.dma_semaphore, #tpu.memory_space<semaphore_mem>> -> memref<!tpu.dma_semaphore, #tpu.memory_space<semaphore_mem>>
    tpu.wait_indirect_dma semaphore(%dma_wait3A_790 : memref<!tpu.dma_semaphore, #tpu.memory_space<semaphore_mem>>) src(%dma_wait3A_788 : memref<2000000x64xf32, #tpu.memory_space<hbm>>) dst(%dma_wait3A_783 : memref<40x64xf32, #tpu.memory_space<vmem>>)
    %dma_wait3A_791 = arith.constant 1 : i32
    %dma_wait3A_792 = arith.constant 400 : i32
    %dma_wait3A_793 = arith.constant 0 : i32
    %dma_wait3A_794 = tpu.memref_slice %arg7[%dma_wait3A_792, %dma_wait3A_793] : memref<800x64xf32, #tpu.memory_space<vmem>> -> memref<40x64xf32, #tpu.memory_space<vmem>>
    %dma_wait3A_795 = arith.constant 0 : i32
    %dma_wait3A_796 = tpu.memref_slice %arg5[%dma_wait3A_795] : memref<25600xi32, #tpu.memory_space<vmem>> -> memref<40xi32, #tpu.memory_space<vmem>>
    %dma_wait3A_797 = arith.constant 0 : i32
    %dma_wait3A_798 = arith.constant 0 : i32
    %dma_wait3A_799 = tpu.memref_slice %arg3[%dma_wait3A_797, %dma_wait3A_798] : memref<2000000x64xf32, #tpu.memory_space<hbm>> -> memref<2000000x64xf32, #tpu.memory_space<hbm>>
    %dma_wait3A_800 = tpu.memref_slice %arg8[%dma_wait3A_791] : memref<2x!tpu.dma_semaphore, #tpu.memory_space<semaphore_mem>> -> memref<1x!tpu.dma_semaphore, #tpu.memory_space<semaphore_mem>>
    %dma_wait3A_801 = tpu.memref_squeeze %dma_wait3A_800 : memref<1x!tpu.dma_semaphore, #tpu.memory_space<semaphore_mem>> -> memref<!tpu.dma_semaphore, #tpu.memory_space<semaphore_mem>>
    tpu.wait_indirect_dma semaphore(%dma_wait3A_801 : memref<!tpu.dma_semaphore, #tpu.memory_space<semaphore_mem>>) src(%dma_wait3A_799 : memref<2000000x64xf32, #tpu.memory_space<hbm>>) dst(%dma_wait3A_794 : memref<40x64xf32, #tpu.memory_space<vmem>>)
    %dma_wait3A_802 = arith.constant 1 : i32
    %dma_wait3A_803 = arith.constant 440 : i32
    %dma_wait3A_804 = arith.constant 0 : i32
    %dma_wait3A_805 = tpu.memref_slice %arg7[%dma_wait3A_803, %dma_wait3A_804] : memref<800x64xf32, #tpu.memory_space<vmem>> -> memref<40x64xf32, #tpu.memory_space<vmem>>
    %dma_wait3A_806 = arith.constant 0 : i32
    %dma_wait3A_807 = tpu.memref_slice %arg5[%dma_wait3A_806] : memref<25600xi32, #tpu.memory_space<vmem>> -> memref<40xi32, #tpu.memory_space<vmem>>
    %dma_wait3A_808 = arith.constant 0 : i32
    %dma_wait3A_809 = arith.constant 0 : i32
    %dma_wait3A_810 = tpu.memref_slice %arg3[%dma_wait3A_808, %dma_wait3A_809] : memref<2000000x64xf32, #tpu.memory_space<hbm>> -> memref<2000000x64xf32, #tpu.memory_space<hbm>>
    %dma_wait3A_811 = tpu.memref_slice %arg8[%dma_wait3A_802] : memref<2x!tpu.dma_semaphore, #tpu.memory_space<semaphore_mem>> -> memref<1x!tpu.dma_semaphore, #tpu.memory_space<semaphore_mem>>
    %dma_wait3A_812 = tpu.memref_squeeze %dma_wait3A_811 : memref<1x!tpu.dma_semaphore, #tpu.memory_space<semaphore_mem>> -> memref<!tpu.dma_semaphore, #tpu.memory_space<semaphore_mem>>
    tpu.wait_indirect_dma semaphore(%dma_wait3A_812 : memref<!tpu.dma_semaphore, #tpu.memory_space<semaphore_mem>>) src(%dma_wait3A_810 : memref<2000000x64xf32, #tpu.memory_space<hbm>>) dst(%dma_wait3A_805 : memref<40x64xf32, #tpu.memory_space<vmem>>)
    %dma_wait3A_813 = arith.constant 1 : i32
    %dma_wait3A_814 = arith.constant 480 : i32
    %dma_wait3A_815 = arith.constant 0 : i32
    %dma_wait3A_816 = tpu.memref_slice %arg7[%dma_wait3A_814, %dma_wait3A_815] : memref<800x64xf32, #tpu.memory_space<vmem>> -> memref<40x64xf32, #tpu.memory_space<vmem>>
    %dma_wait3A_817 = arith.constant 0 : i32
    %dma_wait3A_818 = tpu.memref_slice %arg5[%dma_wait3A_817] : memref<25600xi32, #tpu.memory_space<vmem>> -> memref<40xi32, #tpu.memory_space<vmem>>
    %dma_wait3A_819 = arith.constant 0 : i32
    %dma_wait3A_820 = arith.constant 0 : i32
    %dma_wait3A_821 = tpu.memref_slice %arg3[%dma_wait3A_819, %dma_wait3A_820] : memref<2000000x64xf32, #tpu.memory_space<hbm>> -> memref<2000000x64xf32, #tpu.memory_space<hbm>>
    %dma_wait3A_822 = tpu.memref_slice %arg8[%dma_wait3A_813] : memref<2x!tpu.dma_semaphore, #tpu.memory_space<semaphore_mem>> -> memref<1x!tpu.dma_semaphore, #tpu.memory_space<semaphore_mem>>
    %dma_wait3A_823 = tpu.memref_squeeze %dma_wait3A_822 : memref<1x!tpu.dma_semaphore, #tpu.memory_space<semaphore_mem>> -> memref<!tpu.dma_semaphore, #tpu.memory_space<semaphore_mem>>
    tpu.wait_indirect_dma semaphore(%dma_wait3A_823 : memref<!tpu.dma_semaphore, #tpu.memory_space<semaphore_mem>>) src(%dma_wait3A_821 : memref<2000000x64xf32, #tpu.memory_space<hbm>>) dst(%dma_wait3A_816 : memref<40x64xf32, #tpu.memory_space<vmem>>)
    %dma_wait3A_824 = arith.constant 1 : i32
    %dma_wait3A_825 = arith.constant 520 : i32
    %dma_wait3A_826 = arith.constant 0 : i32
    %dma_wait3A_827 = tpu.memref_slice %arg7[%dma_wait3A_825, %dma_wait3A_826] : memref<800x64xf32, #tpu.memory_space<vmem>> -> memref<40x64xf32, #tpu.memory_space<vmem>>
    %dma_wait3A_828 = arith.constant 0 : i32
    %dma_wait3A_829 = tpu.memref_slice %arg5[%dma_wait3A_828] : memref<25600xi32, #tpu.memory_space<vmem>> -> memref<40xi32, #tpu.memory_space<vmem>>
    %dma_wait3A_830 = arith.constant 0 : i32
    %dma_wait3A_831 = arith.constant 0 : i32
    %dma_wait3A_832 = tpu.memref_slice %arg3[%dma_wait3A_830, %dma_wait3A_831] : memref<2000000x64xf32, #tpu.memory_space<hbm>> -> memref<2000000x64xf32, #tpu.memory_space<hbm>>
    %dma_wait3A_833 = tpu.memref_slice %arg8[%dma_wait3A_824] : memref<2x!tpu.dma_semaphore, #tpu.memory_space<semaphore_mem>> -> memref<1x!tpu.dma_semaphore, #tpu.memory_space<semaphore_mem>>
    %dma_wait3A_834 = tpu.memref_squeeze %dma_wait3A_833 : memref<1x!tpu.dma_semaphore, #tpu.memory_space<semaphore_mem>> -> memref<!tpu.dma_semaphore, #tpu.memory_space<semaphore_mem>>
    tpu.wait_indirect_dma semaphore(%dma_wait3A_834 : memref<!tpu.dma_semaphore, #tpu.memory_space<semaphore_mem>>) src(%dma_wait3A_832 : memref<2000000x64xf32, #tpu.memory_space<hbm>>) dst(%dma_wait3A_827 : memref<40x64xf32, #tpu.memory_space<vmem>>)
    %dma_wait3A_835 = arith.constant 1 : i32
    %dma_wait3A_836 = arith.constant 560 : i32
    %dma_wait3A_837 = arith.constant 0 : i32
    %dma_wait3A_838 = tpu.memref_slice %arg7[%dma_wait3A_836, %dma_wait3A_837] : memref<800x64xf32, #tpu.memory_space<vmem>> -> memref<40x64xf32, #tpu.memory_space<vmem>>
    %dma_wait3A_839 = arith.constant 0 : i32
    %dma_wait3A_840 = tpu.memref_slice %arg5[%dma_wait3A_839] : memref<25600xi32, #tpu.memory_space<vmem>> -> memref<40xi32, #tpu.memory_space<vmem>>
    %dma_wait3A_841 = arith.constant 0 : i32
    %dma_wait3A_842 = arith.constant 0 : i32
    %dma_wait3A_843 = tpu.memref_slice %arg3[%dma_wait3A_841, %dma_wait3A_842] : memref<2000000x64xf32, #tpu.memory_space<hbm>> -> memref<2000000x64xf32, #tpu.memory_space<hbm>>
    %dma_wait3A_844 = tpu.memref_slice %arg8[%dma_wait3A_835] : memref<2x!tpu.dma_semaphore, #tpu.memory_space<semaphore_mem>> -> memref<1x!tpu.dma_semaphore, #tpu.memory_space<semaphore_mem>>
    %dma_wait3A_845 = tpu.memref_squeeze %dma_wait3A_844 : memref<1x!tpu.dma_semaphore, #tpu.memory_space<semaphore_mem>> -> memref<!tpu.dma_semaphore, #tpu.memory_space<semaphore_mem>>
    tpu.wait_indirect_dma semaphore(%dma_wait3A_845 : memref<!tpu.dma_semaphore, #tpu.memory_space<semaphore_mem>>) src(%dma_wait3A_843 : memref<2000000x64xf32, #tpu.memory_space<hbm>>) dst(%dma_wait3A_838 : memref<40x64xf32, #tpu.memory_space<vmem>>)
    %dma_wait3A_846 = arith.constant 1 : i32
    %dma_wait3A_847 = arith.constant 600 : i32
    %dma_wait3A_848 = arith.constant 0 : i32
    %dma_wait3A_849 = tpu.memref_slice %arg7[%dma_wait3A_847, %dma_wait3A_848] : memref<800x64xf32, #tpu.memory_space<vmem>> -> memref<40x64xf32, #tpu.memory_space<vmem>>
    %dma_wait3A_850 = arith.constant 0 : i32
    %dma_wait3A_851 = tpu.memref_slice %arg5[%dma_wait3A_850] : memref<25600xi32, #tpu.memory_space<vmem>> -> memref<40xi32, #tpu.memory_space<vmem>>
    %dma_wait3A_852 = arith.constant 0 : i32
    %dma_wait3A_853 = arith.constant 0 : i32
    %dma_wait3A_854 = tpu.memref_slice %arg3[%dma_wait3A_852, %dma_wait3A_853] : memref<2000000x64xf32, #tpu.memory_space<hbm>> -> memref<2000000x64xf32, #tpu.memory_space<hbm>>
    %dma_wait3A_855 = tpu.memref_slice %arg8[%dma_wait3A_846] : memref<2x!tpu.dma_semaphore, #tpu.memory_space<semaphore_mem>> -> memref<1x!tpu.dma_semaphore, #tpu.memory_space<semaphore_mem>>
    %dma_wait3A_856 = tpu.memref_squeeze %dma_wait3A_855 : memref<1x!tpu.dma_semaphore, #tpu.memory_space<semaphore_mem>> -> memref<!tpu.dma_semaphore, #tpu.memory_space<semaphore_mem>>
    tpu.wait_indirect_dma semaphore(%dma_wait3A_856 : memref<!tpu.dma_semaphore, #tpu.memory_space<semaphore_mem>>) src(%dma_wait3A_854 : memref<2000000x64xf32, #tpu.memory_space<hbm>>) dst(%dma_wait3A_849 : memref<40x64xf32, #tpu.memory_space<vmem>>)
    %dma_wait3A_857 = arith.constant 1 : i32
    %dma_wait3A_858 = arith.constant 640 : i32
    %dma_wait3A_859 = arith.constant 0 : i32
    %dma_wait3A_860 = tpu.memref_slice %arg7[%dma_wait3A_858, %dma_wait3A_859] : memref<800x64xf32, #tpu.memory_space<vmem>> -> memref<40x64xf32, #tpu.memory_space<vmem>>
    %dma_wait3A_861 = arith.constant 0 : i32
    %dma_wait3A_862 = tpu.memref_slice %arg5[%dma_wait3A_861] : memref<25600xi32, #tpu.memory_space<vmem>> -> memref<40xi32, #tpu.memory_space<vmem>>
    %dma_wait3A_863 = arith.constant 0 : i32
    %dma_wait3A_864 = arith.constant 0 : i32
    %dma_wait3A_865 = tpu.memref_slice %arg3[%dma_wait3A_863, %dma_wait3A_864] : memref<2000000x64xf32, #tpu.memory_space<hbm>> -> memref<2000000x64xf32, #tpu.memory_space<hbm>>
    %dma_wait3A_866 = tpu.memref_slice %arg8[%dma_wait3A_857] : memref<2x!tpu.dma_semaphore, #tpu.memory_space<semaphore_mem>> -> memref<1x!tpu.dma_semaphore, #tpu.memory_space<semaphore_mem>>
    %dma_wait3A_867 = tpu.memref_squeeze %dma_wait3A_866 : memref<1x!tpu.dma_semaphore, #tpu.memory_space<semaphore_mem>> -> memref<!tpu.dma_semaphore, #tpu.memory_space<semaphore_mem>>
    tpu.wait_indirect_dma semaphore(%dma_wait3A_867 : memref<!tpu.dma_semaphore, #tpu.memory_space<semaphore_mem>>) src(%dma_wait3A_865 : memref<2000000x64xf32, #tpu.memory_space<hbm>>) dst(%dma_wait3A_860 : memref<40x64xf32, #tpu.memory_space<vmem>>)
    %dma_wait3A_868 = arith.constant 1 : i32
    %dma_wait3A_869 = arith.constant 680 : i32
    %dma_wait3A_870 = arith.constant 0 : i32
    %dma_wait3A_871 = tpu.memref_slice %arg7[%dma_wait3A_869, %dma_wait3A_870] : memref<800x64xf32, #tpu.memory_space<vmem>> -> memref<40x64xf32, #tpu.memory_space<vmem>>
    %dma_wait3A_872 = arith.constant 0 : i32
    %dma_wait3A_873 = tpu.memref_slice %arg5[%dma_wait3A_872] : memref<25600xi32, #tpu.memory_space<vmem>> -> memref<40xi32, #tpu.memory_space<vmem>>
    %dma_wait3A_874 = arith.constant 0 : i32
    %dma_wait3A_875 = arith.constant 0 : i32
    %dma_wait3A_876 = tpu.memref_slice %arg3[%dma_wait3A_874, %dma_wait3A_875] : memref<2000000x64xf32, #tpu.memory_space<hbm>> -> memref<2000000x64xf32, #tpu.memory_space<hbm>>
    %dma_wait3A_877 = tpu.memref_slice %arg8[%dma_wait3A_868] : memref<2x!tpu.dma_semaphore, #tpu.memory_space<semaphore_mem>> -> memref<1x!tpu.dma_semaphore, #tpu.memory_space<semaphore_mem>>
    %dma_wait3A_878 = tpu.memref_squeeze %dma_wait3A_877 : memref<1x!tpu.dma_semaphore, #tpu.memory_space<semaphore_mem>> -> memref<!tpu.dma_semaphore, #tpu.memory_space<semaphore_mem>>
    tpu.wait_indirect_dma semaphore(%dma_wait3A_878 : memref<!tpu.dma_semaphore, #tpu.memory_space<semaphore_mem>>) src(%dma_wait3A_876 : memref<2000000x64xf32, #tpu.memory_space<hbm>>) dst(%dma_wait3A_871 : memref<40x64xf32, #tpu.memory_space<vmem>>)
    %dma_wait3A_879 = arith.constant 1 : i32
    %dma_wait3A_880 = arith.constant 720 : i32
    %dma_wait3A_881 = arith.constant 0 : i32
    %dma_wait3A_882 = tpu.memref_slice %arg7[%dma_wait3A_880, %dma_wait3A_881] : memref<800x64xf32, #tpu.memory_space<vmem>> -> memref<40x64xf32, #tpu.memory_space<vmem>>
    %dma_wait3A_883 = arith.constant 0 : i32
    %dma_wait3A_884 = tpu.memref_slice %arg5[%dma_wait3A_883] : memref<25600xi32, #tpu.memory_space<vmem>> -> memref<40xi32, #tpu.memory_space<vmem>>
    %dma_wait3A_885 = arith.constant 0 : i32
    %dma_wait3A_886 = arith.constant 0 : i32
    %dma_wait3A_887 = tpu.memref_slice %arg3[%dma_wait3A_885, %dma_wait3A_886] : memref<2000000x64xf32, #tpu.memory_space<hbm>> -> memref<2000000x64xf32, #tpu.memory_space<hbm>>
    %dma_wait3A_888 = tpu.memref_slice %arg8[%dma_wait3A_879] : memref<2x!tpu.dma_semaphore, #tpu.memory_space<semaphore_mem>> -> memref<1x!tpu.dma_semaphore, #tpu.memory_space<semaphore_mem>>
    %dma_wait3A_889 = tpu.memref_squeeze %dma_wait3A_888 : memref<1x!tpu.dma_semaphore, #tpu.memory_space<semaphore_mem>> -> memref<!tpu.dma_semaphore, #tpu.memory_space<semaphore_mem>>
    tpu.wait_indirect_dma semaphore(%dma_wait3A_889 : memref<!tpu.dma_semaphore, #tpu.memory_space<semaphore_mem>>) src(%dma_wait3A_887 : memref<2000000x64xf32, #tpu.memory_space<hbm>>) dst(%dma_wait3A_882 : memref<40x64xf32, #tpu.memory_space<vmem>>)
    %dma_wait3A_890 = arith.constant 1 : i32
    %dma_wait3A_891 = arith.constant 760 : i32
    %dma_wait3A_892 = arith.constant 0 : i32
    %dma_wait3A_893 = tpu.memref_slice %arg7[%dma_wait3A_891, %dma_wait3A_892] : memref<800x64xf32, #tpu.memory_space<vmem>> -> memref<40x64xf32, #tpu.memory_space<vmem>>
    %dma_wait3A_894 = arith.constant 0 : i32
    %dma_wait3A_895 = tpu.memref_slice %arg5[%dma_wait3A_894] : memref<25600xi32, #tpu.memory_space<vmem>> -> memref<40xi32, #tpu.memory_space<vmem>>
    %dma_wait3A_896 = arith.constant 0 : i32
    %dma_wait3A_897 = arith.constant 0 : i32
    %dma_wait3A_898 = tpu.memref_slice %arg3[%dma_wait3A_896, %dma_wait3A_897] : memref<2000000x64xf32, #tpu.memory_space<hbm>> -> memref<2000000x64xf32, #tpu.memory_space<hbm>>
    %dma_wait3A_899 = tpu.memref_slice %arg8[%dma_wait3A_890] : memref<2x!tpu.dma_semaphore, #tpu.memory_space<semaphore_mem>> -> memref<1x!tpu.dma_semaphore, #tpu.memory_space<semaphore_mem>>
    %dma_wait3A_900 = tpu.memref_squeeze %dma_wait3A_899 : memref<1x!tpu.dma_semaphore, #tpu.memory_space<semaphore_mem>> -> memref<!tpu.dma_semaphore, #tpu.memory_space<semaphore_mem>>
    tpu.wait_indirect_dma semaphore(%dma_wait3A_900 : memref<!tpu.dma_semaphore, #tpu.memory_space<semaphore_mem>>) src(%dma_wait3A_898 : memref<2000000x64xf32, #tpu.memory_space<hbm>>) dst(%dma_wait3A_893 : memref<40x64xf32, #tpu.memory_space<vmem>>)
    %scan3A_901 = arith.constant 0 : i32
    %scan3A_902 = arith.constant 800 : i32
    %scan3A_903 = arith.addi %scan3A_901, %scan3A_902 : i32
    %scan3A_904 = arith.constant 1 : i32
    scf.for %scan3A_929 = %scan3A_901 to %scan3A_903 step %scan3A_904  : i32 {
      %mul3A_930 = arith.constant 1 : i32
      %mul3A_931 = arith.muli %scan3A_929, %mul3A_930 : i32
      %add3A_932 = arith.constant 0 : i32
      %add3A_933 = arith.addi %add3A_932, %mul3A_931 : i32
      %get3A = arith.index_cast %add3A_933 : i32 to index
      %get3A_934 = arith.constant 0 : index
      %get3A_935 = tpu.vector_load %arg7[%get3A, %get3A_934] {strides = array<i32>} : memref<800x64xf32, #tpu.memory_space<vmem>>, vector<16xf32>,
      %mul3A_936 = arith.constant 8.000000e+00 : f32
      %mul3A_937 = vector.broadcast %mul3A_936 : f32 to vector<16xf32>
      %mul3A_938 = arith.mulf %get3A_935, %mul3A_937 : vector<16xf32>
      %swap3A = arith.index_cast %add3A_933 : i32 to index
      %swap3A_939 = arith.constant 0 : index
      %swap3A_940 = tpu.vector_load %arg7[%swap3A, %swap3A_939] {strides = array<i32>} : memref<800x64xf32, #tpu.memory_space<vmem>>, vector<16xf32>,
      tpu.vector_store %arg7[%swap3A, %swap3A_939], %mul3A_938 {strides = array<i32>} : memref<800x64xf32, #tpu.memory_space<vmem>>, vector<16xf32>,
      %get3A_941 = arith.index_cast %add3A_933 : i32 to index
      %get3A_942 = arith.constant 16 : index
      %get3A_943 = tpu.vector_load %arg7[%get3A_941, %get3A_942] {strides = array<i32>} : memref<800x64xf32, #tpu.memory_space<vmem>>, vector<16xf32>,
      %mul3A_944 = arith.constant 8.000000e+00 : f32
      %mul3A_945 = vector.broadcast %mul3A_944 : f32 to vector<16xf32>
      %mul3A_946 = arith.mulf %get3A_943, %mul3A_945 : vector<16xf32>
      %swap3A_947 = arith.index_cast %add3A_933 : i32 to index
      %swap3A_948 = arith.constant 16 : index
      %swap3A_949 = tpu.vector_load %arg7[%swap3A_947, %swap3A_948] {strides = array<i32>} : memref<800x64xf32, #tpu.memory_space<vmem>>, vector<16xf32>,
      tpu.vector_store %arg7[%swap3A_947, %swap3A_948], %mul3A_946 {strides = array<i32>} : memref<800x64xf32, #tpu.memory_space<vmem>>, vector<16xf32>,
      %get3A_950 = arith.index_cast %add3A_933 : i32 to index
      %get3A_951 = arith.constant 32 : index
      %get3A_952 = tpu.vector_load %arg7[%get3A_950, %get3A_951] {strides = array<i32>} : memref<800x64xf32, #tpu.memory_space<vmem>>, vector<16xf32>,
      %mul3A_953 = arith.constant 8.000000e+00 : f32
      %mul3A_954 = vector.broadcast %mul3A_953 : f32 to vector<16xf32>
      %mul3A_955 = arith.mulf %get3A_952, %mul3A_954 : vector<16xf32>
      %swap3A_956 = arith.index_cast %add3A_933 : i32 to index
      %swap3A_957 = arith.constant 32 : index
      %swap3A_958 = tpu.vector_load %arg7[%swap3A_956, %swap3A_957] {strides = array<i32>} : memref<800x64xf32, #tpu.memory_space<vmem>>, vector<16xf32>,
      tpu.vector_store %arg7[%swap3A_956, %swap3A_957], %mul3A_955 {strides = array<i32>} : memref<800x64xf32, #tpu.memory_space<vmem>>, vector<16xf32>,
      %get3A_959 = arith.index_cast %add3A_933 : i32 to index
      %get3A_960 = arith.constant 48 : index
      %get3A_961 = tpu.vector_load %arg7[%get3A_959, %get3A_960] {strides = array<i32>} : memref<800x64xf32, #tpu.memory_space<vmem>>, vector<16xf32>,
      %mul3A_962 = arith.constant 8.000000e+00 : f32
      %mul3A_963 = vector.broadcast %mul3A_962 : f32 to vector<16xf32>
      %mul3A_964 = arith.mulf %get3A_961, %mul3A_963 : vector<16xf32>
      %swap3A_965 = arith.index_cast %add3A_933 : i32 to index
      %swap3A_966 = arith.constant 48 : index
      %swap3A_967 = tpu.vector_load %arg7[%swap3A_965, %swap3A_966] {strides = array<i32>} : memref<800x64xf32, #tpu.memory_space<vmem>>, vector<16xf32>,
      tpu.vector_store %arg7[%swap3A_965, %swap3A_966], %mul3A_964 {strides = array<i32>} : memref<800x64xf32, #tpu.memory_space<vmem>>, vector<16xf32>,
    }
    %scan3A_905 = arith.constant 800 : i32
    %add3A_906 = arith.constant 24800 : i32
    %add3A_907 = arith.addi %mul3A_4, %add3A_906 : i32
    %dma_start3A_908 = arith.constant 1 : i32
    %dma_start3A_909 = arith.constant 0 : i32
    %dma_start3A_910 = tpu.memref_slice %arg4[%add3A_907, %dma_start3A_909] : memref<819200x128xf32, #tpu.memory_space<hbm>> -> memref<800x64xf32, #tpu.memory_space<hbm>>
    %dma_start3A_911 = tpu.memref_slice %arg9[%dma_start3A_908] : memref<2x!tpu.dma_semaphore, #tpu.memory_space<semaphore_mem>> -> memref<1x!tpu.dma_semaphore, #tpu.memory_space<semaphore_mem>>
    %dma_start3A_912 = tpu.memref_squeeze %dma_start3A_911 : memref<1x!tpu.dma_semaphore, #tpu.memory_space<semaphore_mem>> -> memref<!tpu.dma_semaphore, #tpu.memory_space<semaphore_mem>>
    %dma_start3A_913 = arith.constant 0 : i32
    %dma_start3A_914 = tpu.memref_slice %arg4[%add3A_907, %dma_start3A_913] : memref<819200x128xf32, #tpu.memory_space<hbm>> -> memref<800x64xf32, #tpu.memory_space<hbm>>
    tpu.enqueue_dma source(%arg7 : memref<800x64xf32, #tpu.memory_space<vmem>>) target(%dma_start3A_914 : memref<800x64xf32, #tpu.memory_space<hbm>>) target_semaphore(%dma_start3A_912 : memref<!tpu.dma_semaphore, #tpu.memory_space<semaphore_mem>>)
    %dma_wait3A_915 = arith.constant 0 : i32
    %dma_wait3A_916 = arith.constant 0 : i32
    %dma_wait3A_917 = tpu.memref_slice %arg4[%mul3A_4, %dma_wait3A_916] : memref<819200x128xf32, #tpu.memory_space<hbm>> -> memref<800x64xf32, #tpu.memory_space<hbm>>
    %dma_wait3A_918 = tpu.memref_slice %arg9[%dma_wait3A_915] : memref<2x!tpu.dma_semaphore, #tpu.memory_space<semaphore_mem>> -> memref<1x!tpu.dma_semaphore, #tpu.memory_space<semaphore_mem>>
    %dma_wait3A_919 = tpu.memref_squeeze %dma_wait3A_918 : memref<1x!tpu.dma_semaphore, #tpu.memory_space<semaphore_mem>> -> memref<!tpu.dma_semaphore, #tpu.memory_space<semaphore_mem>>
    %dma_wait3A_920 = arith.constant 0 : i32
    %dma_wait3A_921 = tpu.memref_slice %arg4[%mul3A_4, %dma_wait3A_920] : memref<819200x128xf32, #tpu.memory_space<hbm>> -> memref<800x64xf32, #tpu.memory_space<hbm>>
    tpu.wait_dma2 semaphore(%dma_wait3A_919 : memref<!tpu.dma_semaphore, #tpu.memory_space<semaphore_mem>>) src(%arg6 : memref<800x64xf32, #tpu.memory_space<vmem>>) dst(%dma_wait3A_921 : memref<800x64xf32, #tpu.memory_space<hbm>>)
    %dma_wait3A_922 = arith.constant 1 : i32
    %dma_wait3A_923 = arith.constant 0 : i32
    %dma_wait3A_924 = tpu.memref_slice %arg4[%mul3A_4, %dma_wait3A_923] : memref<819200x128xf32, #tpu.memory_space<hbm>> -> memref<800x64xf32, #tpu.memory_space<hbm>>
    %dma_wait3A_925 = tpu.memref_slice %arg9[%dma_wait3A_922] : memref<2x!tpu.dma_semaphore, #tpu.memory_space<semaphore_mem>> -> memref<1x!tpu.dma_semaphore, #tpu.memory_space<semaphore_mem>>
    %dma_wait3A_926 = tpu.memref_squeeze %dma_wait3A_925 : memref<1x!tpu.dma_semaphore, #tpu.memory_space<semaphore_mem>> -> memref<!tpu.dma_semaphore, #tpu.memory_space<semaphore_mem>>
    %dma_wait3A_927 = arith.constant 0 : i32
    %dma_wait3A_928 = tpu.memref_slice %arg4[%mul3A_4, %dma_wait3A_927] : memref<819200x128xf32, #tpu.memory_space<hbm>> -> memref<800x64xf32, #tpu.memory_space<hbm>>
    tpu.wait_dma2 semaphore(%dma_wait3A_926 : memref<!tpu.dma_semaphore, #tpu.memory_space<semaphore_mem>>) src(%arg7 : memref<800x64xf32, #tpu.memory_space<vmem>>) dst(%dma_wait3A_928 : memref<800x64xf32, #tpu.memory_space<hbm>>)
    return
  }
}

</mosaic_0001>

<sc_bundles>
// kernel: kernel.3.cloned.1.call-start
scs
__scs_entry_jumppad:
0x0: {  	(pc) =	sbr.rel $0x88, $3  }
0x1: {  	(tag) =	ssettag $0x0;
	lr =	simm.s32 $0x1  }
0x2: {  	[smem:$0x3F9F] =	sst lr;
	_ =	strace $0xD0000000  }
0x3: {  	_ = 	snop  }
0x4: {  	_ = 	snop  }
0x5: {  	_ = 	snop  }
0x6: {  	_ = 	snop  }
0x7: {  	_ = 	snop  }
__scs_overlays_trampoline_lowered:
0x8: {  	[smem:$0x3FAE] =	sst s0  }
0x9: {  	[smem:$0x3FAF] =	sst s1  }
0xa: {  	[smem:$0x3FB0] =	sst s2  }
0xb: {  	[smem:$0x3FB1] =	sst s3  }
0xc: {  	[smem:$0x3FB2] =	sst s4  }
0xd: {  	[smem:$0x3FB3] =	sst s5  }
0xe: {  	[smem:$0x3FB4] =	sst s6  }
0xf: {  	[smem:$0x3FB5] =	sst s7  }
0x10: {  	[smem:$0x3FB6] =	sst s8  }
0x11: {  	[smem:$0x3FB7] =	sst s9;
	s0 =	simm.s32 @!p0 $0x0  }
0x12: {  	s1 =	sld [smem:$0x3F9D];
	s0 =	simm.s32 @p0 $0x1  }
0x13: {  	[smem:$0x3FB8] =	sst s0;
	s0 =	simm.s32 @!p1 $0x0  }
0x14: {  	s2 =	sld [smem:$0x3F9C];
	s0 =	simm.s32 @p1 $0x1  }
0x15: {  	[smem:$0x3FB9] =	sst s0;
	s0 =	simm.s32 @!p2 $0x0  }
0x16: {  	s3 =	sld [smem:$0x3FDB];
	s0 =	simm.s32 @p2 $0x1  }
0x17: {  	s4 =	simm.s32 $0x1BF5;
	[smem:$0x3FBB] =	sst s0  }
0x18: {  	s0 =	sld [smem:$0x3F9E];
	_ =	swait.ge [sflag:s4], $0x0  }
0x19: {  	s7 =	sld [smem:$0x3F9F]  }
0x1a: {  	s8 =	sadd.s32 $0xFFFFE003, lr  }
0x1b: {  	s9 =	sadd.s32 $0xFFFFFEF7, lr;
	s5 =	simm.s32 $0xFFFFFFFF;
	p2 =	slt.u32 s8, $0xFFFFF086  }
0x1c: {  	p1 =	slt.u32 s9, $0xF7A;
	s5 =	simm.s32 @!p2 $0x0  }
0x1d: {  	s5 =	simm.s32 @p1 $0x1;
	p0 =	seq.s32 s7, s2  }
0x1e: {  	s7 =	smul.u32 @!p0 $0xF7A, s2;
	p2 =	seq.s32 @!p0 s5, $0x0  }
0x1f: {  	s9 =	smul.u32 $0xF7A, s1;
	s8 =	simm.s32 @!p0 $0x1BF5;
	p2 =	por !p2, p0  }
0x20: {  	[sflag:s8] =	ssyncset.s32 @!p0 $0xFFFFF086;
	s6 =	sadd.s32 @!p0 s3, s7;
	s7 =	simm.s32 @!p0 $0x108  }
0x21: {  	s3 =	sadd.s32 s3, s9;
	s6 =	sadd.s32 @!p0 $0x88, s6;
	s7 =	simm.s32 @p2 $0x1082  }
0x22: {  	[simem:s7], [sflag:s8] =	dma.local @!p0 [hbm:s6], $0xF7A  }
0x23: {  	s9 =	sor.u32 $0xD0000000, s2;
	s6 =	simm.s32 $0x108;
	_ =	swait.ge @!p0 [sflag:s8], $0x0  }
0x24: {  	s3 =	sadd.s32 $0x88, s3;
	s6 =	simm.s32 @!p1 $0x1082;
	[sflag:s4] =	ssyncset.s32 $0xFFFFF086  }
0x25: {  	[simem:s6], [sflag:s4] =	dma.local [hbm:s3], $0xF7A  }
0x26: {  	[smem:$0x3F9F] =	sst s1;
	(tag) =	ssettag s2;
	_ =	strace s9  }
0x27: {  	s1 =	sld [smem:$0x3FAF]  }
0x28: {  	s2 =	sld [smem:$0x3FB0]  }
0x29: {  	s4 =	sld [smem:$0x3FB2]  }
0x2a: {  	p0 =	seq.s32 s5, $0x0;
	s5 =	sld [smem:$0x3FB3]  }
0x2b: {  	s6 =	sld [smem:$0x3FB4]  }
0x2c: {  	s7 =	sld [smem:$0x3FB5]  }
0x2d: {  	s3 =	simm.s32 $0x108;
	s8 =	sld [smem:$0x3FB6]  }
0x2e: {  	s3 =	simm.s32 @!p0 $0x1082;
	s9 =	sld [smem:$0x3FB7]  }
0x2f: {  	lr =	sadd.s32 s0, s3;
	s0 =	sld [smem:$0x3FAE]  }
0x30: {  	s3 =	sld [smem:$0x3FB1]  }
0x31: {  	[smem:$0x3FBA] =	sst s10  }
0x32: {  	s10 =	sld [smem:$0x3FB8];
	_ =	sdelay $0x3  }
0x33: {  	p0 =	seq.s32 s10, $0x1;
	s10 =	sld [smem:$0x3FBA];
	_ =	sdelay $0x3  }
0x34: {  	[smem:$0x3FBA] =	sst s10  }
0x35: {  	s10 =	sld [smem:$0x3FB9];
	_ =	sdelay $0x3  }
0x36: {  	p1 =	seq.s32 s10, $0x1;
	s10 =	sld [smem:$0x3FBA];
	_ =	sdelay $0x3  }
0x37: {  	[smem:$0x3FBA] =	sst s10  }
0x38: {  	s10 =	sld [smem:$0x3FBB]  }
0x39: {  	_ = 	snop;
	(pc) =	sbr.ind lr, $3  }
0x3a: {  	_ = 	snop  }
0x3b: {  	_ = 	snop  }
0x3c: {  	p2 =	seq.s32 s10, $0x1;
	s10 =	sld [smem:$0x3FBA]  }
0x3d: {  	_ =	shalt  }
0x3e: {  	_ =	shalt  }
0x3f: {  	_ =	shalt  }
0x40: {  	_ =	shalt  }
0x41: {  	_ =	shalt  }
0x42: {  	_ =	shalt  }
0x43: {  	_ =	shalt  }
0x44: {  	_ =	shalt  }
0x45: {  	_ =	shalt  }
0x46: {  	_ =	shalt  }
0x47: {  	_ =	shalt  }
0x48: {  	_ =	shalt  }
0x49: {  	_ =	shalt  }
0x4a: {  	_ =	shalt  }
0x4b: {  	_ =	shalt  }
0x4c: {  	_ =	shalt  }
0x4d: {  	_ =	shalt  }
0x4e: {  	_ =	shalt  }
0x4f: {  	_ =	shalt  }
0x50: {  	_ =	shalt  }
0x51: {  	_ =	shalt  }
0x52: {  	_ =	shalt  }
0x53: {  	_ =	shalt  }
0x54: {  	_ =	shalt  }
0x55: {  	_ =	shalt  }
0x56: {  	_ =	shalt  }
0x57: {  	_ =	shalt  }
0x58: {  	_ =	shalt  }
0x59: {  	_ =	shalt  }
0x5a: {  	_ =	shalt  }
0x5b: {  	_ =	shalt  }
0x5c: {  	_ =	shalt  }
0x5d: {  	_ =	shalt  }
0x5e: {  	_ =	shalt  }
0x5f: {  	_ =	shalt  }
0x60: {  	_ =	shalt  }
0x61: {  	_ =	shalt  }
0x62: {  	_ =	shalt  }
0x63: {  	_ =	shalt  }
0x64: {  	_ =	shalt  }
0x65: {  	_ =	shalt  }
0x66: {  	_ =	shalt  }
0x67: {  	_ =	shalt  }
0x68: {  	_ =	shalt  }
0x69: {  	_ =	shalt  }
0x6a: {  	_ =	shalt  }
0x6b: {  	_ =	shalt  }
0x6c: {  	_ =	shalt  }
0x6d: {  	_ =	shalt  }
0x6e: {  	_ =	shalt  }
0x6f: {  	_ =	shalt  }
0x70: {  	_ =	shalt  }
0x71: {  	_ =	shalt  }
0x72: {  	_ =	shalt  }
0x73: {  	_ =	shalt  }
0x74: {  	_ =	shalt  }
0x75: {  	_ =	shalt  }
0x76: {  	_ =	shalt  }
0x77: {  	_ =	shalt  }
0x78: {  	_ =	shalt  }
0x79: {  	_ =	shalt  }
0x7a: {  	_ =	shalt  }
0x7b: {  	_ =	shalt  }
0x7c: {  	_ =	shalt  }
0x7d: {  	_ =	shalt  }
0x7e: {  	_ =	shalt  }
0x7f: {  	_ =	shalt  }
0x80: {  	_ =	shalt  }
0x81: {  	_ =	shalt  }
0x82: {  	_ =	shalt  }
0x83: {  	_ =	shalt  }
0x84: {  	_ =	shalt  }
0x85: {  	_ =	shalt  }
0x86: {  	_ =	shalt  }
0x87: {  	_ =	shalt  }
.Lfunc_end0:
.L_simem_size_0:
called_computation.2_lowered:
.L_overlay_start_0:
0x88: {  	s2 =	sld [smem:$0x3FD9]  }
0x89: {  	s3 =	sld [smem:$0x3FFE];
	_ =	sdelay $0x1  }
0x8a: {  	s1 =	srdreg.scid  }
0x8b: {  	s0 =	sand.u32 $0x1, s1  }
0x8c: {  	s17 =	sshll.u32 s0, $0xA;
	s2 =	sadd.s32 s3, s2  }
0x8d: {  	s2 =	sadd.s32 s2, s17  }
0x8e: {  	[smem:$0x3FC6] =	sst s2  }
0x8f: {  	_ = 	snop  }
0x90: {  	s2 =	sld [smem:$0x3FD0];
	(tm) =	ssettm $0x1  }
0x91: {  	s18 =	sld [smem:$0x3FFB];
	_ =	sdelay $0x3  }
0x92: {  	_ =	strace s18  }
0x93: {  	s3 =	sld [smem:$0x3FFC];
	_ =	sdelay $0x3  }
0x94: {  	_ =	strace s3  }
0x95: {  	s3 =	sld [smem:$0x3FFD];
	_ =	sdelay $0x3  }
0x96: {  	_ =	strace s3  }
0x97: {  	_ =	strace $0x8FFFFFFF  }
0x98: {  	s19 =	sld [smem:$0x3FDB];
	_ =	sdelay $0x1  }
0x99: {  	s4 =	simm.s32 $_scs_section_size  }
0x9a: {  	s5 =	simm.s32 $_size__tile_overlayer_lowered;
	s6 =	simm.s32 $_tile_overlayer_lowered  }
0x9b: {  	s22 =	simm.s32 $0x1BFF;
	s21 =	sshll.u32 s6, $0x1;
	s3 =	sadd.s32 s4, s19  }
0x9c: {  	s7 =	simm.s32 $0x0;
	s20 =	sshll.u32 s5, $0x1;
	s5 =	sadd.s32 s21, s3  }
0x9d: {  	[timem:s7], [sflag:s22] =	dma.local [hbm:s5], s20  }
0x9e: {  	_ =	swait.ge [sflag:s22], s20  }
0x9f: {  	s4 =	ssub.s32 $0x0, s20;
	[sflag:s22] =	ssyncset.done $0x0  }
0xa0: {  	[sflag:s22] =	ssyncadd.s32 s4;
	_ =	sdelay $0x1  }
0xa1: {  	s23 =	simm.s32 $0x1B8B  }
0xa2: {  	_ =	swait.ge [sflag:s23], $0x1  }
0xa3: {  	[sflag:s23] =	ssyncset.done $0x0  }
0xa4: {  	s25 =	simm.s32 $0x1B8E;
	s24 =	sld [smem:$0x3FFE];
	[sflag:s23] =	ssyncadd.s32 $0xFFFFFFFF  }
0xa5: {  	s26 =	simm.s32 $execute0_lowered;
	[smem:$0x3FD2] =	sst s25  }
0xa6: {  	s5 =	sshll.u32 s26, $0x1;
	_ =	strace $0x80000049;
	[dreg:$0x1] =	wrdreg $0xFFFFFFFF  }
0xa7: {  	s28 =	simm.s32 $_size_execute0_lowered;
	s3 =	sadd.s32 s3, s5;
	[dreg:$0x0] =	wrdreg $0x0  }
0xa8: {  	s5 =	sshll.u32 s28, $0x1;
	[dreg:$0x2] =	wrdreg s3  }
0xa9: {  	[dreg:$0x3] =	wrdreg s5  }
0xaa: {  	[dreg:$0x4] =	wrdreg $0xC0  }
0xab: {  	_ =	task [dreg:s7], $0x5FFFF  }
0xac: {  	[dreg:$0x1] =	wrdreg $0xFFFFFFFF  }
0xad: {  	[dreg:$0x0] =	wrdreg $0x60  }
0xae: {  	[dreg:$0x2] =	wrdreg s2  }
0xaf: {  	[dreg:$0x3] =	wrdreg s24  }
0xb0: {  	[dreg:$0x4] =	wrdreg $0x9  }
0xb1: {  	_ =	task.clear_ibuf [dreg:s7], $0x5FFFF;
	_ =	strace $0x90000049  }
0xb2: {  	s29 =	simm.s32 $0x9;
	_ =	strace $0x8000004B  }
0xb3: {  	_ =	swait.ge [sflag:s29], $0x1  }
0xb4: {  	[sflag:s29] =	ssyncadd.s32 $0xFFFFFFFF  }
0xb5: {  	_ =	strace $0x9000004B  }
0xb6: {  	_ =	sfence  }
0xb7: {  	s30 =	sld [smem:$0x0];
	_ =	sdelay $0x2  }
0xb8: {  	s31 =	sshll.u32 s1, $0xD;
	s1 =	sshrl.u32 s1, $0x2  }
0xb9: {  	s3 =	sand.u32 $0x4000, s31;
	s1 =	sadd.s32 s1, s30  }
0xba: {  	s0 =	sor.u32 s3, s0;
	s1 =	sshll.u32 s1, $0x11  }
0xbb: {  	s0 =	sor.u32 s1, s0  }
0xbc: {  	s0 =	sadd.s32 $0x8F2B, s0  }
0xbd: {  	[sflag:s0] =	ssyncadd.remote.s32 $0x1  }
0xbe: {  	_ =	sfence.sel $0xFFFF  }
0xbf: {  	[dreg:$0x0] =	wrdreg $0xFFFFFFFF;
	(pc) =	sbr.abs _section_cstart, $3  }
0xc0: {  	[dreg:$0x1] =	wrdreg $0xFFFFFFFF  }
0xc1: {  	_ =	task.clear_ibuf [dreg:s7], $0x2FFFF;
	_ =	strace $0x9FFFFFFF  }
0xc2: {  	(tm) =	ssettm $0x7FFFFFFF  }
0xc3: {  	_ =	shalt  }
tec
execute0_lowered:
.L_overlay_start_1:
0x0: {  	(tag) =	ssettag $0x1  }
0x1: {  	s0 =	rddreg [dreg:$0x0]  }
0x2: {  	s1 =	srdreg.scid;
	s3 =	stileid.u32  }
0x3: {  	s2 =	rddreg [dreg:$0x1];
	s5 =	simm.s32 $0x0;
	s12 =	simm.s32 $0x28  }
0x4: {  	s13 =	simm.s32 $0x6400;
	s18 =	simm.s32 $0x17C00;
	s20 =	simm.s32 $0x18600  }
0x5: {  	s29 =	simm.s32 $0x1AE00;
	s31 =	simm.s32 $0x1B800;
	s17 =	simm.s32 $0x1CC00  }
0x6: {  	s21 =	simm.s32 $0x1D600;
	s30 =	simm.s32 $0x1EA00;
	s15 =	simm.s32 $0x1  }
0x7: {  	s28 =	simm.s32 $0x3;
	s1 =	sand.u32 $0x1, s1;
	s3 =	sshll.u32 s3, $0x1  }
0x8: {  	s19 =	simm.s32 $0x2;
	s9 =	simm.s32 $0x0;
	s4 =	sor.u32 s1, s3  }
0x9: {  	[smem:$0x7FF] =	sst s5;
	s5 =	sadd.s32 $0xE00, s2;
	s3 =	smul.u32 $0x6400, s4  }
0xa: {  	_ =	strace $0x8000004A;
	s1 =	ssub.s32 $0x2, s1;
	s6 =	smul.u32 $0x320000, s4  }
0xb: {  	s4 =	sadd.s32 $0xF43200, s2;
	s22 =	sshrl.u32 s1, $0x1;
	s2 =	simm.s32 $0x12C00  }
0xc: {  	s1 =	ssub.s32 s1, s22;
	s22 =	simm.s32 $0x19000;
	s23 =	sshrl.u32 s3, $0x3  }
0xd: {  	s6 =	sshrl.u32 s6, $0x3;
	s7 =	sor.u32 $0x320, s3;
	s26 =	smax.u32 s1, $0x1  }
0xe: {  	s1 =	simm.s32 $0x80;
	s0 =	sadd.s32 s0, s23;
	s24 =	sadd.s32 s5, s6  }
0xf: {  	[dreg:$0x6] =	wrdreg s26;
	s26 =	simm.s32 $0x1A400;
	s23 =	simm.s32 $0x40  }
0x10: {  	s6 =	simm.s32 $0x4;
	[dreg:$0x3] =	wrdreg s0;
	s25 =	sadd.s32 $0x5DC00, s24  }
0x11: {  	s0 =	sadd.s32 $0x60E00, s24;
	s24 =	simm.s32 $0x19A00;
	[dreg:$0x4] =	wrdreg s25  }
0x12: {  	[dreg:$0x5] =	wrdreg s0;
	s0 =	simm.s32 $0x1C200;
	s25 =	simm.s32 $0x1E000  }
.LBB2_1:
0x13: {  	[dreg:$0x7] =	wrdreg s9  }
0x14: {  	s8 =	simm.s32 $0x0;
	s14 =	rddreg [dreg:$0x3];
	s16 =	simm.s32 $0x5  }
0x15: {  	[tilespmem:s8], [sflag:$0x5] =	stream.linear.gather [hbm4b:s14+s8], $0x6400, $0x38;
	[tilespmem:$0x1F400] =	vst v63  }
0x16: {  	_ =	swait.ge [sflag:s16], $0x6400  }
0x17: {  	[sflag:s16] =	ssyncset.done $0x0  }
0x18: {  	[sflag:s16] =	ssyncadd.s32 $0xFFFF9C00  }
0x19: {  	[tilespmem:s13], [sflag:$0x1] =	stream.indirect.gather [hbm4b:s4+s12], $0x40, s8, s12, $0xb8;
	[tilespmem:$0x1F400] =	vst v63  }
0x1a: {  	s9 =	simm.s32 $0x6E00  }
0x1b: {  	[tilespmem:s9], [sflag:$0x1] =	stream.indirect.gather [hbm4b:s4+s12], $0x40, s12, s12, $0xb8;
	[tilespmem:$0x1F400] =	vst v63  }
0x1c: {  	s10 =	simm.s32 $0x50;
	s11 =	simm.s32 $0x7800  }
0x1d: {  	[tilespmem:s11], [sflag:$0x1] =	stream.indirect.gather [hbm4b:s4+s12], $0x40, s10, s12, $0xb8;
	[tilespmem:$0x1F400] =	vst v63  }
0x1e: {  	s14 =	simm.s32 $0x78;
	s16 =	simm.s32 $0x8200  }
0x1f: {  	[tilespmem:s16], [sflag:$0x1] =	stream.indirect.gather [hbm4b:s4+s12], $0x40, s14, s12, $0xb8;
	[tilespmem:$0x1F400] =	vst v63  }
0x20: {  	s10 =	simm.s32 $0xA0;
	s11 =	simm.s32 $0x8C00  }
0x21: {  	[tilespmem:s11], [sflag:$0x1] =	stream.indirect.gather [hbm4b:s4+s12], $0x40, s10, s12, $0xb8;
	[tilespmem:$0x1F400] =	vst v63  }
0x22: {  	s14 =	simm.s32 $0xC8;
	s16 =	simm.s32 $0x9600  }
0x23: {  	[tilespmem:s16], [sflag:$0x1] =	stream.indirect.gather [hbm4b:s4+s12], $0x40, s14, s12, $0xb8;
	[tilespmem:$0x1F400] =	vst v63  }
0x24: {  	s10 =	simm.s32 $0xF0;
	s11 =	simm.s32 $0xA000  }
0x25: {  	[tilespmem:s11], [sflag:$0x1] =	stream.indirect.gather [hbm4b:s4+s12], $0x40, s10, s12, $0xb8;
	[tilespmem:$0x1F400] =	vst v63  }
0x26: {  	s14 =	simm.s32 $0x118;
	s16 =	simm.s32 $0xAA00  }
0x27: {  	[tilespmem:s16], [sflag:$0x1] =	stream.indirect.gather [hbm4b:s4+s12], $0x40, s14, s12, $0xb8;
	[tilespmem:$0x1F400] =	vst v63  }
0x28: {  	s10 =	simm.s32 $0x140;
	s11 =	simm.s32 $0xB400  }
0x29: {  	[tilespmem:s11], [sflag:$0x1] =	stream.indirect.gather [hbm4b:s4+s12], $0x40, s10, s12, $0xb8;
	[tilespmem:$0x1F400] =	vst v63  }
0x2a: {  	s14 =	simm.s32 $0x168;
	s16 =	simm.s32 $0xBE00  }
0x2b: {  	[tilespmem:s16], [sflag:$0x1] =	stream.indirect.gather [hbm4b:s4+s12], $0x40, s14, s12, $0xb8;
	[tilespmem:$0x1F400] =	vst v63  }
0x2c: {  	s10 =	simm.s32 $0x190;
	s11 =	simm.s32 $0xC800  }
0x2d: {  	[tilespmem:s11], [sflag:$0x1] =	stream.indirect.gather [hbm4b:s4+s12], $0x40, s10, s12, $0xb8;
	[tilespmem:$0x1F400] =	vst v63  }
0x2e: {  	s14 =	simm.s32 $0x1B8;
	s16 =	simm.s32 $0xD200  }
0x2f: {  	[tilespmem:s16], [sflag:$0x1] =	stream.indirect.gather [hbm4b:s4+s12], $0x40, s14, s12, $0xb8;
	[tilespmem:$0x1F400] =	vst v63  }
0x30: {  	s10 =	simm.s32 $0x1E0;
	s11 =	simm.s32 $0xDC00  }
0x31: {  	[tilespmem:s11], [sflag:$0x1] =	stream.indirect.gather [hbm4b:s4+s12], $0x40, s10, s12, $0xb8;
	[tilespmem:$0x1F400] =	vst v63  }
0x32: {  	s14 =	simm.s32 $0x208;
	s16 =	simm.s32 $0xE600  }
0x33: {  	[tilespmem:s16], [sflag:$0x1] =	stream.indirect.gather [hbm4b:s4+s12], $0x40, s14, s12, $0xb8;
	[tilespmem:$0x1F400] =	vst v63  }
0x34: {  	s10 =	simm.s32 $0x230;
	s11 =	simm.s32 $0xF000  }
0x35: {  	[tilespmem:s11], [sflag:$0x1] =	stream.indirect.gather [hbm4b:s4+s12], $0x40, s10, s12, $0xb8;
	[tilespmem:$0x1F400] =	vst v63  }
0x36: {  	s14 =	simm.s32 $0x258;
	s16 =	simm.s32 $0xFA00  }
0x37: {  	[tilespmem:s16], [sflag:$0x1] =	stream.indirect.gather [hbm4b:s4+s12], $0x40, s14, s12, $0xb8;
	[tilespmem:$0x1F400] =	vst v63  }
0x38: {  	s10 =	simm.s32 $0x280;
	s11 =	simm.s32 $0x10400  }
0x39: {  	[tilespmem:s11], [sflag:$0x1] =	stream.indirect.gather [hbm4b:s4+s12], $0x40, s10, s12, $0xb8;
	[tilespmem:$0x1F400] =	vst v63  }
0x3a: {  	s14 =	simm.s32 $0x2A8;
	s16 =	simm.s32 $0x10E00  }
0x3b: {  	[tilespmem:s16], [sflag:$0x1] =	stream.indirect.gather [hbm4b:s4+s12], $0x40, s14, s12, $0xb8;
	[tilespmem:$0x1F400] =	vst v63  }
0x3c: {  	s10 =	simm.s32 $0x2D0;
	s11 =	simm.s32 $0x11800  }
0x3d: {  	[tilespmem:s11], [sflag:$0x1] =	stream.indirect.gather [hbm4b:s4+s12], $0x40, s10, s12, $0xb8;
	[tilespmem:$0x1F400] =	vst v63  }
0x3e: {  	s14 =	simm.s32 $0x2F8;
	s16 =	simm.s32 $0x12200  }
0x3f: {  	[tilespmem:s16], [sflag:$0x1] =	stream.indirect.gather [hbm4b:s4+s12], $0x40, s14, s12, $0xb8;
	[tilespmem:$0x1F400] =	vst v63  }
0x40: {  	s9 =	simm.s32 $0x320  }
0x41: {  	[tilespmem:s2], [sflag:$0x2] =	stream.indirect.gather [hbm4b:s4+s12], $0x40, s9, s12, $0xb8;
	[tilespmem:$0x1F400] =	vst v63  }
0x42: {  	s10 =	simm.s32 $0x348;
	s11 =	simm.s32 $0x13600  }
0x43: {  	[tilespmem:s11], [sflag:$0x2] =	stream.indirect.gather [hbm4b:s4+s12], $0x40, s10, s12, $0xb8;
	[tilespmem:$0x1F400] =	vst v63  }
0x44: {  	s14 =	simm.s32 $0x370;
	s16 =	simm.s32 $0x14000  }
0x45: {  	[tilespmem:s16], [sflag:$0x2] =	stream.indirect.gather [hbm4b:s4+s12], $0x40, s14, s12, $0xb8;
	[tilespmem:$0x1F400] =	vst v63  }
0x46: {  	s10 =	simm.s32 $0x398;
	s11 =	simm.s32 $0x14A00  }
0x47: {  	[tilespmem:s11], [sflag:$0x2] =	stream.indirect.gather [hbm4b:s4+s12], $0x40, s10, s12, $0xb8;
	[tilespmem:$0x1F400] =	vst v63  }
0x48: {  	s14 =	simm.s32 $0x3C0;
	s16 =	simm.s32 $0x15400  }
0x49: {  	[tilespmem:s16], [sflag:$0x2] =	stream.indirect.gather [hbm4b:s4+s12], $0x40, s14, s12, $0xb8;
	[tilespmem:$0x1F400] =	vst v63  }
0x4a: {  	s10 =	simm.s32 $0x3E8;
	s11 =	simm.s32 $0x15E00  }
0x4b: {  	[tilespmem:s11], [sflag:$0x2] =	stream.indirect.gather [hbm4b:s4+s12], $0x40, s10, s12, $0xb8;
	[tilespmem:$0x1F400] =	vst v63  }
0x4c: {  	s14 =	simm.s32 $0x410;
	s16 =	simm.s32 $0x16800  }
0x4d: {  	[tilespmem:s16], [sflag:$0x2] =	stream.indirect.gather [hbm4b:s4+s12], $0x40, s14, s12, $0xb8;
	[tilespmem:$0x1F400] =	vst v63  }
0x4e: {  	s10 =	simm.s32 $0x438;
	s11 =	simm.s32 $0x17200  }
0x4f: {  	[tilespmem:s11], [sflag:$0x2] =	stream.indirect.gather [hbm4b:s4+s12], $0x40, s10, s12, $0xb8;
	[tilespmem:$0x1F400] =	vst v63  }
0x50: {  	s14 =	simm.s32 $0x460  }
0x51: {  	[tilespmem:s18], [sflag:$0x2] =	stream.indirect.gather [hbm4b:s4+s12], $0x40, s14, s12, $0xb8;
	[tilespmem:$0x1F400] =	vst v63  }
0x52: {  	s16 =	simm.s32 $0x488  }
0x53: {  	[tilespmem:s20], [sflag:$0x2] =	stream.indirect.gather [hbm4b:s4+s12], $0x40, s16, s12, $0xb8;
	[tilespmem:$0x1F400] =	vst v63  }
0x54: {  	s9 =	simm.s32 $0x4B0  }
0x55: {  	[tilespmem:s22], [sflag:$0x2] =	stream.indirect.gather [hbm4b:s4+s12], $0x40, s9, s12, $0xb8;
	[tilespmem:$0x1F400] =	vst v63  }
0x56: {  	s10 =	simm.s32 $0x4D8  }
0x57: {  	[tilespmem:s24], [sflag:$0x2] =	stream.indirect.gather [hbm4b:s4+s12], $0x40, s10, s12, $0xb8;
	[tilespmem:$0x1F400] =	vst v63  }
0x58: {  	s11 =	simm.s32 $0x500  }
0x59: {  	[tilespmem:s26], [sflag:$0x2] =	stream.indirect.gather [hbm4b:s4+s12], $0x40, s11, s12, $0xb8;
	[tilespmem:$0x1F400] =	vst v63  }
0x5a: {  	s14 =	simm.s32 $0x528  }
0x5b: {  	[tilespmem:s29], [sflag:$0x2] =	stream.indirect.gather [hbm4b:s4+s12], $0x40, s14, s12, $0xb8;
	[tilespmem:$0x1F400] =	vst v63  }
0x5c: {  	s16 =	simm.s32 $0x550  }
0x5d: {  	[tilespmem:s31], [sflag:$0x2] =	stream.indirect.gather [hbm4b:s4+s12], $0x40, s16, s12, $0xb8;
	[tilespmem:$0x1F400] =	vst v63  }
0x5e: {  	s9 =	simm.s32 $0x578  }
0x5f: {  	[tilespmem:s0], [sflag:$0x2] =	stream.indirect.gather [hbm4b:s4+s12], $0x40, s9, s12, $0xb8;
	[tilespmem:$0x1F400] =	vst v63  }
0x60: {  	s10 =	simm.s32 $0x5A0  }
0x61: {  	[tilespmem:s17], [sflag:$0x2] =	stream.indirect.gather [hbm4b:s4+s12], $0x40, s10, s12, $0xb8;
	[tilespmem:$0x1F400] =	vst v63  }
0x62: {  	s11 =	simm.s32 $0x5C8  }
0x63: {  	[tilespmem:s21], [sflag:$0x2] =	stream.indirect.gather [hbm4b:s4+s12], $0x40, s11, s12, $0xb8;
	[tilespmem:$0x1F400] =	vst v63  }
0x64: {  	s14 =	simm.s32 $0x5F0  }
0x65: {  	[tilespmem:s25], [sflag:$0x2] =	stream.indirect.gather [hbm4b:s4+s12], $0x40, s14, s12, $0xb8;
	[tilespmem:$0x1F400] =	vst v63  }
0x66: {  	s8 =	simm.s32 $0x0;
	s16 =	simm.s32 $0x618  }
0x67: {  	[tilespmem:s30], [sflag:$0x2] =	stream.indirect.gather [hbm4b:s4+s12], $0x40, s16, s12, $0xb8;
	[tilespmem:$0x1F400] =	vst v63  }
.LBB2_2:
0x68: {  	_ =	swait.ge [sflag:s15], $0xA00  }
0x69: {  	[sflag:s15] =	ssyncset.done $0x0  }
0x6a: {  	[sflag:s15] =	ssyncadd.s32 $0xFFFFF600  }
0x6b: {  	_ =	swait.ge [sflag:s15], $0xA00  }
0x6c: {  	[sflag:s15] =	ssyncset.done $0x0  }
0x6d: {  	[sflag:s15] =	ssyncadd.s32 $0xFFFFF600  }
0x6e: {  	_ =	swait.ge [sflag:s15], $0xA00  }
0x6f: {  	[sflag:s15] =	ssyncset.done $0x0  }
0x70: {  	[sflag:s15] =	ssyncadd.s32 $0xFFFFF600  }
0x71: {  	_ =	swait.ge [sflag:s15], $0xA00  }
0x72: {  	[sflag:s15] =	ssyncset.done $0x0  }
0x73: {  	[sflag:s15] =	ssyncadd.s32 $0xFFFFF600  }
0x74: {  	_ =	swait.ge [sflag:s15], $0xA00  }
0x75: {  	[sflag:s15] =	ssyncset.done $0x0  }
0x76: {  	[sflag:s15] =	ssyncadd.s32 $0xFFFFF600  }
0x77: {  	_ =	swait.ge [sflag:s15], $0xA00  }
0x78: {  	[sflag:s15] =	ssyncset.done $0x0  }
0x79: {  	[sflag:s15] =	ssyncadd.s32 $0xFFFFF600  }
0x7a: {  	_ =	swait.ge [sflag:s15], $0xA00  }
0x7b: {  	[sflag:s15] =	ssyncset.done $0x0  }
0x7c: {  	[sflag:s15] =	ssyncadd.s32 $0xFFFFF600  }
0x7d: {  	_ =	swait.ge [sflag:s15], $0xA00  }
0x7e: {  	[sflag:s15] =	ssyncset.done $0x0  }
0x7f: {  	[sflag:s15] =	ssyncadd.s32 $0xFFFFF600  }
0x80: {  	_ =	swait.ge [sflag:s15], $0xA00  }
0x81: {  	[sflag:s15] =	ssyncset.done $0x0  }
0x82: {  	[sflag:s15] =	ssyncadd.s32 $0xFFFFF600  }
0x83: {  	_ =	swait.ge [sflag:s15], $0xA00  }
0x84: {  	[sflag:s15] =	ssyncset.done $0x0  }
0x85: {  	[sflag:s15] =	ssyncadd.s32 $0xFFFFF600  }
0x86: {  	_ =	swait.ge [sflag:s15], $0xA00  }
0x87: {  	[sflag:s15] =	ssyncset.done $0x0  }
0x88: {  	[sflag:s15] =	ssyncadd.s32 $0xFFFFF600  }
0x89: {  	_ =	swait.ge [sflag:s15], $0xA00  }
0x8a: {  	[sflag:s15] =	ssyncset.done $0x0  }
0x8b: {  	[sflag:s15] =	ssyncadd.s32 $0xFFFFF600  }
0x8c: {  	_ =	swait.ge [sflag:s15], $0xA00  }
0x8d: {  	[sflag:s15] =	ssyncset.done $0x0  }
0x8e: {  	[sflag:s15] =	ssyncadd.s32 $0xFFFFF600  }
0x8f: {  	_ =	swait.ge [sflag:s15], $0xA00  }
0x90: {  	[sflag:s15] =	ssyncset.done $0x0  }
0x91: {  	[sflag:s15] =	ssyncadd.s32 $0xFFFFF600  }
0x92: {  	_ =	swait.ge [sflag:s15], $0xA00  }
0x93: {  	[sflag:s15] =	ssyncset.done $0x0  }
0x94: {  	[sflag:s15] =	ssyncadd.s32 $0xFFFFF600  }
0x95: {  	_ =	swait.ge [sflag:s15], $0xA00  }
0x96: {  	[sflag:s15] =	ssyncset.done $0x0  }
0x97: {  	[sflag:s15] =	ssyncadd.s32 $0xFFFFF600  }
0x98: {  	_ =	swait.ge [sflag:s15], $0xA00  }
0x99: {  	[sflag:s15] =	ssyncset.done $0x0  }
0x9a: {  	[sflag:s15] =	ssyncadd.s32 $0xFFFFF600  }
0x9b: {  	_ =	swait.ge [sflag:s15], $0xA00  }
0x9c: {  	[sflag:s15] =	ssyncset.done $0x0  }
0x9d: {  	[sflag:s15] =	ssyncadd.s32 $0xFFFFF600  }
0x9e: {  	_ =	swait.ge [sflag:s15], $0xA00  }
0x9f: {  	[sflag:s15] =	ssyncset.done $0x0  }
0xa0: {  	[sflag:s15] =	ssyncadd.s32 $0xFFFFF600  }
0xa1: {  	_ =	swait.ge [sflag:s15], $0xA00  }
0xa2: {  	[sflag:s15] =	ssyncset.done $0x0  }
0xa3: {  	s9 =	simm.s32 $0x0;
	[sflag:s15] =	ssyncadd.s32 $0xFFFFF600  }
0xa4: {  	v1 =	vld [tilespmem:s9+$0x6400]  }
0xa5: {  	v2 =	vld [tilespmem:s9+$0x6410]  }
0xa6: {  	s10 =	simm.s32 $0x100;
	v0 =	vld [tilespmem:s9+$0x6420]  }
.LBB2_3:
0xa7: {  	p0 =	sne.s32 s10, $0x31F00;
	v3 =	vld [tilespmem:s9+$0x6430];
	_ =	sdelay $0x1  }
0xa8: {  	v1 =	vmul.f32 $8.000000000e+00, v1  }
.Ltmp0:
0xa9: {  	v2 =	vmul.f32 $8.000000000e+00, v2;
	(pc) =	sbr.rel @p0 .LBB2_3-.Ltmp0, $4  }
0xaa: {  	s11 =	sshra.s32 s10, $0x2;
	[tilespmem:s9+$0x6400] =	vst v1;
	v0 =	vmul.f32 $8.000000000e+00, v0  }
0xab: {  	v1 =	vld [tilespmem:s11+$0x6400];
	[tilespmem:s9+$0x6410] =	vst v2;
	v3 =	vmul.f32 $8.000000000e+00, v3  }
0xac: {  	v2 =	vld [tilespmem:s11+$0x6410];
	[tilespmem:s9+$0x6420] =	vst v0  }
0xad: {  	s10 =	sadd.s32 $0x100, s10;
	v0 =	vld [tilespmem:s11+$0x6420];
	[tilespmem:s9+$0x6430] =	vst v3;
	s9 =	smov.u32 s11  }
0xae: {  	v3 =	vld [tilespmem:s9+$0x6430];
	_ =	sdelay $0x1  }
0xaf: {  	v1 =	vmul.f32 $8.000000000e+00, v1  }
0xb0: {  	s10 =	smul.u32 $0x640, s8;
	v2 =	vmul.f32 $8.000000000e+00, v2  }
0xb1: {  	[tilespmem:s9+$0x6400] =	vst v1;
	v0 =	vmul.f32 $8.000000000e+00, v0  }
0xb2: {  	s11 =	sadd.s32 s3, s10;
	[tilespmem:s9+$0x6410] =	vst v2;
	v1 =	vmul.f32 $8.000000000e+00, v3  }
0xb3: {  	s11 =	sshll.u32 s11, $0x4;
	[tilespmem:s9+$0x6420] =	vst v0  }
0xb4: {  	s16 =	sadd.s32 s5, s11;
	s11 =	smul.u32 $0x1900, s8;
	[tilespmem:s9+$0x6430] =	vst v1  }
0xb5: {  	[hbm4b:s16+s23] =	stream.strided.scatter [tilespmem:s13], [sflag:$0x3], $0xC800, s1, s23, $0x38;
	[tilespmem:$0x1F400] =	vst v63  }
0xb6: {  	_ =	swait.ge [sflag:s28], $0xC800  }
0xb7: {  	s9 =	sshra.s32 s11, $0x2;
	[sflag:s28] =	ssyncset.done $0x0  }
0xb8: {  	s14 =	sadd.s32 $0x640, s9;
	[sflag:s28] =	ssyncadd.s32 $0xFFFF3800  }
0xb9: {  	[tilespmem:s13], [sflag:$0x1] =	stream.indirect.gather [hbm4b:s4+s12], $0x40, s14, s12, $0xb8;
	[tilespmem:$0x1F400] =	vst v63  }
0xba: {  	s16 =	sadd.s32 $0x668, s9;
	s14 =	simm.s32 $0x6E00  }
0xbb: {  	[tilespmem:s14], [sflag:$0x1] =	stream.indirect.gather [hbm4b:s4+s12], $0x40, s16, s12, $0xb8;
	[tilespmem:$0x1F400] =	vst v63  }
0xbc: {  	s14 =	sadd.s32 $0x690, s9;
	s16 =	simm.s32 $0x7800  }
0xbd: {  	[tilespmem:s16], [sflag:$0x1] =	stream.indirect.gather [hbm4b:s4+s12], $0x40, s14, s12, $0xb8;
	[tilespmem:$0x1F400] =	vst v63  }
0xbe: {  	s14 =	sadd.s32 $0x6B8, s9;
	s16 =	simm.s32 $0x8200  }
0xbf: {  	[tilespmem:s16], [sflag:$0x1] =	stream.indirect.gather [hbm4b:s4+s12], $0x40, s14, s12, $0xb8;
	[tilespmem:$0x1F400] =	vst v63  }
0xc0: {  	s14 =	sadd.s32 $0x6E0, s9;
	s16 =	simm.s32 $0x8C00  }
0xc1: {  	[tilespmem:s16], [sflag:$0x1] =	stream.indirect.gather [hbm4b:s4+s12], $0x40, s14, s12, $0xb8;
	[tilespmem:$0x1F400] =	vst v63  }
0xc2: {  	s14 =	sadd.s32 $0x708, s9;
	s16 =	simm.s32 $0x9600  }
0xc3: {  	[tilespmem:s16], [sflag:$0x1] =	stream.indirect.gather [hbm4b:s4+s12], $0x40, s14, s12, $0xb8;
	[tilespmem:$0x1F400] =	vst v63  }
0xc4: {  	s14 =	sadd.s32 $0x730, s9;
	s16 =	simm.s32 $0xA000  }
0xc5: {  	[tilespmem:s16], [sflag:$0x1] =	stream.indirect.gather [hbm4b:s4+s12], $0x40, s14, s12, $0xb8;
	[tilespmem:$0x1F400] =	vst v63  }
0xc6: {  	s14 =	sadd.s32 $0x758, s9;
	s16 =	simm.s32 $0xAA00  }
0xc7: {  	[tilespmem:s16], [sflag:$0x1] =	stream.indirect.gather [hbm4b:s4+s12], $0x40, s14, s12, $0xb8;
	[tilespmem:$0x1F400] =	vst v63  }
0xc8: {  	s14 =	sadd.s32 $0x780, s9;
	s16 =	simm.s32 $0xB400  }
0xc9: {  	[tilespmem:s16], [sflag:$0x1] =	stream.indirect.gather [hbm4b:s4+s12], $0x40, s14, s12, $0xb8;
	[tilespmem:$0x1F400] =	vst v63  }
0xca: {  	s14 =	sadd.s32 $0x7A8, s9;
	s16 =	simm.s32 $0xBE00  }
0xcb: {  	[tilespmem:s16], [sflag:$0x1] =	stream.indirect.gather [hbm4b:s4+s12], $0x40, s14, s12, $0xb8;
	[tilespmem:$0x1F400] =	vst v63  }
0xcc: {  	s14 =	sadd.s32 $0x7D0, s9;
	s16 =	simm.s32 $0xC800  }
0xcd: {  	[tilespmem:s16], [sflag:$0x1] =	stream.indirect.gather [hbm4b:s4+s12], $0x40, s14, s12, $0xb8;
	[tilespmem:$0x1F400] =	vst v63  }
0xce: {  	s14 =	sadd.s32 $0x7F8, s9;
	s16 =	simm.s32 $0xD200  }
0xcf: {  	[tilespmem:s16], [sflag:$0x1] =	stream.indirect.gather [hbm4b:s4+s12], $0x40, s14, s12, $0xb8;
	[tilespmem:$0x1F400] =	vst v63  }
0xd0: {  	s14 =	sadd.s32 $0x820, s9;
	s16 =	simm.s32 $0xDC00  }
0xd1: {  	[tilespmem:s16], [sflag:$0x1] =	stream.indirect.gather [hbm4b:s4+s12], $0x40, s14, s12, $0xb8;
	[tilespmem:$0x1F400] =	vst v63  }
0xd2: {  	s14 =	sadd.s32 $0x848, s9;
	s16 =	simm.s32 $0xE600  }
0xd3: {  	[tilespmem:s16], [sflag:$0x1] =	stream.indirect.gather [hbm4b:s4+s12], $0x40, s14, s12, $0xb8;
	[tilespmem:$0x1F400] =	vst v63  }
0xd4: {  	s14 =	sadd.s32 $0x870, s9;
	s16 =	simm.s32 $0xF000  }
0xd5: {  	[tilespmem:s16], [sflag:$0x1] =	stream.indirect.gather [hbm4b:s4+s12], $0x40, s14, s12, $0xb8;
	[tilespmem:$0x1F400] =	vst v63  }
0xd6: {  	s14 =	sadd.s32 $0x898, s9;
	s16 =	simm.s32 $0xFA00  }
0xd7: {  	[tilespmem:s16], [sflag:$0x1] =	stream.indirect.gather [hbm4b:s4+s12], $0x40, s14, s12, $0xb8;
	[tilespmem:$0x1F400] =	vst v63  }
0xd8: {  	s14 =	sadd.s32 $0x8C0, s9;
	s16 =	simm.s32 $0x10400  }
0xd9: {  	[tilespmem:s16], [sflag:$0x1] =	stream.indirect.gather [hbm4b:s4+s12], $0x40, s14, s12, $0xb8;
	[tilespmem:$0x1F400] =	vst v63  }
0xda: {  	s14 =	sadd.s32 $0x8E8, s9;
	s16 =	simm.s32 $0x10E00  }
0xdb: {  	[tilespmem:s16], [sflag:$0x1] =	stream.indirect.gather [hbm4b:s4+s12], $0x40, s14, s12, $0xb8;
	[tilespmem:$0x1F400] =	vst v63  }
0xdc: {  	s14 =	sadd.s32 $0x910, s9;
	s16 =	simm.s32 $0x11800  }
0xdd: {  	[tilespmem:s16], [sflag:$0x1] =	stream.indirect.gather [hbm4b:s4+s12], $0x40, s14, s12, $0xb8;
	[tilespmem:$0x1F400] =	vst v63  }
0xde: {  	s14 =	sadd.s32 $0x938, s9;
	s16 =	simm.s32 $0x12200  }
0xdf: {  	[tilespmem:s16], [sflag:$0x1] =	stream.indirect.gather [hbm4b:s4+s12], $0x40, s14, s12, $0xb8;
	[tilespmem:$0x1F400] =	vst v63  }
0xe0: {  	_ =	swait.ge [sflag:s19], $0xA00  }
0xe1: {  	[sflag:s19] =	ssyncset.done $0x0  }
0xe2: {  	[sflag:s19] =	ssyncadd.s32 $0xFFFFF600  }
0xe3: {  	_ =	swait.ge [sflag:s19], $0xA00  }
0xe4: {  	[sflag:s19] =	ssyncset.done $0x0  }
0xe5: {  	[sflag:s19] =	ssyncadd.s32 $0xFFFFF600  }
0xe6: {  	_ =	swait.ge [sflag:s19], $0xA00  }
0xe7: {  	[sflag:s19] =	ssyncset.done $0x0  }
0xe8: {  	[sflag:s19] =	ssyncadd.s32 $0xFFFFF600  }
0xe9: {  	_ =	swait.ge [sflag:s19], $0xA00  }
0xea: {  	[sflag:s19] =	ssyncset.done $0x0  }
0xeb: {  	[sflag:s19] =	ssyncadd.s32 $0xFFFFF600  }
0xec: {  	_ =	swait.ge [sflag:s19], $0xA00  }
0xed: {  	[sflag:s19] =	ssyncset.done $0x0  }
0xee: {  	[sflag:s19] =	ssyncadd.s32 $0xFFFFF600  }
0xef: {  	_ =	swait.ge [sflag:s19], $0xA00  }
0xf0: {  	[sflag:s19] =	ssyncset.done $0x0  }
0xf1: {  	[sflag:s19] =	ssyncadd.s32 $0xFFFFF600  }
0xf2: {  	_ =	swait.ge [sflag:s19], $0xA00  }
0xf3: {  	[sflag:s19] =	ssyncset.done $0x0  }
0xf4: {  	[sflag:s19] =	ssyncadd.s32 $0xFFFFF600  }
0xf5: {  	_ =	swait.ge [sflag:s19], $0xA00  }
0xf6: {  	[sflag:s19] =	ssyncset.done $0x0  }
0xf7: {  	[sflag:s19] =	ssyncadd.s32 $0xFFFFF600  }
0xf8: {  	_ =	swait.ge [sflag:s19], $0xA00  }
0xf9: {  	[sflag:s19] =	ssyncset.done $0x0  }
0xfa: {  	[sflag:s19] =	ssyncadd.s32 $0xFFFFF600  }
0xfb: {  	_ =	swait.ge [sflag:s19], $0xA00  }
0xfc: {  	[sflag:s19] =	ssyncset.done $0x0  }
0xfd: {  	[sflag:s19] =	ssyncadd.s32 $0xFFFFF600  }
0xfe: {  	_ =	swait.ge [sflag:s19], $0xA00  }
0xff: {  	[sflag:s19] =	ssyncset.done $0x0  }
0x100: {  	[sflag:s19] =	ssyncadd.s32 $0xFFFFF600  }
0x101: {  	_ =	swait.ge [sflag:s19], $0xA00  }
0x102: {  	[sflag:s19] =	ssyncset.done $0x0  }
0x103: {  	[sflag:s19] =	ssyncadd.s32 $0xFFFFF600  }
0x104: {  	_ =	swait.ge [sflag:s19], $0xA00  }
0x105: {  	[sflag:s19] =	ssyncset.done $0x0  }
0x106: {  	[sflag:s19] =	ssyncadd.s32 $0xFFFFF600  }
0x107: {  	_ =	swait.ge [sflag:s19], $0xA00  }
0x108: {  	[sflag:s19] =	ssyncset.done $0x0  }
0x109: {  	[sflag:s19] =	ssyncadd.s32 $0xFFFFF600  }
0x10a: {  	_ =	swait.ge [sflag:s19], $0xA00  }
0x10b: {  	[sflag:s19] =	ssyncset.done $0x0  }
0x10c: {  	[sflag:s19] =	ssyncadd.s32 $0xFFFFF600  }
0x10d: {  	_ =	swait.ge [sflag:s19], $0xA00  }
0x10e: {  	[sflag:s19] =	ssyncset.done $0x0  }
0x10f: {  	[sflag:s19] =	ssyncadd.s32 $0xFFFFF600  }
0x110: {  	_ =	swait.ge [sflag:s19], $0xA00  }
0x111: {  	[sflag:s19] =	ssyncset.done $0x0  }
0x112: {  	[sflag:s19] =	ssyncadd.s32 $0xFFFFF600  }
0x113: {  	_ =	swait.ge [sflag:s19], $0xA00  }
0x114: {  	[sflag:s19] =	ssyncset.done $0x0  }
0x115: {  	[sflag:s19] =	ssyncadd.s32 $0xFFFFF600  }
0x116: {  	_ =	swait.ge [sflag:s19], $0xA00  }
0x117: {  	[sflag:s19] =	ssyncset.done $0x0  }
0x118: {  	[sflag:s19] =	ssyncadd.s32 $0xFFFFF600  }
0x119: {  	_ =	swait.ge [sflag:s19], $0xA00  }
0x11a: {  	[sflag:s19] =	ssyncset.done $0x0  }
0x11b: {  	s11 =	simm.s32 $0x0;
	[sflag:s19] =	ssyncadd.s32 $0xFFFFF600  }
0x11c: {  	v0 =	vld [tilespmem:s11+$0x12C00]  }
0x11d: {  	v2 =	vld [tilespmem:s11+$0x12C10]  }
0x11e: {  	s14 =	simm.s32 $0x100;
	v1 =	vld [tilespmem:s11+$0x12C20]  }
.LBB2_5:
0x11f: {  	p0 =	sne.s32 s14, $0x31F00;
	v3 =	vld [tilespmem:s11+$0x12C30];
	_ =	sdelay $0x1  }
0x120: {  	v0 =	vmul.f32 $8.000000000e+00, v0  }
.Ltmp1:
0x121: {  	v2 =	vmul.f32 $8.000000000e+00, v2;
	(pc) =	sbr.rel @p0 .LBB2_5-.Ltmp1, $4  }
0x122: {  	s16 =	sshra.s32 s14, $0x2;
	[tilespmem:s11+$0x12C00] =	vst v0;
	v1 =	vmul.f32 $8.000000000e+00, v1  }
0x123: {  	v0 =	vld [tilespmem:s16+$0x12C00];
	[tilespmem:s11+$0x12C10] =	vst v2;
	v3 =	vmul.f32 $8.000000000e+00, v3  }
0x124: {  	v2 =	vld [tilespmem:s16+$0x12C10];
	[tilespmem:s11+$0x12C20] =	vst v1  }
0x125: {  	s14 =	sadd.s32 $0x100, s14;
	v1 =	vld [tilespmem:s16+$0x12C20];
	[tilespmem:s11+$0x12C30] =	vst v3;
	s11 =	smov.u32 s16  }
0x126: {  	v3 =	vld [tilespmem:s11+$0x12C30];
	_ =	sdelay $0x1  }
0x127: {  	v0 =	vmul.f32 $8.000000000e+00, v0  }
0x128: {  	v2 =	vmul.f32 $8.000000000e+00, v2  }
0x129: {  	s10 =	sadd.s32 s10, s7;
	[tilespmem:s11+$0x12C00] =	vst v0;
	v62 =	vmul.f32 $8.000000000e+00, v1  }
0x12a: {  	s10 =	sshll.u32 s10, $0x4;
	[tilespmem:s11+$0x12C10] =	vst v2;
	v63 =	vmul.f32 $8.000000000e+00, v3  }
0x12b: {  	s10 =	sand.u32 $0x1FFFFE00, s10;
	[tilespmem:s11+$0x12C20] =	vst v62  }
0x12c: {  	s10 =	sadd.s32 s5, s10;
	[tilespmem:s11+$0x12C30] =	vst v63  }
0x12d: {  	[hbm4b:s10+s23] =	stream.strided.scatter [tilespmem:s2], [sflag:$0x4], $0xC800, s1, s23, $0x38;
	[tilespmem:$0x1F400] =	vst v63  }
0x12e: {  	_ =	swait.ge [sflag:s6], $0xC800  }
0x12f: {  	[sflag:s6] =	ssyncset.done $0x0  }
0x130: {  	s11 =	sadd.s32 $0x960, s9;
	[sflag:s6] =	ssyncadd.s32 $0xFFFF3800  }
0x131: {  	[tilespmem:s2], [sflag:$0x2] =	stream.indirect.gather [hbm4b:s4+s12], $0x40, s11, s12, $0xb8;
	[tilespmem:$0x1F400] =	vst v63  }
0x132: {  	s14 =	sadd.s32 $0x988, s9;
	s16 =	simm.s32 $0x13600  }
0x133: {  	[tilespmem:s16], [sflag:$0x2] =	stream.indirect.gather [hbm4b:s4+s12], $0x40, s14, s12, $0xb8;
	[tilespmem:$0x1F400] =	vst v63  }
0x134: {  	s14 =	sadd.s32 $0x9B0, s9;
	s16 =	simm.s32 $0x14000  }
0x135: {  	[tilespmem:s16], [sflag:$0x2] =	stream.indirect.gather [hbm4b:s4+s12], $0x40, s14, s12, $0xb8;
	[tilespmem:$0x1F400] =	vst v63  }
0x136: {  	s14 =	sadd.s32 $0x9D8, s9;
	s16 =	simm.s32 $0x14A00  }
0x137: {  	[tilespmem:s16], [sflag:$0x2] =	stream.indirect.gather [hbm4b:s4+s12], $0x40, s14, s12, $0xb8;
	[tilespmem:$0x1F400] =	vst v63  }
0x138: {  	s14 =	sadd.s32 $0xA00, s9;
	s16 =	simm.s32 $0x15400  }
0x139: {  	[tilespmem:s16], [sflag:$0x2] =	stream.indirect.gather [hbm4b:s4+s12], $0x40, s14, s12, $0xb8;
	[tilespmem:$0x1F400] =	vst v63  }
0x13a: {  	s14 =	sadd.s32 $0xA28, s9;
	s16 =	simm.s32 $0x15E00  }
0x13b: {  	[tilespmem:s16], [sflag:$0x2] =	stream.indirect.gather [hbm4b:s4+s12], $0x40, s14, s12, $0xb8;
	[tilespmem:$0x1F400] =	vst v63  }
0x13c: {  	s14 =	sadd.s32 $0xA50, s9;
	s16 =	simm.s32 $0x16800  }
0x13d: {  	[tilespmem:s16], [sflag:$0x2] =	stream.indirect.gather [hbm4b:s4+s12], $0x40, s14, s12, $0xb8;
	[tilespmem:$0x1F400] =	vst v63  }
0x13e: {  	s14 =	sadd.s32 $0xA78, s9;
	s16 =	simm.s32 $0x17200  }
0x13f: {  	[tilespmem:s16], [sflag:$0x2] =	stream.indirect.gather [hbm4b:s4+s12], $0x40, s14, s12, $0xb8;
	[tilespmem:$0x1F400] =	vst v63  }
0x140: {  	s11 =	sadd.s32 $0xAA0, s9  }
0x141: {  	[tilespmem:s18], [sflag:$0x2] =	stream.indirect.gather [hbm4b:s4+s12], $0x40, s11, s12, $0xb8;
	[tilespmem:$0x1F400] =	vst v63  }
0x142: {  	s14 =	sadd.s32 $0xAC8, s9  }
0x143: {  	[tilespmem:s20], [sflag:$0x2] =	stream.indirect.gather [hbm4b:s4+s12], $0x40, s14, s12, $0xb8;
	[tilespmem:$0x1F400] =	vst v63  }
0x144: {  	s16 =	sadd.s32 $0xAF0, s9  }
0x145: {  	[tilespmem:s22], [sflag:$0x2] =	stream.indirect.gather [hbm4b:s4+s12], $0x40, s16, s12, $0xb8;
	[tilespmem:$0x1F400] =	vst v63  }
0x146: {  	s11 =	sadd.s32 $0xB18, s9  }
0x147: {  	[tilespmem:s24], [sflag:$0x2] =	stream.indirect.gather [hbm4b:s4+s12], $0x40, s11, s12, $0xb8;
	[tilespmem:$0x1F400] =	vst v63  }
0x148: {  	s14 =	sadd.s32 $0xB40, s9  }
0x149: {  	[tilespmem:s26], [sflag:$0x2] =	stream.indirect.gather [hbm4b:s4+s12], $0x40, s14, s12, $0xb8;
	[tilespmem:$0x1F400] =	vst v63  }
0x14a: {  	s16 =	sadd.s32 $0xB68, s9  }
0x14b: {  	[tilespmem:s29], [sflag:$0x2] =	stream.indirect.gather [hbm4b:s4+s12], $0x40, s16, s12, $0xb8;
	[tilespmem:$0x1F400] =	vst v63  }
0x14c: {  	s11 =	sadd.s32 $0xB90, s9  }
0x14d: {  	[tilespmem:s31], [sflag:$0x2] =	stream.indirect.gather [hbm4b:s4+s12], $0x40, s11, s12, $0xb8;
	[tilespmem:$0x1F400] =	vst v63  }
0x14e: {  	s14 =	sadd.s32 $0xBB8, s9  }
0x14f: {  	[tilespmem:s0], [sflag:$0x2] =	stream.indirect.gather [hbm4b:s4+s12], $0x40, s14, s12, $0xb8;
	[tilespmem:$0x1F400] =	vst v63  }
0x150: {  	s8 =	sadd.s32 $0x1, s8;
	s16 =	sadd.s32 $0xBE0, s9  }
0x151: {  	[tilespmem:s17], [sflag:$0x2] =	stream.indirect.gather [hbm4b:s4+s12], $0x40, s16, s12, $0xb8;
	[tilespmem:$0x1F400] =	vst v63  }
0x152: {  	p0 =	sne.s32 s8, $0xF;
	s11 =	sadd.s32 $0xC08, s9  }
0x153: {  	[tilespmem:s21], [sflag:$0x2] =	stream.indirect.gather [hbm4b:s4+s12], $0x40, s11, s12, $0xb8;
	[tilespmem:$0x1F400] =	vst v63  }
.Ltmp2:
0x154: {  	_ = 	snop;
	(pc) =	sbr.rel @p0 .LBB2_2-.Ltmp2, $4  }
0x155: {  	s14 =	sadd.s32 $0xC30, s9  }
0x156: {  	[tilespmem:s25], [sflag:$0x2] =	stream.indirect.gather [hbm4b:s4+s12], $0x40, s14, s12, $0xb8;
	[tilespmem:$0x1F400] =	vst v63  }
0x157: {  	s16 =	sadd.s32 $0xC58, s9  }
0x158: {  	[tilespmem:s30], [sflag:$0x2] =	stream.indirect.gather [hbm4b:s4+s12], $0x40, s16, s12, $0xb8;
	[tilespmem:$0x1F400] =	vst v63  }
0x159: {  	_ =	swait.ge [sflag:s15], $0xA00  }
0x15a: {  	[sflag:s15] =	ssyncset.done $0x0  }
0x15b: {  	[sflag:s15] =	ssyncadd.s32 $0xFFFFF600  }
0x15c: {  	_ =	swait.ge [sflag:s15], $0xA00  }
0x15d: {  	[sflag:s15] =	ssyncset.done $0x0  }
0x15e: {  	[sflag:s15] =	ssyncadd.s32 $0xFFFFF600  }
0x15f: {  	_ =	swait.ge [sflag:s15], $0xA00  }
0x160: {  	[sflag:s15] =	ssyncset.done $0x0  }
0x161: {  	[sflag:s15] =	ssyncadd.s32 $0xFFFFF600  }
0x162: {  	_ =	swait.ge [sflag:s15], $0xA00  }
0x163: {  	[sflag:s15] =	ssyncset.done $0x0  }
0x164: {  	[sflag:s15] =	ssyncadd.s32 $0xFFFFF600  }
0x165: {  	_ =	swait.ge [sflag:s15], $0xA00  }
0x166: {  	[sflag:s15] =	ssyncset.done $0x0  }
0x167: {  	[sflag:s15] =	ssyncadd.s32 $0xFFFFF600  }
0x168: {  	_ =	swait.ge [sflag:s15], $0xA00  }
0x169: {  	[sflag:s15] =	ssyncset.done $0x0  }
0x16a: {  	[sflag:s15] =	ssyncadd.s32 $0xFFFFF600  }
0x16b: {  	_ =	swait.ge [sflag:s15], $0xA00  }
0x16c: {  	[sflag:s15] =	ssyncset.done $0x0  }
0x16d: {  	[sflag:s15] =	ssyncadd.s32 $0xFFFFF600  }
0x16e: {  	_ =	swait.ge [sflag:s15], $0xA00  }
0x16f: {  	[sflag:s15] =	ssyncset.done $0x0  }
0x170: {  	[sflag:s15] =	ssyncadd.s32 $0xFFFFF600  }
0x171: {  	_ =	swait.ge [sflag:s15], $0xA00  }
0x172: {  	[sflag:s15] =	ssyncset.done $0x0  }
0x173: {  	[sflag:s15] =	ssyncadd.s32 $0xFFFFF600  }
0x174: {  	_ =	swait.ge [sflag:s15], $0xA00  }
0x175: {  	[sflag:s15] =	ssyncset.done $0x0  }
0x176: {  	[sflag:s15] =	ssyncadd.s32 $0xFFFFF600  }
0x177: {  	_ =	swait.ge [sflag:s15], $0xA00  }
0x178: {  	[sflag:s15] =	ssyncset.done $0x0  }
0x179: {  	[sflag:s15] =	ssyncadd.s32 $0xFFFFF600  }
0x17a: {  	_ =	swait.ge [sflag:s15], $0xA00  }
0x17b: {  	[sflag:s15] =	ssyncset.done $0x0  }
0x17c: {  	[sflag:s15] =	ssyncadd.s32 $0xFFFFF600  }
0x17d: {  	_ =	swait.ge [sflag:s15], $0xA00  }
0x17e: {  	[sflag:s15] =	ssyncset.done $0x0  }
0x17f: {  	[sflag:s15] =	ssyncadd.s32 $0xFFFFF600  }
0x180: {  	_ =	swait.ge [sflag:s15], $0xA00  }
0x181: {  	[sflag:s15] =	ssyncset.done $0x0  }
0x182: {  	[sflag:s15] =	ssyncadd.s32 $0xFFFFF600  }
0x183: {  	_ =	swait.ge [sflag:s15], $0xA00  }
0x184: {  	[sflag:s15] =	ssyncset.done $0x0  }
0x185: {  	[sflag:s15] =	ssyncadd.s32 $0xFFFFF600  }
0x186: {  	_ =	swait.ge [sflag:s15], $0xA00  }
0x187: {  	[sflag:s15] =	ssyncset.done $0x0  }
0x188: {  	[sflag:s15] =	ssyncadd.s32 $0xFFFFF600  }
0x189: {  	_ =	swait.ge [sflag:s15], $0xA00  }
0x18a: {  	[sflag:s15] =	ssyncset.done $0x0  }
0x18b: {  	[sflag:s15] =	ssyncadd.s32 $0xFFFFF600  }
0x18c: {  	_ =	swait.ge [sflag:s15], $0xA00  }
0x18d: {  	[sflag:s15] =	ssyncset.done $0x0  }
0x18e: {  	[sflag:s15] =	ssyncadd.s32 $0xFFFFF600  }
0x18f: {  	_ =	swait.ge [sflag:s15], $0xA00  }
0x190: {  	[sflag:s15] =	ssyncset.done $0x0  }
0x191: {  	[sflag:s15] =	ssyncadd.s32 $0xFFFFF600  }
0x192: {  	_ =	swait.ge [sflag:s15], $0xA00  }
0x193: {  	[sflag:s15] =	ssyncset.done $0x0  }
0x194: {  	s8 =	simm.s32 $0x0;
	[sflag:s15] =	ssyncadd.s32 $0xFFFFF600  }
0x195: {  	v0 =	vld [tilespmem:s8+$0x6400]  }
0x196: {  	v2 =	vld [tilespmem:s8+$0x6410]  }
0x197: {  	s9 =	simm.s32 $0x100;
	v1 =	vld [tilespmem:s8+$0x6420]  }
.LBB2_8:
0x198: {  	p0 =	sne.s32 s9, $0x31F00;
	v3 =	vld [tilespmem:s8+$0x6430];
	_ =	sdelay $0x1  }
0x199: {  	v0 =	vmul.f32 $8.000000000e+00, v0  }
.Ltmp3:
0x19a: {  	v2 =	vmul.f32 $8.000000000e+00, v2;
	(pc) =	sbr.rel @p0 .LBB2_8-.Ltmp3, $4  }
0x19b: {  	s10 =	sshra.s32 s9, $0x2;
	[tilespmem:s8+$0x6400] =	vst v0;
	v1 =	vmul.f32 $8.000000000e+00, v1  }
0x19c: {  	v0 =	vld [tilespmem:s10+$0x6400];
	[tilespmem:s8+$0x6410] =	vst v2;
	v3 =	vmul.f32 $8.000000000e+00, v3  }
0x19d: {  	v2 =	vld [tilespmem:s10+$0x6410];
	[tilespmem:s8+$0x6420] =	vst v1  }
0x19e: {  	s9 =	sadd.s32 $0x100, s9;
	v1 =	vld [tilespmem:s10+$0x6420];
	[tilespmem:s8+$0x6430] =	vst v3;
	s8 =	smov.u32 s10  }
0x19f: {  	v3 =	vld [tilespmem:s8+$0x6430];
	_ =	sdelay $0x1  }
0x1a0: {  	v0 =	vmul.f32 $8.000000000e+00, v0  }
0x1a1: {  	v2 =	vmul.f32 $8.000000000e+00, v2  }
0x1a2: {  	[tilespmem:s8+$0x6400] =	vst v0;
	v0 =	vmul.f32 $8.000000000e+00, v1  }
0x1a3: {  	[tilespmem:s8+$0x6410] =	vst v2;
	v1 =	vmul.f32 $8.000000000e+00, v3  }
0x1a4: {  	[tilespmem:s8+$0x6420] =	vst v0  }
0x1a5: {  	s16 =	rddreg [dreg:$0x4];
	[tilespmem:s8+$0x6430] =	vst v1  }
0x1a6: {  	[hbm4b:s16+s23] =	stream.strided.scatter [tilespmem:s13], [sflag:$0x3], $0xC800, s1, s23, $0x38;
	[tilespmem:$0x1F400] =	vst v63  }
0x1a7: {  	_ =	swait.ge [sflag:s19], $0xA00  }
0x1a8: {  	[sflag:s19] =	ssyncset.done $0x0  }
0x1a9: {  	[sflag:s19] =	ssyncadd.s32 $0xFFFFF600  }
0x1aa: {  	_ =	swait.ge [sflag:s19], $0xA00  }
0x1ab: {  	[sflag:s19] =	ssyncset.done $0x0  }
0x1ac: {  	[sflag:s19] =	ssyncadd.s32 $0xFFFFF600  }
0x1ad: {  	_ =	swait.ge [sflag:s19], $0xA00  }
0x1ae: {  	[sflag:s19] =	ssyncset.done $0x0  }
0x1af: {  	[sflag:s19] =	ssyncadd.s32 $0xFFFFF600  }
0x1b0: {  	_ =	swait.ge [sflag:s19], $0xA00  }
0x1b1: {  	[sflag:s19] =	ssyncset.done $0x0  }
0x1b2: {  	[sflag:s19] =	ssyncadd.s32 $0xFFFFF600  }
0x1b3: {  	_ =	swait.ge [sflag:s19], $0xA00  }
0x1b4: {  	[sflag:s19] =	ssyncset.done $0x0  }
0x1b5: {  	[sflag:s19] =	ssyncadd.s32 $0xFFFFF600  }
0x1b6: {  	_ =	swait.ge [sflag:s19], $0xA00  }
0x1b7: {  	[sflag:s19] =	ssyncset.done $0x0  }
0x1b8: {  	[sflag:s19] =	ssyncadd.s32 $0xFFFFF600  }
0x1b9: {  	_ =	swait.ge [sflag:s19], $0xA00  }
0x1ba: {  	[sflag:s19] =	ssyncset.done $0x0  }
0x1bb: {  	[sflag:s19] =	ssyncadd.s32 $0xFFFFF600  }
0x1bc: {  	_ =	swait.ge [sflag:s19], $0xA00  }
0x1bd: {  	[sflag:s19] =	ssyncset.done $0x0  }
0x1be: {  	[sflag:s19] =	ssyncadd.s32 $0xFFFFF600  }
0x1bf: {  	_ =	swait.ge [sflag:s19], $0xA00  }
0x1c0: {  	[sflag:s19] =	ssyncset.done $0x0  }
0x1c1: {  	[sflag:s19] =	ssyncadd.s32 $0xFFFFF600  }
0x1c2: {  	_ =	swait.ge [sflag:s19], $0xA00  }
0x1c3: {  	[sflag:s19] =	ssyncset.done $0x0  }
0x1c4: {  	[sflag:s19] =	ssyncadd.s32 $0xFFFFF600  }
0x1c5: {  	_ =	swait.ge [sflag:s19], $0xA00  }
0x1c6: {  	[sflag:s19] =	ssyncset.done $0x0  }
0x1c7: {  	[sflag:s19] =	ssyncadd.s32 $0xFFFFF600  }
0x1c8: {  	_ =	swait.ge [sflag:s19], $0xA00  }
0x1c9: {  	[sflag:s19] =	ssyncset.done $0x0  }
0x1ca: {  	[sflag:s19] =	ssyncadd.s32 $0xFFFFF600  }
0x1cb: {  	_ =	swait.ge [sflag:s19], $0xA00  }
0x1cc: {  	[sflag:s19] =	ssyncset.done $0x0  }
0x1cd: {  	[sflag:s19] =	ssyncadd.s32 $0xFFFFF600  }
0x1ce: {  	_ =	swait.ge [sflag:s19], $0xA00  }
0x1cf: {  	[sflag:s19] =	ssyncset.done $0x0  }
0x1d0: {  	[sflag:s19] =	ssyncadd.s32 $0xFFFFF600  }
0x1d1: {  	_ =	swait.ge [sflag:s19], $0xA00  }
0x1d2: {  	[sflag:s19] =	ssyncset.done $0x0  }
0x1d3: {  	[sflag:s19] =	ssyncadd.s32 $0xFFFFF600  }
0x1d4: {  	_ =	swait.ge [sflag:s19], $0xA00  }
0x1d5: {  	[sflag:s19] =	ssyncset.done $0x0  }
0x1d6: {  	[sflag:s19] =	ssyncadd.s32 $0xFFFFF600  }
0x1d7: {  	_ =	swait.ge [sflag:s19], $0xA00  }
0x1d8: {  	[sflag:s19] =	ssyncset.done $0x0  }
0x1d9: {  	[sflag:s19] =	ssyncadd.s32 $0xFFFFF600  }
0x1da: {  	_ =	swait.ge [sflag:s19], $0xA00  }
0x1db: {  	[sflag:s19] =	ssyncset.done $0x0  }
0x1dc: {  	[sflag:s19] =	ssyncadd.s32 $0xFFFFF600  }
0x1dd: {  	_ =	swait.ge [sflag:s19], $0xA00  }
0x1de: {  	[sflag:s19] =	ssyncset.done $0x0  }
0x1df: {  	[sflag:s19] =	ssyncadd.s32 $0xFFFFF600  }
0x1e0: {  	_ =	swait.ge [sflag:s19], $0xA00  }
0x1e1: {  	[sflag:s19] =	ssyncset.done $0x0  }
0x1e2: {  	s8 =	simm.s32 $0x0;
	[sflag:s19] =	ssyncadd.s32 $0xFFFFF600  }
0x1e3: {  	v0 =	vld [tilespmem:s8+$0x12C00]  }
0x1e4: {  	v2 =	vld [tilespmem:s8+$0x12C10]  }
0x1e5: {  	s9 =	simm.s32 $0x100;
	v1 =	vld [tilespmem:s8+$0x12C20]  }
.LBB2_10:
0x1e6: {  	p0 =	sne.s32 s9, $0x31F00;
	v3 =	vld [tilespmem:s8+$0x12C30];
	_ =	sdelay $0x1  }
0x1e7: {  	v0 =	vmul.f32 $8.000000000e+00, v0  }
.Ltmp4:
0x1e8: {  	v2 =	vmul.f32 $8.000000000e+00, v2;
	(pc) =	sbr.rel @p0 .LBB2_10-.Ltmp4, $4  }
0x1e9: {  	s10 =	sshra.s32 s9, $0x2;
	[tilespmem:s8+$0x12C00] =	vst v0;
	v1 =	vmul.f32 $8.000000000e+00, v1  }
0x1ea: {  	v0 =	vld [tilespmem:s10+$0x12C00];
	[tilespmem:s8+$0x12C10] =	vst v2;
	v3 =	vmul.f32 $8.000000000e+00, v3  }
0x1eb: {  	v2 =	vld [tilespmem:s10+$0x12C10];
	[tilespmem:s8+$0x12C20] =	vst v1  }
0x1ec: {  	s9 =	sadd.s32 $0x100, s9;
	v1 =	vld [tilespmem:s10+$0x12C20];
	[tilespmem:s8+$0x12C30] =	vst v3;
	s8 =	smov.u32 s10  }
0x1ed: {  	v3 =	vld [tilespmem:s8+$0x12C30];
	_ =	sdelay $0x1  }
0x1ee: {  	v0 =	vmul.f32 $8.000000000e+00, v0  }
0x1ef: {  	v2 =	vmul.f32 $8.000000000e+00, v2  }
0x1f0: {  	[tilespmem:s8+$0x12C00] =	vst v0;
	v62 =	vmul.f32 $8.000000000e+00, v1  }
0x1f1: {  	[tilespmem:s8+$0x12C10] =	vst v2;
	v63 =	vmul.f32 $8.000000000e+00, v3  }
0x1f2: {  	[tilespmem:s8+$0x12C20] =	vst v62  }
0x1f3: {  	s14 =	rddreg [dreg:$0x5];
	[tilespmem:s8+$0x12C30] =	vst v63  }
0x1f4: {  	[hbm4b:s14+s23] =	stream.strided.scatter [tilespmem:s2], [sflag:$0x4], $0xC800, s1, s23, $0x38;
	[tilespmem:$0x1F400] =	vst v63  }
0x1f5: {  	_ =	swait.ge [sflag:s28], $0xC800  }
0x1f6: {  	[sflag:s28] =	ssyncset.done $0x0  }
0x1f7: {  	[sflag:s28] =	ssyncadd.s32 $0xFFFF3800  }
0x1f8: {  	_ =	swait.ge [sflag:s6], $0xC800  }
0x1f9: {  	s9 =	rddreg [dreg:$0x7]  }
0x1fa: {  	s16 =	rddreg [dreg:$0x6];
	s9 =	sadd.s32 $0x1, s9  }
0x1fb: {  	p0 =	sne.s32 s9, s16  }
.Ltmp5:
0x1fc: {  	_ = 	snop;
	(pc) =	sbr.rel @p0 .LBB2_1-.Ltmp5, $3  }
0x1fd: {  	_ =	sdelay $0x1  }
0x1fe: {  	[sflag:s6] =	ssyncset.done $0x0  }
0x1ff: {  	[sflag:s6] =	ssyncadd.s32 $0xFFFF3800  }
0x200: {  	_ =	sfence.sel $0x180000  }
0x201: {  	[bflag:$0x0] =	sbarrier.arrive $0xFFFF  }
0x202: {  	_ =	strace $0x9000004A  }
0x203: {  	s0 =	stileid.u32;
	[bflag:$0x2] =	sbarrier.arrive $0xFFFF  }
0x204: {  	p0 =	sne.s32 s0, $0x0;
	s0 =	rddreg [dreg:$0x2]  }
0x205: {  	s0 =	sadd.s32 @!p0 $0x100000, s0  }
0x206: {  	[sflag:s0] =	ssyncadd.tile.s32 @!p0 $0x1;
	_ =	shalt  }
.Lfunc_end2:
_tile_overlayer_lowered:
.L_overlay_start_2:
0x207: {  	(tag) =	ssettag $0x2  }
0x208: {  	s0 =	rddreg [dreg:$0x0];
	s2 =	stileid.u32  }
0x209: {  	s1 =	rddreg [dreg:$0x1];
	p0 =	sne.s32 s2, $0x0  }
0x20a: {  	s3 =	rddreg [dreg:$0x2];
	[bflag:$0x3] =	sbarrier.arrive $0xFFFF;
	s2 =	simm.s32 @!p0 $0x1C05  }
0x20b: {  	[timem:s3], [sflag:s2] =	dma.local @!p0 [hbm:s0], s1  }
0x20c: {  	s0 =	simm.s32 @!p0 $0x5  }
0x20d: {  	_ =	swait.ge @!p0 [sflag:s0], s1  }
0x20e: {  	s1 =	ssub.s32 @!p0 $0x0, s1;
	[sflag:s0] =	ssyncset.done @!p0 $0x0  }
0x20f: {  	[sflag:s0] =	ssyncadd.s32 @!p0 s1  }
0x210: {  	[bflag:$0x3] =	sbarrier.arrive $0xFFFF  }
0x211: {  	_ =	shalt  }

// kernel: sparse-core-data-format-call.1.cloned.1.call-start
scs
called_computation.1_lowered:
.L_overlay_start_0:
0x0: {  	s2 =	sld [smem:$0x3FD9]  }
0x1: {  	s3 =	sld [smem:$0x3FFE];
	_ =	sdelay $0x1  }
0x2: {  	s1 =	srdreg.scid  }
0x3: {  	s0 =	sand.u32 $0x1, s1  }
0x4: {  	s18 =	sshll.u32 s0, $0xA;
	s2 =	sadd.s32 s3, s2  }
0x5: {  	s2 =	sadd.s32 s2, s18  }
0x6: {  	[smem:$0x3FC6] =	sst s2  }
0x7: {  	_ = 	snop  }
0x8: {  	s2 =	sld [smem:$0x3FC8];
	(tm) =	ssettm $0x1  }
0x9: {  	s19 =	sld [smem:$0x3FFB];
	_ =	sdelay $0x3  }
0xa: {  	_ =	strace s19  }
0xb: {  	s3 =	sld [smem:$0x3FFC];
	_ =	sdelay $0x3  }
0xc: {  	_ =	strace s3  }
0xd: {  	s3 =	sld [smem:$0x3FFD];
	_ =	sdelay $0x3  }
0xe: {  	_ =	strace s3  }
0xf: {  	_ =	strace $0x8FFFFFFF  }
0x10: {  	s20 =	sld [smem:$0x3FDB];
	_ =	sdelay $0x1  }
0x11: {  	s4 =	simm.s32 $_scs_section_size  }
0x12: {  	s5 =	simm.s32 $_size__tile_overlayer_lowered;
	s6 =	simm.s32 $_tile_overlayer_lowered  }
0x13: {  	s23 =	simm.s32 $0x1BFF;
	s22 =	sshll.u32 s6, $0x1;
	s3 =	sadd.s32 s4, s20  }
0x14: {  	s7 =	simm.s32 $0x0;
	s21 =	sshll.u32 s5, $0x1;
	s5 =	sadd.s32 s22, s3  }
0x15: {  	[timem:s7], [sflag:s23] =	dma.local [hbm:s5], s21  }
0x16: {  	_ =	swait.ge [sflag:s23], s21  }
0x17: {  	s4 =	ssub.s32 $0x0, s21;
	[sflag:s23] =	ssyncset.done $0x0  }
0x18: {  	[sflag:s23] =	ssyncadd.s32 s4;
	_ =	sdelay $0x1  }
0x19: {  	s24 =	simm.s32 $0x1B8B  }
0x1a: {  	_ =	swait.ge [sflag:s24], $0x1  }
0x1b: {  	[sflag:s24] =	ssyncset.done $0x0  }
0x1c: {  	s26 =	simm.s32 $0x1B8E;
	s25 =	sld [smem:$0x3FFE];
	[sflag:s24] =	ssyncadd.s32 $0xFFFFFFFF  }
0x1d: {  	s27 =	simm.s32 $execute0_lowered;
	[smem:$0x3FD2] =	sst s26  }
0x1e: {  	s5 =	sshll.u32 s27, $0x1;
	_ =	strace $0x80000046;
	[dreg:$0x1] =	wrdreg $0xFFFFFFFF  }
0x1f: {  	s28 =	simm.s32 $_size_execute0_lowered;
	s3 =	sadd.s32 s3, s5;
	[dreg:$0x0] =	wrdreg $0x0  }
0x20: {  	s5 =	sshll.u32 s28, $0x1;
	[dreg:$0x2] =	wrdreg s3  }
0x21: {  	[dreg:$0x3] =	wrdreg s5  }
0x22: {  	[dreg:$0x4] =	wrdreg $0xC0  }
0x23: {  	_ =	task [dreg:s7], $0x5FFFF  }
0x24: {  	[dreg:$0x1] =	wrdreg $0xFFFFFFFF  }
0x25: {  	[dreg:$0x0] =	wrdreg $0x60  }
0x26: {  	[dreg:$0x2] =	wrdreg s2  }
0x27: {  	[dreg:$0x3] =	wrdreg s25  }
0x28: {  	[dreg:$0x4] =	wrdreg $0x9  }
0x29: {  	_ =	task.clear_ibuf [dreg:s7], $0x5FFFF;
	_ =	strace $0x90000046  }
0x2a: {  	s29 =	simm.s32 $0x9;
	_ =	strace $0x80000048  }
0x2b: {  	_ =	swait.ge [sflag:s29], $0x1  }
0x2c: {  	[sflag:s29] =	ssyncadd.s32 $0xFFFFFFFF  }
0x2d: {  	_ =	strace $0x90000048  }
0x2e: {  	_ =	sfence  }
0x2f: {  	s30 =	sld [smem:$0x0];
	_ =	sdelay $0x2  }
0x30: {  	s31 =	sshll.u32 s1, $0xD;
	s1 =	sshrl.u32 s1, $0x2  }
0x31: {  	s3 =	sand.u32 $0x4000, s31;
	s1 =	sadd.s32 s1, s30  }
0x32: {  	s0 =	sor.u32 s3, s0;
	s1 =	sshll.u32 s1, $0x11  }
0x33: {  	s0 =	sor.u32 s1, s0  }
0x34: {  	s0 =	sadd.s32 $0x8F2B, s0  }
0x35: {  	[sflag:s0] =	ssyncadd.remote.s32 $0x1  }
0x36: {  	_ =	sfence.sel $0xFFFF  }
0x37: {  	[dreg:$0x0] =	wrdreg $0xFFFFFFFF;
	(pc) =	sbr.abs _section_cstart, $3  }
0x38: {  	[dreg:$0x1] =	wrdreg $0xFFFFFFFF  }
0x39: {  	_ =	task.clear_ibuf [dreg:s7], $0x2FFFF;
	_ =	strace $0x9FFFFFFF  }
0x3a: {  	(tm) =	ssettm $0x7FFFFFFF  }
0x3b: {  	_ =	shalt  }
tec
execute0_lowered:
.L_overlay_start_1:
0x0: {  	(tag) =	ssettag $0x1  }
0x1: {  	s0 =	srdreg.scid;
	s2 =	rddreg [dreg:$0x0]  }
0x2: {  	s5 =	rddreg [dreg:$0x1];
	s1 =	stileid.u32  }
0x3: {  	s4 =	simm.s32 $0x1;
	s6 =	simm.s32 $0x2;
	s15 =	simm.s32 $0x0  }
0x4: {  	p0 =	por $0x0, $0x0;
	s8 =	simm.s32 $0x80;
	s0 =	sshll.u32 s0, $0x4  }
0x5: {  	s14 =	simm.s32 $0x0;
	s9 =	simm.s32 $0x0;
	s3 =	sand.u32 $0x10, s0  }
.Ltmp0:
0x6: {  	s10 =	simm.s32 $0x0;
	s3 =	sor.u32 s1, s3;
	(pc) =	sbr.rel .LBB1_1-.Ltmp0, $4  }
0x7: {  	s0 =	rddreg [dreg:$0x2];
	_ =	strace $0x80000047;
	s3 =	sshll.u32 s3, $0x7  }
0x8: {  	s12 =	simm.s32 $0x0;
	[sflag:s4] =	ssyncpa.u1 $0x0;
	s7 =	ssub.s32 $0xF4200, s3  }
0x9: {  	s13 =	simm.s32 $0x0;
	[sflag:s6] =	ssyncpa.u1 $0x0;
	s6 =	sshrl.u32 s7, $0xC  }
0xa: {  	s5 =	sadd.s32 $0xE00, s5;
	s11 =	smov.u32 s3;
	s7 =	sadd.s32 $0x2, s6  }
.LBB1_5:
0xb: {  	p1 =	slt.u32 s13, $0x2  }
0xc: {  	s17 =	smov.u32 s15;
	p2 =	sgt.s32 @!p1 s15, $0xF41C0;
	s16 =	sshra.s32 @!p1 s15, $0x1F  }
0xd: {  	p3 =	sgt.s32 @!p1 s14, $0x40;
	s18 =	sshra.s32 @!p1 s14, $0x1F;
	p2 =	por !p2, p1  }
0xe: {  	s15 =	sand.u32 @!p1 s16, s15;
	p3 =	por !p3, p1;
	s16 =	smov.u32 s14  }
0xf: {  	s14 =	sand.u32 @!p1 s18, s14;
	s17 =	simm.s32 @p2 $0xF41C0;
	s16 =	simm.s32 @p3 $0x40  }
0x10: {  	s15 =	ssub.s32 @!p1 s17, s15;
	s14 =	ssub.s32 @!p1 s16, s14  }
0x11: {  	s18 =	smov.u32 s12;
	s16 =	sadd.s32 @!p1 $0xFFF0BE40, s15;
	s17 =	sadd.s32 @!p1 $0xFFFFFFC0, s14  }
0x12: {  	s15 =	ssub.s32 @!p1 $0xF4240, s15;
	p2 =	sgt.s32 @!p1 s16, $0x7F;
	p3 =	sgt.s32 @!p1 s17, $0x3F  }
0x13: {  	s14 =	ssub.s32 @!p1 $0x80, s14;
	p2 =	por !p2, p1;
	p3 =	por !p3, p1  }
0x14: {  	s16 =	sadd.s32 $0x1000, s11;
	s15 =	simm.s32 @!p2 $0x0;
	s14 =	simm.s32 @!p3 $0x0  }
0x15: {  	p2 =	sgt.s32 s16, $0xF423F;
	s14 =	smul.u32 @!p1 s14, s15;
	s15 =	sadd.s32 $0x40, s12  }
0x16: {  	s18 =	smov.u32 @p2 s15  }
0x17: {  	s16 =	smov.u32 @p2 s3;
	p2 =	sgt.s32 s18, $0x3F  }
0x18: {  	s18 =	simm.s32 @p2 $0x0;
	p2 =	sne.s32 s13, s7  }
.Ltmp1:
0x19: {  	p0 =	por !p0, !p0;
	s17 =	simm.s32 @!p1 $0x2;
	(pc) =	sbr.rel @!p2 .LBB1_6-.Ltmp1, $4  }
0x1a: {  	s15 =	smov.u32 s9;
	s9 =	smov.u32 s11;
	s14 =	sand.u32 @!p1 $0x3FFFFFFF, s14  }
0x1b: {  	s11 =	smov.u32 s16;
	_ =	swait.ge @!p1 [sflag:s17], s14;
	s19 =	ssub.s32 @!p1 $0x0, s14  }
0x1c: {  	s14 =	smov.u32 s10;
	s13 =	sadd.s32 $0x1, s13;
	[sflag:s17] =	ssyncset.done @!p1 $0x0  }
0x1d: {  	s10 =	smov.u32 s12;
	s12 =	smov.u32 s18;
	[sflag:s17] =	ssyncadd.s32 @!p1 s19  }
.LBB1_1:
0x1e: {  	p1 =	sgt.u32 s13, s6  }
0x1f: {  	s16 =	sshrl.u32 @!p1 s12, $0x3  }
0x20: {  	s17 =	sshll.u32 @!p1 s11, $0x3;
	s16 =	smul.u32 @!p1 $0x7A1400, s16  }
0x21: {  	s18 =	sshll.u32 @!p1 s12, $0x7;
	s17 =	sand.u32 @!p1 $0xFFFFFC00, s17  }
0x22: {  	s16 =	sadd.s32 @!p1 s16, s17;
	s17 =	sand.u32 @!p1 $0x380, s18  }
0x23: {  	s18 =	sand.u32 @!p1 $0x7F, s11;
	s16 =	sor.u32 @!p1 s17, s16  }
0x24: {  	s17 =	sor.u32 @!p1 s18, s16  }
0x25: {  	s18 =	smulhi.u32 @!p1 $0x218D6287, s17;
	_ =	sdelay $0x1  }
0x26: {  	s16 =	smulhi.u32 @!p1 $0x218D6287, s16;
	s18 =	sshrl.u32 @!p1 s18, $0x11  }
0x27: {  	s18 =	smul.u32 @!p1 $0xF4280, s18  }
0x28: {  	s19 =	sxor.u32 @!p1 $0xFFFFFFFF, s13;
	s16 =	sshrl.u32 @!p1 s16, $0x11  }
0x29: {  	s19 =	sshll.u32 @!p1 s19, $0xD;
	s16 =	sand.u32 @!p1 $0x3F, s16;
	s17 =	ssub.s32 @!p1 s17, s18  }
0x2a: {  	s16 =	smul.u32 @!p1 $0x1E850, s16;
	s18 =	sshrl.u32 @!p1 s17, $0x3;
	s17 =	sand.u32 @!p1 $0x7, s17  }
0x2b: {  	s19 =	sand.u32 @!p1 $0x2000, s19;
	s18 =	sadd.s32 @!p1 s2, s18;
	s17 =	sshll.u32 @!p1 s17, $0x12  }
0x2c: {  	s16 =	sadd.s32 @!p1 s16, s18;
	s17 =	sor.u32 @!p1 $0x400, s17;
	s18 =	simm.s32 @!p1 $0x7A1400  }
0x2d: {  	[tilespmem:s19], [sflag:$0x1] =	stream.strided.gather @!p1 [hbm4b:s16+s17], $0x2000, s18, s17, $0x38;
	[tilespmem:$0x8100] =	vst v63  }
0x2e: {  	p1 =	seq.s32 s13, $0x0  }
0x2f: {  	p2 =	sge.u32 @!p1 s13, s7  }
0x30: {  	p1 =	por p1, p2  }
.Ltmp2:
0x31: {  	_ = 	snop;
	(pc) =	sbr.rel @p1 .LBB1_5-.Ltmp2, $1  }
0x32: {  	_ =	sdelay $0x3  }
0x33: {  	s16 =	simm.s32 $0x1  }
0x34: {  	_ =	swait.ge [sflag:s4], $0x2000;
	s16 =	simm.s32 @!p0 $0x0  }
0x35: {  	[sflag:s4] =	ssyncset.done $0x0;
	s17 =	sshll.u32 s16, $0xD  }
0x36: {  	[sflag:s4] =	ssyncadd.s32 $0xFFFFE000;
	s17 =	sor.u32 $0x40, s17  }
0x37: {  	s16 =	smul.u32 $0x8200, s16;
	v0 =	vld [tilespmem:s17+$0x30]  }
0x38: {  	v1 =	vld [tilespmem:s17+$0xFFFFFFD0]  }
0x39: {  	s16 =	sshrl.u32 s16, $0x2;
	v5 =	vld [tilespmem:s17+$0xFFFFFFE0]  }
0x3a: {  	v6 =	vld [tilespmem:s17+$0xFFFFFFF0];
	s19 =	sor.u32 $0x4000, s16  }
0x3b: {  	s31 =	sand.u32 $0x1, s13;
	v4 =	vld [tilespmem:s17+$0x0];
	s18 =	sadd.s32 $0x0, s19  }
0x3c: {  	v3 =	vld [tilespmem:s17+$0x10];
	s16 =	smul.u32 $0x8200, s31;
	[tilespmem:s18+$0x1C70 ss:$0x41] =	vst.msk $0xffff, v0  }
0x3d: {  	v2 =	vld [tilespmem:s17+$0x20];
	[tilespmem:s18+$0x410 ss:$0x41] =	vst.msk $0xffff, v1  }
0x3e: {  	s16 =	sshrl.u32 s16, $0x2;
	v1 =	vld [tilespmem:s17+$0xFFFFFFC0];
	[tilespmem:s18+$0x820 ss:$0x41] =	vst.msk $0xffff, v5;
	s17 =	sadd.s32 $0x80, s17  }
0x3f: {  	s20 =	simm.s32 $0x4;
	s21 =	simm.s32 $0x8;
	s16 =	sor.u32 $0x4000, s16;
	[tilespmem:s18+$0xC30 ss:$0x41] =	vst.msk $0xffff, v6;
	v0 =	vld [tilespmem:s17+$0x30]  }
.LBB1_3:
0x40: {  	p1 =	sne.s32 s21, $0xFC;
	v5 =	vld [tilespmem:s17+$0xFFFFFFD0];
	[tilespmem:s18+$0x1040 ss:$0x41] =	vst.msk $0xffff, v4  }
0x41: {  	v6 =	vld [tilespmem:s17+$0xFFFFFFE0];
	[tilespmem:s18+$0x1450 ss:$0x41] =	vst.msk $0xffff, v3  }
0x42: {  	s22 =	sshra.s32 s20, $0x2;
	s20 =	smov.u32 s21;
	v7 =	vld [tilespmem:s17+$0xFFFFFFF0];
	[tilespmem:s18+$0x1860 ss:$0x41] =	vst.msk $0xffff, v2  }
.Ltmp3:
0x43: {  	v4 =	vld [tilespmem:s17+$0x0];
	[tilespmem:s18+$0x0 ss:$0x41] =	vst.msk $0xffff, v1;
	s18 =	sadd.s32 s22, s19;
	(pc) =	sbr.rel @p1 .LBB1_3-.Ltmp3, $4  }
0x44: {  	v3 =	vld [tilespmem:s17+$0x10];
	[tilespmem:s18+$0x1C70 ss:$0x41] =	vst.msk $0xffff, v0  }
0x45: {  	[tilespmem:s18+$0x410 ss:$0x41] =	vst.msk $0xffff, v5;
	v2 =	vld [tilespmem:s17+$0x20]  }
0x46: {  	v1 =	vld [tilespmem:s17+$0xFFFFFFC0];
	[tilespmem:s18+$0x820 ss:$0x41] =	vst.msk $0xffff, v6;
	s17 =	sadd.s32 $0x80, s17  }
0x47: {  	s21 =	sadd.s32 $0x4, s21;
	v0 =	vld [tilespmem:s17+$0x30];
	[tilespmem:s18+$0xC30 ss:$0x41] =	vst.msk $0xffff, v7  }
0x48: {  	s21 =	sshll.u32 s9, $0x7;
	s22 =	sshll.u32 s10, $0x3;
	s20 =	sshra.s32 s20, $0x2  }
0x49: {  	p1 =	sgt.s32 s9, $0xF41C0;
	s30 =	sshra.s32 s9, $0x1F;
	s25 =	sshra.s32 s10, $0x1F  }
0x4a: {  	v5 =	vld [tilespmem:s17+$0xFFFFFFD0];
	s28 =	sshrl.u32 s10, $0x3;
	s23 =	sand.u32 $0xFFFFFC00, s21;
	s22 =	sand.u32 $0xFFFFFC00, s22  }
0x4b: {  	[tilespmem:s18+$0x1040 ss:$0x41] =	vst.msk $0xffff, v4;
	v58 =	vld [tilespmem:s17+$0xFFFFFFE0];
	s21 =	sand.u32 $0x380, s21;
	s19 =	sadd.s32 s20, s19;
	s22 =	sadd.s32 s22, s23  }
0x4c: {  	v59 =	vld [tilespmem:s17+$0xFFFFFFF0];
	[tilespmem:s18+$0x1450 ss:$0x41] =	vst.msk $0xffff, v3;
	s29 =	sor.u32 s21, s22;
	s21 =	smov.u32 s9;
	s22 =	sand.u32 s30, s9  }
0x4d: {  	v60 =	vld [tilespmem:s17+$0x0];
	[tilespmem:s18+$0x1860 ss:$0x41] =	vst.msk $0xffff, v2;
	s30 =	sand.u32 $0x7, s10;
	s20 =	sshrl.u32 s29, $0x7;
	s21 =	simm.s32 @!p1 $0xF41C0  }
0x4e: {  	v61 =	vld [tilespmem:s17+$0x10];
	[tilespmem:s18+$0x0 ss:$0x41] =	vst.msk $0xffff, v1;
	p1 =	sgt.s32 s10, $0x40;
	s24 =	ssub.s32 s21, s22;
	s21 =	smov.u32 s10  }
0x4f: {  	v62 =	vld [tilespmem:s17+$0x20];
	[tilespmem:s19+$0x1C70 ss:$0x41] =	vst.msk $0xffff, v0;
	s31 =	smulhi.u32 $0x218DEF5, s20;
	s22 =	sand.u32 s25, s10;
	s21 =	simm.s32 @!p1 $0x40  }
0x50: {  	v63 =	vld [tilespmem:s17+$0xFFFFFFC0];
	[tilespmem:s19+$0x410 ss:$0x41] =	vst.msk $0xffff, v5;
	s26 =	sadd.s32 $0xFFF0BE40, s24;
	s17 =	ssub.s32 $0xF4240, s24;
	s21 =	ssub.s32 s21, s22  }
0x51: {  	[tilespmem:s19+$0x820 ss:$0x41] =	vst.msk $0xffff, v58;
	s23 =	sshrl.u32 s31, $0xD;
	p1 =	sgt.s32 s26, $0x7F;
	s27 =	sadd.s32 $0xFFFFFFC0, s21  }
0x52: {  	[tilespmem:s19+$0xC30 ss:$0x41] =	vst.msk $0xffff, v59;
	s23 =	smul.u32 $0xF4240, s23;
	s18 =	ssub.s32 $0x80, s21;
	p2 =	sgt.s32 s27, $0x3F  }
.Ltmp4:
0x53: {  	[tilespmem:s19+$0x1040 ss:$0x41] =	vst.msk $0xffff, v60;
	s17 =	simm.s32 @p1 $0x0;
	s18 =	simm.s32 @p2 $0x0;
	(pc) =	sbr.rel .LBB1_5-.Ltmp4, $4  }
0x54: {  	s29 =	sand.u32 $0xF, s28;
	[tilespmem:s19+$0x1450 ss:$0x41] =	vst.msk $0xffff, v61;
	s20 =	ssub.s32 s20, s23;
	s17 =	smul.u32 s18, s17  }
0x55: {  	[tilespmem:s19+$0x1860 ss:$0x41] =	vst.msk $0xffff, v62;
	s21 =	sshll.u32 s30, $0x12;
	s20 =	sshll.u32 s20, $0x4;
	s18 =	sadd.s32 s5, s29  }
0x56: {  	[tilespmem:s19+$0x0 ss:$0x41] =	vst.msk $0xffff, v63;
	s31 =	sor.u32 $0x40, s21;
	s18 =	sadd.s32 s20, s18;
	s17 =	sand.u32 $0x3FFFFFFF, s17  }
0x57: {  	[hbm4b:s18+s31] =	stream.strided.scatter [tilespmem:s16], [sflag:$0x2], s17, s8, s31, $0x18;
	[tilespmem:$0x8100] =	vst v63  }
.LBB1_6:
0x58: {  	_ =	sfence.sel $0x180000  }
0x59: {  	s2 =	simm.s32 $0x1;
	[bflag:$0x0] =	sbarrier.arrive $0xFFFF  }
0x5a: {  	s31 =	simm.s32 $0x2;
	[sflag:s2] =	ssyncpa.u1 $0x1  }
0x5b: {  	[sflag:s31] =	ssyncpa.u1 $0x1  }
0x5c: {  	p0 =	sne.s32 s1, $0x0;
	_ =	strace $0x90000047  }
0x5d: {  	s0 =	sadd.s32 @!p0 $0x100000, s0;
	[bflag:$0x2] =	sbarrier.arrive $0xFFFF  }
0x5e: {  	[sflag:s0] =	ssyncadd.tile.s32 @!p0 $0x1;
	_ =	shalt  }
.Lfunc_end1:
_tile_overlayer_lowered:
.L_overlay_start_2:
0x5f: {  	(tag) =	ssettag $0x2  }
0x60: {  	s0 =	rddreg [dreg:$0x0];
	s2 =	stileid.u32  }
0x61: {  	s1 =	rddreg [dreg:$0x1];
	p0 =	sne.s32 s2, $0x0  }
0x62: {  	s3 =	rddreg [dreg:$0x2];
	[bflag:$0x3] =	sbarrier.arrive $0xFFFF;
	s2 =	simm.s32 @!p0 $0x1C01  }
0x63: {  	[timem:s3], [sflag:s2] =	dma.local @!p0 [hbm:s0], s1  }
0x64: {  	s0 =	simm.s32 @!p0 $0x1  }
0x65: {  	_ =	swait.ge @!p0 [sflag:s0], s1  }
0x66: {  	s1 =	ssub.s32 @!p0 $0x0, s1;
	[sflag:s0] =	ssyncset.done @!p0 $0x0  }
0x67: {  	[sflag:s0] =	ssyncadd.s32 @!p0 s1  }
0x68: {  	[bflag:$0x3] =	sbarrier.arrive $0xFFFF  }
0x69: {  	_ =	shalt  }

// kernel: sparse-core-data-format-call.cloned.1.call-start
scs
called_computation_lowered:
.L_overlay_start_0:
0x0: {  	s2 =	sld [smem:$0x3FD9]  }
0x1: {  	s3 =	sld [smem:$0x3FFE];
	_ =	sdelay $0x1  }
0x2: {  	s1 =	srdreg.scid  }
0x3: {  	s0 =	sand.u32 $0x1, s1  }
0x4: {  	s18 =	sshll.u32 s0, $0xA;
	s2 =	sadd.s32 s3, s2  }
0x5: {  	s2 =	sadd.s32 s2, s18  }
0x6: {  	[smem:$0x3FC6] =	sst s2  }
0x7: {  	_ = 	snop  }
0x8: {  	s2 =	sld [smem:$0x3FD0];
	(tm) =	ssettm $0x1  }
0x9: {  	s19 =	sld [smem:$0x3FFB];
	_ =	sdelay $0x3  }
0xa: {  	_ =	strace s19  }
0xb: {  	s3 =	sld [smem:$0x3FFC];
	_ =	sdelay $0x3  }
0xc: {  	_ =	strace s3  }
0xd: {  	s3 =	sld [smem:$0x3FFD];
	_ =	sdelay $0x3  }
0xe: {  	_ =	strace s3  }
0xf: {  	_ =	strace $0x8FFFFFFF  }
0x10: {  	s20 =	sld [smem:$0x3FDB];
	_ =	sdelay $0x1  }
0x11: {  	s4 =	simm.s32 $_scs_section_size  }
0x12: {  	s5 =	simm.s32 $_size__tile_overlayer_lowered;
	s6 =	simm.s32 $_tile_overlayer_lowered  }
0x13: {  	s23 =	simm.s32 $0x1BFF;
	s22 =	sshll.u32 s6, $0x1;
	s3 =	sadd.s32 s4, s20  }
0x14: {  	s7 =	simm.s32 $0x0;
	s21 =	sshll.u32 s5, $0x1;
	s5 =	sadd.s32 s22, s3  }
0x15: {  	[timem:s7], [sflag:s23] =	dma.local [hbm:s5], s21  }
0x16: {  	_ =	swait.ge [sflag:s23], s21  }
0x17: {  	s4 =	ssub.s32 $0x0, s21;
	[sflag:s23] =	ssyncset.done $0x0  }
0x18: {  	[sflag:s23] =	ssyncadd.s32 s4;
	_ =	sdelay $0x1  }
0x19: {  	s24 =	simm.s32 $0x1B8B  }
0x1a: {  	_ =	swait.ge [sflag:s24], $0x1  }
0x1b: {  	[sflag:s24] =	ssyncset.done $0x0  }
0x1c: {  	s26 =	simm.s32 $0x1B8E;
	s25 =	sld [smem:$0x3FFE];
	[sflag:s24] =	ssyncadd.s32 $0xFFFFFFFF  }
0x1d: {  	s27 =	simm.s32 $execute0_lowered;
	[smem:$0x3FD2] =	sst s26  }
0x1e: {  	s5 =	sshll.u32 s27, $0x1;
	_ =	strace $0x8000004C;
	[dreg:$0x1] =	wrdreg $0xFFFFFFFF  }
0x1f: {  	s28 =	simm.s32 $_size_execute0_lowered;
	s3 =	sadd.s32 s3, s5;
	[dreg:$0x0] =	wrdreg $0x0  }
0x20: {  	s5 =	sshll.u32 s28, $0x1;
	[dreg:$0x2] =	wrdreg s3  }
0x21: {  	[dreg:$0x3] =	wrdreg s5  }
0x22: {  	[dreg:$0x4] =	wrdreg $0xC0  }
0x23: {  	_ =	task [dreg:s7], $0x5FFFF  }
0x24: {  	[dreg:$0x1] =	wrdreg $0xFFFFFFFF  }
0x25: {  	[dreg:$0x0] =	wrdreg $0x60  }
0x26: {  	[dreg:$0x2] =	wrdreg s25  }
0x27: {  	[dreg:$0x3] =	wrdreg s2  }
0x28: {  	[dreg:$0x4] =	wrdreg $0x9  }
0x29: {  	_ =	task.clear_ibuf [dreg:s7], $0x5FFFF;
	_ =	strace $0x9000004C  }
0x2a: {  	s29 =	simm.s32 $0x9;
	_ =	strace $0x8000004E  }
0x2b: {  	_ =	swait.ge [sflag:s29], $0x1  }
0x2c: {  	[sflag:s29] =	ssyncadd.s32 $0xFFFFFFFF  }
0x2d: {  	_ =	strace $0x9000004E  }
0x2e: {  	_ =	sfence  }
0x2f: {  	s30 =	sld [smem:$0x0];
	_ =	sdelay $0x2  }
0x30: {  	s31 =	sshll.u32 s1, $0xD;
	s1 =	sshrl.u32 s1, $0x2  }
0x31: {  	s3 =	sand.u32 $0x4000, s31;
	s1 =	sadd.s32 s1, s30  }
0x32: {  	s0 =	sor.u32 s3, s0;
	s1 =	sshll.u32 s1, $0x11  }
0x33: {  	s0 =	sor.u32 s1, s0  }
0x34: {  	s0 =	sadd.s32 $0x8F2B, s0  }
0x35: {  	[sflag:s0] =	ssyncadd.remote.s32 $0x1  }
0x36: {  	_ =	sfence.sel $0xFFFF  }
0x37: {  	[dreg:$0x0] =	wrdreg $0xFFFFFFFF;
	(pc) =	sbr.abs _section_cstart, $3  }
0x38: {  	[dreg:$0x1] =	wrdreg $0xFFFFFFFF  }
0x39: {  	_ =	task.clear_ibuf [dreg:s7], $0x2FFFF;
	_ =	strace $0x9FFFFFFF  }
0x3a: {  	(tm) =	ssettm $0x7FFFFFFF  }
0x3b: {  	_ =	shalt  }
tec
execute0_lowered:
.L_overlay_start_1:
0x0: {  	(tag) =	ssettag $0x1  }
0x1: {  	s0 =	srdreg.scid  }
0x2: {  	s1 =	sshll.u32 s0, $0x4  }
0x3: {  	s0 =	stileid.u32;
	s1 =	sand.u32 $0x10, s1  }
0x4: {  	s1 =	sor.u32 s0, s1  }
0x5: {  	s6 =	rddreg [dreg:$0x0];
	s4 =	simm.s32 $0x1;
	s2 =	sshll.u32 s1, $0x7  }
0x6: {  	s7 =	simm.s32 $0x2;
	s12 =	simm.s32 $0x0;
	s1 =	ssub.s32 $0x1000, s2  }
0x7: {  	s8 =	simm.s32 $0x8000;
	s13 =	simm.s32 $0x0;
	s3 =	sand.u32 $0xF80, s1  }
0x8: {  	s9 =	simm.s32 $0x0;
	s5 =	sshrl.u32 s1, $0xC;
	p0 =	sne.s32 s3, $0x0  }
.Ltmp0:
0x9: {  	s1 =	rddreg [dreg:$0x2];
	s4 =	simm.s32 @!p0 $0x0;
	(pc) =	sbr.rel .LBB1_1-.Ltmp0, $4  }
0xa: {  	s11 =	simm.s32 $0x0;
	s3 =	rddreg [dreg:$0x1];
	s5 =	sadd.s32 s4, s5  }
0xb: {  	_ =	strace $0x8000004D;
	s4 =	simm.s32 $0x1;
	s5 =	smul.u32 $0xC8, s5  }
0xc: {  	s6 =	sadd.s32 $0xE00, s6;
	s10 =	smov.u32 s2;
	[sflag:s4] =	ssyncpa.u1 $0x0  }
0xd: {  	p0 =	por $0x0, $0x0;
	[sflag:s7] =	ssyncpa.u1 $0x0;
	s7 =	sor.u32 $0x1, s5  }
.LBB1_4:
0xe: {  	s16 =	sshll.u32 s13, $0x3;
	s17 =	sand.u32 $0x78, s13  }
0xf: {  	s30 =	sand.u32 $0x7E00, s13;
	s12 =	sshll.u32 s12, $0xF;
	s16 =	sand.u32 $0xC00, s16  }
0x10: {  	[tilespmem:s15+$0x810 ss:$0x81] =	vst.msk $0xffff, v2;
	s31 =	sand.u32 $0x7, s13;
	s16 =	sor.u32 s17, s16;
	s17 =	sadd.s32 s3, s30  }
0x11: {  	[tilespmem:s15+$0x1020 ss:$0x81] =	vst.msk $0xffff, v0;
	s13 =	sshll.u32 s31, $0x12;
	s12 =	sadd.s32 s12, s17;
	s16 =	sshrl.u32 s16, $0x3  }
0x12: {  	[tilespmem:s15+$0x0 ss:$0x81] =	vst.msk $0xffff, v1;
	s13 =	sor.u32 $0x400, s13;
	s12 =	sadd.s32 s16, s12  }
0x13: {  	[hbm4b:s12+s13] =	stream.strided.scatter [tilespmem:s14], [sflag:$0x2], $0x2000, s8, s13, $0x20;
	[tilespmem:$0x8080] =	vst v63  }
.LBB1_5:
0x14: {  	s14 =	sadd.s32 $0x1, s9  }
0x15: {  	s12 =	sadd.s32 $0x1000, s10;
	s16 =	smov.u32 s10;
	p2 =	sgt.s32 s14, $0xC7  }
0x16: {  	s16 =	smov.u32 @p2 s12  }
0x17: {  	s14 =	simm.s32 @p2 $0x0;
	p2 =	sgt.s32 s16, $0xFFF  }
0x18: {  	s16 =	smov.u32 @p2 s2;
	p2 =	sne.s32 s11, s7  }
.Ltmp1:
0x19: {  	p1 =	slt.u32 s11, $0x2;
	(pc) =	sbr.rel @!p2 .LBB1_6-.Ltmp1, $4  }
0x1a: {  	s15 =	simm.s32 @!p1 $0x2  }
0x1b: {  	s13 =	smov.u32 s10;
	p0 =	por !p0, !p0;
	_ =	swait.ge @!p1 [sflag:s15], $0x2000  }
0x1c: {  	s12 =	smov.u32 s9;
	[sflag:s15] =	ssyncset.done @!p1 $0x0;
	s9 =	smov.u32 s14  }
0x1d: {  	s11 =	sadd.s32 $0x1, s11;
	[sflag:s15] =	ssyncadd.s32 @!p1 $0xFFFFE000;
	s10 =	smov.u32 s16  }
.LBB1_1:
0x1e: {  	p1 =	sge.u32 s11, s5  }
0x1f: {  	s14 =	sand.u32 @!p1 $0x1FFFFFF, s9  }
0x20: {  	s15 =	smulhi.u32 @!p1 $0x147AE15, s14;
	_ =	sdelay $0x1  }
0x21: {  	s15 =	smul.u32 @!p1 $0xC8, s15  }
0x22: {  	s16 =	sxor.u32 @!p1 $0xFFFFFFFF, s11;
	s17 =	smul.u32 @!p1 $0xC80, s10  }
0x23: {  	s31 =	sadd.s32 $0xFFFFFFFF, s11;
	s16 =	sshll.u32 @!p1 s16, $0xD;
	s14 =	ssub.s32 @!p1 s14, s15  }
0x24: {  	s15 =	sand.u32 @!p1 $0x2000, s16;
	s16 =	sadd.s32 @!p1 s6, s17;
	s14 =	sshll.u32 @!p1 s14, $0x4  }
0x25: {  	s17 =	simm.s32 @!p1 $0x6400;
	s14 =	sadd.s32 @!p1 s14, s16;
	s16 =	simm.s32 @!p1 $0x40  }
0x26: {  	[tilespmem:s15], [sflag:$0x1] =	stream.strided.gather @!p1 [hbm4b:s14+s16], $0x2000, s17, s16, $0x38;
	[tilespmem:$0x8080] =	vst v63  }
0x27: {  	p1 =	sge.u32 s31, s5  }
.Ltmp2:
0x28: {  	_ = 	snop;
	(pc) =	sbr.rel @p1 .LBB1_5-.Ltmp2, $1  }
0x29: {  	_ =	sdelay $0x3  }
0x2a: {  	s14 =	simm.s32 $0x1  }
0x2b: {  	_ =	swait.ge [sflag:s4], $0x2000;
	s14 =	simm.s32 @!p0 $0x0  }
0x2c: {  	[sflag:s4] =	ssyncset.done $0x0;
	s15 =	sshll.u32 s14, $0xD  }
0x2d: {  	[sflag:s4] =	ssyncadd.s32 $0xFFFFE000;
	s18 =	sor.u32 $0x20, s15  }
0x2e: {  	s14 =	smul.u32 $0x8100, s14;
	v3 =	vld [tilespmem:s18+$0x10]  }
0x2f: {  	s30 =	sand.u32 $0x1, s11;
	v2 =	vld [tilespmem:s18+$0xFFFFFFF0]  }
0x30: {  	s15 =	smul.u32 $0x8100, s30;
	s14 =	sshrl.u32 s14, $0x2;
	v0 =	vld [tilespmem:s18+$0x0]  }
0x31: {  	v1 =	vld [tilespmem:s18+$0xFFFFFFE0];
	s16 =	sor.u32 $0x4000, s14  }
0x32: {  	s31 =	sshrl.u32 s15, $0x2;
	s15 =	sadd.s32 $0x0, s16  }
0x33: {  	s17 =	simm.s32 $0x4;
	s18 =	sadd.s32 $0x40, s18;
	s14 =	sor.u32 $0x4000, s31;
	[tilespmem:s15+$0x1830 ss:$0x81] =	vst.msk $0xffff, v3  }
.LBB1_3:
0x34: {  	v3 =	vld [tilespmem:s18+$0x10];
	p1 =	sne.s32 s17, $0x1FC;
	[tilespmem:s15+$0x810 ss:$0x81] =	vst.msk $0xffff, v2;
	s19 =	smov.u32 s17;
	s17 =	sadd.s32 $0x4, s17  }
.Ltmp3:
0x35: {  	v2 =	vld [tilespmem:s18+$0xFFFFFFF0];
	[tilespmem:s15+$0x1020 ss:$0x81] =	vst.msk $0xffff, v0;
	(pc) =	sbr.rel @p1 .LBB1_3-.Ltmp3, $4  }
0x36: {  	v0 =	vld [tilespmem:s18+$0x0];
	[tilespmem:s15+$0x0 ss:$0x81] =	vst.msk $0xffff, v1  }
0x37: {  	s15 =	sshra.s32 s19, $0x2;
	v1 =	vld [tilespmem:s18+$0xFFFFFFE0]  }
0x38: {  	s15 =	sadd.s32 s15, s16  }
0x39: {  	s18 =	sadd.s32 $0x40, s18;
	[tilespmem:s15+$0x1830 ss:$0x81] =	vst.msk $0xffff, v3  }
.Ltmp4:
0x3a: {  	_ = 	snop;
	(pc) =	sbr.rel .LBB1_4-.Ltmp4, $1  }
0x3b: {  	_ =	sdelay $0x3  }
.LBB1_6:
0x3c: {  	_ =	sfence.sel $0x180000  }
0x3d: {  	s2 =	simm.s32 $0x1;
	[bflag:$0x0] =	sbarrier.arrive $0xFFFF  }
0x3e: {  	s31 =	simm.s32 $0x2;
	[sflag:s2] =	ssyncpa.u1 $0x1  }
0x3f: {  	[sflag:s31] =	ssyncpa.u1 $0x1  }
0x40: {  	p0 =	sne.s32 s0, $0x0;
	_ =	strace $0x9000004D  }
0x41: {  	s0 =	sadd.s32 @!p0 $0x100000, s1;
	[bflag:$0x2] =	sbarrier.arrive $0xFFFF  }
0x42: {  	[sflag:s0] =	ssyncadd.tile.s32 @!p0 $0x1;
	_ =	shalt  }
.Lfunc_end1:
_tile_overlayer_lowered:
.L_overlay_start_2:
0x43: {  	(tag) =	ssettag $0x2  }
0x44: {  	s0 =	rddreg [dreg:$0x0];
	s2 =	stileid.u32  }
0x45: {  	s1 =	rddreg [dreg:$0x1];
	p0 =	sne.s32 s2, $0x0  }
0x46: {  	s3 =	rddreg [dreg:$0x2];
	[bflag:$0x3] =	sbarrier.arrive $0xFFFF;
	s2 =	simm.s32 @!p0 $0x1C01  }
0x47: {  	[timem:s3], [sflag:s2] =	dma.local @!p0 [hbm:s0], s1  }
0x48: {  	s0 =	simm.s32 @!p0 $0x1  }
0x49: {  	_ =	swait.ge @!p0 [sflag:s0], s1  }
0x4a: {  	s1 =	ssub.s32 @!p0 $0x0, s1;
	[sflag:s0] =	ssyncset.done @!p0 $0x0  }
0x4b: {  	[sflag:s0] =	ssyncadd.s32 @!p0 s1  }
0x4c: {  	[bflag:$0x3] =	sbarrier.arrive $0xFFFF  }
0x4d: {  	_ =	shalt  }

</sc_bundles>
